<compile_context>
chip_gen: v7x
topology: tpu7x:2x2x1
jax: 0.10.2.dev20260603
libtpu: 0.0.44.dev20260713+nightly
codegen_flags: <defaults>
</compile_context>

<pallas_src>
import functools

import jax
import jax.numpy as jnp
import numpy as np
from jax import lax
from jax.experimental import pallas as pl
from jax.experimental.pallas import tpu as pltpu
from jax.experimental.pallas import tpu_sc as plsc

_N = 1048576
_ROT_A = (13, 15, 26, 6)
_ROT_B = (17, 29, 16, 24)
_KS2 = 0x1BD11BDA
_TINY = np.float32(np.finfo(np.float32).tiny)
_LN2 = np.float32(0.6931471805599453)
_UNROLL = 4
_SC_N = 131072
_SC_TECS = 32
_SC_CHUNK = _SC_N // _SC_TECS
_SC_GROUP = 4


def _round(x0, x1, r):
    x0 = x0 + x1
    x1 = jax.lax.shift_left(x1, jnp.uint32(r)) | jax.lax.shift_right_logical(
        x1, jnp.uint32(32 - r)
    )
    x1 = x0 ^ x1
    return x0, x1


def _threefry_bits(lin):
    ks2 = jnp.uint32(_KS2)
    x0 = jnp.zeros_like(lin)
    x1 = lin
    for r in _ROT_A:
        x0, x1 = _round(x0, x1, r)
    x1 = x1 + jnp.uint32(_KS2 + 1)
    for r in _ROT_B:
        x0, x1 = _round(x0, x1, r)
    x0 = x0 + ks2
    x1 = x1 + jnp.uint32(2)
    for r in _ROT_A:
        x0, x1 = _round(x0, x1, r)
    x1 = x1 + jnp.uint32(3)
    for r in _ROT_B:
        x0, x1 = _round(x0, x1, r)
    x1 = x1 + jnp.uint32(_KS2 + 4)
    for r in _ROT_A:
        x0, x1 = _round(x0, x1, r)
    x0 = x0 + ks2
    x1 = x1 + jnp.uint32(5)
    return x0 ^ x1


def _gumbel_from_bits(bits):
    fb = jax.lax.shift_right_logical(bits, jnp.uint32(9)) | jnp.uint32(0x3F800000)
    f = jax.lax.bitcast_convert_type(fb, jnp.float32) - jnp.float32(1.0)
    u = jnp.maximum(_TINY, f)
    return -jnp.log(-jnp.log(u))


def _neglog_u(bits):
    fb = jax.lax.shift_right_logical(bits, jnp.uint32(9)) | jnp.uint32(0x3F800000)
    f = jax.lax.bitcast_convert_type(fb, jnp.float32) - jnp.float32(1.0)
    u = jnp.maximum(_TINY, f)
    b = jax.lax.bitcast_convert_type(u, jnp.uint32)
    e = jax.lax.shift_right_logical(b, jnp.uint32(23)).astype(jnp.int32) - 127
    m = jax.lax.bitcast_convert_type(
        (b & jnp.uint32(0x7FFFFF)) | jnp.uint32(0x3F800000), jnp.float32
    )
    t = (m - jnp.float32(1.0)) / (m + jnp.float32(1.0))
    t2 = t * t
    p = jnp.float32(1 / 11) + t2 * jnp.float32(1 / 13)
    p = jnp.float32(1 / 9) + t2 * p
    p = jnp.float32(1 / 7) + t2 * p
    p = jnp.float32(1 / 5) + t2 * p
    p = jnp.float32(1 / 3) + t2 * p
    ln_m = jnp.float32(2.0) * t * (jnp.float32(1.0) + t2 * p)
    return -(e.astype(jnp.float32) * _LN2 + ln_m)


def _sc_sampler(C, w_rep, j_rep, cntv, offv, dv):
    mesh = plsc.VectorSubcoreMesh(core_axis_name="c", subcore_axis_name="s")

    @functools.partial(
        pl.kernel,
        out_type=jax.ShapeDtypeStruct((_SC_N,), jnp.int32),
        mesh=mesh,
        scratch_types=[
            pltpu.VMEM((C, 16), jnp.float32),
            pltpu.VMEM((C, 16), jnp.int32),
            pltpu.VMEM((16,), jnp.int32),
            pltpu.VMEM((16,), jnp.int32),
            pltpu.VMEM((16,), jnp.int32),
            pltpu.VMEM((_SC_CHUNK,), jnp.int32),
        ],
    )
    def body(w_hbm, j_hbm, cnt_hbm, off_hbm, d_hbm, out_hbm,
             w_v, j_v, cnt_v, off_v, d_v, out_v):
        wid = lax.axis_index("s") * 2 + lax.axis_index("c")
        pltpu.sync_copy(w_hbm, w_v)
        pltpu.sync_copy(j_hbm, j_v)
        pltpu.sync_copy(cnt_hbm, cnt_v)
        pltpu.sync_copy(off_hbm, off_v)
        pltpu.sync_copy(d_hbm, d_v)
        offvec = off_v[...]
        dvec = d_v[...]
        cnt = cnt_v[...][0]
        lane = lax.iota(jnp.int32, 16)
        base = wid * _SC_CHUNK

        def group(sg, carry):
            lins = []
            for k in range(_SC_GROUP):
                iv = offvec + (base + sg * (16 * _SC_GROUP) + 16 * k) + lane
                lins.append((iv * C).astype(jnp.uint32))
            inf = jnp.full((16,), jnp.inf, jnp.float32)
            zero = jnp.zeros((16,), jnp.int32)

            def jstep(t, c):
                bests, wins = c
                wj = w_v[t]
                jv = j_v[t]
                ju = jv.astype(jnp.uint32)
                nb, nw = [], []
                for k in range(_SC_GROUP):
                    val = _neglog_u(_threefry_bits(lins[k] + ju)) * wj
                    take = val < bests[k]
                    nb.append(jnp.where(take, val, bests[k]))
                    nw.append(jnp.where(take, jv, wins[k]))
                return tuple(nb), tuple(nw)

            bests, wins = lax.fori_loop(
                0, cnt, jstep, ((inf,) * _SC_GROUP, (zero,) * _SC_GROUP)
            )
            for k in range(_SC_GROUP):
                out_v[pl.ds(sg * (16 * _SC_GROUP) + 16 * k, 16)] = wins[k] + dvec
            return carry

        lax.fori_loop(0, _SC_CHUNK // (16 * _SC_GROUP), group, 0)
        pltpu.sync_copy(out_v, out_hbm.at[pl.ds(wid * _SC_CHUNK, _SC_CHUNK)])

    return body(w_rep, j_rep, cntv, offv, dv)


def _body(C, R, off_ref, act_ref, glog_ref, cnt_ref, delta_ref, out_ref):
    g = pl.program_id(0)
    row = jax.lax.broadcasted_iota(jnp.uint32, (R, 128), 0)
    col = jax.lax.broadcasted_iota(jnp.uint32, (R, 128), 1)
    i = off_ref[0].astype(jnp.uint32) + jnp.uint32(g * R * 128)
    i = i + row * jnp.uint32(128) + col
    base = i * jnp.uint32(C)

    best0 = jnp.full((R, 128), -jnp.inf, jnp.float32)
    win0 = jnp.zeros((R, 128), jnp.int32)

    cnt = cnt_ref[0]

    def tstep(t, carry):
        best, win = carry
        js, vals = [], []
        for u in range(_UNROLL):
            tu = jnp.minimum(_UNROLL * t + u, cnt - 1)
            j = act_ref[tu]
            v = _gumbel_from_bits(_threefry_bits(base + j.astype(jnp.uint32)))
            js.append(j)
            vals.append(v + glog_ref[tu])
        for j, v in zip(js, vals):
            take = v > best
            best = jnp.where(take, v, best)
            win = jnp.where(take, j, win)
        return best, win

    best, win = jax.lax.fori_loop(
        0, (cnt + _UNROLL - 1) // _UNROLL, tstep, (best0, win0)
    )
    out_ref[0] = win + delta_ref[0]


def kernel(probabilities, num_samples):
    C = probabilities.shape[0]
    logits = jnp.where(
        probabilities > 0,
        jnp.log(jnp.maximum(probabilities, 1e-38)),
        -jnp.inf,
    ).astype(jnp.float32)
    delta = (jnp.asarray(num_samples, jnp.int32) - jnp.int32(_N) + 1).reshape(1)

    mask = probabilities > 0
    act = jnp.nonzero(mask, size=C, fill_value=0)[0].astype(jnp.int32)
    glog = logits[act]
    cnt = mask.sum(dtype=jnp.int32).reshape(1)

    w = jnp.float32(1.0) / jnp.maximum(probabilities, 1e-38)
    wg = jnp.where(jnp.arange(C) < mask.sum(), w[act], jnp.inf).astype(jnp.float32)
    w_rep = jnp.broadcast_to(wg[:, None], (C, 16))
    j_rep = jnp.broadcast_to(act[:, None], (C, 16))
    cntv = jnp.broadcast_to(cnt, (16,)).astype(jnp.int32)

    R = 64
    B = R * 128

    ndev = len(jax.devices())
    if ndev < 1 or _N % ndev != 0 or (_N // ndev) % B != 0:
        ndev = 1
    N_dev = _N // ndev
    N_sc = _SC_N if (N_dev - _SC_N) % B == 0 and N_dev > _SC_N else 0
    N_tc = N_dev - N_sc
    G_local = N_tc // B
    mesh = jax.make_mesh((ndev,), ("d",)) if ndev > 1 else None
    P = jax.sharding.PartitionSpec

    def _shard(act_s, glog_s, cnt_s, delta_s, w_rep_s, j_rep_s, cntv_s):
        if ndev > 1:
            off = (jax.lax.axis_index("d") * N_dev).astype(jnp.int32)
        else:
            off = jnp.int32(0)
        tc = pl.pallas_call(
            lambda fr, ar, gr, cr, dr, orf: _body(C, R, fr, ar, gr, cr, dr, orf),
            grid=(G_local,),
            in_specs=[
                pl.BlockSpec(memory_space=pltpu.SMEM),
                pl.BlockSpec(memory_space=pltpu.SMEM),
                pl.BlockSpec(memory_space=pltpu.SMEM),
                pl.BlockSpec(memory_space=pltpu.SMEM),
                pl.BlockSpec(memory_space=pltpu.SMEM),
            ],
            out_specs=pl.BlockSpec((1, R, 128), lambda g: (g, 0, 0)),
            out_shape=jax.ShapeDtypeStruct((G_local, R, 128), jnp.int32),
        )(off.reshape(1), act_s, glog_s, cnt_s, delta_s)
        pieces = [tc.reshape(-1)]
        if N_sc:
            offv = jnp.full((16,), 0, jnp.int32) + (off + N_tc)
            dvec = jnp.broadcast_to(delta_s, (16,)).astype(jnp.int32)
            pieces.append(_sc_sampler(C, w_rep_s, j_rep_s, cntv_s, offv, dvec))
        return jnp.concatenate(pieces)

    if ndev == 1:
        out = _shard(act, glog, cnt, delta, w_rep, j_rep, cntv)
    else:
        out = jax.shard_map(
            _shard,
            mesh=mesh,
            in_specs=(P(), P(), P(), P(), P(), P(), P()),
            out_specs=P("d"),
            check_vma=False,
        )(act, glog, cnt, delta, w_rep, j_rep, cntv)
    return out.reshape(_N)

# --- scband reference (transcript-rebuilt; emitter-appended) ---
"""Pipeline reference for scband-geom-drugs-num-atoms-sampler-5935644803738 (READ-ONLY COPY).

The authoritative reference and input builder live on the scoring server;
editing this copy changes nothing except your own understanding.
"""

import jax, jax.numpy as jnp
import numpy as np

NUM_ATOMS = [23, 44, 38, 51, 29, 67, 42, 55, 33, 48, 71, 26, 60, 39, 45, 52, 31, 58, 47, 36, 64, 41, 50, 28, 73, 43, 57, 35, 49, 62, 27, 54, 40, 46, 66, 32, 59, 44, 37, 53, 69, 30, 61, 42, 48, 34, 56, 45, 75, 39, 51, 25, 63, 47, 38, 55, 29, 68, 43, 50, 36, 58, 41, 46, 44, 49, 52, 37, 65, 42, 33, 57, 48, 40, 72, 35, 54, 46, 31, 60, 43, 50, 38, 56, 28, 66, 45, 39, 53, 47, 34, 61, 44, 51, 41, 49]


def setup_inputs() -> dict:
    num_atoms = jnp.asarray(NUM_ATOMS, dtype=jnp.int32)
    max_val = int(np.max(NUM_ATOMS))
    hist = jnp.bincount(num_atoms, length=max_val + 1).astype(jnp.float32)
    hist = hist[1:]
    probabilities = hist / hist.sum()
    return {"probabilities": probabilities, "num_samples": 1048576}


def reference(probabilities, num_samples):
    # torch.multinomial(probs, n, replacement=True) == categorical sampling
    key = jax.random.key(0)
    logits = jnp.where(probabilities > 0, jnp.log(jnp.maximum(probabilities, 1e-38)), -jnp.inf)
    static_num_samples = 1048576
    sampled = jax.random.categorical(key, logits, shape=(static_num_samples,)) + 1
    sampled = sampled + (jnp.asarray(num_samples, dtype=sampled.dtype) - static_num_samples)
    return sampled

if __name__ == "__main__":
    import jax
    _d = setup_inputs()
    print(jax.jit(kernel)(*tuple(_d.values())))

</pallas_src>

<mosaic_0001>
#map = affine_map<(d0, d1) -> (0, 0)>
#map1 = affine_map<(d0, d1) -> (0)>
module attributes {stable_mosaic.version = 14 : i64} {
  func.func @body(%arg0: i32, %arg1: i32, %arg2: memref<75x16xf32, #tpu.memory_space<hbm>>, %arg3: memref<75x16xi32, #tpu.memory_space<hbm>>, %arg4: memref<16xi32, #tpu.memory_space<hbm>>, %arg5: memref<16xi32, #tpu.memory_space<hbm>>, %arg6: memref<16xi32, #tpu.memory_space<hbm>>, %arg7: memref<131072xi32, #tpu.memory_space<hbm>>, %arg8: memref<75x16xf32, #tpu.memory_space<vmem>>, %arg9: memref<75x16xi32, #tpu.memory_space<vmem>>, %arg10: memref<16xi32, #tpu.memory_space<vmem>>, %arg11: memref<16xi32, #tpu.memory_space<vmem>>, %arg12: memref<16xi32, #tpu.memory_space<vmem>>, %arg13: memref<4096xi32, #tpu.memory_space<vmem>>) attributes {dimension_semantics = [#tpu.dimension_semantics<core_parallel>, #tpu.dimension_semantics<subcore_parallel>], iteration_bounds = array<i64: 2, 16>, scalar_prefetch = 0 : i64, scratch_operands = 6 : i64, tpu.core_type = #tpu.core_type<sc_vector_subcore>, window_params = [{transform_indices = #map}, {transform_indices = #map}, {transform_indices = #map1}, {transform_indices = #map1}, {transform_indices = #map1}, {transform_indices = #map1}]} {
    %mul3A = arith.constant 2 : i32
    %mul3A_0 = arith.muli %arg1, %mul3A : i32
    %add3A = arith.addi %mul3A_0, %arg0 : i32
    "tpu.region"() ({
      %run_scoped3A = tpu.sem_alloc : memref<!tpu.dma_semaphore, #tpu.memory_space<semaphore_mem>>
      tpu.enqueue_dma source(%arg2 : memref<75x16xf32, #tpu.memory_space<hbm>>) target(%arg8 : memref<75x16xf32, #tpu.memory_space<vmem>>) target_semaphore(%run_scoped3A : memref<!tpu.dma_semaphore, #tpu.memory_space<semaphore_mem>>)
      tpu.wait_dma2 semaphore(%run_scoped3A : memref<!tpu.dma_semaphore, #tpu.memory_space<semaphore_mem>>) src(%arg2 : memref<75x16xf32, #tpu.memory_space<hbm>>) dst(%arg8 : memref<75x16xf32, #tpu.memory_space<vmem>>)
      tpu.yield
    }) : () -> ()
    "tpu.region"() ({
      %run_scoped3A = tpu.sem_alloc : memref<!tpu.dma_semaphore, #tpu.memory_space<semaphore_mem>>
      tpu.enqueue_dma source(%arg3 : memref<75x16xi32, #tpu.memory_space<hbm>>) target(%arg9 : memref<75x16xi32, #tpu.memory_space<vmem>>) target_semaphore(%run_scoped3A : memref<!tpu.dma_semaphore, #tpu.memory_space<semaphore_mem>>)
      tpu.wait_dma2 semaphore(%run_scoped3A : memref<!tpu.dma_semaphore, #tpu.memory_space<semaphore_mem>>) src(%arg3 : memref<75x16xi32, #tpu.memory_space<hbm>>) dst(%arg9 : memref<75x16xi32, #tpu.memory_space<vmem>>)
      tpu.yield
    }) : () -> ()
    "tpu.region"() ({
      %run_scoped3A = tpu.sem_alloc : memref<!tpu.dma_semaphore, #tpu.memory_space<semaphore_mem>>
      tpu.enqueue_dma source(%arg4 : memref<16xi32, #tpu.memory_space<hbm>>) target(%arg10 : memref<16xi32, #tpu.memory_space<vmem>>) target_semaphore(%run_scoped3A : memref<!tpu.dma_semaphore, #tpu.memory_space<semaphore_mem>>)
      tpu.wait_dma2 semaphore(%run_scoped3A : memref<!tpu.dma_semaphore, #tpu.memory_space<semaphore_mem>>) src(%arg4 : memref<16xi32, #tpu.memory_space<hbm>>) dst(%arg10 : memref<16xi32, #tpu.memory_space<vmem>>)
      tpu.yield
    }) : () -> ()
    "tpu.region"() ({
      %run_scoped3A = tpu.sem_alloc : memref<!tpu.dma_semaphore, #tpu.memory_space<semaphore_mem>>
      tpu.enqueue_dma source(%arg5 : memref<16xi32, #tpu.memory_space<hbm>>) target(%arg11 : memref<16xi32, #tpu.memory_space<vmem>>) target_semaphore(%run_scoped3A : memref<!tpu.dma_semaphore, #tpu.memory_space<semaphore_mem>>)
      tpu.wait_dma2 semaphore(%run_scoped3A : memref<!tpu.dma_semaphore, #tpu.memory_space<semaphore_mem>>) src(%arg5 : memref<16xi32, #tpu.memory_space<hbm>>) dst(%arg11 : memref<16xi32, #tpu.memory_space<vmem>>)
      tpu.yield
    }) : () -> ()
    "tpu.region"() ({
      %run_scoped3A = tpu.sem_alloc : memref<!tpu.dma_semaphore, #tpu.memory_space<semaphore_mem>>
      tpu.enqueue_dma source(%arg6 : memref<16xi32, #tpu.memory_space<hbm>>) target(%arg12 : memref<16xi32, #tpu.memory_space<vmem>>) target_semaphore(%run_scoped3A : memref<!tpu.dma_semaphore, #tpu.memory_space<semaphore_mem>>)
      tpu.wait_dma2 semaphore(%run_scoped3A : memref<!tpu.dma_semaphore, #tpu.memory_space<semaphore_mem>>) src(%arg6 : memref<16xi32, #tpu.memory_space<hbm>>) dst(%arg12 : memref<16xi32, #tpu.memory_space<vmem>>)
      tpu.yield
    }) : () -> ()
    %get3A = arith.constant 0 : index
    %get3A_1 = tpu.vector_load %arg11[%get3A] {strides = array<i32>} : memref<16xi32, #tpu.memory_space<vmem>>, vector<16xi32>,
    %get3A_2 = vector.shape_cast %get3A_1 : vector<16xi32> to vector<16xi32>
    %get3A_3 = arith.constant 0 : index
    %get3A_4 = tpu.vector_load %arg12[%get3A_3] {strides = array<i32>} : memref<16xi32, #tpu.memory_space<vmem>>, vector<16xi32>,
    %get3A_5 = vector.shape_cast %get3A_4 : vector<16xi32> to vector<16xi32>
    %get3A_6 = arith.constant 0 : index
    %get3A_7 = tpu.vector_load %arg10[%get3A_6] {strides = array<i32>} : memref<16xi32, #tpu.memory_space<vmem>>, vector<16xi32>,
    %get3A_8 = vector.shape_cast %get3A_7 : vector<16xi32> to vector<16xi32>
    %slice3A = vector.extract_strided_slice %get3A_8 {offsets = [0], sizes = [1], strides = [1]} : vector<16xi32> to vector<1xi32>
    %squeeze3A = vector.extract %slice3A[0] : i32 from vector<1xi32>
    %iota3A = tpu.iota {dimensions = array<i32: 0>} : vector<16xi32>
    %mul3A_9 = arith.constant 4096 : i32
    %mul3A_10 = arith.muli %add3A, %mul3A_9 : i32
    %scan3A = arith.constant 0 : i32
    %scan3A_11 = arith.constant 0 : i32
    %scan3A_12 = arith.constant 64 : i32
    %scan3A_13 = arith.addi %scan3A_11, %scan3A_12 : i32
    %scan3A_14 = arith.constant 1 : i32
    scf.for %scan3A_18 = %scan3A_11 to %scan3A_13 step %scan3A_14  : i32 {
      %mul3A_19 = arith.constant 64 : i32
      %mul3A_20 = arith.muli %scan3A_18, %mul3A_19 : i32
      %add3A_21 = arith.addi %mul3A_10, %mul3A_20 : i32
      %add3A_22 = arith.constant 0 : i32
      %add3A_23 = arith.addi %add3A_21, %add3A_22 : i32
      %add3A_24 = vector.broadcast %add3A_23 : i32 to vector<16xi32>
      %add3A_25 = arith.addi %get3A_2, %add3A_24 : vector<16xi32>
      %add3A_26 = arith.addi %add3A_25, %iota3A : vector<16xi32>
      %mul3A_27 = arith.constant 75 : i32
      %mul3A_28 = vector.broadcast %mul3A_27 : i32 to vector<16xi32>
      %mul3A_29 = arith.muli %add3A_26, %mul3A_28 : vector<16xi32>
      %mul3A_30 = arith.constant 64 : i32
      %mul3A_31 = arith.muli %scan3A_18, %mul3A_30 : i32
      %add3A_32 = arith.addi %mul3A_10, %mul3A_31 : i32
      %add3A_33 = arith.constant 16 : i32
      %add3A_34 = arith.addi %add3A_32, %add3A_33 : i32
      %add3A_35 = vector.broadcast %add3A_34 : i32 to vector<16xi32>
      %add3A_36 = arith.addi %get3A_2, %add3A_35 : vector<16xi32>
      %add3A_37 = arith.addi %add3A_36, %iota3A : vector<16xi32>
      %mul3A_38 = arith.constant 75 : i32
      %mul3A_39 = vector.broadcast %mul3A_38 : i32 to vector<16xi32>
      %mul3A_40 = arith.muli %add3A_37, %mul3A_39 : vector<16xi32>
      %mul3A_41 = arith.constant 64 : i32
      %mul3A_42 = arith.muli %scan3A_18, %mul3A_41 : i32
      %add3A_43 = arith.addi %mul3A_10, %mul3A_42 : i32
      %add3A_44 = arith.constant 32 : i32
      %add3A_45 = arith.addi %add3A_43, %add3A_44 : i32
      %add3A_46 = vector.broadcast %add3A_45 : i32 to vector<16xi32>
      %add3A_47 = arith.addi %get3A_2, %add3A_46 : vector<16xi32>
      %add3A_48 = arith.addi %add3A_47, %iota3A : vector<16xi32>
      %mul3A_49 = arith.constant 75 : i32
      %mul3A_50 = vector.broadcast %mul3A_49 : i32 to vector<16xi32>
      %mul3A_51 = arith.muli %add3A_48, %mul3A_50 : vector<16xi32>
      %mul3A_52 = arith.constant 64 : i32
      %mul3A_53 = arith.muli %scan3A_18, %mul3A_52 : i32
      %add3A_54 = arith.addi %mul3A_10, %mul3A_53 : i32
      %add3A_55 = arith.constant 48 : i32
      %add3A_56 = arith.addi %add3A_54, %add3A_55 : i32
      %add3A_57 = vector.broadcast %add3A_56 : i32 to vector<16xi32>
      %add3A_58 = arith.addi %get3A_2, %add3A_57 : vector<16xi32>
      %add3A_59 = arith.addi %add3A_58, %iota3A : vector<16xi32>
      %mul3A_60 = arith.constant 75 : i32
      %mul3A_61 = vector.broadcast %mul3A_60 : i32 to vector<16xi32>
      %mul3A_62 = arith.muli %add3A_59, %mul3A_61 : vector<16xi32>
      %broadcast_in_dim3A = arith.constant 0x7F800000 : f32
      %broadcast_in_dim3A_63 = vector.broadcast %broadcast_in_dim3A : f32 to vector<16xf32>
      %broadcast_in_dim3A_64 = arith.constant 0 : i32
      %broadcast_in_dim3A_65 = vector.broadcast %broadcast_in_dim3A_64 : i32 to vector<16xi32>
      %while3A = arith.constant 0 : i32
      %while3A_66 = arith.subi %squeeze3A, %while3A : i32
      %while3A_67 = arith.addi %while3A, %while3A_66 : i32
      %while3A_68 = arith.constant 1 : i32
      %while3A_69 = arith.divsi %while3A_66, %while3A_68 : i32
      %while3A_70 = arith.muli %while3A_69, %while3A_68 : i32
      %while3A_71 = arith.addi %while3A, %while3A_70 : i32
      %while3A_72 = arith.constant 1 : i32
      %while3A_73:8 = scf.for %while3A_111 = %while3A to %while3A_71 step %while3A_72 iter_args(%while3A_112 = %broadcast_in_dim3A_63, %while3A_113 = %broadcast_in_dim3A_63, %while3A_114 = %broadcast_in_dim3A_63, %while3A_115 = %broadcast_in_dim3A_63, %while3A_116 = %broadcast_in_dim3A_65, %while3A_117 = %broadcast_in_dim3A_65, %while3A_118 = %broadcast_in_dim3A_65, %while3A_119 = %broadcast_in_dim3A_65) -> (vector<16xf32>, vector<16xf32>, vector<16xf32>, vector<16xf32>, vector<16xi32>, vector<16xi32>, vector<16xi32>, vector<16xi32>)  : i32 {
        %get3A_120 = arith.index_cast %while3A_111 : i32 to index
        %get3A_121 = arith.constant 0 : index
        %get3A_122 = tpu.vector_load %arg8[%get3A_120, %get3A_121] {strides = array<i32>} : memref<75x16xf32, #tpu.memory_space<vmem>>, vector<1x16xf32>,
        %get3A_123 = vector.shape_cast %get3A_122 : vector<1x16xf32> to vector<16xf32>
        %get3A_124 = arith.index_cast %while3A_111 : i32 to index
        %get3A_125 = arith.constant 0 : index
        %get3A_126 = tpu.vector_load %arg9[%get3A_124, %get3A_125] {strides = array<i32>} : memref<75x16xi32, #tpu.memory_space<vmem>>, vector<1x16xi32>,
        %get3A_127 = vector.shape_cast %get3A_126 : vector<1x16xi32> to vector<16xi32>
        %add3A_128 = arith.addi %mul3A_29, %get3A_127 : vector<16xi32>
        %broadcast_in_dim3A_129 = arith.constant 0 : i32
        %broadcast_in_dim3A_130 = vector.broadcast %broadcast_in_dim3A_129 : i32 to vector<16xi32>
        %add3A_131 = arith.addi %broadcast_in_dim3A_130, %add3A_128 : vector<16xi32>
        %shift_left3A = arith.constant 13 : i32
        %shift_left3A_132 = vector.broadcast %shift_left3A : i32 to vector<16xi32>
        %shift_left3A_133 = arith.shli %add3A_128, %shift_left3A_132 : vector<16xi32>
        %shift_right_logical3A = arith.constant 19 : i32
        %shift_right_logical3A_134 = vector.broadcast %shift_right_logical3A : i32 to vector<16xi32>
        %shift_right_logical3A_135 = arith.shrui %add3A_128, %shift_right_logical3A_134 : vector<16xi32>
        %or3A = arith.ori %shift_left3A_133, %shift_right_logical3A_135 : vector<16xi32>
        %xor3A = arith.xori %add3A_131, %or3A : vector<16xi32>
        %add3A_136 = arith.addi %add3A_131, %xor3A : vector<16xi32>
        %shift_left3A_137 = arith.constant 15 : i32
        %shift_left3A_138 = vector.broadcast %shift_left3A_137 : i32 to vector<16xi32>
        %shift_left3A_139 = arith.shli %xor3A, %shift_left3A_138 : vector<16xi32>
        %shift_right_logical3A_140 = arith.constant 17 : i32
        %shift_right_logical3A_141 = vector.broadcast %shift_right_logical3A_140 : i32 to vector<16xi32>
        %shift_right_logical3A_142 = arith.shrui %xor3A, %shift_right_logical3A_141 : vector<16xi32>
        %or3A_143 = arith.ori %shift_left3A_139, %shift_right_logical3A_142 : vector<16xi32>
        %xor3A_144 = arith.xori %add3A_136, %or3A_143 : vector<16xi32>
        %add3A_145 = arith.addi %add3A_136, %xor3A_144 : vector<16xi32>
        %shift_left3A_146 = arith.constant 26 : i32
        %shift_left3A_147 = vector.broadcast %shift_left3A_146 : i32 to vector<16xi32>
        %shift_left3A_148 = arith.shli %xor3A_144, %shift_left3A_147 : vector<16xi32>
        %shift_right_logical3A_149 = arith.constant 6 : i32
        %shift_right_logical3A_150 = vector.broadcast %shift_right_logical3A_149 : i32 to vector<16xi32>
        %shift_right_logical3A_151 = arith.shrui %xor3A_144, %shift_right_logical3A_150 : vector<16xi32>
        %or3A_152 = arith.ori %shift_left3A_148, %shift_right_logical3A_151 : vector<16xi32>
        %xor3A_153 = arith.xori %add3A_145, %or3A_152 : vector<16xi32>
        %add3A_154 = arith.addi %add3A_145, %xor3A_153 : vector<16xi32>
        %shift_left3A_155 = arith.constant 6 : i32
        %shift_left3A_156 = vector.broadcast %shift_left3A_155 : i32 to vector<16xi32>
        %shift_left3A_157 = arith.shli %xor3A_153, %shift_left3A_156 : vector<16xi32>
        %shift_right_logical3A_158 = arith.constant 26 : i32
        %shift_right_logical3A_159 = vector.broadcast %shift_right_logical3A_158 : i32 to vector<16xi32>
        %shift_right_logical3A_160 = arith.shrui %xor3A_153, %shift_right_logical3A_159 : vector<16xi32>
        %or3A_161 = arith.ori %shift_left3A_157, %shift_right_logical3A_160 : vector<16xi32>
        %xor3A_162 = arith.xori %add3A_154, %or3A_161 : vector<16xi32>
        %add3A_163 = arith.constant 466688987 : i32
        %add3A_164 = vector.broadcast %add3A_163 : i32 to vector<16xi32>
        %add3A_165 = arith.addi %xor3A_162, %add3A_164 : vector<16xi32>
        %add3A_166 = arith.addi %add3A_154, %add3A_165 : vector<16xi32>
        %shift_left3A_167 = arith.constant 17 : i32
        %shift_left3A_168 = vector.broadcast %shift_left3A_167 : i32 to vector<16xi32>
        %shift_left3A_169 = arith.shli %add3A_165, %shift_left3A_168 : vector<16xi32>
        %shift_right_logical3A_170 = arith.constant 15 : i32
        %shift_right_logical3A_171 = vector.broadcast %shift_right_logical3A_170 : i32 to vector<16xi32>
        %shift_right_logical3A_172 = arith.shrui %add3A_165, %shift_right_logical3A_171 : vector<16xi32>
        %or3A_173 = arith.ori %shift_left3A_169, %shift_right_logical3A_172 : vector<16xi32>
        %xor3A_174 = arith.xori %add3A_166, %or3A_173 : vector<16xi32>
        %add3A_175 = arith.addi %add3A_166, %xor3A_174 : vector<16xi32>
        %shift_left3A_176 = arith.constant 29 : i32
        %shift_left3A_177 = vector.broadcast %shift_left3A_176 : i32 to vector<16xi32>
        %shift_left3A_178 = arith.shli %xor3A_174, %shift_left3A_177 : vector<16xi32>
        %shift_right_logical3A_179 = arith.constant 3 : i32
        %shift_right_logical3A_180 = vector.broadcast %shift_right_logical3A_179 : i32 to vector<16xi32>
        %shift_right_logical3A_181 = arith.shrui %xor3A_174, %shift_right_logical3A_180 : vector<16xi32>
        %or3A_182 = arith.ori %shift_left3A_178, %shift_right_logical3A_181 : vector<16xi32>
        %xor3A_183 = arith.xori %add3A_175, %or3A_182 : vector<16xi32>
        %add3A_184 = arith.addi %add3A_175, %xor3A_183 : vector<16xi32>
        %shift_left3A_185 = arith.constant 16 : i32
        %shift_left3A_186 = vector.broadcast %shift_left3A_185 : i32 to vector<16xi32>
        %shift_left3A_187 = arith.shli %xor3A_183, %shift_left3A_186 : vector<16xi32>
        %shift_right_logical3A_188 = arith.constant 16 : i32
        %shift_right_logical3A_189 = vector.broadcast %shift_right_logical3A_188 : i32 to vector<16xi32>
        %shift_right_logical3A_190 = arith.shrui %xor3A_183, %shift_right_logical3A_189 : vector<16xi32>
        %or3A_191 = arith.ori %shift_left3A_187, %shift_right_logical3A_190 : vector<16xi32>
        %xor3A_192 = arith.xori %add3A_184, %or3A_191 : vector<16xi32>
        %add3A_193 = arith.addi %add3A_184, %xor3A_192 : vector<16xi32>
        %shift_left3A_194 = arith.constant 24 : i32
        %shift_left3A_195 = vector.broadcast %shift_left3A_194 : i32 to vector<16xi32>
        %shift_left3A_196 = arith.shli %xor3A_192, %shift_left3A_195 : vector<16xi32>
        %shift_right_logical3A_197 = arith.constant 8 : i32
        %shift_right_logical3A_198 = vector.broadcast %shift_right_logical3A_197 : i32 to vector<16xi32>
        %shift_right_logical3A_199 = arith.shrui %xor3A_192, %shift_right_logical3A_198 : vector<16xi32>
        %or3A_200 = arith.ori %shift_left3A_196, %shift_right_logical3A_199 : vector<16xi32>
        %xor3A_201 = arith.xori %add3A_193, %or3A_200 : vector<16xi32>
        %add3A_202 = arith.constant 466688986 : i32
        %add3A_203 = vector.broadcast %add3A_202 : i32 to vector<16xi32>
        %add3A_204 = arith.addi %add3A_193, %add3A_203 : vector<16xi32>
        %add3A_205 = arith.constant 2 : i32
        %add3A_206 = vector.broadcast %add3A_205 : i32 to vector<16xi32>
        %add3A_207 = arith.addi %xor3A_201, %add3A_206 : vector<16xi32>
        %add3A_208 = arith.addi %add3A_204, %add3A_207 : vector<16xi32>
        %shift_left3A_209 = arith.constant 13 : i32
        %shift_left3A_210 = vector.broadcast %shift_left3A_209 : i32 to vector<16xi32>
        %shift_left3A_211 = arith.shli %add3A_207, %shift_left3A_210 : vector<16xi32>
        %shift_right_logical3A_212 = arith.constant 19 : i32
        %shift_right_logical3A_213 = vector.broadcast %shift_right_logical3A_212 : i32 to vector<16xi32>
        %shift_right_logical3A_214 = arith.shrui %add3A_207, %shift_right_logical3A_213 : vector<16xi32>
        %or3A_215 = arith.ori %shift_left3A_211, %shift_right_logical3A_214 : vector<16xi32>
        %xor3A_216 = arith.xori %add3A_208, %or3A_215 : vector<16xi32>
        %add3A_217 = arith.addi %add3A_208, %xor3A_216 : vector<16xi32>
        %shift_left3A_218 = arith.constant 15 : i32
        %shift_left3A_219 = vector.broadcast %shift_left3A_218 : i32 to vector<16xi32>
        %shift_left3A_220 = arith.shli %xor3A_216, %shift_left3A_219 : vector<16xi32>
        %shift_right_logical3A_221 = arith.constant 17 : i32
        %shift_right_logical3A_222 = vector.broadcast %shift_right_logical3A_221 : i32 to vector<16xi32>
        %shift_right_logical3A_223 = arith.shrui %xor3A_216, %shift_right_logical3A_222 : vector<16xi32>
        %or3A_224 = arith.ori %shift_left3A_220, %shift_right_logical3A_223 : vector<16xi32>
        %xor3A_225 = arith.xori %add3A_217, %or3A_224 : vector<16xi32>
        %add3A_226 = arith.addi %add3A_217, %xor3A_225 : vector<16xi32>
        %shift_left3A_227 = arith.constant 26 : i32
        %shift_left3A_228 = vector.broadcast %shift_left3A_227 : i32 to vector<16xi32>
        %shift_left3A_229 = arith.shli %xor3A_225, %shift_left3A_228 : vector<16xi32>
        %shift_right_logical3A_230 = arith.constant 6 : i32
        %shift_right_logical3A_231 = vector.broadcast %shift_right_logical3A_230 : i32 to vector<16xi32>
        %shift_right_logical3A_232 = arith.shrui %xor3A_225, %shift_right_logical3A_231 : vector<16xi32>
        %or3A_233 = arith.ori %shift_left3A_229, %shift_right_logical3A_232 : vector<16xi32>
        %xor3A_234 = arith.xori %add3A_226, %or3A_233 : vector<16xi32>
        %add3A_235 = arith.addi %add3A_226, %xor3A_234 : vector<16xi32>
        %shift_left3A_236 = arith.constant 6 : i32
        %shift_left3A_237 = vector.broadcast %shift_left3A_236 : i32 to vector<16xi32>
        %shift_left3A_238 = arith.shli %xor3A_234, %shift_left3A_237 : vector<16xi32>
        %shift_right_logical3A_239 = arith.constant 26 : i32
        %shift_right_logical3A_240 = vector.broadcast %shift_right_logical3A_239 : i32 to vector<16xi32>
        %shift_right_logical3A_241 = arith.shrui %xor3A_234, %shift_right_logical3A_240 : vector<16xi32>
        %or3A_242 = arith.ori %shift_left3A_238, %shift_right_logical3A_241 : vector<16xi32>
        %xor3A_243 = arith.xori %add3A_235, %or3A_242 : vector<16xi32>
        %add3A_244 = arith.constant 3 : i32
        %add3A_245 = vector.broadcast %add3A_244 : i32 to vector<16xi32>
        %add3A_246 = arith.addi %xor3A_243, %add3A_245 : vector<16xi32>
        %add3A_247 = arith.addi %add3A_235, %add3A_246 : vector<16xi32>
        %shift_left3A_248 = arith.constant 17 : i32
        %shift_left3A_249 = vector.broadcast %shift_left3A_248 : i32 to vector<16xi32>
        %shift_left3A_250 = arith.shli %add3A_246, %shift_left3A_249 : vector<16xi32>
        %shift_right_logical3A_251 = arith.constant 15 : i32
        %shift_right_logical3A_252 = vector.broadcast %shift_right_logical3A_251 : i32 to vector<16xi32>
        %shift_right_logical3A_253 = arith.shrui %add3A_246, %shift_right_logical3A_252 : vector<16xi32>
        %or3A_254 = arith.ori %shift_left3A_250, %shift_right_logical3A_253 : vector<16xi32>
        %xor3A_255 = arith.xori %add3A_247, %or3A_254 : vector<16xi32>
        %add3A_256 = arith.addi %add3A_247, %xor3A_255 : vector<16xi32>
        %shift_left3A_257 = arith.constant 29 : i32
        %shift_left3A_258 = vector.broadcast %shift_left3A_257 : i32 to vector<16xi32>
        %shift_left3A_259 = arith.shli %xor3A_255, %shift_left3A_258 : vector<16xi32>
        %shift_right_logical3A_260 = arith.constant 3 : i32
        %shift_right_logical3A_261 = vector.broadcast %shift_right_logical3A_260 : i32 to vector<16xi32>
        %shift_right_logical3A_262 = arith.shrui %xor3A_255, %shift_right_logical3A_261 : vector<16xi32>
        %or3A_263 = arith.ori %shift_left3A_259, %shift_right_logical3A_262 : vector<16xi32>
        %xor3A_264 = arith.xori %add3A_256, %or3A_263 : vector<16xi32>
        %add3A_265 = arith.addi %add3A_256, %xor3A_264 : vector<16xi32>
        %shift_left3A_266 = arith.constant 16 : i32
        %shift_left3A_267 = vector.broadcast %shift_left3A_266 : i32 to vector<16xi32>
        %shift_left3A_268 = arith.shli %xor3A_264, %shift_left3A_267 : vector<16xi32>
        %shift_right_logical3A_269 = arith.constant 16 : i32
        %shift_right_logical3A_270 = vector.broadcast %shift_right_logical3A_269 : i32 to vector<16xi32>
        %shift_right_logical3A_271 = arith.shrui %xor3A_264, %shift_right_logical3A_270 : vector<16xi32>
        %or3A_272 = arith.ori %shift_left3A_268, %shift_right_logical3A_271 : vector<16xi32>
        %xor3A_273 = arith.xori %add3A_265, %or3A_272 : vector<16xi32>
        %add3A_274 = arith.addi %add3A_265, %xor3A_273 : vector<16xi32>
        %shift_left3A_275 = arith.constant 24 : i32
        %shift_left3A_276 = vector.broadcast %shift_left3A_275 : i32 to vector<16xi32>
        %shift_left3A_277 = arith.shli %xor3A_273, %shift_left3A_276 : vector<16xi32>
        %shift_right_logical3A_278 = arith.constant 8 : i32
        %shift_right_logical3A_279 = vector.broadcast %shift_right_logical3A_278 : i32 to vector<16xi32>
        %shift_right_logical3A_280 = arith.shrui %xor3A_273, %shift_right_logical3A_279 : vector<16xi32>
        %or3A_281 = arith.ori %shift_left3A_277, %shift_right_logical3A_280 : vector<16xi32>
        %xor3A_282 = arith.xori %add3A_274, %or3A_281 : vector<16xi32>
        %add3A_283 = arith.constant 466688990 : i32
        %add3A_284 = vector.broadcast %add3A_283 : i32 to vector<16xi32>
        %add3A_285 = arith.addi %xor3A_282, %add3A_284 : vector<16xi32>
        %add3A_286 = arith.addi %add3A_274, %add3A_285 : vector<16xi32>
        %shift_left3A_287 = arith.constant 13 : i32
        %shift_left3A_288 = vector.broadcast %shift_left3A_287 : i32 to vector<16xi32>
        %shift_left3A_289 = arith.shli %add3A_285, %shift_left3A_288 : vector<16xi32>
        %shift_right_logical3A_290 = arith.constant 19 : i32
        %shift_right_logical3A_291 = vector.broadcast %shift_right_logical3A_290 : i32 to vector<16xi32>
        %shift_right_logical3A_292 = arith.shrui %add3A_285, %shift_right_logical3A_291 : vector<16xi32>
        %or3A_293 = arith.ori %shift_left3A_289, %shift_right_logical3A_292 : vector<16xi32>
        %xor3A_294 = arith.xori %add3A_286, %or3A_293 : vector<16xi32>
        %add3A_295 = arith.addi %add3A_286, %xor3A_294 : vector<16xi32>
        %shift_left3A_296 = arith.constant 15 : i32
        %shift_left3A_297 = vector.broadcast %shift_left3A_296 : i32 to vector<16xi32>
        %shift_left3A_298 = arith.shli %xor3A_294, %shift_left3A_297 : vector<16xi32>
        %shift_right_logical3A_299 = arith.constant 17 : i32
        %shift_right_logical3A_300 = vector.broadcast %shift_right_logical3A_299 : i32 to vector<16xi32>
        %shift_right_logical3A_301 = arith.shrui %xor3A_294, %shift_right_logical3A_300 : vector<16xi32>
        %or3A_302 = arith.ori %shift_left3A_298, %shift_right_logical3A_301 : vector<16xi32>
        %xor3A_303 = arith.xori %add3A_295, %or3A_302 : vector<16xi32>
        %add3A_304 = arith.addi %add3A_295, %xor3A_303 : vector<16xi32>
        %shift_left3A_305 = arith.constant 26 : i32
        %shift_left3A_306 = vector.broadcast %shift_left3A_305 : i32 to vector<16xi32>
        %shift_left3A_307 = arith.shli %xor3A_303, %shift_left3A_306 : vector<16xi32>
        %shift_right_logical3A_308 = arith.constant 6 : i32
        %shift_right_logical3A_309 = vector.broadcast %shift_right_logical3A_308 : i32 to vector<16xi32>
        %shift_right_logical3A_310 = arith.shrui %xor3A_303, %shift_right_logical3A_309 : vector<16xi32>
        %or3A_311 = arith.ori %shift_left3A_307, %shift_right_logical3A_310 : vector<16xi32>
        %xor3A_312 = arith.xori %add3A_304, %or3A_311 : vector<16xi32>
        %add3A_313 = arith.addi %add3A_304, %xor3A_312 : vector<16xi32>
        %shift_left3A_314 = arith.constant 6 : i32
        %shift_left3A_315 = vector.broadcast %shift_left3A_314 : i32 to vector<16xi32>
        %shift_left3A_316 = arith.shli %xor3A_312, %shift_left3A_315 : vector<16xi32>
        %shift_right_logical3A_317 = arith.constant 26 : i32
        %shift_right_logical3A_318 = vector.broadcast %shift_right_logical3A_317 : i32 to vector<16xi32>
        %shift_right_logical3A_319 = arith.shrui %xor3A_312, %shift_right_logical3A_318 : vector<16xi32>
        %or3A_320 = arith.ori %shift_left3A_316, %shift_right_logical3A_319 : vector<16xi32>
        %xor3A_321 = arith.xori %add3A_313, %or3A_320 : vector<16xi32>
        %add3A_322 = arith.constant 466688986 : i32
        %add3A_323 = vector.broadcast %add3A_322 : i32 to vector<16xi32>
        %add3A_324 = arith.addi %add3A_313, %add3A_323 : vector<16xi32>
        %add3A_325 = arith.constant 5 : i32
        %add3A_326 = vector.broadcast %add3A_325 : i32 to vector<16xi32>
        %add3A_327 = arith.addi %xor3A_321, %add3A_326 : vector<16xi32>
        %xor3A_328 = arith.xori %add3A_324, %add3A_327 : vector<16xi32>
        %shift_right_logical3A_329 = arith.constant 9 : i32
        %shift_right_logical3A_330 = vector.broadcast %shift_right_logical3A_329 : i32 to vector<16xi32>
        %shift_right_logical3A_331 = arith.shrui %xor3A_328, %shift_right_logical3A_330 : vector<16xi32>
        %or3A_332 = arith.constant 1065353216 : i32
        %or3A_333 = vector.broadcast %or3A_332 : i32 to vector<16xi32>
        %or3A_334 = arith.ori %shift_right_logical3A_331, %or3A_333 : vector<16xi32>
        %bitcast_convert_type3A = tpu.bitcast %or3A_334 : vector<16xi32> -> vector<16xf32>
        %sub3A = arith.constant 1.000000e+00 : f32
        %sub3A_335 = vector.broadcast %sub3A : f32 to vector<16xf32>
        %sub3A_336 = arith.subf %bitcast_convert_type3A, %sub3A_335 : vector<16xf32>
        %max3A = arith.constant 1.17549435E-38 : f32
        %max3A_337 = vector.broadcast %max3A : f32 to vector<16xf32>
        %max3A_338 = arith.maximumf %max3A_337, %sub3A_336 : vector<16xf32>
        %bitcast_convert_type3A_339 = tpu.bitcast %max3A_338 : vector<16xf32> -> vector<16xi32>
        %shift_right_logical3A_340 = arith.constant 23 : i32
        %shift_right_logical3A_341 = vector.broadcast %shift_right_logical3A_340 : i32 to vector<16xi32>
        %shift_right_logical3A_342 = arith.shrui %bitcast_convert_type3A_339, %shift_right_logical3A_341 : vector<16xi32>
        %sub3A_343 = arith.constant 127 : i32
        %sub3A_344 = vector.broadcast %sub3A_343 : i32 to vector<16xi32>
        %sub3A_345 = arith.subi %shift_right_logical3A_342, %sub3A_344 : vector<16xi32>
        %and3A = arith.constant 8388607 : i32
        %and3A_346 = vector.broadcast %and3A : i32 to vector<16xi32>
        %and3A_347 = arith.andi %bitcast_convert_type3A_339, %and3A_346 : vector<16xi32>
        %or3A_348 = arith.constant 1065353216 : i32
        %or3A_349 = vector.broadcast %or3A_348 : i32 to vector<16xi32>
        %or3A_350 = arith.ori %and3A_347, %or3A_349 : vector<16xi32>
        %bitcast_convert_type3A_351 = tpu.bitcast %or3A_350 : vector<16xi32> -> vector<16xf32>
        %sub3A_352 = arith.constant 1.000000e+00 : f32
        %sub3A_353 = vector.broadcast %sub3A_352 : f32 to vector<16xf32>
        %sub3A_354 = arith.subf %bitcast_convert_type3A_351, %sub3A_353 : vector<16xf32>
        %add3A_355 = arith.constant 1.000000e+00 : f32
        %add3A_356 = vector.broadcast %add3A_355 : f32 to vector<16xf32>
        %add3A_357 = arith.addf %bitcast_convert_type3A_351, %add3A_356 : vector<16xf32>
        %div3A = arith.divf %sub3A_354, %add3A_357 : vector<16xf32>
        %mul3A_358 = arith.mulf %div3A, %div3A : vector<16xf32>
        %mul3A_359 = arith.constant 0.0769230798 : f32
        %mul3A_360 = vector.broadcast %mul3A_359 : f32 to vector<16xf32>
        %mul3A_361 = arith.mulf %mul3A_358, %mul3A_360 : vector<16xf32>
        %add3A_362 = arith.constant 0.0909090936 : f32
        %add3A_363 = vector.broadcast %add3A_362 : f32 to vector<16xf32>
        %add3A_364 = arith.addf %add3A_363, %mul3A_361 : vector<16xf32>
        %mul3A_365 = arith.mulf %mul3A_358, %add3A_364 : vector<16xf32>
        %add3A_366 = arith.constant 0.111111112 : f32
        %add3A_367 = vector.broadcast %add3A_366 : f32 to vector<16xf32>
        %add3A_368 = arith.addf %add3A_367, %mul3A_365 : vector<16xf32>
        %mul3A_369 = arith.mulf %mul3A_358, %add3A_368 : vector<16xf32>
        %add3A_370 = arith.constant 0.142857149 : f32
        %add3A_371 = vector.broadcast %add3A_370 : f32 to vector<16xf32>
        %add3A_372 = arith.addf %add3A_371, %mul3A_369 : vector<16xf32>
        %mul3A_373 = arith.mulf %mul3A_358, %add3A_372 : vector<16xf32>
        %add3A_374 = arith.constant 2.000000e-01 : f32
        %add3A_375 = vector.broadcast %add3A_374 : f32 to vector<16xf32>
        %add3A_376 = arith.addf %add3A_375, %mul3A_373 : vector<16xf32>
        %mul3A_377 = arith.mulf %mul3A_358, %add3A_376 : vector<16xf32>
        %add3A_378 = arith.constant 0.333333343 : f32
        %add3A_379 = vector.broadcast %add3A_378 : f32 to vector<16xf32>
        %add3A_380 = arith.addf %add3A_379, %mul3A_377 : vector<16xf32>
        %mul3A_381 = arith.constant 2.000000e+00 : f32
        %mul3A_382 = vector.broadcast %mul3A_381 : f32 to vector<16xf32>
        %mul3A_383 = arith.mulf %mul3A_382, %div3A : vector<16xf32>
        %mul3A_384 = arith.mulf %mul3A_358, %add3A_380 : vector<16xf32>
        %add3A_385 = arith.constant 1.000000e+00 : f32
        %add3A_386 = vector.broadcast %add3A_385 : f32 to vector<16xf32>
        %add3A_387 = arith.addf %add3A_386, %mul3A_384 : vector<16xf32>
        %mul3A_388 = arith.mulf %mul3A_383, %add3A_387 : vector<16xf32>
        %convert_element_type3A = arith.sitofp %sub3A_345 : vector<16xi32> to vector<16xf32>
        %mul3A_389 = arith.constant 0.693147182 : f32
        %mul3A_390 = vector.broadcast %mul3A_389 : f32 to vector<16xf32>
        %mul3A_391 = arith.mulf %convert_element_type3A, %mul3A_390 : vector<16xf32>
        %add3A_392 = arith.addf %mul3A_391, %mul3A_388 : vector<16xf32>
        %neg3A = arith.constant 0.000000e+00 : f32
        %neg3A_393 = vector.broadcast %neg3A : f32 to vector<16xf32>
        %neg3A_394 = arith.subf %neg3A_393, %add3A_392 : vector<16xf32>
        %mul3A_395 = arith.mulf %neg3A_394, %get3A_123 : vector<16xf32>
        %lt3A = arith.cmpf olt, %mul3A_395, %while3A_112 : vector<16xf32>
        %select_n3A = arith.select %lt3A, %mul3A_395, %while3A_112 : vector<16xi1>, vector<16xf32>
        %select_n3A_396 = arith.select %lt3A, %get3A_127, %while3A_116 : vector<16xi1>, vector<16xi32>
        %add3A_397 = arith.addi %mul3A_40, %get3A_127 : vector<16xi32>
        %broadcast_in_dim3A_398 = arith.constant 0 : i32
        %broadcast_in_dim3A_399 = vector.broadcast %broadcast_in_dim3A_398 : i32 to vector<16xi32>
        %add3A_400 = arith.addi %broadcast_in_dim3A_399, %add3A_397 : vector<16xi32>
        %shift_left3A_401 = arith.constant 13 : i32
        %shift_left3A_402 = vector.broadcast %shift_left3A_401 : i32 to vector<16xi32>
        %shift_left3A_403 = arith.shli %add3A_397, %shift_left3A_402 : vector<16xi32>
        %shift_right_logical3A_404 = arith.constant 19 : i32
        %shift_right_logical3A_405 = vector.broadcast %shift_right_logical3A_404 : i32 to vector<16xi32>
        %shift_right_logical3A_406 = arith.shrui %add3A_397, %shift_right_logical3A_405 : vector<16xi32>
        %or3A_407 = arith.ori %shift_left3A_403, %shift_right_logical3A_406 : vector<16xi32>
        %xor3A_408 = arith.xori %add3A_400, %or3A_407 : vector<16xi32>
        %add3A_409 = arith.addi %add3A_400, %xor3A_408 : vector<16xi32>
        %shift_left3A_410 = arith.constant 15 : i32
        %shift_left3A_411 = vector.broadcast %shift_left3A_410 : i32 to vector<16xi32>
        %shift_left3A_412 = arith.shli %xor3A_408, %shift_left3A_411 : vector<16xi32>
        %shift_right_logical3A_413 = arith.constant 17 : i32
        %shift_right_logical3A_414 = vector.broadcast %shift_right_logical3A_413 : i32 to vector<16xi32>
        %shift_right_logical3A_415 = arith.shrui %xor3A_408, %shift_right_logical3A_414 : vector<16xi32>
        %or3A_416 = arith.ori %shift_left3A_412, %shift_right_logical3A_415 : vector<16xi32>
        %xor3A_417 = arith.xori %add3A_409, %or3A_416 : vector<16xi32>
        %add3A_418 = arith.addi %add3A_409, %xor3A_417 : vector<16xi32>
        %shift_left3A_419 = arith.constant 26 : i32
        %shift_left3A_420 = vector.broadcast %shift_left3A_419 : i32 to vector<16xi32>
        %shift_left3A_421 = arith.shli %xor3A_417, %shift_left3A_420 : vector<16xi32>
        %shift_right_logical3A_422 = arith.constant 6 : i32
        %shift_right_logical3A_423 = vector.broadcast %shift_right_logical3A_422 : i32 to vector<16xi32>
        %shift_right_logical3A_424 = arith.shrui %xor3A_417, %shift_right_logical3A_423 : vector<16xi32>
        %or3A_425 = arith.ori %shift_left3A_421, %shift_right_logical3A_424 : vector<16xi32>
        %xor3A_426 = arith.xori %add3A_418, %or3A_425 : vector<16xi32>
        %add3A_427 = arith.addi %add3A_418, %xor3A_426 : vector<16xi32>
        %shift_left3A_428 = arith.constant 6 : i32
        %shift_left3A_429 = vector.broadcast %shift_left3A_428 : i32 to vector<16xi32>
        %shift_left3A_430 = arith.shli %xor3A_426, %shift_left3A_429 : vector<16xi32>
        %shift_right_logical3A_431 = arith.constant 26 : i32
        %shift_right_logical3A_432 = vector.broadcast %shift_right_logical3A_431 : i32 to vector<16xi32>
        %shift_right_logical3A_433 = arith.shrui %xor3A_426, %shift_right_logical3A_432 : vector<16xi32>
        %or3A_434 = arith.ori %shift_left3A_430, %shift_right_logical3A_433 : vector<16xi32>
        %xor3A_435 = arith.xori %add3A_427, %or3A_434 : vector<16xi32>
        %add3A_436 = arith.constant 466688987 : i32
        %add3A_437 = vector.broadcast %add3A_436 : i32 to vector<16xi32>
        %add3A_438 = arith.addi %xor3A_435, %add3A_437 : vector<16xi32>
        %add3A_439 = arith.addi %add3A_427, %add3A_438 : vector<16xi32>
        %shift_left3A_440 = arith.constant 17 : i32
        %shift_left3A_441 = vector.broadcast %shift_left3A_440 : i32 to vector<16xi32>
        %shift_left3A_442 = arith.shli %add3A_438, %shift_left3A_441 : vector<16xi32>
        %shift_right_logical3A_443 = arith.constant 15 : i32
        %shift_right_logical3A_444 = vector.broadcast %shift_right_logical3A_443 : i32 to vector<16xi32>
        %shift_right_logical3A_445 = arith.shrui %add3A_438, %shift_right_logical3A_444 : vector<16xi32>
        %or3A_446 = arith.ori %shift_left3A_442, %shift_right_logical3A_445 : vector<16xi32>
        %xor3A_447 = arith.xori %add3A_439, %or3A_446 : vector<16xi32>
        %add3A_448 = arith.addi %add3A_439, %xor3A_447 : vector<16xi32>
        %shift_left3A_449 = arith.constant 29 : i32
        %shift_left3A_450 = vector.broadcast %shift_left3A_449 : i32 to vector<16xi32>
        %shift_left3A_451 = arith.shli %xor3A_447, %shift_left3A_450 : vector<16xi32>
        %shift_right_logical3A_452 = arith.constant 3 : i32
        %shift_right_logical3A_453 = vector.broadcast %shift_right_logical3A_452 : i32 to vector<16xi32>
        %shift_right_logical3A_454 = arith.shrui %xor3A_447, %shift_right_logical3A_453 : vector<16xi32>
        %or3A_455 = arith.ori %shift_left3A_451, %shift_right_logical3A_454 : vector<16xi32>
        %xor3A_456 = arith.xori %add3A_448, %or3A_455 : vector<16xi32>
        %add3A_457 = arith.addi %add3A_448, %xor3A_456 : vector<16xi32>
        %shift_left3A_458 = arith.constant 16 : i32
        %shift_left3A_459 = vector.broadcast %shift_left3A_458 : i32 to vector<16xi32>
        %shift_left3A_460 = arith.shli %xor3A_456, %shift_left3A_459 : vector<16xi32>
        %shift_right_logical3A_461 = arith.constant 16 : i32
        %shift_right_logical3A_462 = vector.broadcast %shift_right_logical3A_461 : i32 to vector<16xi32>
        %shift_right_logical3A_463 = arith.shrui %xor3A_456, %shift_right_logical3A_462 : vector<16xi32>
        %or3A_464 = arith.ori %shift_left3A_460, %shift_right_logical3A_463 : vector<16xi32>
        %xor3A_465 = arith.xori %add3A_457, %or3A_464 : vector<16xi32>
        %add3A_466 = arith.addi %add3A_457, %xor3A_465 : vector<16xi32>
        %shift_left3A_467 = arith.constant 24 : i32
        %shift_left3A_468 = vector.broadcast %shift_left3A_467 : i32 to vector<16xi32>
        %shift_left3A_469 = arith.shli %xor3A_465, %shift_left3A_468 : vector<16xi32>
        %shift_right_logical3A_470 = arith.constant 8 : i32
        %shift_right_logical3A_471 = vector.broadcast %shift_right_logical3A_470 : i32 to vector<16xi32>
        %shift_right_logical3A_472 = arith.shrui %xor3A_465, %shift_right_logical3A_471 : vector<16xi32>
        %or3A_473 = arith.ori %shift_left3A_469, %shift_right_logical3A_472 : vector<16xi32>
        %xor3A_474 = arith.xori %add3A_466, %or3A_473 : vector<16xi32>
        %add3A_475 = arith.constant 466688986 : i32
        %add3A_476 = vector.broadcast %add3A_475 : i32 to vector<16xi32>
        %add3A_477 = arith.addi %add3A_466, %add3A_476 : vector<16xi32>
        %add3A_478 = arith.constant 2 : i32
        %add3A_479 = vector.broadcast %add3A_478 : i32 to vector<16xi32>
        %add3A_480 = arith.addi %xor3A_474, %add3A_479 : vector<16xi32>
        %add3A_481 = arith.addi %add3A_477, %add3A_480 : vector<16xi32>
        %shift_left3A_482 = arith.constant 13 : i32
        %shift_left3A_483 = vector.broadcast %shift_left3A_482 : i32 to vector<16xi32>
        %shift_left3A_484 = arith.shli %add3A_480, %shift_left3A_483 : vector<16xi32>
        %shift_right_logical3A_485 = arith.constant 19 : i32
        %shift_right_logical3A_486 = vector.broadcast %shift_right_logical3A_485 : i32 to vector<16xi32>
        %shift_right_logical3A_487 = arith.shrui %add3A_480, %shift_right_logical3A_486 : vector<16xi32>
        %or3A_488 = arith.ori %shift_left3A_484, %shift_right_logical3A_487 : vector<16xi32>
        %xor3A_489 = arith.xori %add3A_481, %or3A_488 : vector<16xi32>
        %add3A_490 = arith.addi %add3A_481, %xor3A_489 : vector<16xi32>
        %shift_left3A_491 = arith.constant 15 : i32
        %shift_left3A_492 = vector.broadcast %shift_left3A_491 : i32 to vector<16xi32>
        %shift_left3A_493 = arith.shli %xor3A_489, %shift_left3A_492 : vector<16xi32>
        %shift_right_logical3A_494 = arith.constant 17 : i32
        %shift_right_logical3A_495 = vector.broadcast %shift_right_logical3A_494 : i32 to vector<16xi32>
        %shift_right_logical3A_496 = arith.shrui %xor3A_489, %shift_right_logical3A_495 : vector<16xi32>
        %or3A_497 = arith.ori %shift_left3A_493, %shift_right_logical3A_496 : vector<16xi32>
        %xor3A_498 = arith.xori %add3A_490, %or3A_497 : vector<16xi32>
        %add3A_499 = arith.addi %add3A_490, %xor3A_498 : vector<16xi32>
        %shift_left3A_500 = arith.constant 26 : i32
        %shift_left3A_501 = vector.broadcast %shift_left3A_500 : i32 to vector<16xi32>
        %shift_left3A_502 = arith.shli %xor3A_498, %shift_left3A_501 : vector<16xi32>
        %shift_right_logical3A_503 = arith.constant 6 : i32
        %shift_right_logical3A_504 = vector.broadcast %shift_right_logical3A_503 : i32 to vector<16xi32>
        %shift_right_logical3A_505 = arith.shrui %xor3A_498, %shift_right_logical3A_504 : vector<16xi32>
        %or3A_506 = arith.ori %shift_left3A_502, %shift_right_logical3A_505 : vector<16xi32>
        %xor3A_507 = arith.xori %add3A_499, %or3A_506 : vector<16xi32>
        %add3A_508 = arith.addi %add3A_499, %xor3A_507 : vector<16xi32>
        %shift_left3A_509 = arith.constant 6 : i32
        %shift_left3A_510 = vector.broadcast %shift_left3A_509 : i32 to vector<16xi32>
        %shift_left3A_511 = arith.shli %xor3A_507, %shift_left3A_510 : vector<16xi32>
        %shift_right_logical3A_512 = arith.constant 26 : i32
        %shift_right_logical3A_513 = vector.broadcast %shift_right_logical3A_512 : i32 to vector<16xi32>
        %shift_right_logical3A_514 = arith.shrui %xor3A_507, %shift_right_logical3A_513 : vector<16xi32>
        %or3A_515 = arith.ori %shift_left3A_511, %shift_right_logical3A_514 : vector<16xi32>
        %xor3A_516 = arith.xori %add3A_508, %or3A_515 : vector<16xi32>
        %add3A_517 = arith.constant 3 : i32
        %add3A_518 = vector.broadcast %add3A_517 : i32 to vector<16xi32>
        %add3A_519 = arith.addi %xor3A_516, %add3A_518 : vector<16xi32>
        %add3A_520 = arith.addi %add3A_508, %add3A_519 : vector<16xi32>
        %shift_left3A_521 = arith.constant 17 : i32
        %shift_left3A_522 = vector.broadcast %shift_left3A_521 : i32 to vector<16xi32>
        %shift_left3A_523 = arith.shli %add3A_519, %shift_left3A_522 : vector<16xi32>
        %shift_right_logical3A_524 = arith.constant 15 : i32
        %shift_right_logical3A_525 = vector.broadcast %shift_right_logical3A_524 : i32 to vector<16xi32>
        %shift_right_logical3A_526 = arith.shrui %add3A_519, %shift_right_logical3A_525 : vector<16xi32>
        %or3A_527 = arith.ori %shift_left3A_523, %shift_right_logical3A_526 : vector<16xi32>
        %xor3A_528 = arith.xori %add3A_520, %or3A_527 : vector<16xi32>
        %add3A_529 = arith.addi %add3A_520, %xor3A_528 : vector<16xi32>
        %shift_left3A_530 = arith.constant 29 : i32
        %shift_left3A_531 = vector.broadcast %shift_left3A_530 : i32 to vector<16xi32>
        %shift_left3A_532 = arith.shli %xor3A_528, %shift_left3A_531 : vector<16xi32>
        %shift_right_logical3A_533 = arith.constant 3 : i32
        %shift_right_logical3A_534 = vector.broadcast %shift_right_logical3A_533 : i32 to vector<16xi32>
        %shift_right_logical3A_535 = arith.shrui %xor3A_528, %shift_right_logical3A_534 : vector<16xi32>
        %or3A_536 = arith.ori %shift_left3A_532, %shift_right_logical3A_535 : vector<16xi32>
        %xor3A_537 = arith.xori %add3A_529, %or3A_536 : vector<16xi32>
        %add3A_538 = arith.addi %add3A_529, %xor3A_537 : vector<16xi32>
        %shift_left3A_539 = arith.constant 16 : i32
        %shift_left3A_540 = vector.broadcast %shift_left3A_539 : i32 to vector<16xi32>
        %shift_left3A_541 = arith.shli %xor3A_537, %shift_left3A_540 : vector<16xi32>
        %shift_right_logical3A_542 = arith.constant 16 : i32
        %shift_right_logical3A_543 = vector.broadcast %shift_right_logical3A_542 : i32 to vector<16xi32>
        %shift_right_logical3A_544 = arith.shrui %xor3A_537, %shift_right_logical3A_543 : vector<16xi32>
        %or3A_545 = arith.ori %shift_left3A_541, %shift_right_logical3A_544 : vector<16xi32>
        %xor3A_546 = arith.xori %add3A_538, %or3A_545 : vector<16xi32>
        %add3A_547 = arith.addi %add3A_538, %xor3A_546 : vector<16xi32>
        %shift_left3A_548 = arith.constant 24 : i32
        %shift_left3A_549 = vector.broadcast %shift_left3A_548 : i32 to vector<16xi32>
        %shift_left3A_550 = arith.shli %xor3A_546, %shift_left3A_549 : vector<16xi32>
        %shift_right_logical3A_551 = arith.constant 8 : i32
        %shift_right_logical3A_552 = vector.broadcast %shift_right_logical3A_551 : i32 to vector<16xi32>
        %shift_right_logical3A_553 = arith.shrui %xor3A_546, %shift_right_logical3A_552 : vector<16xi32>
        %or3A_554 = arith.ori %shift_left3A_550, %shift_right_logical3A_553 : vector<16xi32>
        %xor3A_555 = arith.xori %add3A_547, %or3A_554 : vector<16xi32>
        %add3A_556 = arith.constant 466688990 : i32
        %add3A_557 = vector.broadcast %add3A_556 : i32 to vector<16xi32>
        %add3A_558 = arith.addi %xor3A_555, %add3A_557 : vector<16xi32>
        %add3A_559 = arith.addi %add3A_547, %add3A_558 : vector<16xi32>
        %shift_left3A_560 = arith.constant 13 : i32
        %shift_left3A_561 = vector.broadcast %shift_left3A_560 : i32 to vector<16xi32>
        %shift_left3A_562 = arith.shli %add3A_558, %shift_left3A_561 : vector<16xi32>
        %shift_right_logical3A_563 = arith.constant 19 : i32
        %shift_right_logical3A_564 = vector.broadcast %shift_right_logical3A_563 : i32 to vector<16xi32>
        %shift_right_logical3A_565 = arith.shrui %add3A_558, %shift_right_logical3A_564 : vector<16xi32>
        %or3A_566 = arith.ori %shift_left3A_562, %shift_right_logical3A_565 : vector<16xi32>
        %xor3A_567 = arith.xori %add3A_559, %or3A_566 : vector<16xi32>
        %add3A_568 = arith.addi %add3A_559, %xor3A_567 : vector<16xi32>
        %shift_left3A_569 = arith.constant 15 : i32
        %shift_left3A_570 = vector.broadcast %shift_left3A_569 : i32 to vector<16xi32>
        %shift_left3A_571 = arith.shli %xor3A_567, %shift_left3A_570 : vector<16xi32>
        %shift_right_logical3A_572 = arith.constant 17 : i32
        %shift_right_logical3A_573 = vector.broadcast %shift_right_logical3A_572 : i32 to vector<16xi32>
        %shift_right_logical3A_574 = arith.shrui %xor3A_567, %shift_right_logical3A_573 : vector<16xi32>
        %or3A_575 = arith.ori %shift_left3A_571, %shift_right_logical3A_574 : vector<16xi32>
        %xor3A_576 = arith.xori %add3A_568, %or3A_575 : vector<16xi32>
        %add3A_577 = arith.addi %add3A_568, %xor3A_576 : vector<16xi32>
        %shift_left3A_578 = arith.constant 26 : i32
        %shift_left3A_579 = vector.broadcast %shift_left3A_578 : i32 to vector<16xi32>
        %shift_left3A_580 = arith.shli %xor3A_576, %shift_left3A_579 : vector<16xi32>
        %shift_right_logical3A_581 = arith.constant 6 : i32
        %shift_right_logical3A_582 = vector.broadcast %shift_right_logical3A_581 : i32 to vector<16xi32>
        %shift_right_logical3A_583 = arith.shrui %xor3A_576, %shift_right_logical3A_582 : vector<16xi32>
        %or3A_584 = arith.ori %shift_left3A_580, %shift_right_logical3A_583 : vector<16xi32>
        %xor3A_585 = arith.xori %add3A_577, %or3A_584 : vector<16xi32>
        %add3A_586 = arith.addi %add3A_577, %xor3A_585 : vector<16xi32>
        %shift_left3A_587 = arith.constant 6 : i32
        %shift_left3A_588 = vector.broadcast %shift_left3A_587 : i32 to vector<16xi32>
        %shift_left3A_589 = arith.shli %xor3A_585, %shift_left3A_588 : vector<16xi32>
        %shift_right_logical3A_590 = arith.constant 26 : i32
        %shift_right_logical3A_591 = vector.broadcast %shift_right_logical3A_590 : i32 to vector<16xi32>
        %shift_right_logical3A_592 = arith.shrui %xor3A_585, %shift_right_logical3A_591 : vector<16xi32>
        %or3A_593 = arith.ori %shift_left3A_589, %shift_right_logical3A_592 : vector<16xi32>
        %xor3A_594 = arith.xori %add3A_586, %or3A_593 : vector<16xi32>
        %add3A_595 = arith.constant 466688986 : i32
        %add3A_596 = vector.broadcast %add3A_595 : i32 to vector<16xi32>
        %add3A_597 = arith.addi %add3A_586, %add3A_596 : vector<16xi32>
        %add3A_598 = arith.constant 5 : i32
        %add3A_599 = vector.broadcast %add3A_598 : i32 to vector<16xi32>
        %add3A_600 = arith.addi %xor3A_594, %add3A_599 : vector<16xi32>
        %xor3A_601 = arith.xori %add3A_597, %add3A_600 : vector<16xi32>
        %shift_right_logical3A_602 = arith.constant 9 : i32
        %shift_right_logical3A_603 = vector.broadcast %shift_right_logical3A_602 : i32 to vector<16xi32>
        %shift_right_logical3A_604 = arith.shrui %xor3A_601, %shift_right_logical3A_603 : vector<16xi32>
        %or3A_605 = arith.constant 1065353216 : i32
        %or3A_606 = vector.broadcast %or3A_605 : i32 to vector<16xi32>
        %or3A_607 = arith.ori %shift_right_logical3A_604, %or3A_606 : vector<16xi32>
        %bitcast_convert_type3A_608 = tpu.bitcast %or3A_607 : vector<16xi32> -> vector<16xf32>
        %sub3A_609 = arith.constant 1.000000e+00 : f32
        %sub3A_610 = vector.broadcast %sub3A_609 : f32 to vector<16xf32>
        %sub3A_611 = arith.subf %bitcast_convert_type3A_608, %sub3A_610 : vector<16xf32>
        %max3A_612 = arith.constant 1.17549435E-38 : f32
        %max3A_613 = vector.broadcast %max3A_612 : f32 to vector<16xf32>
        %max3A_614 = arith.maximumf %max3A_613, %sub3A_611 : vector<16xf32>
        %bitcast_convert_type3A_615 = tpu.bitcast %max3A_614 : vector<16xf32> -> vector<16xi32>
        %shift_right_logical3A_616 = arith.constant 23 : i32
        %shift_right_logical3A_617 = vector.broadcast %shift_right_logical3A_616 : i32 to vector<16xi32>
        %shift_right_logical3A_618 = arith.shrui %bitcast_convert_type3A_615, %shift_right_logical3A_617 : vector<16xi32>
        %sub3A_619 = arith.constant 127 : i32
        %sub3A_620 = vector.broadcast %sub3A_619 : i32 to vector<16xi32>
        %sub3A_621 = arith.subi %shift_right_logical3A_618, %sub3A_620 : vector<16xi32>
        %and3A_622 = arith.constant 8388607 : i32
        %and3A_623 = vector.broadcast %and3A_622 : i32 to vector<16xi32>
        %and3A_624 = arith.andi %bitcast_convert_type3A_615, %and3A_623 : vector<16xi32>
        %or3A_625 = arith.constant 1065353216 : i32
        %or3A_626 = vector.broadcast %or3A_625 : i32 to vector<16xi32>
        %or3A_627 = arith.ori %and3A_624, %or3A_626 : vector<16xi32>
        %bitcast_convert_type3A_628 = tpu.bitcast %or3A_627 : vector<16xi32> -> vector<16xf32>
        %sub3A_629 = arith.constant 1.000000e+00 : f32
        %sub3A_630 = vector.broadcast %sub3A_629 : f32 to vector<16xf32>
        %sub3A_631 = arith.subf %bitcast_convert_type3A_628, %sub3A_630 : vector<16xf32>
        %add3A_632 = arith.constant 1.000000e+00 : f32
        %add3A_633 = vector.broadcast %add3A_632 : f32 to vector<16xf32>
        %add3A_634 = arith.addf %bitcast_convert_type3A_628, %add3A_633 : vector<16xf32>
        %div3A_635 = arith.divf %sub3A_631, %add3A_634 : vector<16xf32>
        %mul3A_636 = arith.mulf %div3A_635, %div3A_635 : vector<16xf32>
        %mul3A_637 = arith.constant 0.0769230798 : f32
        %mul3A_638 = vector.broadcast %mul3A_637 : f32 to vector<16xf32>
        %mul3A_639 = arith.mulf %mul3A_636, %mul3A_638 : vector<16xf32>
        %add3A_640 = arith.constant 0.0909090936 : f32
        %add3A_641 = vector.broadcast %add3A_640 : f32 to vector<16xf32>
        %add3A_642 = arith.addf %add3A_641, %mul3A_639 : vector<16xf32>
        %mul3A_643 = arith.mulf %mul3A_636, %add3A_642 : vector<16xf32>
        %add3A_644 = arith.constant 0.111111112 : f32
        %add3A_645 = vector.broadcast %add3A_644 : f32 to vector<16xf32>
        %add3A_646 = arith.addf %add3A_645, %mul3A_643 : vector<16xf32>
        %mul3A_647 = arith.mulf %mul3A_636, %add3A_646 : vector<16xf32>
        %add3A_648 = arith.constant 0.142857149 : f32
        %add3A_649 = vector.broadcast %add3A_648 : f32 to vector<16xf32>
        %add3A_650 = arith.addf %add3A_649, %mul3A_647 : vector<16xf32>
        %mul3A_651 = arith.mulf %mul3A_636, %add3A_650 : vector<16xf32>
        %add3A_652 = arith.constant 2.000000e-01 : f32
        %add3A_653 = vector.broadcast %add3A_652 : f32 to vector<16xf32>
        %add3A_654 = arith.addf %add3A_653, %mul3A_651 : vector<16xf32>
        %mul3A_655 = arith.mulf %mul3A_636, %add3A_654 : vector<16xf32>
        %add3A_656 = arith.constant 0.333333343 : f32
        %add3A_657 = vector.broadcast %add3A_656 : f32 to vector<16xf32>
        %add3A_658 = arith.addf %add3A_657, %mul3A_655 : vector<16xf32>
        %mul3A_659 = arith.constant 2.000000e+00 : f32
        %mul3A_660 = vector.broadcast %mul3A_659 : f32 to vector<16xf32>
        %mul3A_661 = arith.mulf %mul3A_660, %div3A_635 : vector<16xf32>
        %mul3A_662 = arith.mulf %mul3A_636, %add3A_658 : vector<16xf32>
        %add3A_663 = arith.constant 1.000000e+00 : f32
        %add3A_664 = vector.broadcast %add3A_663 : f32 to vector<16xf32>
        %add3A_665 = arith.addf %add3A_664, %mul3A_662 : vector<16xf32>
        %mul3A_666 = arith.mulf %mul3A_661, %add3A_665 : vector<16xf32>
        %convert_element_type3A_667 = arith.sitofp %sub3A_621 : vector<16xi32> to vector<16xf32>
        %mul3A_668 = arith.constant 0.693147182 : f32
        %mul3A_669 = vector.broadcast %mul3A_668 : f32 to vector<16xf32>
        %mul3A_670 = arith.mulf %convert_element_type3A_667, %mul3A_669 : vector<16xf32>
        %add3A_671 = arith.addf %mul3A_670, %mul3A_666 : vector<16xf32>
        %neg3A_672 = arith.constant 0.000000e+00 : f32
        %neg3A_673 = vector.broadcast %neg3A_672 : f32 to vector<16xf32>
        %neg3A_674 = arith.subf %neg3A_673, %add3A_671 : vector<16xf32>
        %mul3A_675 = arith.mulf %neg3A_674, %get3A_123 : vector<16xf32>
        %lt3A_676 = arith.cmpf olt, %mul3A_675, %while3A_113 : vector<16xf32>
        %select_n3A_677 = arith.select %lt3A_676, %mul3A_675, %while3A_113 : vector<16xi1>, vector<16xf32>
        %select_n3A_678 = arith.select %lt3A_676, %get3A_127, %while3A_117 : vector<16xi1>, vector<16xi32>
        %add3A_679 = arith.addi %mul3A_51, %get3A_127 : vector<16xi32>
        %broadcast_in_dim3A_680 = arith.constant 0 : i32
        %broadcast_in_dim3A_681 = vector.broadcast %broadcast_in_dim3A_680 : i32 to vector<16xi32>
        %add3A_682 = arith.addi %broadcast_in_dim3A_681, %add3A_679 : vector<16xi32>
        %shift_left3A_683 = arith.constant 13 : i32
        %shift_left3A_684 = vector.broadcast %shift_left3A_683 : i32 to vector<16xi32>
        %shift_left3A_685 = arith.shli %add3A_679, %shift_left3A_684 : vector<16xi32>
        %shift_right_logical3A_686 = arith.constant 19 : i32
        %shift_right_logical3A_687 = vector.broadcast %shift_right_logical3A_686 : i32 to vector<16xi32>
        %shift_right_logical3A_688 = arith.shrui %add3A_679, %shift_right_logical3A_687 : vector<16xi32>
        %or3A_689 = arith.ori %shift_left3A_685, %shift_right_logical3A_688 : vector<16xi32>
        %xor3A_690 = arith.xori %add3A_682, %or3A_689 : vector<16xi32>
        %add3A_691 = arith.addi %add3A_682, %xor3A_690 : vector<16xi32>
        %shift_left3A_692 = arith.constant 15 : i32
        %shift_left3A_693 = vector.broadcast %shift_left3A_692 : i32 to vector<16xi32>
        %shift_left3A_694 = arith.shli %xor3A_690, %shift_left3A_693 : vector<16xi32>
        %shift_right_logical3A_695 = arith.constant 17 : i32
        %shift_right_logical3A_696 = vector.broadcast %shift_right_logical3A_695 : i32 to vector<16xi32>
        %shift_right_logical3A_697 = arith.shrui %xor3A_690, %shift_right_logical3A_696 : vector<16xi32>
        %or3A_698 = arith.ori %shift_left3A_694, %shift_right_logical3A_697 : vector<16xi32>
        %xor3A_699 = arith.xori %add3A_691, %or3A_698 : vector<16xi32>
        %add3A_700 = arith.addi %add3A_691, %xor3A_699 : vector<16xi32>
        %shift_left3A_701 = arith.constant 26 : i32
        %shift_left3A_702 = vector.broadcast %shift_left3A_701 : i32 to vector<16xi32>
        %shift_left3A_703 = arith.shli %xor3A_699, %shift_left3A_702 : vector<16xi32>
        %shift_right_logical3A_704 = arith.constant 6 : i32
        %shift_right_logical3A_705 = vector.broadcast %shift_right_logical3A_704 : i32 to vector<16xi32>
        %shift_right_logical3A_706 = arith.shrui %xor3A_699, %shift_right_logical3A_705 : vector<16xi32>
        %or3A_707 = arith.ori %shift_left3A_703, %shift_right_logical3A_706 : vector<16xi32>
        %xor3A_708 = arith.xori %add3A_700, %or3A_707 : vector<16xi32>
        %add3A_709 = arith.addi %add3A_700, %xor3A_708 : vector<16xi32>
        %shift_left3A_710 = arith.constant 6 : i32
        %shift_left3A_711 = vector.broadcast %shift_left3A_710 : i32 to vector<16xi32>
        %shift_left3A_712 = arith.shli %xor3A_708, %shift_left3A_711 : vector<16xi32>
        %shift_right_logical3A_713 = arith.constant 26 : i32
        %shift_right_logical3A_714 = vector.broadcast %shift_right_logical3A_713 : i32 to vector<16xi32>
        %shift_right_logical3A_715 = arith.shrui %xor3A_708, %shift_right_logical3A_714 : vector<16xi32>
        %or3A_716 = arith.ori %shift_left3A_712, %shift_right_logical3A_715 : vector<16xi32>
        %xor3A_717 = arith.xori %add3A_709, %or3A_716 : vector<16xi32>
        %add3A_718 = arith.constant 466688987 : i32
        %add3A_719 = vector.broadcast %add3A_718 : i32 to vector<16xi32>
        %add3A_720 = arith.addi %xor3A_717, %add3A_719 : vector<16xi32>
        %add3A_721 = arith.addi %add3A_709, %add3A_720 : vector<16xi32>
        %shift_left3A_722 = arith.constant 17 : i32
        %shift_left3A_723 = vector.broadcast %shift_left3A_722 : i32 to vector<16xi32>
        %shift_left3A_724 = arith.shli %add3A_720, %shift_left3A_723 : vector<16xi32>
        %shift_right_logical3A_725 = arith.constant 15 : i32
        %shift_right_logical3A_726 = vector.broadcast %shift_right_logical3A_725 : i32 to vector<16xi32>
        %shift_right_logical3A_727 = arith.shrui %add3A_720, %shift_right_logical3A_726 : vector<16xi32>
        %or3A_728 = arith.ori %shift_left3A_724, %shift_right_logical3A_727 : vector<16xi32>
        %xor3A_729 = arith.xori %add3A_721, %or3A_728 : vector<16xi32>
        %add3A_730 = arith.addi %add3A_721, %xor3A_729 : vector<16xi32>
        %shift_left3A_731 = arith.constant 29 : i32
        %shift_left3A_732 = vector.broadcast %shift_left3A_731 : i32 to vector<16xi32>
        %shift_left3A_733 = arith.shli %xor3A_729, %shift_left3A_732 : vector<16xi32>
        %shift_right_logical3A_734 = arith.constant 3 : i32
        %shift_right_logical3A_735 = vector.broadcast %shift_right_logical3A_734 : i32 to vector<16xi32>
        %shift_right_logical3A_736 = arith.shrui %xor3A_729, %shift_right_logical3A_735 : vector<16xi32>
        %or3A_737 = arith.ori %shift_left3A_733, %shift_right_logical3A_736 : vector<16xi32>
        %xor3A_738 = arith.xori %add3A_730, %or3A_737 : vector<16xi32>
        %add3A_739 = arith.addi %add3A_730, %xor3A_738 : vector<16xi32>
        %shift_left3A_740 = arith.constant 16 : i32
        %shift_left3A_741 = vector.broadcast %shift_left3A_740 : i32 to vector<16xi32>
        %shift_left3A_742 = arith.shli %xor3A_738, %shift_left3A_741 : vector<16xi32>
        %shift_right_logical3A_743 = arith.constant 16 : i32
        %shift_right_logical3A_744 = vector.broadcast %shift_right_logical3A_743 : i32 to vector<16xi32>
        %shift_right_logical3A_745 = arith.shrui %xor3A_738, %shift_right_logical3A_744 : vector<16xi32>
        %or3A_746 = arith.ori %shift_left3A_742, %shift_right_logical3A_745 : vector<16xi32>
        %xor3A_747 = arith.xori %add3A_739, %or3A_746 : vector<16xi32>
        %add3A_748 = arith.addi %add3A_739, %xor3A_747 : vector<16xi32>
        %shift_left3A_749 = arith.constant 24 : i32
        %shift_left3A_750 = vector.broadcast %shift_left3A_749 : i32 to vector<16xi32>
        %shift_left3A_751 = arith.shli %xor3A_747, %shift_left3A_750 : vector<16xi32>
        %shift_right_logical3A_752 = arith.constant 8 : i32
        %shift_right_logical3A_753 = vector.broadcast %shift_right_logical3A_752 : i32 to vector<16xi32>
        %shift_right_logical3A_754 = arith.shrui %xor3A_747, %shift_right_logical3A_753 : vector<16xi32>
        %or3A_755 = arith.ori %shift_left3A_751, %shift_right_logical3A_754 : vector<16xi32>
        %xor3A_756 = arith.xori %add3A_748, %or3A_755 : vector<16xi32>
        %add3A_757 = arith.constant 466688986 : i32
        %add3A_758 = vector.broadcast %add3A_757 : i32 to vector<16xi32>
        %add3A_759 = arith.addi %add3A_748, %add3A_758 : vector<16xi32>
        %add3A_760 = arith.constant 2 : i32
        %add3A_761 = vector.broadcast %add3A_760 : i32 to vector<16xi32>
        %add3A_762 = arith.addi %xor3A_756, %add3A_761 : vector<16xi32>
        %add3A_763 = arith.addi %add3A_759, %add3A_762 : vector<16xi32>
        %shift_left3A_764 = arith.constant 13 : i32
        %shift_left3A_765 = vector.broadcast %shift_left3A_764 : i32 to vector<16xi32>
        %shift_left3A_766 = arith.shli %add3A_762, %shift_left3A_765 : vector<16xi32>
        %shift_right_logical3A_767 = arith.constant 19 : i32
        %shift_right_logical3A_768 = vector.broadcast %shift_right_logical3A_767 : i32 to vector<16xi32>
        %shift_right_logical3A_769 = arith.shrui %add3A_762, %shift_right_logical3A_768 : vector<16xi32>
        %or3A_770 = arith.ori %shift_left3A_766, %shift_right_logical3A_769 : vector<16xi32>
        %xor3A_771 = arith.xori %add3A_763, %or3A_770 : vector<16xi32>
        %add3A_772 = arith.addi %add3A_763, %xor3A_771 : vector<16xi32>
        %shift_left3A_773 = arith.constant 15 : i32
        %shift_left3A_774 = vector.broadcast %shift_left3A_773 : i32 to vector<16xi32>
        %shift_left3A_775 = arith.shli %xor3A_771, %shift_left3A_774 : vector<16xi32>
        %shift_right_logical3A_776 = arith.constant 17 : i32
        %shift_right_logical3A_777 = vector.broadcast %shift_right_logical3A_776 : i32 to vector<16xi32>
        %shift_right_logical3A_778 = arith.shrui %xor3A_771, %shift_right_logical3A_777 : vector<16xi32>
        %or3A_779 = arith.ori %shift_left3A_775, %shift_right_logical3A_778 : vector<16xi32>
        %xor3A_780 = arith.xori %add3A_772, %or3A_779 : vector<16xi32>
        %add3A_781 = arith.addi %add3A_772, %xor3A_780 : vector<16xi32>
        %shift_left3A_782 = arith.constant 26 : i32
        %shift_left3A_783 = vector.broadcast %shift_left3A_782 : i32 to vector<16xi32>
        %shift_left3A_784 = arith.shli %xor3A_780, %shift_left3A_783 : vector<16xi32>
        %shift_right_logical3A_785 = arith.constant 6 : i32
        %shift_right_logical3A_786 = vector.broadcast %shift_right_logical3A_785 : i32 to vector<16xi32>
        %shift_right_logical3A_787 = arith.shrui %xor3A_780, %shift_right_logical3A_786 : vector<16xi32>
        %or3A_788 = arith.ori %shift_left3A_784, %shift_right_logical3A_787 : vector<16xi32>
        %xor3A_789 = arith.xori %add3A_781, %or3A_788 : vector<16xi32>
        %add3A_790 = arith.addi %add3A_781, %xor3A_789 : vector<16xi32>
        %shift_left3A_791 = arith.constant 6 : i32
        %shift_left3A_792 = vector.broadcast %shift_left3A_791 : i32 to vector<16xi32>
        %shift_left3A_793 = arith.shli %xor3A_789, %shift_left3A_792 : vector<16xi32>
        %shift_right_logical3A_794 = arith.constant 26 : i32
        %shift_right_logical3A_795 = vector.broadcast %shift_right_logical3A_794 : i32 to vector<16xi32>
        %shift_right_logical3A_796 = arith.shrui %xor3A_789, %shift_right_logical3A_795 : vector<16xi32>
        %or3A_797 = arith.ori %shift_left3A_793, %shift_right_logical3A_796 : vector<16xi32>
        %xor3A_798 = arith.xori %add3A_790, %or3A_797 : vector<16xi32>
        %add3A_799 = arith.constant 3 : i32
        %add3A_800 = vector.broadcast %add3A_799 : i32 to vector<16xi32>
        %add3A_801 = arith.addi %xor3A_798, %add3A_800 : vector<16xi32>
        %add3A_802 = arith.addi %add3A_790, %add3A_801 : vector<16xi32>
        %shift_left3A_803 = arith.constant 17 : i32
        %shift_left3A_804 = vector.broadcast %shift_left3A_803 : i32 to vector<16xi32>
        %shift_left3A_805 = arith.shli %add3A_801, %shift_left3A_804 : vector<16xi32>
        %shift_right_logical3A_806 = arith.constant 15 : i32
        %shift_right_logical3A_807 = vector.broadcast %shift_right_logical3A_806 : i32 to vector<16xi32>
        %shift_right_logical3A_808 = arith.shrui %add3A_801, %shift_right_logical3A_807 : vector<16xi32>
        %or3A_809 = arith.ori %shift_left3A_805, %shift_right_logical3A_808 : vector<16xi32>
        %xor3A_810 = arith.xori %add3A_802, %or3A_809 : vector<16xi32>
        %add3A_811 = arith.addi %add3A_802, %xor3A_810 : vector<16xi32>
        %shift_left3A_812 = arith.constant 29 : i32
        %shift_left3A_813 = vector.broadcast %shift_left3A_812 : i32 to vector<16xi32>
        %shift_left3A_814 = arith.shli %xor3A_810, %shift_left3A_813 : vector<16xi32>
        %shift_right_logical3A_815 = arith.constant 3 : i32
        %shift_right_logical3A_816 = vector.broadcast %shift_right_logical3A_815 : i32 to vector<16xi32>
        %shift_right_logical3A_817 = arith.shrui %xor3A_810, %shift_right_logical3A_816 : vector<16xi32>
        %or3A_818 = arith.ori %shift_left3A_814, %shift_right_logical3A_817 : vector<16xi32>
        %xor3A_819 = arith.xori %add3A_811, %or3A_818 : vector<16xi32>
        %add3A_820 = arith.addi %add3A_811, %xor3A_819 : vector<16xi32>
        %shift_left3A_821 = arith.constant 16 : i32
        %shift_left3A_822 = vector.broadcast %shift_left3A_821 : i32 to vector<16xi32>
        %shift_left3A_823 = arith.shli %xor3A_819, %shift_left3A_822 : vector<16xi32>
        %shift_right_logical3A_824 = arith.constant 16 : i32
        %shift_right_logical3A_825 = vector.broadcast %shift_right_logical3A_824 : i32 to vector<16xi32>
        %shift_right_logical3A_826 = arith.shrui %xor3A_819, %shift_right_logical3A_825 : vector<16xi32>
        %or3A_827 = arith.ori %shift_left3A_823, %shift_right_logical3A_826 : vector<16xi32>
        %xor3A_828 = arith.xori %add3A_820, %or3A_827 : vector<16xi32>
        %add3A_829 = arith.addi %add3A_820, %xor3A_828 : vector<16xi32>
        %shift_left3A_830 = arith.constant 24 : i32
        %shift_left3A_831 = vector.broadcast %shift_left3A_830 : i32 to vector<16xi32>
        %shift_left3A_832 = arith.shli %xor3A_828, %shift_left3A_831 : vector<16xi32>
        %shift_right_logical3A_833 = arith.constant 8 : i32
        %shift_right_logical3A_834 = vector.broadcast %shift_right_logical3A_833 : i32 to vector<16xi32>
        %shift_right_logical3A_835 = arith.shrui %xor3A_828, %shift_right_logical3A_834 : vector<16xi32>
        %or3A_836 = arith.ori %shift_left3A_832, %shift_right_logical3A_835 : vector<16xi32>
        %xor3A_837 = arith.xori %add3A_829, %or3A_836 : vector<16xi32>
        %add3A_838 = arith.constant 466688990 : i32
        %add3A_839 = vector.broadcast %add3A_838 : i32 to vector<16xi32>
        %add3A_840 = arith.addi %xor3A_837, %add3A_839 : vector<16xi32>
        %add3A_841 = arith.addi %add3A_829, %add3A_840 : vector<16xi32>
        %shift_left3A_842 = arith.constant 13 : i32
        %shift_left3A_843 = vector.broadcast %shift_left3A_842 : i32 to vector<16xi32>
        %shift_left3A_844 = arith.shli %add3A_840, %shift_left3A_843 : vector<16xi32>
        %shift_right_logical3A_845 = arith.constant 19 : i32
        %shift_right_logical3A_846 = vector.broadcast %shift_right_logical3A_845 : i32 to vector<16xi32>
        %shift_right_logical3A_847 = arith.shrui %add3A_840, %shift_right_logical3A_846 : vector<16xi32>
        %or3A_848 = arith.ori %shift_left3A_844, %shift_right_logical3A_847 : vector<16xi32>
        %xor3A_849 = arith.xori %add3A_841, %or3A_848 : vector<16xi32>
        %add3A_850 = arith.addi %add3A_841, %xor3A_849 : vector<16xi32>
        %shift_left3A_851 = arith.constant 15 : i32
        %shift_left3A_852 = vector.broadcast %shift_left3A_851 : i32 to vector<16xi32>
        %shift_left3A_853 = arith.shli %xor3A_849, %shift_left3A_852 : vector<16xi32>
        %shift_right_logical3A_854 = arith.constant 17 : i32
        %shift_right_logical3A_855 = vector.broadcast %shift_right_logical3A_854 : i32 to vector<16xi32>
        %shift_right_logical3A_856 = arith.shrui %xor3A_849, %shift_right_logical3A_855 : vector<16xi32>
        %or3A_857 = arith.ori %shift_left3A_853, %shift_right_logical3A_856 : vector<16xi32>
        %xor3A_858 = arith.xori %add3A_850, %or3A_857 : vector<16xi32>
        %add3A_859 = arith.addi %add3A_850, %xor3A_858 : vector<16xi32>
        %shift_left3A_860 = arith.constant 26 : i32
        %shift_left3A_861 = vector.broadcast %shift_left3A_860 : i32 to vector<16xi32>
        %shift_left3A_862 = arith.shli %xor3A_858, %shift_left3A_861 : vector<16xi32>
        %shift_right_logical3A_863 = arith.constant 6 : i32
        %shift_right_logical3A_864 = vector.broadcast %shift_right_logical3A_863 : i32 to vector<16xi32>
        %shift_right_logical3A_865 = arith.shrui %xor3A_858, %shift_right_logical3A_864 : vector<16xi32>
        %or3A_866 = arith.ori %shift_left3A_862, %shift_right_logical3A_865 : vector<16xi32>
        %xor3A_867 = arith.xori %add3A_859, %or3A_866 : vector<16xi32>
        %add3A_868 = arith.addi %add3A_859, %xor3A_867 : vector<16xi32>
        %shift_left3A_869 = arith.constant 6 : i32
        %shift_left3A_870 = vector.broadcast %shift_left3A_869 : i32 to vector<16xi32>
        %shift_left3A_871 = arith.shli %xor3A_867, %shift_left3A_870 : vector<16xi32>
        %shift_right_logical3A_872 = arith.constant 26 : i32
        %shift_right_logical3A_873 = vector.broadcast %shift_right_logical3A_872 : i32 to vector<16xi32>
        %shift_right_logical3A_874 = arith.shrui %xor3A_867, %shift_right_logical3A_873 : vector<16xi32>
        %or3A_875 = arith.ori %shift_left3A_871, %shift_right_logical3A_874 : vector<16xi32>
        %xor3A_876 = arith.xori %add3A_868, %or3A_875 : vector<16xi32>
        %add3A_877 = arith.constant 466688986 : i32
        %add3A_878 = vector.broadcast %add3A_877 : i32 to vector<16xi32>
        %add3A_879 = arith.addi %add3A_868, %add3A_878 : vector<16xi32>
        %add3A_880 = arith.constant 5 : i32
        %add3A_881 = vector.broadcast %add3A_880 : i32 to vector<16xi32>
        %add3A_882 = arith.addi %xor3A_876, %add3A_881 : vector<16xi32>
        %xor3A_883 = arith.xori %add3A_879, %add3A_882 : vector<16xi32>
        %shift_right_logical3A_884 = arith.constant 9 : i32
        %shift_right_logical3A_885 = vector.broadcast %shift_right_logical3A_884 : i32 to vector<16xi32>
        %shift_right_logical3A_886 = arith.shrui %xor3A_883, %shift_right_logical3A_885 : vector<16xi32>
        %or3A_887 = arith.constant 1065353216 : i32
        %or3A_888 = vector.broadcast %or3A_887 : i32 to vector<16xi32>
        %or3A_889 = arith.ori %shift_right_logical3A_886, %or3A_888 : vector<16xi32>
        %bitcast_convert_type3A_890 = tpu.bitcast %or3A_889 : vector<16xi32> -> vector<16xf32>
        %sub3A_891 = arith.constant 1.000000e+00 : f32
        %sub3A_892 = vector.broadcast %sub3A_891 : f32 to vector<16xf32>
        %sub3A_893 = arith.subf %bitcast_convert_type3A_890, %sub3A_892 : vector<16xf32>
        %max3A_894 = arith.constant 1.17549435E-38 : f32
        %max3A_895 = vector.broadcast %max3A_894 : f32 to vector<16xf32>
        %max3A_896 = arith.maximumf %max3A_895, %sub3A_893 : vector<16xf32>
        %bitcast_convert_type3A_897 = tpu.bitcast %max3A_896 : vector<16xf32> -> vector<16xi32>
        %shift_right_logical3A_898 = arith.constant 23 : i32
        %shift_right_logical3A_899 = vector.broadcast %shift_right_logical3A_898 : i32 to vector<16xi32>
        %shift_right_logical3A_900 = arith.shrui %bitcast_convert_type3A_897, %shift_right_logical3A_899 : vector<16xi32>
        %sub3A_901 = arith.constant 127 : i32
        %sub3A_902 = vector.broadcast %sub3A_901 : i32 to vector<16xi32>
        %sub3A_903 = arith.subi %shift_right_logical3A_900, %sub3A_902 : vector<16xi32>
        %and3A_904 = arith.constant 8388607 : i32
        %and3A_905 = vector.broadcast %and3A_904 : i32 to vector<16xi32>
        %and3A_906 = arith.andi %bitcast_convert_type3A_897, %and3A_905 : vector<16xi32>
        %or3A_907 = arith.constant 1065353216 : i32
        %or3A_908 = vector.broadcast %or3A_907 : i32 to vector<16xi32>
        %or3A_909 = arith.ori %and3A_906, %or3A_908 : vector<16xi32>
        %bitcast_convert_type3A_910 = tpu.bitcast %or3A_909 : vector<16xi32> -> vector<16xf32>
        %sub3A_911 = arith.constant 1.000000e+00 : f32
        %sub3A_912 = vector.broadcast %sub3A_911 : f32 to vector<16xf32>
        %sub3A_913 = arith.subf %bitcast_convert_type3A_910, %sub3A_912 : vector<16xf32>
        %add3A_914 = arith.constant 1.000000e+00 : f32
        %add3A_915 = vector.broadcast %add3A_914 : f32 to vector<16xf32>
        %add3A_916 = arith.addf %bitcast_convert_type3A_910, %add3A_915 : vector<16xf32>
        %div3A_917 = arith.divf %sub3A_913, %add3A_916 : vector<16xf32>
        %mul3A_918 = arith.mulf %div3A_917, %div3A_917 : vector<16xf32>
        %mul3A_919 = arith.constant 0.0769230798 : f32
        %mul3A_920 = vector.broadcast %mul3A_919 : f32 to vector<16xf32>
        %mul3A_921 = arith.mulf %mul3A_918, %mul3A_920 : vector<16xf32>
        %add3A_922 = arith.constant 0.0909090936 : f32
        %add3A_923 = vector.broadcast %add3A_922 : f32 to vector<16xf32>
        %add3A_924 = arith.addf %add3A_923, %mul3A_921 : vector<16xf32>
        %mul3A_925 = arith.mulf %mul3A_918, %add3A_924 : vector<16xf32>
        %add3A_926 = arith.constant 0.111111112 : f32
        %add3A_927 = vector.broadcast %add3A_926 : f32 to vector<16xf32>
        %add3A_928 = arith.addf %add3A_927, %mul3A_925 : vector<16xf32>
        %mul3A_929 = arith.mulf %mul3A_918, %add3A_928 : vector<16xf32>
        %add3A_930 = arith.constant 0.142857149 : f32
        %add3A_931 = vector.broadcast %add3A_930 : f32 to vector<16xf32>
        %add3A_932 = arith.addf %add3A_931, %mul3A_929 : vector<16xf32>
        %mul3A_933 = arith.mulf %mul3A_918, %add3A_932 : vector<16xf32>
        %add3A_934 = arith.constant 2.000000e-01 : f32
        %add3A_935 = vector.broadcast %add3A_934 : f32 to vector<16xf32>
        %add3A_936 = arith.addf %add3A_935, %mul3A_933 : vector<16xf32>
        %mul3A_937 = arith.mulf %mul3A_918, %add3A_936 : vector<16xf32>
        %add3A_938 = arith.constant 0.333333343 : f32
        %add3A_939 = vector.broadcast %add3A_938 : f32 to vector<16xf32>
        %add3A_940 = arith.addf %add3A_939, %mul3A_937 : vector<16xf32>
        %mul3A_941 = arith.constant 2.000000e+00 : f32
        %mul3A_942 = vector.broadcast %mul3A_941 : f32 to vector<16xf32>
        %mul3A_943 = arith.mulf %mul3A_942, %div3A_917 : vector<16xf32>
        %mul3A_944 = arith.mulf %mul3A_918, %add3A_940 : vector<16xf32>
        %add3A_945 = arith.constant 1.000000e+00 : f32
        %add3A_946 = vector.broadcast %add3A_945 : f32 to vector<16xf32>
        %add3A_947 = arith.addf %add3A_946, %mul3A_944 : vector<16xf32>
        %mul3A_948 = arith.mulf %mul3A_943, %add3A_947 : vector<16xf32>
        %convert_element_type3A_949 = arith.sitofp %sub3A_903 : vector<16xi32> to vector<16xf32>
        %mul3A_950 = arith.constant 0.693147182 : f32
        %mul3A_951 = vector.broadcast %mul3A_950 : f32 to vector<16xf32>
        %mul3A_952 = arith.mulf %convert_element_type3A_949, %mul3A_951 : vector<16xf32>
        %add3A_953 = arith.addf %mul3A_952, %mul3A_948 : vector<16xf32>
        %neg3A_954 = arith.constant 0.000000e+00 : f32
        %neg3A_955 = vector.broadcast %neg3A_954 : f32 to vector<16xf32>
        %neg3A_956 = arith.subf %neg3A_955, %add3A_953 : vector<16xf32>
        %mul3A_957 = arith.mulf %neg3A_956, %get3A_123 : vector<16xf32>
        %lt3A_958 = arith.cmpf olt, %mul3A_957, %while3A_114 : vector<16xf32>
        %select_n3A_959 = arith.select %lt3A_958, %mul3A_957, %while3A_114 : vector<16xi1>, vector<16xf32>
        %select_n3A_960 = arith.select %lt3A_958, %get3A_127, %while3A_118 : vector<16xi1>, vector<16xi32>
        %add3A_961 = arith.addi %mul3A_62, %get3A_127 : vector<16xi32>
        %broadcast_in_dim3A_962 = arith.constant 0 : i32
        %broadcast_in_dim3A_963 = vector.broadcast %broadcast_in_dim3A_962 : i32 to vector<16xi32>
        %add3A_964 = arith.addi %broadcast_in_dim3A_963, %add3A_961 : vector<16xi32>
        %shift_left3A_965 = arith.constant 13 : i32
        %shift_left3A_966 = vector.broadcast %shift_left3A_965 : i32 to vector<16xi32>
        %shift_left3A_967 = arith.shli %add3A_961, %shift_left3A_966 : vector<16xi32>
        %shift_right_logical3A_968 = arith.constant 19 : i32
        %shift_right_logical3A_969 = vector.broadcast %shift_right_logical3A_968 : i32 to vector<16xi32>
        %shift_right_logical3A_970 = arith.shrui %add3A_961, %shift_right_logical3A_969 : vector<16xi32>
        %or3A_971 = arith.ori %shift_left3A_967, %shift_right_logical3A_970 : vector<16xi32>
        %xor3A_972 = arith.xori %add3A_964, %or3A_971 : vector<16xi32>
        %add3A_973 = arith.addi %add3A_964, %xor3A_972 : vector<16xi32>
        %shift_left3A_974 = arith.constant 15 : i32
        %shift_left3A_975 = vector.broadcast %shift_left3A_974 : i32 to vector<16xi32>
        %shift_left3A_976 = arith.shli %xor3A_972, %shift_left3A_975 : vector<16xi32>
        %shift_right_logical3A_977 = arith.constant 17 : i32
        %shift_right_logical3A_978 = vector.broadcast %shift_right_logical3A_977 : i32 to vector<16xi32>
        %shift_right_logical3A_979 = arith.shrui %xor3A_972, %shift_right_logical3A_978 : vector<16xi32>
        %or3A_980 = arith.ori %shift_left3A_976, %shift_right_logical3A_979 : vector<16xi32>
        %xor3A_981 = arith.xori %add3A_973, %or3A_980 : vector<16xi32>
        %add3A_982 = arith.addi %add3A_973, %xor3A_981 : vector<16xi32>
        %shift_left3A_983 = arith.constant 26 : i32
        %shift_left3A_984 = vector.broadcast %shift_left3A_983 : i32 to vector<16xi32>
        %shift_left3A_985 = arith.shli %xor3A_981, %shift_left3A_984 : vector<16xi32>
        %shift_right_logical3A_986 = arith.constant 6 : i32
        %shift_right_logical3A_987 = vector.broadcast %shift_right_logical3A_986 : i32 to vector<16xi32>
        %shift_right_logical3A_988 = arith.shrui %xor3A_981, %shift_right_logical3A_987 : vector<16xi32>
        %or3A_989 = arith.ori %shift_left3A_985, %shift_right_logical3A_988 : vector<16xi32>
        %xor3A_990 = arith.xori %add3A_982, %or3A_989 : vector<16xi32>
        %add3A_991 = arith.addi %add3A_982, %xor3A_990 : vector<16xi32>
        %shift_left3A_992 = arith.constant 6 : i32
        %shift_left3A_993 = vector.broadcast %shift_left3A_992 : i32 to vector<16xi32>
        %shift_left3A_994 = arith.shli %xor3A_990, %shift_left3A_993 : vector<16xi32>
        %shift_right_logical3A_995 = arith.constant 26 : i32
        %shift_right_logical3A_996 = vector.broadcast %shift_right_logical3A_995 : i32 to vector<16xi32>
        %shift_right_logical3A_997 = arith.shrui %xor3A_990, %shift_right_logical3A_996 : vector<16xi32>
        %or3A_998 = arith.ori %shift_left3A_994, %shift_right_logical3A_997 : vector<16xi32>
        %xor3A_999 = arith.xori %add3A_991, %or3A_998 : vector<16xi32>
        %add3A_1000 = arith.constant 466688987 : i32
        %add3A_1001 = vector.broadcast %add3A_1000 : i32 to vector<16xi32>
        %add3A_1002 = arith.addi %xor3A_999, %add3A_1001 : vector<16xi32>
        %add3A_1003 = arith.addi %add3A_991, %add3A_1002 : vector<16xi32>
        %shift_left3A_1004 = arith.constant 17 : i32
        %shift_left3A_1005 = vector.broadcast %shift_left3A_1004 : i32 to vector<16xi32>
        %shift_left3A_1006 = arith.shli %add3A_1002, %shift_left3A_1005 : vector<16xi32>
        %shift_right_logical3A_1007 = arith.constant 15 : i32
        %shift_right_logical3A_1008 = vector.broadcast %shift_right_logical3A_1007 : i32 to vector<16xi32>
        %shift_right_logical3A_1009 = arith.shrui %add3A_1002, %shift_right_logical3A_1008 : vector<16xi32>
        %or3A_1010 = arith.ori %shift_left3A_1006, %shift_right_logical3A_1009 : vector<16xi32>
        %xor3A_1011 = arith.xori %add3A_1003, %or3A_1010 : vector<16xi32>
        %add3A_1012 = arith.addi %add3A_1003, %xor3A_1011 : vector<16xi32>
        %shift_left3A_1013 = arith.constant 29 : i32
        %shift_left3A_1014 = vector.broadcast %shift_left3A_1013 : i32 to vector<16xi32>
        %shift_left3A_1015 = arith.shli %xor3A_1011, %shift_left3A_1014 : vector<16xi32>
        %shift_right_logical3A_1016 = arith.constant 3 : i32
        %shift_right_logical3A_1017 = vector.broadcast %shift_right_logical3A_1016 : i32 to vector<16xi32>
        %shift_right_logical3A_1018 = arith.shrui %xor3A_1011, %shift_right_logical3A_1017 : vector<16xi32>
        %or3A_1019 = arith.ori %shift_left3A_1015, %shift_right_logical3A_1018 : vector<16xi32>
        %xor3A_1020 = arith.xori %add3A_1012, %or3A_1019 : vector<16xi32>
        %add3A_1021 = arith.addi %add3A_1012, %xor3A_1020 : vector<16xi32>
        %shift_left3A_1022 = arith.constant 16 : i32
        %shift_left3A_1023 = vector.broadcast %shift_left3A_1022 : i32 to vector<16xi32>
        %shift_left3A_1024 = arith.shli %xor3A_1020, %shift_left3A_1023 : vector<16xi32>
        %shift_right_logical3A_1025 = arith.constant 16 : i32
        %shift_right_logical3A_1026 = vector.broadcast %shift_right_logical3A_1025 : i32 to vector<16xi32>
        %shift_right_logical3A_1027 = arith.shrui %xor3A_1020, %shift_right_logical3A_1026 : vector<16xi32>
        %or3A_1028 = arith.ori %shift_left3A_1024, %shift_right_logical3A_1027 : vector<16xi32>
        %xor3A_1029 = arith.xori %add3A_1021, %or3A_1028 : vector<16xi32>
        %add3A_1030 = arith.addi %add3A_1021, %xor3A_1029 : vector<16xi32>
        %shift_left3A_1031 = arith.constant 24 : i32
        %shift_left3A_1032 = vector.broadcast %shift_left3A_1031 : i32 to vector<16xi32>
        %shift_left3A_1033 = arith.shli %xor3A_1029, %shift_left3A_1032 : vector<16xi32>
        %shift_right_logical3A_1034 = arith.constant 8 : i32
        %shift_right_logical3A_1035 = vector.broadcast %shift_right_logical3A_1034 : i32 to vector<16xi32>
        %shift_right_logical3A_1036 = arith.shrui %xor3A_1029, %shift_right_logical3A_1035 : vector<16xi32>
        %or3A_1037 = arith.ori %shift_left3A_1033, %shift_right_logical3A_1036 : vector<16xi32>
        %xor3A_1038 = arith.xori %add3A_1030, %or3A_1037 : vector<16xi32>
        %add3A_1039 = arith.constant 466688986 : i32
        %add3A_1040 = vector.broadcast %add3A_1039 : i32 to vector<16xi32>
        %add3A_1041 = arith.addi %add3A_1030, %add3A_1040 : vector<16xi32>
        %add3A_1042 = arith.constant 2 : i32
        %add3A_1043 = vector.broadcast %add3A_1042 : i32 to vector<16xi32>
        %add3A_1044 = arith.addi %xor3A_1038, %add3A_1043 : vector<16xi32>
        %add3A_1045 = arith.addi %add3A_1041, %add3A_1044 : vector<16xi32>
        %shift_left3A_1046 = arith.constant 13 : i32
        %shift_left3A_1047 = vector.broadcast %shift_left3A_1046 : i32 to vector<16xi32>
        %shift_left3A_1048 = arith.shli %add3A_1044, %shift_left3A_1047 : vector<16xi32>
        %shift_right_logical3A_1049 = arith.constant 19 : i32
        %shift_right_logical3A_1050 = vector.broadcast %shift_right_logical3A_1049 : i32 to vector<16xi32>
        %shift_right_logical3A_1051 = arith.shrui %add3A_1044, %shift_right_logical3A_1050 : vector<16xi32>
        %or3A_1052 = arith.ori %shift_left3A_1048, %shift_right_logical3A_1051 : vector<16xi32>
        %xor3A_1053 = arith.xori %add3A_1045, %or3A_1052 : vector<16xi32>
        %add3A_1054 = arith.addi %add3A_1045, %xor3A_1053 : vector<16xi32>
        %shift_left3A_1055 = arith.constant 15 : i32
        %shift_left3A_1056 = vector.broadcast %shift_left3A_1055 : i32 to vector<16xi32>
        %shift_left3A_1057 = arith.shli %xor3A_1053, %shift_left3A_1056 : vector<16xi32>
        %shift_right_logical3A_1058 = arith.constant 17 : i32
        %shift_right_logical3A_1059 = vector.broadcast %shift_right_logical3A_1058 : i32 to vector<16xi32>
        %shift_right_logical3A_1060 = arith.shrui %xor3A_1053, %shift_right_logical3A_1059 : vector<16xi32>
        %or3A_1061 = arith.ori %shift_left3A_1057, %shift_right_logical3A_1060 : vector<16xi32>
        %xor3A_1062 = arith.xori %add3A_1054, %or3A_1061 : vector<16xi32>
        %add3A_1063 = arith.addi %add3A_1054, %xor3A_1062 : vector<16xi32>
        %shift_left3A_1064 = arith.constant 26 : i32
        %shift_left3A_1065 = vector.broadcast %shift_left3A_1064 : i32 to vector<16xi32>
        %shift_left3A_1066 = arith.shli %xor3A_1062, %shift_left3A_1065 : vector<16xi32>
        %shift_right_logical3A_1067 = arith.constant 6 : i32
        %shift_right_logical3A_1068 = vector.broadcast %shift_right_logical3A_1067 : i32 to vector<16xi32>
        %shift_right_logical3A_1069 = arith.shrui %xor3A_1062, %shift_right_logical3A_1068 : vector<16xi32>
        %or3A_1070 = arith.ori %shift_left3A_1066, %shift_right_logical3A_1069 : vector<16xi32>
        %xor3A_1071 = arith.xori %add3A_1063, %or3A_1070 : vector<16xi32>
        %add3A_1072 = arith.addi %add3A_1063, %xor3A_1071 : vector<16xi32>
        %shift_left3A_1073 = arith.constant 6 : i32
        %shift_left3A_1074 = vector.broadcast %shift_left3A_1073 : i32 to vector<16xi32>
        %shift_left3A_1075 = arith.shli %xor3A_1071, %shift_left3A_1074 : vector<16xi32>
        %shift_right_logical3A_1076 = arith.constant 26 : i32
        %shift_right_logical3A_1077 = vector.broadcast %shift_right_logical3A_1076 : i32 to vector<16xi32>
        %shift_right_logical3A_1078 = arith.shrui %xor3A_1071, %shift_right_logical3A_1077 : vector<16xi32>
        %or3A_1079 = arith.ori %shift_left3A_1075, %shift_right_logical3A_1078 : vector<16xi32>
        %xor3A_1080 = arith.xori %add3A_1072, %or3A_1079 : vector<16xi32>
        %add3A_1081 = arith.constant 3 : i32
        %add3A_1082 = vector.broadcast %add3A_1081 : i32 to vector<16xi32>
        %add3A_1083 = arith.addi %xor3A_1080, %add3A_1082 : vector<16xi32>
        %add3A_1084 = arith.addi %add3A_1072, %add3A_1083 : vector<16xi32>
        %shift_left3A_1085 = arith.constant 17 : i32
        %shift_left3A_1086 = vector.broadcast %shift_left3A_1085 : i32 to vector<16xi32>
        %shift_left3A_1087 = arith.shli %add3A_1083, %shift_left3A_1086 : vector<16xi32>
        %shift_right_logical3A_1088 = arith.constant 15 : i32
        %shift_right_logical3A_1089 = vector.broadcast %shift_right_logical3A_1088 : i32 to vector<16xi32>
        %shift_right_logical3A_1090 = arith.shrui %add3A_1083, %shift_right_logical3A_1089 : vector<16xi32>
        %or3A_1091 = arith.ori %shift_left3A_1087, %shift_right_logical3A_1090 : vector<16xi32>
        %xor3A_1092 = arith.xori %add3A_1084, %or3A_1091 : vector<16xi32>
        %add3A_1093 = arith.addi %add3A_1084, %xor3A_1092 : vector<16xi32>
        %shift_left3A_1094 = arith.constant 29 : i32
        %shift_left3A_1095 = vector.broadcast %shift_left3A_1094 : i32 to vector<16xi32>
        %shift_left3A_1096 = arith.shli %xor3A_1092, %shift_left3A_1095 : vector<16xi32>
        %shift_right_logical3A_1097 = arith.constant 3 : i32
        %shift_right_logical3A_1098 = vector.broadcast %shift_right_logical3A_1097 : i32 to vector<16xi32>
        %shift_right_logical3A_1099 = arith.shrui %xor3A_1092, %shift_right_logical3A_1098 : vector<16xi32>
        %or3A_1100 = arith.ori %shift_left3A_1096, %shift_right_logical3A_1099 : vector<16xi32>
        %xor3A_1101 = arith.xori %add3A_1093, %or3A_1100 : vector<16xi32>
        %add3A_1102 = arith.addi %add3A_1093, %xor3A_1101 : vector<16xi32>
        %shift_left3A_1103 = arith.constant 16 : i32
        %shift_left3A_1104 = vector.broadcast %shift_left3A_1103 : i32 to vector<16xi32>
        %shift_left3A_1105 = arith.shli %xor3A_1101, %shift_left3A_1104 : vector<16xi32>
        %shift_right_logical3A_1106 = arith.constant 16 : i32
        %shift_right_logical3A_1107 = vector.broadcast %shift_right_logical3A_1106 : i32 to vector<16xi32>
        %shift_right_logical3A_1108 = arith.shrui %xor3A_1101, %shift_right_logical3A_1107 : vector<16xi32>
        %or3A_1109 = arith.ori %shift_left3A_1105, %shift_right_logical3A_1108 : vector<16xi32>
        %xor3A_1110 = arith.xori %add3A_1102, %or3A_1109 : vector<16xi32>
        %add3A_1111 = arith.addi %add3A_1102, %xor3A_1110 : vector<16xi32>
        %shift_left3A_1112 = arith.constant 24 : i32
        %shift_left3A_1113 = vector.broadcast %shift_left3A_1112 : i32 to vector<16xi32>
        %shift_left3A_1114 = arith.shli %xor3A_1110, %shift_left3A_1113 : vector<16xi32>
        %shift_right_logical3A_1115 = arith.constant 8 : i32
        %shift_right_logical3A_1116 = vector.broadcast %shift_right_logical3A_1115 : i32 to vector<16xi32>
        %shift_right_logical3A_1117 = arith.shrui %xor3A_1110, %shift_right_logical3A_1116 : vector<16xi32>
        %or3A_1118 = arith.ori %shift_left3A_1114, %shift_right_logical3A_1117 : vector<16xi32>
        %xor3A_1119 = arith.xori %add3A_1111, %or3A_1118 : vector<16xi32>
        %add3A_1120 = arith.constant 466688990 : i32
        %add3A_1121 = vector.broadcast %add3A_1120 : i32 to vector<16xi32>
        %add3A_1122 = arith.addi %xor3A_1119, %add3A_1121 : vector<16xi32>
        %add3A_1123 = arith.addi %add3A_1111, %add3A_1122 : vector<16xi32>
        %shift_left3A_1124 = arith.constant 13 : i32
        %shift_left3A_1125 = vector.broadcast %shift_left3A_1124 : i32 to vector<16xi32>
        %shift_left3A_1126 = arith.shli %add3A_1122, %shift_left3A_1125 : vector<16xi32>
        %shift_right_logical3A_1127 = arith.constant 19 : i32
        %shift_right_logical3A_1128 = vector.broadcast %shift_right_logical3A_1127 : i32 to vector<16xi32>
        %shift_right_logical3A_1129 = arith.shrui %add3A_1122, %shift_right_logical3A_1128 : vector<16xi32>
        %or3A_1130 = arith.ori %shift_left3A_1126, %shift_right_logical3A_1129 : vector<16xi32>
        %xor3A_1131 = arith.xori %add3A_1123, %or3A_1130 : vector<16xi32>
        %add3A_1132 = arith.addi %add3A_1123, %xor3A_1131 : vector<16xi32>
        %shift_left3A_1133 = arith.constant 15 : i32
        %shift_left3A_1134 = vector.broadcast %shift_left3A_1133 : i32 to vector<16xi32>
        %shift_left3A_1135 = arith.shli %xor3A_1131, %shift_left3A_1134 : vector<16xi32>
        %shift_right_logical3A_1136 = arith.constant 17 : i32
        %shift_right_logical3A_1137 = vector.broadcast %shift_right_logical3A_1136 : i32 to vector<16xi32>
        %shift_right_logical3A_1138 = arith.shrui %xor3A_1131, %shift_right_logical3A_1137 : vector<16xi32>
        %or3A_1139 = arith.ori %shift_left3A_1135, %shift_right_logical3A_1138 : vector<16xi32>
        %xor3A_1140 = arith.xori %add3A_1132, %or3A_1139 : vector<16xi32>
        %add3A_1141 = arith.addi %add3A_1132, %xor3A_1140 : vector<16xi32>
        %shift_left3A_1142 = arith.constant 26 : i32
        %shift_left3A_1143 = vector.broadcast %shift_left3A_1142 : i32 to vector<16xi32>
        %shift_left3A_1144 = arith.shli %xor3A_1140, %shift_left3A_1143 : vector<16xi32>
        %shift_right_logical3A_1145 = arith.constant 6 : i32
        %shift_right_logical3A_1146 = vector.broadcast %shift_right_logical3A_1145 : i32 to vector<16xi32>
        %shift_right_logical3A_1147 = arith.shrui %xor3A_1140, %shift_right_logical3A_1146 : vector<16xi32>
        %or3A_1148 = arith.ori %shift_left3A_1144, %shift_right_logical3A_1147 : vector<16xi32>
        %xor3A_1149 = arith.xori %add3A_1141, %or3A_1148 : vector<16xi32>
        %add3A_1150 = arith.addi %add3A_1141, %xor3A_1149 : vector<16xi32>
        %shift_left3A_1151 = arith.constant 6 : i32
        %shift_left3A_1152 = vector.broadcast %shift_left3A_1151 : i32 to vector<16xi32>
        %shift_left3A_1153 = arith.shli %xor3A_1149, %shift_left3A_1152 : vector<16xi32>
        %shift_right_logical3A_1154 = arith.constant 26 : i32
        %shift_right_logical3A_1155 = vector.broadcast %shift_right_logical3A_1154 : i32 to vector<16xi32>
        %shift_right_logical3A_1156 = arith.shrui %xor3A_1149, %shift_right_logical3A_1155 : vector<16xi32>
        %or3A_1157 = arith.ori %shift_left3A_1153, %shift_right_logical3A_1156 : vector<16xi32>
        %xor3A_1158 = arith.xori %add3A_1150, %or3A_1157 : vector<16xi32>
        %add3A_1159 = arith.constant 466688986 : i32
        %add3A_1160 = vector.broadcast %add3A_1159 : i32 to vector<16xi32>
        %add3A_1161 = arith.addi %add3A_1150, %add3A_1160 : vector<16xi32>
        %add3A_1162 = arith.constant 5 : i32
        %add3A_1163 = vector.broadcast %add3A_1162 : i32 to vector<16xi32>
        %add3A_1164 = arith.addi %xor3A_1158, %add3A_1163 : vector<16xi32>
        %xor3A_1165 = arith.xori %add3A_1161, %add3A_1164 : vector<16xi32>
        %shift_right_logical3A_1166 = arith.constant 9 : i32
        %shift_right_logical3A_1167 = vector.broadcast %shift_right_logical3A_1166 : i32 to vector<16xi32>
        %shift_right_logical3A_1168 = arith.shrui %xor3A_1165, %shift_right_logical3A_1167 : vector<16xi32>
        %or3A_1169 = arith.constant 1065353216 : i32
        %or3A_1170 = vector.broadcast %or3A_1169 : i32 to vector<16xi32>
        %or3A_1171 = arith.ori %shift_right_logical3A_1168, %or3A_1170 : vector<16xi32>
        %bitcast_convert_type3A_1172 = tpu.bitcast %or3A_1171 : vector<16xi32> -> vector<16xf32>
        %sub3A_1173 = arith.constant 1.000000e+00 : f32
        %sub3A_1174 = vector.broadcast %sub3A_1173 : f32 to vector<16xf32>
        %sub3A_1175 = arith.subf %bitcast_convert_type3A_1172, %sub3A_1174 : vector<16xf32>
        %max3A_1176 = arith.constant 1.17549435E-38 : f32
        %max3A_1177 = vector.broadcast %max3A_1176 : f32 to vector<16xf32>
        %max3A_1178 = arith.maximumf %max3A_1177, %sub3A_1175 : vector<16xf32>
        %bitcast_convert_type3A_1179 = tpu.bitcast %max3A_1178 : vector<16xf32> -> vector<16xi32>
        %shift_right_logical3A_1180 = arith.constant 23 : i32
        %shift_right_logical3A_1181 = vector.broadcast %shift_right_logical3A_1180 : i32 to vector<16xi32>
        %shift_right_logical3A_1182 = arith.shrui %bitcast_convert_type3A_1179, %shift_right_logical3A_1181 : vector<16xi32>
        %sub3A_1183 = arith.constant 127 : i32
        %sub3A_1184 = vector.broadcast %sub3A_1183 : i32 to vector<16xi32>
        %sub3A_1185 = arith.subi %shift_right_logical3A_1182, %sub3A_1184 : vector<16xi32>
        %and3A_1186 = arith.constant 8388607 : i32
        %and3A_1187 = vector.broadcast %and3A_1186 : i32 to vector<16xi32>
        %and3A_1188 = arith.andi %bitcast_convert_type3A_1179, %and3A_1187 : vector<16xi32>
        %or3A_1189 = arith.constant 1065353216 : i32
        %or3A_1190 = vector.broadcast %or3A_1189 : i32 to vector<16xi32>
        %or3A_1191 = arith.ori %and3A_1188, %or3A_1190 : vector<16xi32>
        %bitcast_convert_type3A_1192 = tpu.bitcast %or3A_1191 : vector<16xi32> -> vector<16xf32>
        %sub3A_1193 = arith.constant 1.000000e+00 : f32
        %sub3A_1194 = vector.broadcast %sub3A_1193 : f32 to vector<16xf32>
        %sub3A_1195 = arith.subf %bitcast_convert_type3A_1192, %sub3A_1194 : vector<16xf32>
        %add3A_1196 = arith.constant 1.000000e+00 : f32
        %add3A_1197 = vector.broadcast %add3A_1196 : f32 to vector<16xf32>
        %add3A_1198 = arith.addf %bitcast_convert_type3A_1192, %add3A_1197 : vector<16xf32>
        %div3A_1199 = arith.divf %sub3A_1195, %add3A_1198 : vector<16xf32>
        %mul3A_1200 = arith.mulf %div3A_1199, %div3A_1199 : vector<16xf32>
        %mul3A_1201 = arith.constant 0.0769230798 : f32
        %mul3A_1202 = vector.broadcast %mul3A_1201 : f32 to vector<16xf32>
        %mul3A_1203 = arith.mulf %mul3A_1200, %mul3A_1202 : vector<16xf32>
        %add3A_1204 = arith.constant 0.0909090936 : f32
        %add3A_1205 = vector.broadcast %add3A_1204 : f32 to vector<16xf32>
        %add3A_1206 = arith.addf %add3A_1205, %mul3A_1203 : vector<16xf32>
        %mul3A_1207 = arith.mulf %mul3A_1200, %add3A_1206 : vector<16xf32>
        %add3A_1208 = arith.constant 0.111111112 : f32
        %add3A_1209 = vector.broadcast %add3A_1208 : f32 to vector<16xf32>
        %add3A_1210 = arith.addf %add3A_1209, %mul3A_1207 : vector<16xf32>
        %mul3A_1211 = arith.mulf %mul3A_1200, %add3A_1210 : vector<16xf32>
        %add3A_1212 = arith.constant 0.142857149 : f32
        %add3A_1213 = vector.broadcast %add3A_1212 : f32 to vector<16xf32>
        %add3A_1214 = arith.addf %add3A_1213, %mul3A_1211 : vector<16xf32>
        %mul3A_1215 = arith.mulf %mul3A_1200, %add3A_1214 : vector<16xf32>
        %add3A_1216 = arith.constant 2.000000e-01 : f32
        %add3A_1217 = vector.broadcast %add3A_1216 : f32 to vector<16xf32>
        %add3A_1218 = arith.addf %add3A_1217, %mul3A_1215 : vector<16xf32>
        %mul3A_1219 = arith.mulf %mul3A_1200, %add3A_1218 : vector<16xf32>
        %add3A_1220 = arith.constant 0.333333343 : f32
        %add3A_1221 = vector.broadcast %add3A_1220 : f32 to vector<16xf32>
        %add3A_1222 = arith.addf %add3A_1221, %mul3A_1219 : vector<16xf32>
        %mul3A_1223 = arith.constant 2.000000e+00 : f32
        %mul3A_1224 = vector.broadcast %mul3A_1223 : f32 to vector<16xf32>
        %mul3A_1225 = arith.mulf %mul3A_1224, %div3A_1199 : vector<16xf32>
        %mul3A_1226 = arith.mulf %mul3A_1200, %add3A_1222 : vector<16xf32>
        %add3A_1227 = arith.constant 1.000000e+00 : f32
        %add3A_1228 = vector.broadcast %add3A_1227 : f32 to vector<16xf32>
        %add3A_1229 = arith.addf %add3A_1228, %mul3A_1226 : vector<16xf32>
        %mul3A_1230 = arith.mulf %mul3A_1225, %add3A_1229 : vector<16xf32>
        %convert_element_type3A_1231 = arith.sitofp %sub3A_1185 : vector<16xi32> to vector<16xf32>
        %mul3A_1232 = arith.constant 0.693147182 : f32
        %mul3A_1233 = vector.broadcast %mul3A_1232 : f32 to vector<16xf32>
        %mul3A_1234 = arith.mulf %convert_element_type3A_1231, %mul3A_1233 : vector<16xf32>
        %add3A_1235 = arith.addf %mul3A_1234, %mul3A_1230 : vector<16xf32>
        %neg3A_1236 = arith.constant 0.000000e+00 : f32
        %neg3A_1237 = vector.broadcast %neg3A_1236 : f32 to vector<16xf32>
        %neg3A_1238 = arith.subf %neg3A_1237, %add3A_1235 : vector<16xf32>
        %mul3A_1239 = arith.mulf %neg3A_1238, %get3A_123 : vector<16xf32>
        %lt3A_1240 = arith.cmpf olt, %mul3A_1239, %while3A_115 : vector<16xf32>
        %select_n3A_1241 = arith.select %lt3A_1240, %mul3A_1239, %while3A_115 : vector<16xi1>, vector<16xf32>
        %select_n3A_1242 = arith.select %lt3A_1240, %get3A_127, %while3A_119 : vector<16xi1>, vector<16xi32>
        scf.yield %select_n3A, %select_n3A_677, %select_n3A_959, %select_n3A_1241, %select_n3A_396, %select_n3A_678, %select_n3A_960, %select_n3A_1242 : vector<16xf32>, vector<16xf32>, vector<16xf32>, vector<16xf32>, vector<16xi32>, vector<16xi32>, vector<16xi32>, vector<16xi32>
      }
      %while3A_74 = arith.constant 1 : i32
      %while3A_75:8 = scf.for %while3A_111 = %while3A_71 to %while3A_67 step %while3A_74 iter_args(%while3A_112 = %while3A_73#0, %while3A_113 = %while3A_73#1, %while3A_114 = %while3A_73#2, %while3A_115 = %while3A_73#3, %while3A_116 = %while3A_73#4, %while3A_117 = %while3A_73#5, %while3A_118 = %while3A_73#6, %while3A_119 = %while3A_73#7) -> (vector<16xf32>, vector<16xf32>, vector<16xf32>, vector<16xf32>, vector<16xi32>, vector<16xi32>, vector<16xi32>, vector<16xi32>)  : i32 {
        %get3A_120 = arith.index_cast %while3A_111 : i32 to index
        %get3A_121 = arith.constant 0 : index
        %get3A_122 = tpu.vector_load %arg8[%get3A_120, %get3A_121] {strides = array<i32>} : memref<75x16xf32, #tpu.memory_space<vmem>>, vector<1x16xf32>,
        %get3A_123 = vector.shape_cast %get3A_122 : vector<1x16xf32> to vector<16xf32>
        %get3A_124 = arith.index_cast %while3A_111 : i32 to index
        %get3A_125 = arith.constant 0 : index
        %get3A_126 = tpu.vector_load %arg9[%get3A_124, %get3A_125] {strides = array<i32>} : memref<75x16xi32, #tpu.memory_space<vmem>>, vector<1x16xi32>,
        %get3A_127 = vector.shape_cast %get3A_126 : vector<1x16xi32> to vector<16xi32>
        %add3A_128 = arith.addi %mul3A_29, %get3A_127 : vector<16xi32>
        %broadcast_in_dim3A_129 = arith.constant 0 : i32
        %broadcast_in_dim3A_130 = vector.broadcast %broadcast_in_dim3A_129 : i32 to vector<16xi32>
        %add3A_131 = arith.addi %broadcast_in_dim3A_130, %add3A_128 : vector<16xi32>
        %shift_left3A = arith.constant 13 : i32
        %shift_left3A_132 = vector.broadcast %shift_left3A : i32 to vector<16xi32>
        %shift_left3A_133 = arith.shli %add3A_128, %shift_left3A_132 : vector<16xi32>
        %shift_right_logical3A = arith.constant 19 : i32
        %shift_right_logical3A_134 = vector.broadcast %shift_right_logical3A : i32 to vector<16xi32>
        %shift_right_logical3A_135 = arith.shrui %add3A_128, %shift_right_logical3A_134 : vector<16xi32>
        %or3A = arith.ori %shift_left3A_133, %shift_right_logical3A_135 : vector<16xi32>
        %xor3A = arith.xori %add3A_131, %or3A : vector<16xi32>
        %add3A_136 = arith.addi %add3A_131, %xor3A : vector<16xi32>
        %shift_left3A_137 = arith.constant 15 : i32
        %shift_left3A_138 = vector.broadcast %shift_left3A_137 : i32 to vector<16xi32>
        %shift_left3A_139 = arith.shli %xor3A, %shift_left3A_138 : vector<16xi32>
        %shift_right_logical3A_140 = arith.constant 17 : i32
        %shift_right_logical3A_141 = vector.broadcast %shift_right_logical3A_140 : i32 to vector<16xi32>
        %shift_right_logical3A_142 = arith.shrui %xor3A, %shift_right_logical3A_141 : vector<16xi32>
        %or3A_143 = arith.ori %shift_left3A_139, %shift_right_logical3A_142 : vector<16xi32>
        %xor3A_144 = arith.xori %add3A_136, %or3A_143 : vector<16xi32>
        %add3A_145 = arith.addi %add3A_136, %xor3A_144 : vector<16xi32>
        %shift_left3A_146 = arith.constant 26 : i32
        %shift_left3A_147 = vector.broadcast %shift_left3A_146 : i32 to vector<16xi32>
        %shift_left3A_148 = arith.shli %xor3A_144, %shift_left3A_147 : vector<16xi32>
        %shift_right_logical3A_149 = arith.constant 6 : i32
        %shift_right_logical3A_150 = vector.broadcast %shift_right_logical3A_149 : i32 to vector<16xi32>
        %shift_right_logical3A_151 = arith.shrui %xor3A_144, %shift_right_logical3A_150 : vector<16xi32>
        %or3A_152 = arith.ori %shift_left3A_148, %shift_right_logical3A_151 : vector<16xi32>
        %xor3A_153 = arith.xori %add3A_145, %or3A_152 : vector<16xi32>
        %add3A_154 = arith.addi %add3A_145, %xor3A_153 : vector<16xi32>
        %shift_left3A_155 = arith.constant 6 : i32
        %shift_left3A_156 = vector.broadcast %shift_left3A_155 : i32 to vector<16xi32>
        %shift_left3A_157 = arith.shli %xor3A_153, %shift_left3A_156 : vector<16xi32>
        %shift_right_logical3A_158 = arith.constant 26 : i32
        %shift_right_logical3A_159 = vector.broadcast %shift_right_logical3A_158 : i32 to vector<16xi32>
        %shift_right_logical3A_160 = arith.shrui %xor3A_153, %shift_right_logical3A_159 : vector<16xi32>
        %or3A_161 = arith.ori %shift_left3A_157, %shift_right_logical3A_160 : vector<16xi32>
        %xor3A_162 = arith.xori %add3A_154, %or3A_161 : vector<16xi32>
        %add3A_163 = arith.constant 466688987 : i32
        %add3A_164 = vector.broadcast %add3A_163 : i32 to vector<16xi32>
        %add3A_165 = arith.addi %xor3A_162, %add3A_164 : vector<16xi32>
        %add3A_166 = arith.addi %add3A_154, %add3A_165 : vector<16xi32>
        %shift_left3A_167 = arith.constant 17 : i32
        %shift_left3A_168 = vector.broadcast %shift_left3A_167 : i32 to vector<16xi32>
        %shift_left3A_169 = arith.shli %add3A_165, %shift_left3A_168 : vector<16xi32>
        %shift_right_logical3A_170 = arith.constant 15 : i32
        %shift_right_logical3A_171 = vector.broadcast %shift_right_logical3A_170 : i32 to vector<16xi32>
        %shift_right_logical3A_172 = arith.shrui %add3A_165, %shift_right_logical3A_171 : vector<16xi32>
        %or3A_173 = arith.ori %shift_left3A_169, %shift_right_logical3A_172 : vector<16xi32>
        %xor3A_174 = arith.xori %add3A_166, %or3A_173 : vector<16xi32>
        %add3A_175 = arith.addi %add3A_166, %xor3A_174 : vector<16xi32>
        %shift_left3A_176 = arith.constant 29 : i32
        %shift_left3A_177 = vector.broadcast %shift_left3A_176 : i32 to vector<16xi32>
        %shift_left3A_178 = arith.shli %xor3A_174, %shift_left3A_177 : vector<16xi32>
        %shift_right_logical3A_179 = arith.constant 3 : i32
        %shift_right_logical3A_180 = vector.broadcast %shift_right_logical3A_179 : i32 to vector<16xi32>
        %shift_right_logical3A_181 = arith.shrui %xor3A_174, %shift_right_logical3A_180 : vector<16xi32>
        %or3A_182 = arith.ori %shift_left3A_178, %shift_right_logical3A_181 : vector<16xi32>
        %xor3A_183 = arith.xori %add3A_175, %or3A_182 : vector<16xi32>
        %add3A_184 = arith.addi %add3A_175, %xor3A_183 : vector<16xi32>
        %shift_left3A_185 = arith.constant 16 : i32
        %shift_left3A_186 = vector.broadcast %shift_left3A_185 : i32 to vector<16xi32>
        %shift_left3A_187 = arith.shli %xor3A_183, %shift_left3A_186 : vector<16xi32>
        %shift_right_logical3A_188 = arith.constant 16 : i32
        %shift_right_logical3A_189 = vector.broadcast %shift_right_logical3A_188 : i32 to vector<16xi32>
        %shift_right_logical3A_190 = arith.shrui %xor3A_183, %shift_right_logical3A_189 : vector<16xi32>
        %or3A_191 = arith.ori %shift_left3A_187, %shift_right_logical3A_190 : vector<16xi32>
        %xor3A_192 = arith.xori %add3A_184, %or3A_191 : vector<16xi32>
        %add3A_193 = arith.addi %add3A_184, %xor3A_192 : vector<16xi32>
        %shift_left3A_194 = arith.constant 24 : i32
        %shift_left3A_195 = vector.broadcast %shift_left3A_194 : i32 to vector<16xi32>
        %shift_left3A_196 = arith.shli %xor3A_192, %shift_left3A_195 : vector<16xi32>
        %shift_right_logical3A_197 = arith.constant 8 : i32
        %shift_right_logical3A_198 = vector.broadcast %shift_right_logical3A_197 : i32 to vector<16xi32>
        %shift_right_logical3A_199 = arith.shrui %xor3A_192, %shift_right_logical3A_198 : vector<16xi32>
        %or3A_200 = arith.ori %shift_left3A_196, %shift_right_logical3A_199 : vector<16xi32>
        %xor3A_201 = arith.xori %add3A_193, %or3A_200 : vector<16xi32>
        %add3A_202 = arith.constant 466688986 : i32
        %add3A_203 = vector.broadcast %add3A_202 : i32 to vector<16xi32>
        %add3A_204 = arith.addi %add3A_193, %add3A_203 : vector<16xi32>
        %add3A_205 = arith.constant 2 : i32
        %add3A_206 = vector.broadcast %add3A_205 : i32 to vector<16xi32>
        %add3A_207 = arith.addi %xor3A_201, %add3A_206 : vector<16xi32>
        %add3A_208 = arith.addi %add3A_204, %add3A_207 : vector<16xi32>
        %shift_left3A_209 = arith.constant 13 : i32
        %shift_left3A_210 = vector.broadcast %shift_left3A_209 : i32 to vector<16xi32>
        %shift_left3A_211 = arith.shli %add3A_207, %shift_left3A_210 : vector<16xi32>
        %shift_right_logical3A_212 = arith.constant 19 : i32
        %shift_right_logical3A_213 = vector.broadcast %shift_right_logical3A_212 : i32 to vector<16xi32>
        %shift_right_logical3A_214 = arith.shrui %add3A_207, %shift_right_logical3A_213 : vector<16xi32>
        %or3A_215 = arith.ori %shift_left3A_211, %shift_right_logical3A_214 : vector<16xi32>
        %xor3A_216 = arith.xori %add3A_208, %or3A_215 : vector<16xi32>
        %add3A_217 = arith.addi %add3A_208, %xor3A_216 : vector<16xi32>
        %shift_left3A_218 = arith.constant 15 : i32
        %shift_left3A_219 = vector.broadcast %shift_left3A_218 : i32 to vector<16xi32>
        %shift_left3A_220 = arith.shli %xor3A_216, %shift_left3A_219 : vector<16xi32>
        %shift_right_logical3A_221 = arith.constant 17 : i32
        %shift_right_logical3A_222 = vector.broadcast %shift_right_logical3A_221 : i32 to vector<16xi32>
        %shift_right_logical3A_223 = arith.shrui %xor3A_216, %shift_right_logical3A_222 : vector<16xi32>
        %or3A_224 = arith.ori %shift_left3A_220, %shift_right_logical3A_223 : vector<16xi32>
        %xor3A_225 = arith.xori %add3A_217, %or3A_224 : vector<16xi32>
        %add3A_226 = arith.addi %add3A_217, %xor3A_225 : vector<16xi32>
        %shift_left3A_227 = arith.constant 26 : i32
        %shift_left3A_228 = vector.broadcast %shift_left3A_227 : i32 to vector<16xi32>
        %shift_left3A_229 = arith.shli %xor3A_225, %shift_left3A_228 : vector<16xi32>
        %shift_right_logical3A_230 = arith.constant 6 : i32
        %shift_right_logical3A_231 = vector.broadcast %shift_right_logical3A_230 : i32 to vector<16xi32>
        %shift_right_logical3A_232 = arith.shrui %xor3A_225, %shift_right_logical3A_231 : vector<16xi32>
        %or3A_233 = arith.ori %shift_left3A_229, %shift_right_logical3A_232 : vector<16xi32>
        %xor3A_234 = arith.xori %add3A_226, %or3A_233 : vector<16xi32>
        %add3A_235 = arith.addi %add3A_226, %xor3A_234 : vector<16xi32>
        %shift_left3A_236 = arith.constant 6 : i32
        %shift_left3A_237 = vector.broadcast %shift_left3A_236 : i32 to vector<16xi32>
        %shift_left3A_238 = arith.shli %xor3A_234, %shift_left3A_237 : vector<16xi32>
        %shift_right_logical3A_239 = arith.constant 26 : i32
        %shift_right_logical3A_240 = vector.broadcast %shift_right_logical3A_239 : i32 to vector<16xi32>
        %shift_right_logical3A_241 = arith.shrui %xor3A_234, %shift_right_logical3A_240 : vector<16xi32>
        %or3A_242 = arith.ori %shift_left3A_238, %shift_right_logical3A_241 : vector<16xi32>
        %xor3A_243 = arith.xori %add3A_235, %or3A_242 : vector<16xi32>
        %add3A_244 = arith.constant 3 : i32
        %add3A_245 = vector.broadcast %add3A_244 : i32 to vector<16xi32>
        %add3A_246 = arith.addi %xor3A_243, %add3A_245 : vector<16xi32>
        %add3A_247 = arith.addi %add3A_235, %add3A_246 : vector<16xi32>
        %shift_left3A_248 = arith.constant 17 : i32
        %shift_left3A_249 = vector.broadcast %shift_left3A_248 : i32 to vector<16xi32>
        %shift_left3A_250 = arith.shli %add3A_246, %shift_left3A_249 : vector<16xi32>
        %shift_right_logical3A_251 = arith.constant 15 : i32
        %shift_right_logical3A_252 = vector.broadcast %shift_right_logical3A_251 : i32 to vector<16xi32>
        %shift_right_logical3A_253 = arith.shrui %add3A_246, %shift_right_logical3A_252 : vector<16xi32>
        %or3A_254 = arith.ori %shift_left3A_250, %shift_right_logical3A_253 : vector<16xi32>
        %xor3A_255 = arith.xori %add3A_247, %or3A_254 : vector<16xi32>
        %add3A_256 = arith.addi %add3A_247, %xor3A_255 : vector<16xi32>
        %shift_left3A_257 = arith.constant 29 : i32
        %shift_left3A_258 = vector.broadcast %shift_left3A_257 : i32 to vector<16xi32>
        %shift_left3A_259 = arith.shli %xor3A_255, %shift_left3A_258 : vector<16xi32>
        %shift_right_logical3A_260 = arith.constant 3 : i32
        %shift_right_logical3A_261 = vector.broadcast %shift_right_logical3A_260 : i32 to vector<16xi32>
        %shift_right_logical3A_262 = arith.shrui %xor3A_255, %shift_right_logical3A_261 : vector<16xi32>
        %or3A_263 = arith.ori %shift_left3A_259, %shift_right_logical3A_262 : vector<16xi32>
        %xor3A_264 = arith.xori %add3A_256, %or3A_263 : vector<16xi32>
        %add3A_265 = arith.addi %add3A_256, %xor3A_264 : vector<16xi32>
        %shift_left3A_266 = arith.constant 16 : i32
        %shift_left3A_267 = vector.broadcast %shift_left3A_266 : i32 to vector<16xi32>
        %shift_left3A_268 = arith.shli %xor3A_264, %shift_left3A_267 : vector<16xi32>
        %shift_right_logical3A_269 = arith.constant 16 : i32
        %shift_right_logical3A_270 = vector.broadcast %shift_right_logical3A_269 : i32 to vector<16xi32>
        %shift_right_logical3A_271 = arith.shrui %xor3A_264, %shift_right_logical3A_270 : vector<16xi32>
        %or3A_272 = arith.ori %shift_left3A_268, %shift_right_logical3A_271 : vector<16xi32>
        %xor3A_273 = arith.xori %add3A_265, %or3A_272 : vector<16xi32>
        %add3A_274 = arith.addi %add3A_265, %xor3A_273 : vector<16xi32>
        %shift_left3A_275 = arith.constant 24 : i32
        %shift_left3A_276 = vector.broadcast %shift_left3A_275 : i32 to vector<16xi32>
        %shift_left3A_277 = arith.shli %xor3A_273, %shift_left3A_276 : vector<16xi32>
        %shift_right_logical3A_278 = arith.constant 8 : i32
        %shift_right_logical3A_279 = vector.broadcast %shift_right_logical3A_278 : i32 to vector<16xi32>
        %shift_right_logical3A_280 = arith.shrui %xor3A_273, %shift_right_logical3A_279 : vector<16xi32>
        %or3A_281 = arith.ori %shift_left3A_277, %shift_right_logical3A_280 : vector<16xi32>
        %xor3A_282 = arith.xori %add3A_274, %or3A_281 : vector<16xi32>
        %add3A_283 = arith.constant 466688990 : i32
        %add3A_284 = vector.broadcast %add3A_283 : i32 to vector<16xi32>
        %add3A_285 = arith.addi %xor3A_282, %add3A_284 : vector<16xi32>
        %add3A_286 = arith.addi %add3A_274, %add3A_285 : vector<16xi32>
        %shift_left3A_287 = arith.constant 13 : i32
        %shift_left3A_288 = vector.broadcast %shift_left3A_287 : i32 to vector<16xi32>
        %shift_left3A_289 = arith.shli %add3A_285, %shift_left3A_288 : vector<16xi32>
        %shift_right_logical3A_290 = arith.constant 19 : i32
        %shift_right_logical3A_291 = vector.broadcast %shift_right_logical3A_290 : i32 to vector<16xi32>
        %shift_right_logical3A_292 = arith.shrui %add3A_285, %shift_right_logical3A_291 : vector<16xi32>
        %or3A_293 = arith.ori %shift_left3A_289, %shift_right_logical3A_292 : vector<16xi32>
        %xor3A_294 = arith.xori %add3A_286, %or3A_293 : vector<16xi32>
        %add3A_295 = arith.addi %add3A_286, %xor3A_294 : vector<16xi32>
        %shift_left3A_296 = arith.constant 15 : i32
        %shift_left3A_297 = vector.broadcast %shift_left3A_296 : i32 to vector<16xi32>
        %shift_left3A_298 = arith.shli %xor3A_294, %shift_left3A_297 : vector<16xi32>
        %shift_right_logical3A_299 = arith.constant 17 : i32
        %shift_right_logical3A_300 = vector.broadcast %shift_right_logical3A_299 : i32 to vector<16xi32>
        %shift_right_logical3A_301 = arith.shrui %xor3A_294, %shift_right_logical3A_300 : vector<16xi32>
        %or3A_302 = arith.ori %shift_left3A_298, %shift_right_logical3A_301 : vector<16xi32>
        %xor3A_303 = arith.xori %add3A_295, %or3A_302 : vector<16xi32>
        %add3A_304 = arith.addi %add3A_295, %xor3A_303 : vector<16xi32>
        %shift_left3A_305 = arith.constant 26 : i32
        %shift_left3A_306 = vector.broadcast %shift_left3A_305 : i32 to vector<16xi32>
        %shift_left3A_307 = arith.shli %xor3A_303, %shift_left3A_306 : vector<16xi32>
        %shift_right_logical3A_308 = arith.constant 6 : i32
        %shift_right_logical3A_309 = vector.broadcast %shift_right_logical3A_308 : i32 to vector<16xi32>
        %shift_right_logical3A_310 = arith.shrui %xor3A_303, %shift_right_logical3A_309 : vector<16xi32>
        %or3A_311 = arith.ori %shift_left3A_307, %shift_right_logical3A_310 : vector<16xi32>
        %xor3A_312 = arith.xori %add3A_304, %or3A_311 : vector<16xi32>
        %add3A_313 = arith.addi %add3A_304, %xor3A_312 : vector<16xi32>
        %shift_left3A_314 = arith.constant 6 : i32
        %shift_left3A_315 = vector.broadcast %shift_left3A_314 : i32 to vector<16xi32>
        %shift_left3A_316 = arith.shli %xor3A_312, %shift_left3A_315 : vector<16xi32>
        %shift_right_logical3A_317 = arith.constant 26 : i32
        %shift_right_logical3A_318 = vector.broadcast %shift_right_logical3A_317 : i32 to vector<16xi32>
        %shift_right_logical3A_319 = arith.shrui %xor3A_312, %shift_right_logical3A_318 : vector<16xi32>
        %or3A_320 = arith.ori %shift_left3A_316, %shift_right_logical3A_319 : vector<16xi32>
        %xor3A_321 = arith.xori %add3A_313, %or3A_320 : vector<16xi32>
        %add3A_322 = arith.constant 466688986 : i32
        %add3A_323 = vector.broadcast %add3A_322 : i32 to vector<16xi32>
        %add3A_324 = arith.addi %add3A_313, %add3A_323 : vector<16xi32>
        %add3A_325 = arith.constant 5 : i32
        %add3A_326 = vector.broadcast %add3A_325 : i32 to vector<16xi32>
        %add3A_327 = arith.addi %xor3A_321, %add3A_326 : vector<16xi32>
        %xor3A_328 = arith.xori %add3A_324, %add3A_327 : vector<16xi32>
        %shift_right_logical3A_329 = arith.constant 9 : i32
        %shift_right_logical3A_330 = vector.broadcast %shift_right_logical3A_329 : i32 to vector<16xi32>
        %shift_right_logical3A_331 = arith.shrui %xor3A_328, %shift_right_logical3A_330 : vector<16xi32>
        %or3A_332 = arith.constant 1065353216 : i32
        %or3A_333 = vector.broadcast %or3A_332 : i32 to vector<16xi32>
        %or3A_334 = arith.ori %shift_right_logical3A_331, %or3A_333 : vector<16xi32>
        %bitcast_convert_type3A = tpu.bitcast %or3A_334 : vector<16xi32> -> vector<16xf32>
        %sub3A = arith.constant 1.000000e+00 : f32
        %sub3A_335 = vector.broadcast %sub3A : f32 to vector<16xf32>
        %sub3A_336 = arith.subf %bitcast_convert_type3A, %sub3A_335 : vector<16xf32>
        %max3A = arith.constant 1.17549435E-38 : f32
        %max3A_337 = vector.broadcast %max3A : f32 to vector<16xf32>
        %max3A_338 = arith.maximumf %max3A_337, %sub3A_336 : vector<16xf32>
        %bitcast_convert_type3A_339 = tpu.bitcast %max3A_338 : vector<16xf32> -> vector<16xi32>
        %shift_right_logical3A_340 = arith.constant 23 : i32
        %shift_right_logical3A_341 = vector.broadcast %shift_right_logical3A_340 : i32 to vector<16xi32>
        %shift_right_logical3A_342 = arith.shrui %bitcast_convert_type3A_339, %shift_right_logical3A_341 : vector<16xi32>
        %sub3A_343 = arith.constant 127 : i32
        %sub3A_344 = vector.broadcast %sub3A_343 : i32 to vector<16xi32>
        %sub3A_345 = arith.subi %shift_right_logical3A_342, %sub3A_344 : vector<16xi32>
        %and3A = arith.constant 8388607 : i32
        %and3A_346 = vector.broadcast %and3A : i32 to vector<16xi32>
        %and3A_347 = arith.andi %bitcast_convert_type3A_339, %and3A_346 : vector<16xi32>
        %or3A_348 = arith.constant 1065353216 : i32
        %or3A_349 = vector.broadcast %or3A_348 : i32 to vector<16xi32>
        %or3A_350 = arith.ori %and3A_347, %or3A_349 : vector<16xi32>
        %bitcast_convert_type3A_351 = tpu.bitcast %or3A_350 : vector<16xi32> -> vector<16xf32>
        %sub3A_352 = arith.constant 1.000000e+00 : f32
        %sub3A_353 = vector.broadcast %sub3A_352 : f32 to vector<16xf32>
        %sub3A_354 = arith.subf %bitcast_convert_type3A_351, %sub3A_353 : vector<16xf32>
        %add3A_355 = arith.constant 1.000000e+00 : f32
        %add3A_356 = vector.broadcast %add3A_355 : f32 to vector<16xf32>
        %add3A_357 = arith.addf %bitcast_convert_type3A_351, %add3A_356 : vector<16xf32>
        %div3A = arith.divf %sub3A_354, %add3A_357 : vector<16xf32>
        %mul3A_358 = arith.mulf %div3A, %div3A : vector<16xf32>
        %mul3A_359 = arith.constant 0.0769230798 : f32
        %mul3A_360 = vector.broadcast %mul3A_359 : f32 to vector<16xf32>
        %mul3A_361 = arith.mulf %mul3A_358, %mul3A_360 : vector<16xf32>
        %add3A_362 = arith.constant 0.0909090936 : f32
        %add3A_363 = vector.broadcast %add3A_362 : f32 to vector<16xf32>
        %add3A_364 = arith.addf %add3A_363, %mul3A_361 : vector<16xf32>
        %mul3A_365 = arith.mulf %mul3A_358, %add3A_364 : vector<16xf32>
        %add3A_366 = arith.constant 0.111111112 : f32
        %add3A_367 = vector.broadcast %add3A_366 : f32 to vector<16xf32>
        %add3A_368 = arith.addf %add3A_367, %mul3A_365 : vector<16xf32>
        %mul3A_369 = arith.mulf %mul3A_358, %add3A_368 : vector<16xf32>
        %add3A_370 = arith.constant 0.142857149 : f32
        %add3A_371 = vector.broadcast %add3A_370 : f32 to vector<16xf32>
        %add3A_372 = arith.addf %add3A_371, %mul3A_369 : vector<16xf32>
        %mul3A_373 = arith.mulf %mul3A_358, %add3A_372 : vector<16xf32>
        %add3A_374 = arith.constant 2.000000e-01 : f32
        %add3A_375 = vector.broadcast %add3A_374 : f32 to vector<16xf32>
        %add3A_376 = arith.addf %add3A_375, %mul3A_373 : vector<16xf32>
        %mul3A_377 = arith.mulf %mul3A_358, %add3A_376 : vector<16xf32>
        %add3A_378 = arith.constant 0.333333343 : f32
        %add3A_379 = vector.broadcast %add3A_378 : f32 to vector<16xf32>
        %add3A_380 = arith.addf %add3A_379, %mul3A_377 : vector<16xf32>
        %mul3A_381 = arith.constant 2.000000e+00 : f32
        %mul3A_382 = vector.broadcast %mul3A_381 : f32 to vector<16xf32>
        %mul3A_383 = arith.mulf %mul3A_382, %div3A : vector<16xf32>
        %mul3A_384 = arith.mulf %mul3A_358, %add3A_380 : vector<16xf32>
        %add3A_385 = arith.constant 1.000000e+00 : f32
        %add3A_386 = vector.broadcast %add3A_385 : f32 to vector<16xf32>
        %add3A_387 = arith.addf %add3A_386, %mul3A_384 : vector<16xf32>
        %mul3A_388 = arith.mulf %mul3A_383, %add3A_387 : vector<16xf32>
        %convert_element_type3A = arith.sitofp %sub3A_345 : vector<16xi32> to vector<16xf32>
        %mul3A_389 = arith.constant 0.693147182 : f32
        %mul3A_390 = vector.broadcast %mul3A_389 : f32 to vector<16xf32>
        %mul3A_391 = arith.mulf %convert_element_type3A, %mul3A_390 : vector<16xf32>
        %add3A_392 = arith.addf %mul3A_391, %mul3A_388 : vector<16xf32>
        %neg3A = arith.constant 0.000000e+00 : f32
        %neg3A_393 = vector.broadcast %neg3A : f32 to vector<16xf32>
        %neg3A_394 = arith.subf %neg3A_393, %add3A_392 : vector<16xf32>
        %mul3A_395 = arith.mulf %neg3A_394, %get3A_123 : vector<16xf32>
        %lt3A = arith.cmpf olt, %mul3A_395, %while3A_112 : vector<16xf32>
        %select_n3A = arith.select %lt3A, %mul3A_395, %while3A_112 : vector<16xi1>, vector<16xf32>
        %select_n3A_396 = arith.select %lt3A, %get3A_127, %while3A_116 : vector<16xi1>, vector<16xi32>
        %add3A_397 = arith.addi %mul3A_40, %get3A_127 : vector<16xi32>
        %broadcast_in_dim3A_398 = arith.constant 0 : i32
        %broadcast_in_dim3A_399 = vector.broadcast %broadcast_in_dim3A_398 : i32 to vector<16xi32>
        %add3A_400 = arith.addi %broadcast_in_dim3A_399, %add3A_397 : vector<16xi32>
        %shift_left3A_401 = arith.constant 13 : i32
        %shift_left3A_402 = vector.broadcast %shift_left3A_401 : i32 to vector<16xi32>
        %shift_left3A_403 = arith.shli %add3A_397, %shift_left3A_402 : vector<16xi32>
        %shift_right_logical3A_404 = arith.constant 19 : i32
        %shift_right_logical3A_405 = vector.broadcast %shift_right_logical3A_404 : i32 to vector<16xi32>
        %shift_right_logical3A_406 = arith.shrui %add3A_397, %shift_right_logical3A_405 : vector<16xi32>
        %or3A_407 = arith.ori %shift_left3A_403, %shift_right_logical3A_406 : vector<16xi32>
        %xor3A_408 = arith.xori %add3A_400, %or3A_407 : vector<16xi32>
        %add3A_409 = arith.addi %add3A_400, %xor3A_408 : vector<16xi32>
        %shift_left3A_410 = arith.constant 15 : i32
        %shift_left3A_411 = vector.broadcast %shift_left3A_410 : i32 to vector<16xi32>
        %shift_left3A_412 = arith.shli %xor3A_408, %shift_left3A_411 : vector<16xi32>
        %shift_right_logical3A_413 = arith.constant 17 : i32
        %shift_right_logical3A_414 = vector.broadcast %shift_right_logical3A_413 : i32 to vector<16xi32>
        %shift_right_logical3A_415 = arith.shrui %xor3A_408, %shift_right_logical3A_414 : vector<16xi32>
        %or3A_416 = arith.ori %shift_left3A_412, %shift_right_logical3A_415 : vector<16xi32>
        %xor3A_417 = arith.xori %add3A_409, %or3A_416 : vector<16xi32>
        %add3A_418 = arith.addi %add3A_409, %xor3A_417 : vector<16xi32>
        %shift_left3A_419 = arith.constant 26 : i32
        %shift_left3A_420 = vector.broadcast %shift_left3A_419 : i32 to vector<16xi32>
        %shift_left3A_421 = arith.shli %xor3A_417, %shift_left3A_420 : vector<16xi32>
        %shift_right_logical3A_422 = arith.constant 6 : i32
        %shift_right_logical3A_423 = vector.broadcast %shift_right_logical3A_422 : i32 to vector<16xi32>
        %shift_right_logical3A_424 = arith.shrui %xor3A_417, %shift_right_logical3A_423 : vector<16xi32>
        %or3A_425 = arith.ori %shift_left3A_421, %shift_right_logical3A_424 : vector<16xi32>
        %xor3A_426 = arith.xori %add3A_418, %or3A_425 : vector<16xi32>
        %add3A_427 = arith.addi %add3A_418, %xor3A_426 : vector<16xi32>
        %shift_left3A_428 = arith.constant 6 : i32
        %shift_left3A_429 = vector.broadcast %shift_left3A_428 : i32 to vector<16xi32>
        %shift_left3A_430 = arith.shli %xor3A_426, %shift_left3A_429 : vector<16xi32>
        %shift_right_logical3A_431 = arith.constant 26 : i32
        %shift_right_logical3A_432 = vector.broadcast %shift_right_logical3A_431 : i32 to vector<16xi32>
        %shift_right_logical3A_433 = arith.shrui %xor3A_426, %shift_right_logical3A_432 : vector<16xi32>
        %or3A_434 = arith.ori %shift_left3A_430, %shift_right_logical3A_433 : vector<16xi32>
        %xor3A_435 = arith.xori %add3A_427, %or3A_434 : vector<16xi32>
        %add3A_436 = arith.constant 466688987 : i32
        %add3A_437 = vector.broadcast %add3A_436 : i32 to vector<16xi32>
        %add3A_438 = arith.addi %xor3A_435, %add3A_437 : vector<16xi32>
        %add3A_439 = arith.addi %add3A_427, %add3A_438 : vector<16xi32>
        %shift_left3A_440 = arith.constant 17 : i32
        %shift_left3A_441 = vector.broadcast %shift_left3A_440 : i32 to vector<16xi32>
        %shift_left3A_442 = arith.shli %add3A_438, %shift_left3A_441 : vector<16xi32>
        %shift_right_logical3A_443 = arith.constant 15 : i32
        %shift_right_logical3A_444 = vector.broadcast %shift_right_logical3A_443 : i32 to vector<16xi32>
        %shift_right_logical3A_445 = arith.shrui %add3A_438, %shift_right_logical3A_444 : vector<16xi32>
        %or3A_446 = arith.ori %shift_left3A_442, %shift_right_logical3A_445 : vector<16xi32>
        %xor3A_447 = arith.xori %add3A_439, %or3A_446 : vector<16xi32>
        %add3A_448 = arith.addi %add3A_439, %xor3A_447 : vector<16xi32>
        %shift_left3A_449 = arith.constant 29 : i32
        %shift_left3A_450 = vector.broadcast %shift_left3A_449 : i32 to vector<16xi32>
        %shift_left3A_451 = arith.shli %xor3A_447, %shift_left3A_450 : vector<16xi32>
        %shift_right_logical3A_452 = arith.constant 3 : i32
        %shift_right_logical3A_453 = vector.broadcast %shift_right_logical3A_452 : i32 to vector<16xi32>
        %shift_right_logical3A_454 = arith.shrui %xor3A_447, %shift_right_logical3A_453 : vector<16xi32>
        %or3A_455 = arith.ori %shift_left3A_451, %shift_right_logical3A_454 : vector<16xi32>
        %xor3A_456 = arith.xori %add3A_448, %or3A_455 : vector<16xi32>
        %add3A_457 = arith.addi %add3A_448, %xor3A_456 : vector<16xi32>
        %shift_left3A_458 = arith.constant 16 : i32
        %shift_left3A_459 = vector.broadcast %shift_left3A_458 : i32 to vector<16xi32>
        %shift_left3A_460 = arith.shli %xor3A_456, %shift_left3A_459 : vector<16xi32>
        %shift_right_logical3A_461 = arith.constant 16 : i32
        %shift_right_logical3A_462 = vector.broadcast %shift_right_logical3A_461 : i32 to vector<16xi32>
        %shift_right_logical3A_463 = arith.shrui %xor3A_456, %shift_right_logical3A_462 : vector<16xi32>
        %or3A_464 = arith.ori %shift_left3A_460, %shift_right_logical3A_463 : vector<16xi32>
        %xor3A_465 = arith.xori %add3A_457, %or3A_464 : vector<16xi32>
        %add3A_466 = arith.addi %add3A_457, %xor3A_465 : vector<16xi32>
        %shift_left3A_467 = arith.constant 24 : i32
        %shift_left3A_468 = vector.broadcast %shift_left3A_467 : i32 to vector<16xi32>
        %shift_left3A_469 = arith.shli %xor3A_465, %shift_left3A_468 : vector<16xi32>
        %shift_right_logical3A_470 = arith.constant 8 : i32
        %shift_right_logical3A_471 = vector.broadcast %shift_right_logical3A_470 : i32 to vector<16xi32>
        %shift_right_logical3A_472 = arith.shrui %xor3A_465, %shift_right_logical3A_471 : vector<16xi32>
        %or3A_473 = arith.ori %shift_left3A_469, %shift_right_logical3A_472 : vector<16xi32>
        %xor3A_474 = arith.xori %add3A_466, %or3A_473 : vector<16xi32>
        %add3A_475 = arith.constant 466688986 : i32
        %add3A_476 = vector.broadcast %add3A_475 : i32 to vector<16xi32>
        %add3A_477 = arith.addi %add3A_466, %add3A_476 : vector<16xi32>
        %add3A_478 = arith.constant 2 : i32
        %add3A_479 = vector.broadcast %add3A_478 : i32 to vector<16xi32>
        %add3A_480 = arith.addi %xor3A_474, %add3A_479 : vector<16xi32>
        %add3A_481 = arith.addi %add3A_477, %add3A_480 : vector<16xi32>
        %shift_left3A_482 = arith.constant 13 : i32
        %shift_left3A_483 = vector.broadcast %shift_left3A_482 : i32 to vector<16xi32>
        %shift_left3A_484 = arith.shli %add3A_480, %shift_left3A_483 : vector<16xi32>
        %shift_right_logical3A_485 = arith.constant 19 : i32
        %shift_right_logical3A_486 = vector.broadcast %shift_right_logical3A_485 : i32 to vector<16xi32>
        %shift_right_logical3A_487 = arith.shrui %add3A_480, %shift_right_logical3A_486 : vector<16xi32>
        %or3A_488 = arith.ori %shift_left3A_484, %shift_right_logical3A_487 : vector<16xi32>
        %xor3A_489 = arith.xori %add3A_481, %or3A_488 : vector<16xi32>
        %add3A_490 = arith.addi %add3A_481, %xor3A_489 : vector<16xi32>
        %shift_left3A_491 = arith.constant 15 : i32
        %shift_left3A_492 = vector.broadcast %shift_left3A_491 : i32 to vector<16xi32>
        %shift_left3A_493 = arith.shli %xor3A_489, %shift_left3A_492 : vector<16xi32>
        %shift_right_logical3A_494 = arith.constant 17 : i32
        %shift_right_logical3A_495 = vector.broadcast %shift_right_logical3A_494 : i32 to vector<16xi32>
        %shift_right_logical3A_496 = arith.shrui %xor3A_489, %shift_right_logical3A_495 : vector<16xi32>
        %or3A_497 = arith.ori %shift_left3A_493, %shift_right_logical3A_496 : vector<16xi32>
        %xor3A_498 = arith.xori %add3A_490, %or3A_497 : vector<16xi32>
        %add3A_499 = arith.addi %add3A_490, %xor3A_498 : vector<16xi32>
        %shift_left3A_500 = arith.constant 26 : i32
        %shift_left3A_501 = vector.broadcast %shift_left3A_500 : i32 to vector<16xi32>
        %shift_left3A_502 = arith.shli %xor3A_498, %shift_left3A_501 : vector<16xi32>
        %shift_right_logical3A_503 = arith.constant 6 : i32
        %shift_right_logical3A_504 = vector.broadcast %shift_right_logical3A_503 : i32 to vector<16xi32>
        %shift_right_logical3A_505 = arith.shrui %xor3A_498, %shift_right_logical3A_504 : vector<16xi32>
        %or3A_506 = arith.ori %shift_left3A_502, %shift_right_logical3A_505 : vector<16xi32>
        %xor3A_507 = arith.xori %add3A_499, %or3A_506 : vector<16xi32>
        %add3A_508 = arith.addi %add3A_499, %xor3A_507 : vector<16xi32>
        %shift_left3A_509 = arith.constant 6 : i32
        %shift_left3A_510 = vector.broadcast %shift_left3A_509 : i32 to vector<16xi32>
        %shift_left3A_511 = arith.shli %xor3A_507, %shift_left3A_510 : vector<16xi32>
        %shift_right_logical3A_512 = arith.constant 26 : i32
        %shift_right_logical3A_513 = vector.broadcast %shift_right_logical3A_512 : i32 to vector<16xi32>
        %shift_right_logical3A_514 = arith.shrui %xor3A_507, %shift_right_logical3A_513 : vector<16xi32>
        %or3A_515 = arith.ori %shift_left3A_511, %shift_right_logical3A_514 : vector<16xi32>
        %xor3A_516 = arith.xori %add3A_508, %or3A_515 : vector<16xi32>
        %add3A_517 = arith.constant 3 : i32
        %add3A_518 = vector.broadcast %add3A_517 : i32 to vector<16xi32>
        %add3A_519 = arith.addi %xor3A_516, %add3A_518 : vector<16xi32>
        %add3A_520 = arith.addi %add3A_508, %add3A_519 : vector<16xi32>
        %shift_left3A_521 = arith.constant 17 : i32
        %shift_left3A_522 = vector.broadcast %shift_left3A_521 : i32 to vector<16xi32>
        %shift_left3A_523 = arith.shli %add3A_519, %shift_left3A_522 : vector<16xi32>
        %shift_right_logical3A_524 = arith.constant 15 : i32
        %shift_right_logical3A_525 = vector.broadcast %shift_right_logical3A_524 : i32 to vector<16xi32>
        %shift_right_logical3A_526 = arith.shrui %add3A_519, %shift_right_logical3A_525 : vector<16xi32>
        %or3A_527 = arith.ori %shift_left3A_523, %shift_right_logical3A_526 : vector<16xi32>
        %xor3A_528 = arith.xori %add3A_520, %or3A_527 : vector<16xi32>
        %add3A_529 = arith.addi %add3A_520, %xor3A_528 : vector<16xi32>
        %shift_left3A_530 = arith.constant 29 : i32
        %shift_left3A_531 = vector.broadcast %shift_left3A_530 : i32 to vector<16xi32>
        %shift_left3A_532 = arith.shli %xor3A_528, %shift_left3A_531 : vector<16xi32>
        %shift_right_logical3A_533 = arith.constant 3 : i32
        %shift_right_logical3A_534 = vector.broadcast %shift_right_logical3A_533 : i32 to vector<16xi32>
        %shift_right_logical3A_535 = arith.shrui %xor3A_528, %shift_right_logical3A_534 : vector<16xi32>
        %or3A_536 = arith.ori %shift_left3A_532, %shift_right_logical3A_535 : vector<16xi32>
        %xor3A_537 = arith.xori %add3A_529, %or3A_536 : vector<16xi32>
        %add3A_538 = arith.addi %add3A_529, %xor3A_537 : vector<16xi32>
        %shift_left3A_539 = arith.constant 16 : i32
        %shift_left3A_540 = vector.broadcast %shift_left3A_539 : i32 to vector<16xi32>
        %shift_left3A_541 = arith.shli %xor3A_537, %shift_left3A_540 : vector<16xi32>
        %shift_right_logical3A_542 = arith.constant 16 : i32
        %shift_right_logical3A_543 = vector.broadcast %shift_right_logical3A_542 : i32 to vector<16xi32>
        %shift_right_logical3A_544 = arith.shrui %xor3A_537, %shift_right_logical3A_543 : vector<16xi32>
        %or3A_545 = arith.ori %shift_left3A_541, %shift_right_logical3A_544 : vector<16xi32>
        %xor3A_546 = arith.xori %add3A_538, %or3A_545 : vector<16xi32>
        %add3A_547 = arith.addi %add3A_538, %xor3A_546 : vector<16xi32>
        %shift_left3A_548 = arith.constant 24 : i32
        %shift_left3A_549 = vector.broadcast %shift_left3A_548 : i32 to vector<16xi32>
        %shift_left3A_550 = arith.shli %xor3A_546, %shift_left3A_549 : vector<16xi32>
        %shift_right_logical3A_551 = arith.constant 8 : i32
        %shift_right_logical3A_552 = vector.broadcast %shift_right_logical3A_551 : i32 to vector<16xi32>
        %shift_right_logical3A_553 = arith.shrui %xor3A_546, %shift_right_logical3A_552 : vector<16xi32>
        %or3A_554 = arith.ori %shift_left3A_550, %shift_right_logical3A_553 : vector<16xi32>
        %xor3A_555 = arith.xori %add3A_547, %or3A_554 : vector<16xi32>
        %add3A_556 = arith.constant 466688990 : i32
        %add3A_557 = vector.broadcast %add3A_556 : i32 to vector<16xi32>
        %add3A_558 = arith.addi %xor3A_555, %add3A_557 : vector<16xi32>
        %add3A_559 = arith.addi %add3A_547, %add3A_558 : vector<16xi32>
        %shift_left3A_560 = arith.constant 13 : i32
        %shift_left3A_561 = vector.broadcast %shift_left3A_560 : i32 to vector<16xi32>
        %shift_left3A_562 = arith.shli %add3A_558, %shift_left3A_561 : vector<16xi32>
        %shift_right_logical3A_563 = arith.constant 19 : i32
        %shift_right_logical3A_564 = vector.broadcast %shift_right_logical3A_563 : i32 to vector<16xi32>
        %shift_right_logical3A_565 = arith.shrui %add3A_558, %shift_right_logical3A_564 : vector<16xi32>
        %or3A_566 = arith.ori %shift_left3A_562, %shift_right_logical3A_565 : vector<16xi32>
        %xor3A_567 = arith.xori %add3A_559, %or3A_566 : vector<16xi32>
        %add3A_568 = arith.addi %add3A_559, %xor3A_567 : vector<16xi32>
        %shift_left3A_569 = arith.constant 15 : i32
        %shift_left3A_570 = vector.broadcast %shift_left3A_569 : i32 to vector<16xi32>
        %shift_left3A_571 = arith.shli %xor3A_567, %shift_left3A_570 : vector<16xi32>
        %shift_right_logical3A_572 = arith.constant 17 : i32
        %shift_right_logical3A_573 = vector.broadcast %shift_right_logical3A_572 : i32 to vector<16xi32>
        %shift_right_logical3A_574 = arith.shrui %xor3A_567, %shift_right_logical3A_573 : vector<16xi32>
        %or3A_575 = arith.ori %shift_left3A_571, %shift_right_logical3A_574 : vector<16xi32>
        %xor3A_576 = arith.xori %add3A_568, %or3A_575 : vector<16xi32>
        %add3A_577 = arith.addi %add3A_568, %xor3A_576 : vector<16xi32>
        %shift_left3A_578 = arith.constant 26 : i32
        %shift_left3A_579 = vector.broadcast %shift_left3A_578 : i32 to vector<16xi32>
        %shift_left3A_580 = arith.shli %xor3A_576, %shift_left3A_579 : vector<16xi32>
        %shift_right_logical3A_581 = arith.constant 6 : i32
        %shift_right_logical3A_582 = vector.broadcast %shift_right_logical3A_581 : i32 to vector<16xi32>
        %shift_right_logical3A_583 = arith.shrui %xor3A_576, %shift_right_logical3A_582 : vector<16xi32>
        %or3A_584 = arith.ori %shift_left3A_580, %shift_right_logical3A_583 : vector<16xi32>
        %xor3A_585 = arith.xori %add3A_577, %or3A_584 : vector<16xi32>
        %add3A_586 = arith.addi %add3A_577, %xor3A_585 : vector<16xi32>
        %shift_left3A_587 = arith.constant 6 : i32
        %shift_left3A_588 = vector.broadcast %shift_left3A_587 : i32 to vector<16xi32>
        %shift_left3A_589 = arith.shli %xor3A_585, %shift_left3A_588 : vector<16xi32>
        %shift_right_logical3A_590 = arith.constant 26 : i32
        %shift_right_logical3A_591 = vector.broadcast %shift_right_logical3A_590 : i32 to vector<16xi32>
        %shift_right_logical3A_592 = arith.shrui %xor3A_585, %shift_right_logical3A_591 : vector<16xi32>
        %or3A_593 = arith.ori %shift_left3A_589, %shift_right_logical3A_592 : vector<16xi32>
        %xor3A_594 = arith.xori %add3A_586, %or3A_593 : vector<16xi32>
        %add3A_595 = arith.constant 466688986 : i32
        %add3A_596 = vector.broadcast %add3A_595 : i32 to vector<16xi32>
        %add3A_597 = arith.addi %add3A_586, %add3A_596 : vector<16xi32>
        %add3A_598 = arith.constant 5 : i32
        %add3A_599 = vector.broadcast %add3A_598 : i32 to vector<16xi32>
        %add3A_600 = arith.addi %xor3A_594, %add3A_599 : vector<16xi32>
        %xor3A_601 = arith.xori %add3A_597, %add3A_600 : vector<16xi32>
        %shift_right_logical3A_602 = arith.constant 9 : i32
        %shift_right_logical3A_603 = vector.broadcast %shift_right_logical3A_602 : i32 to vector<16xi32>
        %shift_right_logical3A_604 = arith.shrui %xor3A_601, %shift_right_logical3A_603 : vector<16xi32>
        %or3A_605 = arith.constant 1065353216 : i32
        %or3A_606 = vector.broadcast %or3A_605 : i32 to vector<16xi32>
        %or3A_607 = arith.ori %shift_right_logical3A_604, %or3A_606 : vector<16xi32>
        %bitcast_convert_type3A_608 = tpu.bitcast %or3A_607 : vector<16xi32> -> vector<16xf32>
        %sub3A_609 = arith.constant 1.000000e+00 : f32
        %sub3A_610 = vector.broadcast %sub3A_609 : f32 to vector<16xf32>
        %sub3A_611 = arith.subf %bitcast_convert_type3A_608, %sub3A_610 : vector<16xf32>
        %max3A_612 = arith.constant 1.17549435E-38 : f32
        %max3A_613 = vector.broadcast %max3A_612 : f32 to vector<16xf32>
        %max3A_614 = arith.maximumf %max3A_613, %sub3A_611 : vector<16xf32>
        %bitcast_convert_type3A_615 = tpu.bitcast %max3A_614 : vector<16xf32> -> vector<16xi32>
        %shift_right_logical3A_616 = arith.constant 23 : i32
        %shift_right_logical3A_617 = vector.broadcast %shift_right_logical3A_616 : i32 to vector<16xi32>
        %shift_right_logical3A_618 = arith.shrui %bitcast_convert_type3A_615, %shift_right_logical3A_617 : vector<16xi32>
        %sub3A_619 = arith.constant 127 : i32
        %sub3A_620 = vector.broadcast %sub3A_619 : i32 to vector<16xi32>
        %sub3A_621 = arith.subi %shift_right_logical3A_618, %sub3A_620 : vector<16xi32>
        %and3A_622 = arith.constant 8388607 : i32
        %and3A_623 = vector.broadcast %and3A_622 : i32 to vector<16xi32>
        %and3A_624 = arith.andi %bitcast_convert_type3A_615, %and3A_623 : vector<16xi32>
        %or3A_625 = arith.constant 1065353216 : i32
        %or3A_626 = vector.broadcast %or3A_625 : i32 to vector<16xi32>
        %or3A_627 = arith.ori %and3A_624, %or3A_626 : vector<16xi32>
        %bitcast_convert_type3A_628 = tpu.bitcast %or3A_627 : vector<16xi32> -> vector<16xf32>
        %sub3A_629 = arith.constant 1.000000e+00 : f32
        %sub3A_630 = vector.broadcast %sub3A_629 : f32 to vector<16xf32>
        %sub3A_631 = arith.subf %bitcast_convert_type3A_628, %sub3A_630 : vector<16xf32>
        %add3A_632 = arith.constant 1.000000e+00 : f32
        %add3A_633 = vector.broadcast %add3A_632 : f32 to vector<16xf32>
        %add3A_634 = arith.addf %bitcast_convert_type3A_628, %add3A_633 : vector<16xf32>
        %div3A_635 = arith.divf %sub3A_631, %add3A_634 : vector<16xf32>
        %mul3A_636 = arith.mulf %div3A_635, %div3A_635 : vector<16xf32>
        %mul3A_637 = arith.constant 0.0769230798 : f32
        %mul3A_638 = vector.broadcast %mul3A_637 : f32 to vector<16xf32>
        %mul3A_639 = arith.mulf %mul3A_636, %mul3A_638 : vector<16xf32>
        %add3A_640 = arith.constant 0.0909090936 : f32
        %add3A_641 = vector.broadcast %add3A_640 : f32 to vector<16xf32>
        %add3A_642 = arith.addf %add3A_641, %mul3A_639 : vector<16xf32>
        %mul3A_643 = arith.mulf %mul3A_636, %add3A_642 : vector<16xf32>
        %add3A_644 = arith.constant 0.111111112 : f32
        %add3A_645 = vector.broadcast %add3A_644 : f32 to vector<16xf32>
        %add3A_646 = arith.addf %add3A_645, %mul3A_643 : vector<16xf32>
        %mul3A_647 = arith.mulf %mul3A_636, %add3A_646 : vector<16xf32>
        %add3A_648 = arith.constant 0.142857149 : f32
        %add3A_649 = vector.broadcast %add3A_648 : f32 to vector<16xf32>
        %add3A_650 = arith.addf %add3A_649, %mul3A_647 : vector<16xf32>
        %mul3A_651 = arith.mulf %mul3A_636, %add3A_650 : vector<16xf32>
        %add3A_652 = arith.constant 2.000000e-01 : f32
        %add3A_653 = vector.broadcast %add3A_652 : f32 to vector<16xf32>
        %add3A_654 = arith.addf %add3A_653, %mul3A_651 : vector<16xf32>
        %mul3A_655 = arith.mulf %mul3A_636, %add3A_654 : vector<16xf32>
        %add3A_656 = arith.constant 0.333333343 : f32
        %add3A_657 = vector.broadcast %add3A_656 : f32 to vector<16xf32>
        %add3A_658 = arith.addf %add3A_657, %mul3A_655 : vector<16xf32>
        %mul3A_659 = arith.constant 2.000000e+00 : f32
        %mul3A_660 = vector.broadcast %mul3A_659 : f32 to vector<16xf32>
        %mul3A_661 = arith.mulf %mul3A_660, %div3A_635 : vector<16xf32>
        %mul3A_662 = arith.mulf %mul3A_636, %add3A_658 : vector<16xf32>
        %add3A_663 = arith.constant 1.000000e+00 : f32
        %add3A_664 = vector.broadcast %add3A_663 : f32 to vector<16xf32>
        %add3A_665 = arith.addf %add3A_664, %mul3A_662 : vector<16xf32>
        %mul3A_666 = arith.mulf %mul3A_661, %add3A_665 : vector<16xf32>
        %convert_element_type3A_667 = arith.sitofp %sub3A_621 : vector<16xi32> to vector<16xf32>
        %mul3A_668 = arith.constant 0.693147182 : f32
        %mul3A_669 = vector.broadcast %mul3A_668 : f32 to vector<16xf32>
        %mul3A_670 = arith.mulf %convert_element_type3A_667, %mul3A_669 : vector<16xf32>
        %add3A_671 = arith.addf %mul3A_670, %mul3A_666 : vector<16xf32>
        %neg3A_672 = arith.constant 0.000000e+00 : f32
        %neg3A_673 = vector.broadcast %neg3A_672 : f32 to vector<16xf32>
        %neg3A_674 = arith.subf %neg3A_673, %add3A_671 : vector<16xf32>
        %mul3A_675 = arith.mulf %neg3A_674, %get3A_123 : vector<16xf32>
        %lt3A_676 = arith.cmpf olt, %mul3A_675, %while3A_113 : vector<16xf32>
        %select_n3A_677 = arith.select %lt3A_676, %mul3A_675, %while3A_113 : vector<16xi1>, vector<16xf32>
        %select_n3A_678 = arith.select %lt3A_676, %get3A_127, %while3A_117 : vector<16xi1>, vector<16xi32>
        %add3A_679 = arith.addi %mul3A_51, %get3A_127 : vector<16xi32>
        %broadcast_in_dim3A_680 = arith.constant 0 : i32
        %broadcast_in_dim3A_681 = vector.broadcast %broadcast_in_dim3A_680 : i32 to vector<16xi32>
        %add3A_682 = arith.addi %broadcast_in_dim3A_681, %add3A_679 : vector<16xi32>
        %shift_left3A_683 = arith.constant 13 : i32
        %shift_left3A_684 = vector.broadcast %shift_left3A_683 : i32 to vector<16xi32>
        %shift_left3A_685 = arith.shli %add3A_679, %shift_left3A_684 : vector<16xi32>
        %shift_right_logical3A_686 = arith.constant 19 : i32
        %shift_right_logical3A_687 = vector.broadcast %shift_right_logical3A_686 : i32 to vector<16xi32>
        %shift_right_logical3A_688 = arith.shrui %add3A_679, %shift_right_logical3A_687 : vector<16xi32>
        %or3A_689 = arith.ori %shift_left3A_685, %shift_right_logical3A_688 : vector<16xi32>
        %xor3A_690 = arith.xori %add3A_682, %or3A_689 : vector<16xi32>
        %add3A_691 = arith.addi %add3A_682, %xor3A_690 : vector<16xi32>
        %shift_left3A_692 = arith.constant 15 : i32
        %shift_left3A_693 = vector.broadcast %shift_left3A_692 : i32 to vector<16xi32>
        %shift_left3A_694 = arith.shli %xor3A_690, %shift_left3A_693 : vector<16xi32>
        %shift_right_logical3A_695 = arith.constant 17 : i32
        %shift_right_logical3A_696 = vector.broadcast %shift_right_logical3A_695 : i32 to vector<16xi32>
        %shift_right_logical3A_697 = arith.shrui %xor3A_690, %shift_right_logical3A_696 : vector<16xi32>
        %or3A_698 = arith.ori %shift_left3A_694, %shift_right_logical3A_697 : vector<16xi32>
        %xor3A_699 = arith.xori %add3A_691, %or3A_698 : vector<16xi32>
        %add3A_700 = arith.addi %add3A_691, %xor3A_699 : vector<16xi32>
        %shift_left3A_701 = arith.constant 26 : i32
        %shift_left3A_702 = vector.broadcast %shift_left3A_701 : i32 to vector<16xi32>
        %shift_left3A_703 = arith.shli %xor3A_699, %shift_left3A_702 : vector<16xi32>
        %shift_right_logical3A_704 = arith.constant 6 : i32
        %shift_right_logical3A_705 = vector.broadcast %shift_right_logical3A_704 : i32 to vector<16xi32>
        %shift_right_logical3A_706 = arith.shrui %xor3A_699, %shift_right_logical3A_705 : vector<16xi32>
        %or3A_707 = arith.ori %shift_left3A_703, %shift_right_logical3A_706 : vector<16xi32>
        %xor3A_708 = arith.xori %add3A_700, %or3A_707 : vector<16xi32>
        %add3A_709 = arith.addi %add3A_700, %xor3A_708 : vector<16xi32>
        %shift_left3A_710 = arith.constant 6 : i32
        %shift_left3A_711 = vector.broadcast %shift_left3A_710 : i32 to vector<16xi32>
        %shift_left3A_712 = arith.shli %xor3A_708, %shift_left3A_711 : vector<16xi32>
        %shift_right_logical3A_713 = arith.constant 26 : i32
        %shift_right_logical3A_714 = vector.broadcast %shift_right_logical3A_713 : i32 to vector<16xi32>
        %shift_right_logical3A_715 = arith.shrui %xor3A_708, %shift_right_logical3A_714 : vector<16xi32>
        %or3A_716 = arith.ori %shift_left3A_712, %shift_right_logical3A_715 : vector<16xi32>
        %xor3A_717 = arith.xori %add3A_709, %or3A_716 : vector<16xi32>
        %add3A_718 = arith.constant 466688987 : i32
        %add3A_719 = vector.broadcast %add3A_718 : i32 to vector<16xi32>
        %add3A_720 = arith.addi %xor3A_717, %add3A_719 : vector<16xi32>
        %add3A_721 = arith.addi %add3A_709, %add3A_720 : vector<16xi32>
        %shift_left3A_722 = arith.constant 17 : i32
        %shift_left3A_723 = vector.broadcast %shift_left3A_722 : i32 to vector<16xi32>
        %shift_left3A_724 = arith.shli %add3A_720, %shift_left3A_723 : vector<16xi32>
        %shift_right_logical3A_725 = arith.constant 15 : i32
        %shift_right_logical3A_726 = vector.broadcast %shift_right_logical3A_725 : i32 to vector<16xi32>
        %shift_right_logical3A_727 = arith.shrui %add3A_720, %shift_right_logical3A_726 : vector<16xi32>
        %or3A_728 = arith.ori %shift_left3A_724, %shift_right_logical3A_727 : vector<16xi32>
        %xor3A_729 = arith.xori %add3A_721, %or3A_728 : vector<16xi32>
        %add3A_730 = arith.addi %add3A_721, %xor3A_729 : vector<16xi32>
        %shift_left3A_731 = arith.constant 29 : i32
        %shift_left3A_732 = vector.broadcast %shift_left3A_731 : i32 to vector<16xi32>
        %shift_left3A_733 = arith.shli %xor3A_729, %shift_left3A_732 : vector<16xi32>
        %shift_right_logical3A_734 = arith.constant 3 : i32
        %shift_right_logical3A_735 = vector.broadcast %shift_right_logical3A_734 : i32 to vector<16xi32>
        %shift_right_logical3A_736 = arith.shrui %xor3A_729, %shift_right_logical3A_735 : vector<16xi32>
        %or3A_737 = arith.ori %shift_left3A_733, %shift_right_logical3A_736 : vector<16xi32>
        %xor3A_738 = arith.xori %add3A_730, %or3A_737 : vector<16xi32>
        %add3A_739 = arith.addi %add3A_730, %xor3A_738 : vector<16xi32>
        %shift_left3A_740 = arith.constant 16 : i32
        %shift_left3A_741 = vector.broadcast %shift_left3A_740 : i32 to vector<16xi32>
        %shift_left3A_742 = arith.shli %xor3A_738, %shift_left3A_741 : vector<16xi32>
        %shift_right_logical3A_743 = arith.constant 16 : i32
        %shift_right_logical3A_744 = vector.broadcast %shift_right_logical3A_743 : i32 to vector<16xi32>
        %shift_right_logical3A_745 = arith.shrui %xor3A_738, %shift_right_logical3A_744 : vector<16xi32>
        %or3A_746 = arith.ori %shift_left3A_742, %shift_right_logical3A_745 : vector<16xi32>
        %xor3A_747 = arith.xori %add3A_739, %or3A_746 : vector<16xi32>
        %add3A_748 = arith.addi %add3A_739, %xor3A_747 : vector<16xi32>
        %shift_left3A_749 = arith.constant 24 : i32
        %shift_left3A_750 = vector.broadcast %shift_left3A_749 : i32 to vector<16xi32>
        %shift_left3A_751 = arith.shli %xor3A_747, %shift_left3A_750 : vector<16xi32>
        %shift_right_logical3A_752 = arith.constant 8 : i32
        %shift_right_logical3A_753 = vector.broadcast %shift_right_logical3A_752 : i32 to vector<16xi32>
        %shift_right_logical3A_754 = arith.shrui %xor3A_747, %shift_right_logical3A_753 : vector<16xi32>
        %or3A_755 = arith.ori %shift_left3A_751, %shift_right_logical3A_754 : vector<16xi32>
        %xor3A_756 = arith.xori %add3A_748, %or3A_755 : vector<16xi32>
        %add3A_757 = arith.constant 466688986 : i32
        %add3A_758 = vector.broadcast %add3A_757 : i32 to vector<16xi32>
        %add3A_759 = arith.addi %add3A_748, %add3A_758 : vector<16xi32>
        %add3A_760 = arith.constant 2 : i32
        %add3A_761 = vector.broadcast %add3A_760 : i32 to vector<16xi32>
        %add3A_762 = arith.addi %xor3A_756, %add3A_761 : vector<16xi32>
        %add3A_763 = arith.addi %add3A_759, %add3A_762 : vector<16xi32>
        %shift_left3A_764 = arith.constant 13 : i32
        %shift_left3A_765 = vector.broadcast %shift_left3A_764 : i32 to vector<16xi32>
        %shift_left3A_766 = arith.shli %add3A_762, %shift_left3A_765 : vector<16xi32>
        %shift_right_logical3A_767 = arith.constant 19 : i32
        %shift_right_logical3A_768 = vector.broadcast %shift_right_logical3A_767 : i32 to vector<16xi32>
        %shift_right_logical3A_769 = arith.shrui %add3A_762, %shift_right_logical3A_768 : vector<16xi32>
        %or3A_770 = arith.ori %shift_left3A_766, %shift_right_logical3A_769 : vector<16xi32>
        %xor3A_771 = arith.xori %add3A_763, %or3A_770 : vector<16xi32>
        %add3A_772 = arith.addi %add3A_763, %xor3A_771 : vector<16xi32>
        %shift_left3A_773 = arith.constant 15 : i32
        %shift_left3A_774 = vector.broadcast %shift_left3A_773 : i32 to vector<16xi32>
        %shift_left3A_775 = arith.shli %xor3A_771, %shift_left3A_774 : vector<16xi32>
        %shift_right_logical3A_776 = arith.constant 17 : i32
        %shift_right_logical3A_777 = vector.broadcast %shift_right_logical3A_776 : i32 to vector<16xi32>
        %shift_right_logical3A_778 = arith.shrui %xor3A_771, %shift_right_logical3A_777 : vector<16xi32>
        %or3A_779 = arith.ori %shift_left3A_775, %shift_right_logical3A_778 : vector<16xi32>
        %xor3A_780 = arith.xori %add3A_772, %or3A_779 : vector<16xi32>
        %add3A_781 = arith.addi %add3A_772, %xor3A_780 : vector<16xi32>
        %shift_left3A_782 = arith.constant 26 : i32
        %shift_left3A_783 = vector.broadcast %shift_left3A_782 : i32 to vector<16xi32>
        %shift_left3A_784 = arith.shli %xor3A_780, %shift_left3A_783 : vector<16xi32>
        %shift_right_logical3A_785 = arith.constant 6 : i32
        %shift_right_logical3A_786 = vector.broadcast %shift_right_logical3A_785 : i32 to vector<16xi32>
        %shift_right_logical3A_787 = arith.shrui %xor3A_780, %shift_right_logical3A_786 : vector<16xi32>
        %or3A_788 = arith.ori %shift_left3A_784, %shift_right_logical3A_787 : vector<16xi32>
        %xor3A_789 = arith.xori %add3A_781, %or3A_788 : vector<16xi32>
        %add3A_790 = arith.addi %add3A_781, %xor3A_789 : vector<16xi32>
        %shift_left3A_791 = arith.constant 6 : i32
        %shift_left3A_792 = vector.broadcast %shift_left3A_791 : i32 to vector<16xi32>
        %shift_left3A_793 = arith.shli %xor3A_789, %shift_left3A_792 : vector<16xi32>
        %shift_right_logical3A_794 = arith.constant 26 : i32
        %shift_right_logical3A_795 = vector.broadcast %shift_right_logical3A_794 : i32 to vector<16xi32>
        %shift_right_logical3A_796 = arith.shrui %xor3A_789, %shift_right_logical3A_795 : vector<16xi32>
        %or3A_797 = arith.ori %shift_left3A_793, %shift_right_logical3A_796 : vector<16xi32>
        %xor3A_798 = arith.xori %add3A_790, %or3A_797 : vector<16xi32>
        %add3A_799 = arith.constant 3 : i32
        %add3A_800 = vector.broadcast %add3A_799 : i32 to vector<16xi32>
        %add3A_801 = arith.addi %xor3A_798, %add3A_800 : vector<16xi32>
        %add3A_802 = arith.addi %add3A_790, %add3A_801 : vector<16xi32>
        %shift_left3A_803 = arith.constant 17 : i32
        %shift_left3A_804 = vector.broadcast %shift_left3A_803 : i32 to vector<16xi32>
        %shift_left3A_805 = arith.shli %add3A_801, %shift_left3A_804 : vector<16xi32>
        %shift_right_logical3A_806 = arith.constant 15 : i32
        %shift_right_logical3A_807 = vector.broadcast %shift_right_logical3A_806 : i32 to vector<16xi32>
        %shift_right_logical3A_808 = arith.shrui %add3A_801, %shift_right_logical3A_807 : vector<16xi32>
        %or3A_809 = arith.ori %shift_left3A_805, %shift_right_logical3A_808 : vector<16xi32>
        %xor3A_810 = arith.xori %add3A_802, %or3A_809 : vector<16xi32>
        %add3A_811 = arith.addi %add3A_802, %xor3A_810 : vector<16xi32>
        %shift_left3A_812 = arith.constant 29 : i32
        %shift_left3A_813 = vector.broadcast %shift_left3A_812 : i32 to vector<16xi32>
        %shift_left3A_814 = arith.shli %xor3A_810, %shift_left3A_813 : vector<16xi32>
        %shift_right_logical3A_815 = arith.constant 3 : i32
        %shift_right_logical3A_816 = vector.broadcast %shift_right_logical3A_815 : i32 to vector<16xi32>
        %shift_right_logical3A_817 = arith.shrui %xor3A_810, %shift_right_logical3A_816 : vector<16xi32>
        %or3A_818 = arith.ori %shift_left3A_814, %shift_right_logical3A_817 : vector<16xi32>
        %xor3A_819 = arith.xori %add3A_811, %or3A_818 : vector<16xi32>
        %add3A_820 = arith.addi %add3A_811, %xor3A_819 : vector<16xi32>
        %shift_left3A_821 = arith.constant 16 : i32
        %shift_left3A_822 = vector.broadcast %shift_left3A_821 : i32 to vector<16xi32>
        %shift_left3A_823 = arith.shli %xor3A_819, %shift_left3A_822 : vector<16xi32>
        %shift_right_logical3A_824 = arith.constant 16 : i32
        %shift_right_logical3A_825 = vector.broadcast %shift_right_logical3A_824 : i32 to vector<16xi32>
        %shift_right_logical3A_826 = arith.shrui %xor3A_819, %shift_right_logical3A_825 : vector<16xi32>
        %or3A_827 = arith.ori %shift_left3A_823, %shift_right_logical3A_826 : vector<16xi32>
        %xor3A_828 = arith.xori %add3A_820, %or3A_827 : vector<16xi32>
        %add3A_829 = arith.addi %add3A_820, %xor3A_828 : vector<16xi32>
        %shift_left3A_830 = arith.constant 24 : i32
        %shift_left3A_831 = vector.broadcast %shift_left3A_830 : i32 to vector<16xi32>
        %shift_left3A_832 = arith.shli %xor3A_828, %shift_left3A_831 : vector<16xi32>
        %shift_right_logical3A_833 = arith.constant 8 : i32
        %shift_right_logical3A_834 = vector.broadcast %shift_right_logical3A_833 : i32 to vector<16xi32>
        %shift_right_logical3A_835 = arith.shrui %xor3A_828, %shift_right_logical3A_834 : vector<16xi32>
        %or3A_836 = arith.ori %shift_left3A_832, %shift_right_logical3A_835 : vector<16xi32>
        %xor3A_837 = arith.xori %add3A_829, %or3A_836 : vector<16xi32>
        %add3A_838 = arith.constant 466688990 : i32
        %add3A_839 = vector.broadcast %add3A_838 : i32 to vector<16xi32>
        %add3A_840 = arith.addi %xor3A_837, %add3A_839 : vector<16xi32>
        %add3A_841 = arith.addi %add3A_829, %add3A_840 : vector<16xi32>
        %shift_left3A_842 = arith.constant 13 : i32
        %shift_left3A_843 = vector.broadcast %shift_left3A_842 : i32 to vector<16xi32>
        %shift_left3A_844 = arith.shli %add3A_840, %shift_left3A_843 : vector<16xi32>
        %shift_right_logical3A_845 = arith.constant 19 : i32
        %shift_right_logical3A_846 = vector.broadcast %shift_right_logical3A_845 : i32 to vector<16xi32>
        %shift_right_logical3A_847 = arith.shrui %add3A_840, %shift_right_logical3A_846 : vector<16xi32>
        %or3A_848 = arith.ori %shift_left3A_844, %shift_right_logical3A_847 : vector<16xi32>
        %xor3A_849 = arith.xori %add3A_841, %or3A_848 : vector<16xi32>
        %add3A_850 = arith.addi %add3A_841, %xor3A_849 : vector<16xi32>
        %shift_left3A_851 = arith.constant 15 : i32
        %shift_left3A_852 = vector.broadcast %shift_left3A_851 : i32 to vector<16xi32>
        %shift_left3A_853 = arith.shli %xor3A_849, %shift_left3A_852 : vector<16xi32>
        %shift_right_logical3A_854 = arith.constant 17 : i32
        %shift_right_logical3A_855 = vector.broadcast %shift_right_logical3A_854 : i32 to vector<16xi32>
        %shift_right_logical3A_856 = arith.shrui %xor3A_849, %shift_right_logical3A_855 : vector<16xi32>
        %or3A_857 = arith.ori %shift_left3A_853, %shift_right_logical3A_856 : vector<16xi32>
        %xor3A_858 = arith.xori %add3A_850, %or3A_857 : vector<16xi32>
        %add3A_859 = arith.addi %add3A_850, %xor3A_858 : vector<16xi32>
        %shift_left3A_860 = arith.constant 26 : i32
        %shift_left3A_861 = vector.broadcast %shift_left3A_860 : i32 to vector<16xi32>
        %shift_left3A_862 = arith.shli %xor3A_858, %shift_left3A_861 : vector<16xi32>
        %shift_right_logical3A_863 = arith.constant 6 : i32
        %shift_right_logical3A_864 = vector.broadcast %shift_right_logical3A_863 : i32 to vector<16xi32>
        %shift_right_logical3A_865 = arith.shrui %xor3A_858, %shift_right_logical3A_864 : vector<16xi32>
        %or3A_866 = arith.ori %shift_left3A_862, %shift_right_logical3A_865 : vector<16xi32>
        %xor3A_867 = arith.xori %add3A_859, %or3A_866 : vector<16xi32>
        %add3A_868 = arith.addi %add3A_859, %xor3A_867 : vector<16xi32>
        %shift_left3A_869 = arith.constant 6 : i32
        %shift_left3A_870 = vector.broadcast %shift_left3A_869 : i32 to vector<16xi32>
        %shift_left3A_871 = arith.shli %xor3A_867, %shift_left3A_870 : vector<16xi32>
        %shift_right_logical3A_872 = arith.constant 26 : i32
        %shift_right_logical3A_873 = vector.broadcast %shift_right_logical3A_872 : i32 to vector<16xi32>
        %shift_right_logical3A_874 = arith.shrui %xor3A_867, %shift_right_logical3A_873 : vector<16xi32>
        %or3A_875 = arith.ori %shift_left3A_871, %shift_right_logical3A_874 : vector<16xi32>
        %xor3A_876 = arith.xori %add3A_868, %or3A_875 : vector<16xi32>
        %add3A_877 = arith.constant 466688986 : i32
        %add3A_878 = vector.broadcast %add3A_877 : i32 to vector<16xi32>
        %add3A_879 = arith.addi %add3A_868, %add3A_878 : vector<16xi32>
        %add3A_880 = arith.constant 5 : i32
        %add3A_881 = vector.broadcast %add3A_880 : i32 to vector<16xi32>
        %add3A_882 = arith.addi %xor3A_876, %add3A_881 : vector<16xi32>
        %xor3A_883 = arith.xori %add3A_879, %add3A_882 : vector<16xi32>
        %shift_right_logical3A_884 = arith.constant 9 : i32
        %shift_right_logical3A_885 = vector.broadcast %shift_right_logical3A_884 : i32 to vector<16xi32>
        %shift_right_logical3A_886 = arith.shrui %xor3A_883, %shift_right_logical3A_885 : vector<16xi32>
        %or3A_887 = arith.constant 1065353216 : i32
        %or3A_888 = vector.broadcast %or3A_887 : i32 to vector<16xi32>
        %or3A_889 = arith.ori %shift_right_logical3A_886, %or3A_888 : vector<16xi32>
        %bitcast_convert_type3A_890 = tpu.bitcast %or3A_889 : vector<16xi32> -> vector<16xf32>
        %sub3A_891 = arith.constant 1.000000e+00 : f32
        %sub3A_892 = vector.broadcast %sub3A_891 : f32 to vector<16xf32>
        %sub3A_893 = arith.subf %bitcast_convert_type3A_890, %sub3A_892 : vector<16xf32>
        %max3A_894 = arith.constant 1.17549435E-38 : f32
        %max3A_895 = vector.broadcast %max3A_894 : f32 to vector<16xf32>
        %max3A_896 = arith.maximumf %max3A_895, %sub3A_893 : vector<16xf32>
        %bitcast_convert_type3A_897 = tpu.bitcast %max3A_896 : vector<16xf32> -> vector<16xi32>
        %shift_right_logical3A_898 = arith.constant 23 : i32
        %shift_right_logical3A_899 = vector.broadcast %shift_right_logical3A_898 : i32 to vector<16xi32>
        %shift_right_logical3A_900 = arith.shrui %bitcast_convert_type3A_897, %shift_right_logical3A_899 : vector<16xi32>
        %sub3A_901 = arith.constant 127 : i32
        %sub3A_902 = vector.broadcast %sub3A_901 : i32 to vector<16xi32>
        %sub3A_903 = arith.subi %shift_right_logical3A_900, %sub3A_902 : vector<16xi32>
        %and3A_904 = arith.constant 8388607 : i32
        %and3A_905 = vector.broadcast %and3A_904 : i32 to vector<16xi32>
        %and3A_906 = arith.andi %bitcast_convert_type3A_897, %and3A_905 : vector<16xi32>
        %or3A_907 = arith.constant 1065353216 : i32
        %or3A_908 = vector.broadcast %or3A_907 : i32 to vector<16xi32>
        %or3A_909 = arith.ori %and3A_906, %or3A_908 : vector<16xi32>
        %bitcast_convert_type3A_910 = tpu.bitcast %or3A_909 : vector<16xi32> -> vector<16xf32>
        %sub3A_911 = arith.constant 1.000000e+00 : f32
        %sub3A_912 = vector.broadcast %sub3A_911 : f32 to vector<16xf32>
        %sub3A_913 = arith.subf %bitcast_convert_type3A_910, %sub3A_912 : vector<16xf32>
        %add3A_914 = arith.constant 1.000000e+00 : f32
        %add3A_915 = vector.broadcast %add3A_914 : f32 to vector<16xf32>
        %add3A_916 = arith.addf %bitcast_convert_type3A_910, %add3A_915 : vector<16xf32>
        %div3A_917 = arith.divf %sub3A_913, %add3A_916 : vector<16xf32>
        %mul3A_918 = arith.mulf %div3A_917, %div3A_917 : vector<16xf32>
        %mul3A_919 = arith.constant 0.0769230798 : f32
        %mul3A_920 = vector.broadcast %mul3A_919 : f32 to vector<16xf32>
        %mul3A_921 = arith.mulf %mul3A_918, %mul3A_920 : vector<16xf32>
        %add3A_922 = arith.constant 0.0909090936 : f32
        %add3A_923 = vector.broadcast %add3A_922 : f32 to vector<16xf32>
        %add3A_924 = arith.addf %add3A_923, %mul3A_921 : vector<16xf32>
        %mul3A_925 = arith.mulf %mul3A_918, %add3A_924 : vector<16xf32>
        %add3A_926 = arith.constant 0.111111112 : f32
        %add3A_927 = vector.broadcast %add3A_926 : f32 to vector<16xf32>
        %add3A_928 = arith.addf %add3A_927, %mul3A_925 : vector<16xf32>
        %mul3A_929 = arith.mulf %mul3A_918, %add3A_928 : vector<16xf32>
        %add3A_930 = arith.constant 0.142857149 : f32
        %add3A_931 = vector.broadcast %add3A_930 : f32 to vector<16xf32>
        %add3A_932 = arith.addf %add3A_931, %mul3A_929 : vector<16xf32>
        %mul3A_933 = arith.mulf %mul3A_918, %add3A_932 : vector<16xf32>
        %add3A_934 = arith.constant 2.000000e-01 : f32
        %add3A_935 = vector.broadcast %add3A_934 : f32 to vector<16xf32>
        %add3A_936 = arith.addf %add3A_935, %mul3A_933 : vector<16xf32>
        %mul3A_937 = arith.mulf %mul3A_918, %add3A_936 : vector<16xf32>
        %add3A_938 = arith.constant 0.333333343 : f32
        %add3A_939 = vector.broadcast %add3A_938 : f32 to vector<16xf32>
        %add3A_940 = arith.addf %add3A_939, %mul3A_937 : vector<16xf32>
        %mul3A_941 = arith.constant 2.000000e+00 : f32
        %mul3A_942 = vector.broadcast %mul3A_941 : f32 to vector<16xf32>
        %mul3A_943 = arith.mulf %mul3A_942, %div3A_917 : vector<16xf32>
        %mul3A_944 = arith.mulf %mul3A_918, %add3A_940 : vector<16xf32>
        %add3A_945 = arith.constant 1.000000e+00 : f32
        %add3A_946 = vector.broadcast %add3A_945 : f32 to vector<16xf32>
        %add3A_947 = arith.addf %add3A_946, %mul3A_944 : vector<16xf32>
        %mul3A_948 = arith.mulf %mul3A_943, %add3A_947 : vector<16xf32>
        %convert_element_type3A_949 = arith.sitofp %sub3A_903 : vector<16xi32> to vector<16xf32>
        %mul3A_950 = arith.constant 0.693147182 : f32
        %mul3A_951 = vector.broadcast %mul3A_950 : f32 to vector<16xf32>
        %mul3A_952 = arith.mulf %convert_element_type3A_949, %mul3A_951 : vector<16xf32>
        %add3A_953 = arith.addf %mul3A_952, %mul3A_948 : vector<16xf32>
        %neg3A_954 = arith.constant 0.000000e+00 : f32
        %neg3A_955 = vector.broadcast %neg3A_954 : f32 to vector<16xf32>
        %neg3A_956 = arith.subf %neg3A_955, %add3A_953 : vector<16xf32>
        %mul3A_957 = arith.mulf %neg3A_956, %get3A_123 : vector<16xf32>
        %lt3A_958 = arith.cmpf olt, %mul3A_957, %while3A_114 : vector<16xf32>
        %select_n3A_959 = arith.select %lt3A_958, %mul3A_957, %while3A_114 : vector<16xi1>, vector<16xf32>
        %select_n3A_960 = arith.select %lt3A_958, %get3A_127, %while3A_118 : vector<16xi1>, vector<16xi32>
        %add3A_961 = arith.addi %mul3A_62, %get3A_127 : vector<16xi32>
        %broadcast_in_dim3A_962 = arith.constant 0 : i32
        %broadcast_in_dim3A_963 = vector.broadcast %broadcast_in_dim3A_962 : i32 to vector<16xi32>
        %add3A_964 = arith.addi %broadcast_in_dim3A_963, %add3A_961 : vector<16xi32>
        %shift_left3A_965 = arith.constant 13 : i32
        %shift_left3A_966 = vector.broadcast %shift_left3A_965 : i32 to vector<16xi32>
        %shift_left3A_967 = arith.shli %add3A_961, %shift_left3A_966 : vector<16xi32>
        %shift_right_logical3A_968 = arith.constant 19 : i32
        %shift_right_logical3A_969 = vector.broadcast %shift_right_logical3A_968 : i32 to vector<16xi32>
        %shift_right_logical3A_970 = arith.shrui %add3A_961, %shift_right_logical3A_969 : vector<16xi32>
        %or3A_971 = arith.ori %shift_left3A_967, %shift_right_logical3A_970 : vector<16xi32>
        %xor3A_972 = arith.xori %add3A_964, %or3A_971 : vector<16xi32>
        %add3A_973 = arith.addi %add3A_964, %xor3A_972 : vector<16xi32>
        %shift_left3A_974 = arith.constant 15 : i32
        %shift_left3A_975 = vector.broadcast %shift_left3A_974 : i32 to vector<16xi32>
        %shift_left3A_976 = arith.shli %xor3A_972, %shift_left3A_975 : vector<16xi32>
        %shift_right_logical3A_977 = arith.constant 17 : i32
        %shift_right_logical3A_978 = vector.broadcast %shift_right_logical3A_977 : i32 to vector<16xi32>
        %shift_right_logical3A_979 = arith.shrui %xor3A_972, %shift_right_logical3A_978 : vector<16xi32>
        %or3A_980 = arith.ori %shift_left3A_976, %shift_right_logical3A_979 : vector<16xi32>
        %xor3A_981 = arith.xori %add3A_973, %or3A_980 : vector<16xi32>
        %add3A_982 = arith.addi %add3A_973, %xor3A_981 : vector<16xi32>
        %shift_left3A_983 = arith.constant 26 : i32
        %shift_left3A_984 = vector.broadcast %shift_left3A_983 : i32 to vector<16xi32>
        %shift_left3A_985 = arith.shli %xor3A_981, %shift_left3A_984 : vector<16xi32>
        %shift_right_logical3A_986 = arith.constant 6 : i32
        %shift_right_logical3A_987 = vector.broadcast %shift_right_logical3A_986 : i32 to vector<16xi32>
        %shift_right_logical3A_988 = arith.shrui %xor3A_981, %shift_right_logical3A_987 : vector<16xi32>
        %or3A_989 = arith.ori %shift_left3A_985, %shift_right_logical3A_988 : vector<16xi32>
        %xor3A_990 = arith.xori %add3A_982, %or3A_989 : vector<16xi32>
        %add3A_991 = arith.addi %add3A_982, %xor3A_990 : vector<16xi32>
        %shift_left3A_992 = arith.constant 6 : i32
        %shift_left3A_993 = vector.broadcast %shift_left3A_992 : i32 to vector<16xi32>
        %shift_left3A_994 = arith.shli %xor3A_990, %shift_left3A_993 : vector<16xi32>
        %shift_right_logical3A_995 = arith.constant 26 : i32
        %shift_right_logical3A_996 = vector.broadcast %shift_right_logical3A_995 : i32 to vector<16xi32>
        %shift_right_logical3A_997 = arith.shrui %xor3A_990, %shift_right_logical3A_996 : vector<16xi32>
        %or3A_998 = arith.ori %shift_left3A_994, %shift_right_logical3A_997 : vector<16xi32>
        %xor3A_999 = arith.xori %add3A_991, %or3A_998 : vector<16xi32>
        %add3A_1000 = arith.constant 466688987 : i32
        %add3A_1001 = vector.broadcast %add3A_1000 : i32 to vector<16xi32>
        %add3A_1002 = arith.addi %xor3A_999, %add3A_1001 : vector<16xi32>
        %add3A_1003 = arith.addi %add3A_991, %add3A_1002 : vector<16xi32>
        %shift_left3A_1004 = arith.constant 17 : i32
        %shift_left3A_1005 = vector.broadcast %shift_left3A_1004 : i32 to vector<16xi32>
        %shift_left3A_1006 = arith.shli %add3A_1002, %shift_left3A_1005 : vector<16xi32>
        %shift_right_logical3A_1007 = arith.constant 15 : i32
        %shift_right_logical3A_1008 = vector.broadcast %shift_right_logical3A_1007 : i32 to vector<16xi32>
        %shift_right_logical3A_1009 = arith.shrui %add3A_1002, %shift_right_logical3A_1008 : vector<16xi32>
        %or3A_1010 = arith.ori %shift_left3A_1006, %shift_right_logical3A_1009 : vector<16xi32>
        %xor3A_1011 = arith.xori %add3A_1003, %or3A_1010 : vector<16xi32>
        %add3A_1012 = arith.addi %add3A_1003, %xor3A_1011 : vector<16xi32>
        %shift_left3A_1013 = arith.constant 29 : i32
        %shift_left3A_1014 = vector.broadcast %shift_left3A_1013 : i32 to vector<16xi32>
        %shift_left3A_1015 = arith.shli %xor3A_1011, %shift_left3A_1014 : vector<16xi32>
        %shift_right_logical3A_1016 = arith.constant 3 : i32
        %shift_right_logical3A_1017 = vector.broadcast %shift_right_logical3A_1016 : i32 to vector<16xi32>
        %shift_right_logical3A_1018 = arith.shrui %xor3A_1011, %shift_right_logical3A_1017 : vector<16xi32>
        %or3A_1019 = arith.ori %shift_left3A_1015, %shift_right_logical3A_1018 : vector<16xi32>
        %xor3A_1020 = arith.xori %add3A_1012, %or3A_1019 : vector<16xi32>
        %add3A_1021 = arith.addi %add3A_1012, %xor3A_1020 : vector<16xi32>
        %shift_left3A_1022 = arith.constant 16 : i32
        %shift_left3A_1023 = vector.broadcast %shift_left3A_1022 : i32 to vector<16xi32>
        %shift_left3A_1024 = arith.shli %xor3A_1020, %shift_left3A_1023 : vector<16xi32>
        %shift_right_logical3A_1025 = arith.constant 16 : i32
        %shift_right_logical3A_1026 = vector.broadcast %shift_right_logical3A_1025 : i32 to vector<16xi32>
        %shift_right_logical3A_1027 = arith.shrui %xor3A_1020, %shift_right_logical3A_1026 : vector<16xi32>
        %or3A_1028 = arith.ori %shift_left3A_1024, %shift_right_logical3A_1027 : vector<16xi32>
        %xor3A_1029 = arith.xori %add3A_1021, %or3A_1028 : vector<16xi32>
        %add3A_1030 = arith.addi %add3A_1021, %xor3A_1029 : vector<16xi32>
        %shift_left3A_1031 = arith.constant 24 : i32
        %shift_left3A_1032 = vector.broadcast %shift_left3A_1031 : i32 to vector<16xi32>
        %shift_left3A_1033 = arith.shli %xor3A_1029, %shift_left3A_1032 : vector<16xi32>
        %shift_right_logical3A_1034 = arith.constant 8 : i32
        %shift_right_logical3A_1035 = vector.broadcast %shift_right_logical3A_1034 : i32 to vector<16xi32>
        %shift_right_logical3A_1036 = arith.shrui %xor3A_1029, %shift_right_logical3A_1035 : vector<16xi32>
        %or3A_1037 = arith.ori %shift_left3A_1033, %shift_right_logical3A_1036 : vector<16xi32>
        %xor3A_1038 = arith.xori %add3A_1030, %or3A_1037 : vector<16xi32>
        %add3A_1039 = arith.constant 466688986 : i32
        %add3A_1040 = vector.broadcast %add3A_1039 : i32 to vector<16xi32>
        %add3A_1041 = arith.addi %add3A_1030, %add3A_1040 : vector<16xi32>
        %add3A_1042 = arith.constant 2 : i32
        %add3A_1043 = vector.broadcast %add3A_1042 : i32 to vector<16xi32>
        %add3A_1044 = arith.addi %xor3A_1038, %add3A_1043 : vector<16xi32>
        %add3A_1045 = arith.addi %add3A_1041, %add3A_1044 : vector<16xi32>
        %shift_left3A_1046 = arith.constant 13 : i32
        %shift_left3A_1047 = vector.broadcast %shift_left3A_1046 : i32 to vector<16xi32>
        %shift_left3A_1048 = arith.shli %add3A_1044, %shift_left3A_1047 : vector<16xi32>
        %shift_right_logical3A_1049 = arith.constant 19 : i32
        %shift_right_logical3A_1050 = vector.broadcast %shift_right_logical3A_1049 : i32 to vector<16xi32>
        %shift_right_logical3A_1051 = arith.shrui %add3A_1044, %shift_right_logical3A_1050 : vector<16xi32>
        %or3A_1052 = arith.ori %shift_left3A_1048, %shift_right_logical3A_1051 : vector<16xi32>
        %xor3A_1053 = arith.xori %add3A_1045, %or3A_1052 : vector<16xi32>
        %add3A_1054 = arith.addi %add3A_1045, %xor3A_1053 : vector<16xi32>
        %shift_left3A_1055 = arith.constant 15 : i32
        %shift_left3A_1056 = vector.broadcast %shift_left3A_1055 : i32 to vector<16xi32>
        %shift_left3A_1057 = arith.shli %xor3A_1053, %shift_left3A_1056 : vector<16xi32>
        %shift_right_logical3A_1058 = arith.constant 17 : i32
        %shift_right_logical3A_1059 = vector.broadcast %shift_right_logical3A_1058 : i32 to vector<16xi32>
        %shift_right_logical3A_1060 = arith.shrui %xor3A_1053, %shift_right_logical3A_1059 : vector<16xi32>
        %or3A_1061 = arith.ori %shift_left3A_1057, %shift_right_logical3A_1060 : vector<16xi32>
        %xor3A_1062 = arith.xori %add3A_1054, %or3A_1061 : vector<16xi32>
        %add3A_1063 = arith.addi %add3A_1054, %xor3A_1062 : vector<16xi32>
        %shift_left3A_1064 = arith.constant 26 : i32
        %shift_left3A_1065 = vector.broadcast %shift_left3A_1064 : i32 to vector<16xi32>
        %shift_left3A_1066 = arith.shli %xor3A_1062, %shift_left3A_1065 : vector<16xi32>
        %shift_right_logical3A_1067 = arith.constant 6 : i32
        %shift_right_logical3A_1068 = vector.broadcast %shift_right_logical3A_1067 : i32 to vector<16xi32>
        %shift_right_logical3A_1069 = arith.shrui %xor3A_1062, %shift_right_logical3A_1068 : vector<16xi32>
        %or3A_1070 = arith.ori %shift_left3A_1066, %shift_right_logical3A_1069 : vector<16xi32>
        %xor3A_1071 = arith.xori %add3A_1063, %or3A_1070 : vector<16xi32>
        %add3A_1072 = arith.addi %add3A_1063, %xor3A_1071 : vector<16xi32>
        %shift_left3A_1073 = arith.constant 6 : i32
        %shift_left3A_1074 = vector.broadcast %shift_left3A_1073 : i32 to vector<16xi32>
        %shift_left3A_1075 = arith.shli %xor3A_1071, %shift_left3A_1074 : vector<16xi32>
        %shift_right_logical3A_1076 = arith.constant 26 : i32
        %shift_right_logical3A_1077 = vector.broadcast %shift_right_logical3A_1076 : i32 to vector<16xi32>
        %shift_right_logical3A_1078 = arith.shrui %xor3A_1071, %shift_right_logical3A_1077 : vector<16xi32>
        %or3A_1079 = arith.ori %shift_left3A_1075, %shift_right_logical3A_1078 : vector<16xi32>
        %xor3A_1080 = arith.xori %add3A_1072, %or3A_1079 : vector<16xi32>
        %add3A_1081 = arith.constant 3 : i32
        %add3A_1082 = vector.broadcast %add3A_1081 : i32 to vector<16xi32>
        %add3A_1083 = arith.addi %xor3A_1080, %add3A_1082 : vector<16xi32>
        %add3A_1084 = arith.addi %add3A_1072, %add3A_1083 : vector<16xi32>
        %shift_left3A_1085 = arith.constant 17 : i32
        %shift_left3A_1086 = vector.broadcast %shift_left3A_1085 : i32 to vector<16xi32>
        %shift_left3A_1087 = arith.shli %add3A_1083, %shift_left3A_1086 : vector<16xi32>
        %shift_right_logical3A_1088 = arith.constant 15 : i32
        %shift_right_logical3A_1089 = vector.broadcast %shift_right_logical3A_1088 : i32 to vector<16xi32>
        %shift_right_logical3A_1090 = arith.shrui %add3A_1083, %shift_right_logical3A_1089 : vector<16xi32>
        %or3A_1091 = arith.ori %shift_left3A_1087, %shift_right_logical3A_1090 : vector<16xi32>
        %xor3A_1092 = arith.xori %add3A_1084, %or3A_1091 : vector<16xi32>
        %add3A_1093 = arith.addi %add3A_1084, %xor3A_1092 : vector<16xi32>
        %shift_left3A_1094 = arith.constant 29 : i32
        %shift_left3A_1095 = vector.broadcast %shift_left3A_1094 : i32 to vector<16xi32>
        %shift_left3A_1096 = arith.shli %xor3A_1092, %shift_left3A_1095 : vector<16xi32>
        %shift_right_logical3A_1097 = arith.constant 3 : i32
        %shift_right_logical3A_1098 = vector.broadcast %shift_right_logical3A_1097 : i32 to vector<16xi32>
        %shift_right_logical3A_1099 = arith.shrui %xor3A_1092, %shift_right_logical3A_1098 : vector<16xi32>
        %or3A_1100 = arith.ori %shift_left3A_1096, %shift_right_logical3A_1099 : vector<16xi32>
        %xor3A_1101 = arith.xori %add3A_1093, %or3A_1100 : vector<16xi32>
        %add3A_1102 = arith.addi %add3A_1093, %xor3A_1101 : vector<16xi32>
        %shift_left3A_1103 = arith.constant 16 : i32
        %shift_left3A_1104 = vector.broadcast %shift_left3A_1103 : i32 to vector<16xi32>
        %shift_left3A_1105 = arith.shli %xor3A_1101, %shift_left3A_1104 : vector<16xi32>
        %shift_right_logical3A_1106 = arith.constant 16 : i32
        %shift_right_logical3A_1107 = vector.broadcast %shift_right_logical3A_1106 : i32 to vector<16xi32>
        %shift_right_logical3A_1108 = arith.shrui %xor3A_1101, %shift_right_logical3A_1107 : vector<16xi32>
        %or3A_1109 = arith.ori %shift_left3A_1105, %shift_right_logical3A_1108 : vector<16xi32>
        %xor3A_1110 = arith.xori %add3A_1102, %or3A_1109 : vector<16xi32>
        %add3A_1111 = arith.addi %add3A_1102, %xor3A_1110 : vector<16xi32>
        %shift_left3A_1112 = arith.constant 24 : i32
        %shift_left3A_1113 = vector.broadcast %shift_left3A_1112 : i32 to vector<16xi32>
        %shift_left3A_1114 = arith.shli %xor3A_1110, %shift_left3A_1113 : vector<16xi32>
        %shift_right_logical3A_1115 = arith.constant 8 : i32
        %shift_right_logical3A_1116 = vector.broadcast %shift_right_logical3A_1115 : i32 to vector<16xi32>
        %shift_right_logical3A_1117 = arith.shrui %xor3A_1110, %shift_right_logical3A_1116 : vector<16xi32>
        %or3A_1118 = arith.ori %shift_left3A_1114, %shift_right_logical3A_1117 : vector<16xi32>
        %xor3A_1119 = arith.xori %add3A_1111, %or3A_1118 : vector<16xi32>
        %add3A_1120 = arith.constant 466688990 : i32
        %add3A_1121 = vector.broadcast %add3A_1120 : i32 to vector<16xi32>
        %add3A_1122 = arith.addi %xor3A_1119, %add3A_1121 : vector<16xi32>
        %add3A_1123 = arith.addi %add3A_1111, %add3A_1122 : vector<16xi32>
        %shift_left3A_1124 = arith.constant 13 : i32
        %shift_left3A_1125 = vector.broadcast %shift_left3A_1124 : i32 to vector<16xi32>
        %shift_left3A_1126 = arith.shli %add3A_1122, %shift_left3A_1125 : vector<16xi32>
        %shift_right_logical3A_1127 = arith.constant 19 : i32
        %shift_right_logical3A_1128 = vector.broadcast %shift_right_logical3A_1127 : i32 to vector<16xi32>
        %shift_right_logical3A_1129 = arith.shrui %add3A_1122, %shift_right_logical3A_1128 : vector<16xi32>
        %or3A_1130 = arith.ori %shift_left3A_1126, %shift_right_logical3A_1129 : vector<16xi32>
        %xor3A_1131 = arith.xori %add3A_1123, %or3A_1130 : vector<16xi32>
        %add3A_1132 = arith.addi %add3A_1123, %xor3A_1131 : vector<16xi32>
        %shift_left3A_1133 = arith.constant 15 : i32
        %shift_left3A_1134 = vector.broadcast %shift_left3A_1133 : i32 to vector<16xi32>
        %shift_left3A_1135 = arith.shli %xor3A_1131, %shift_left3A_1134 : vector<16xi32>
        %shift_right_logical3A_1136 = arith.constant 17 : i32
        %shift_right_logical3A_1137 = vector.broadcast %shift_right_logical3A_1136 : i32 to vector<16xi32>
        %shift_right_logical3A_1138 = arith.shrui %xor3A_1131, %shift_right_logical3A_1137 : vector<16xi32>
        %or3A_1139 = arith.ori %shift_left3A_1135, %shift_right_logical3A_1138 : vector<16xi32>
        %xor3A_1140 = arith.xori %add3A_1132, %or3A_1139 : vector<16xi32>
        %add3A_1141 = arith.addi %add3A_1132, %xor3A_1140 : vector<16xi32>
        %shift_left3A_1142 = arith.constant 26 : i32
        %shift_left3A_1143 = vector.broadcast %shift_left3A_1142 : i32 to vector<16xi32>
        %shift_left3A_1144 = arith.shli %xor3A_1140, %shift_left3A_1143 : vector<16xi32>
        %shift_right_logical3A_1145 = arith.constant 6 : i32
        %shift_right_logical3A_1146 = vector.broadcast %shift_right_logical3A_1145 : i32 to vector<16xi32>
        %shift_right_logical3A_1147 = arith.shrui %xor3A_1140, %shift_right_logical3A_1146 : vector<16xi32>
        %or3A_1148 = arith.ori %shift_left3A_1144, %shift_right_logical3A_1147 : vector<16xi32>
        %xor3A_1149 = arith.xori %add3A_1141, %or3A_1148 : vector<16xi32>
        %add3A_1150 = arith.addi %add3A_1141, %xor3A_1149 : vector<16xi32>
        %shift_left3A_1151 = arith.constant 6 : i32
        %shift_left3A_1152 = vector.broadcast %shift_left3A_1151 : i32 to vector<16xi32>
        %shift_left3A_1153 = arith.shli %xor3A_1149, %shift_left3A_1152 : vector<16xi32>
        %shift_right_logical3A_1154 = arith.constant 26 : i32
        %shift_right_logical3A_1155 = vector.broadcast %shift_right_logical3A_1154 : i32 to vector<16xi32>
        %shift_right_logical3A_1156 = arith.shrui %xor3A_1149, %shift_right_logical3A_1155 : vector<16xi32>
        %or3A_1157 = arith.ori %shift_left3A_1153, %shift_right_logical3A_1156 : vector<16xi32>
        %xor3A_1158 = arith.xori %add3A_1150, %or3A_1157 : vector<16xi32>
        %add3A_1159 = arith.constant 466688986 : i32
        %add3A_1160 = vector.broadcast %add3A_1159 : i32 to vector<16xi32>
        %add3A_1161 = arith.addi %add3A_1150, %add3A_1160 : vector<16xi32>
        %add3A_1162 = arith.constant 5 : i32
        %add3A_1163 = vector.broadcast %add3A_1162 : i32 to vector<16xi32>
        %add3A_1164 = arith.addi %xor3A_1158, %add3A_1163 : vector<16xi32>
        %xor3A_1165 = arith.xori %add3A_1161, %add3A_1164 : vector<16xi32>
        %shift_right_logical3A_1166 = arith.constant 9 : i32
        %shift_right_logical3A_1167 = vector.broadcast %shift_right_logical3A_1166 : i32 to vector<16xi32>
        %shift_right_logical3A_1168 = arith.shrui %xor3A_1165, %shift_right_logical3A_1167 : vector<16xi32>
        %or3A_1169 = arith.constant 1065353216 : i32
        %or3A_1170 = vector.broadcast %or3A_1169 : i32 to vector<16xi32>
        %or3A_1171 = arith.ori %shift_right_logical3A_1168, %or3A_1170 : vector<16xi32>
        %bitcast_convert_type3A_1172 = tpu.bitcast %or3A_1171 : vector<16xi32> -> vector<16xf32>
        %sub3A_1173 = arith.constant 1.000000e+00 : f32
        %sub3A_1174 = vector.broadcast %sub3A_1173 : f32 to vector<16xf32>
        %sub3A_1175 = arith.subf %bitcast_convert_type3A_1172, %sub3A_1174 : vector<16xf32>
        %max3A_1176 = arith.constant 1.17549435E-38 : f32
        %max3A_1177 = vector.broadcast %max3A_1176 : f32 to vector<16xf32>
        %max3A_1178 = arith.maximumf %max3A_1177, %sub3A_1175 : vector<16xf32>
        %bitcast_convert_type3A_1179 = tpu.bitcast %max3A_1178 : vector<16xf32> -> vector<16xi32>
        %shift_right_logical3A_1180 = arith.constant 23 : i32
        %shift_right_logical3A_1181 = vector.broadcast %shift_right_logical3A_1180 : i32 to vector<16xi32>
        %shift_right_logical3A_1182 = arith.shrui %bitcast_convert_type3A_1179, %shift_right_logical3A_1181 : vector<16xi32>
        %sub3A_1183 = arith.constant 127 : i32
        %sub3A_1184 = vector.broadcast %sub3A_1183 : i32 to vector<16xi32>
        %sub3A_1185 = arith.subi %shift_right_logical3A_1182, %sub3A_1184 : vector<16xi32>
        %and3A_1186 = arith.constant 8388607 : i32
        %and3A_1187 = vector.broadcast %and3A_1186 : i32 to vector<16xi32>
        %and3A_1188 = arith.andi %bitcast_convert_type3A_1179, %and3A_1187 : vector<16xi32>
        %or3A_1189 = arith.constant 1065353216 : i32
        %or3A_1190 = vector.broadcast %or3A_1189 : i32 to vector<16xi32>
        %or3A_1191 = arith.ori %and3A_1188, %or3A_1190 : vector<16xi32>
        %bitcast_convert_type3A_1192 = tpu.bitcast %or3A_1191 : vector<16xi32> -> vector<16xf32>
        %sub3A_1193 = arith.constant 1.000000e+00 : f32
        %sub3A_1194 = vector.broadcast %sub3A_1193 : f32 to vector<16xf32>
        %sub3A_1195 = arith.subf %bitcast_convert_type3A_1192, %sub3A_1194 : vector<16xf32>
        %add3A_1196 = arith.constant 1.000000e+00 : f32
        %add3A_1197 = vector.broadcast %add3A_1196 : f32 to vector<16xf32>
        %add3A_1198 = arith.addf %bitcast_convert_type3A_1192, %add3A_1197 : vector<16xf32>
        %div3A_1199 = arith.divf %sub3A_1195, %add3A_1198 : vector<16xf32>
        %mul3A_1200 = arith.mulf %div3A_1199, %div3A_1199 : vector<16xf32>
        %mul3A_1201 = arith.constant 0.0769230798 : f32
        %mul3A_1202 = vector.broadcast %mul3A_1201 : f32 to vector<16xf32>
        %mul3A_1203 = arith.mulf %mul3A_1200, %mul3A_1202 : vector<16xf32>
        %add3A_1204 = arith.constant 0.0909090936 : f32
        %add3A_1205 = vector.broadcast %add3A_1204 : f32 to vector<16xf32>
        %add3A_1206 = arith.addf %add3A_1205, %mul3A_1203 : vector<16xf32>
        %mul3A_1207 = arith.mulf %mul3A_1200, %add3A_1206 : vector<16xf32>
        %add3A_1208 = arith.constant 0.111111112 : f32
        %add3A_1209 = vector.broadcast %add3A_1208 : f32 to vector<16xf32>
        %add3A_1210 = arith.addf %add3A_1209, %mul3A_1207 : vector<16xf32>
        %mul3A_1211 = arith.mulf %mul3A_1200, %add3A_1210 : vector<16xf32>
        %add3A_1212 = arith.constant 0.142857149 : f32
        %add3A_1213 = vector.broadcast %add3A_1212 : f32 to vector<16xf32>
        %add3A_1214 = arith.addf %add3A_1213, %mul3A_1211 : vector<16xf32>
        %mul3A_1215 = arith.mulf %mul3A_1200, %add3A_1214 : vector<16xf32>
        %add3A_1216 = arith.constant 2.000000e-01 : f32
        %add3A_1217 = vector.broadcast %add3A_1216 : f32 to vector<16xf32>
        %add3A_1218 = arith.addf %add3A_1217, %mul3A_1215 : vector<16xf32>
        %mul3A_1219 = arith.mulf %mul3A_1200, %add3A_1218 : vector<16xf32>
        %add3A_1220 = arith.constant 0.333333343 : f32
        %add3A_1221 = vector.broadcast %add3A_1220 : f32 to vector<16xf32>
        %add3A_1222 = arith.addf %add3A_1221, %mul3A_1219 : vector<16xf32>
        %mul3A_1223 = arith.constant 2.000000e+00 : f32
        %mul3A_1224 = vector.broadcast %mul3A_1223 : f32 to vector<16xf32>
        %mul3A_1225 = arith.mulf %mul3A_1224, %div3A_1199 : vector<16xf32>
        %mul3A_1226 = arith.mulf %mul3A_1200, %add3A_1222 : vector<16xf32>
        %add3A_1227 = arith.constant 1.000000e+00 : f32
        %add3A_1228 = vector.broadcast %add3A_1227 : f32 to vector<16xf32>
        %add3A_1229 = arith.addf %add3A_1228, %mul3A_1226 : vector<16xf32>
        %mul3A_1230 = arith.mulf %mul3A_1225, %add3A_1229 : vector<16xf32>
        %convert_element_type3A_1231 = arith.sitofp %sub3A_1185 : vector<16xi32> to vector<16xf32>
        %mul3A_1232 = arith.constant 0.693147182 : f32
        %mul3A_1233 = vector.broadcast %mul3A_1232 : f32 to vector<16xf32>
        %mul3A_1234 = arith.mulf %convert_element_type3A_1231, %mul3A_1233 : vector<16xf32>
        %add3A_1235 = arith.addf %mul3A_1234, %mul3A_1230 : vector<16xf32>
        %neg3A_1236 = arith.constant 0.000000e+00 : f32
        %neg3A_1237 = vector.broadcast %neg3A_1236 : f32 to vector<16xf32>
        %neg3A_1238 = arith.subf %neg3A_1237, %add3A_1235 : vector<16xf32>
        %mul3A_1239 = arith.mulf %neg3A_1238, %get3A_123 : vector<16xf32>
        %lt3A_1240 = arith.cmpf olt, %mul3A_1239, %while3A_115 : vector<16xf32>
        %select_n3A_1241 = arith.select %lt3A_1240, %mul3A_1239, %while3A_115 : vector<16xi1>, vector<16xf32>
        %select_n3A_1242 = arith.select %lt3A_1240, %get3A_127, %while3A_119 : vector<16xi1>, vector<16xi32>
        scf.yield %select_n3A, %select_n3A_677, %select_n3A_959, %select_n3A_1241, %select_n3A_396, %select_n3A_678, %select_n3A_960, %select_n3A_1242 : vector<16xf32>, vector<16xf32>, vector<16xf32>, vector<16xf32>, vector<16xi32>, vector<16xi32>, vector<16xi32>, vector<16xi32>
      }
      %add3A_76 = arith.addi %while3A_75#4, %get3A_5 : vector<16xi32>
      %mul3A_77 = arith.constant 64 : i32
      %mul3A_78 = arith.muli %scan3A_18, %mul3A_77 : i32
      %add3A_79 = arith.constant 0 : i32
      %add3A_80 = arith.addi %mul3A_78, %add3A_79 : i32
      %swap3A = arith.index_cast %add3A_80 : i32 to index
      %swap3A_81 = tpu.vector_load %arg13[%swap3A] {strides = array<i32>} : memref<4096xi32, #tpu.memory_space<vmem>>, vector<16xi32>,
      %swap3A_82 = vector.shape_cast %swap3A_81 : vector<16xi32> to vector<16xi32>
      %swap3A_83 = vector.shape_cast %add3A_76 : vector<16xi32> to vector<16xi32>
      tpu.vector_store %arg13[%swap3A], %swap3A_83 {strides = array<i32>} : memref<4096xi32, #tpu.memory_space<vmem>>, vector<16xi32>,
      %add3A_84 = arith.addi %while3A_75#5, %get3A_5 : vector<16xi32>
      %mul3A_85 = arith.constant 64 : i32
      %mul3A_86 = arith.muli %scan3A_18, %mul3A_85 : i32
      %add3A_87 = arith.constant 16 : i32
      %add3A_88 = arith.addi %mul3A_86, %add3A_87 : i32
      %swap3A_89 = arith.index_cast %add3A_88 : i32 to index
      %swap3A_90 = tpu.vector_load %arg13[%swap3A_89] {strides = array<i32>} : memref<4096xi32, #tpu.memory_space<vmem>>, vector<16xi32>,
      %swap3A_91 = vector.shape_cast %swap3A_90 : vector<16xi32> to vector<16xi32>
      %swap3A_92 = vector.shape_cast %add3A_84 : vector<16xi32> to vector<16xi32>
      tpu.vector_store %arg13[%swap3A_89], %swap3A_92 {strides = array<i32>} : memref<4096xi32, #tpu.memory_space<vmem>>, vector<16xi32>,
      %add3A_93 = arith.addi %while3A_75#6, %get3A_5 : vector<16xi32>
      %mul3A_94 = arith.constant 64 : i32
      %mul3A_95 = arith.muli %scan3A_18, %mul3A_94 : i32
      %add3A_96 = arith.constant 32 : i32
      %add3A_97 = arith.addi %mul3A_95, %add3A_96 : i32
      %swap3A_98 = arith.index_cast %add3A_97 : i32 to index
      %swap3A_99 = tpu.vector_load %arg13[%swap3A_98] {strides = array<i32>} : memref<4096xi32, #tpu.memory_space<vmem>>, vector<16xi32>,
      %swap3A_100 = vector.shape_cast %swap3A_99 : vector<16xi32> to vector<16xi32>
      %swap3A_101 = vector.shape_cast %add3A_93 : vector<16xi32> to vector<16xi32>
      tpu.vector_store %arg13[%swap3A_98], %swap3A_101 {strides = array<i32>} : memref<4096xi32, #tpu.memory_space<vmem>>, vector<16xi32>,
      %add3A_102 = arith.addi %while3A_75#7, %get3A_5 : vector<16xi32>
      %mul3A_103 = arith.constant 64 : i32
      %mul3A_104 = arith.muli %scan3A_18, %mul3A_103 : i32
      %add3A_105 = arith.constant 48 : i32
      %add3A_106 = arith.addi %mul3A_104, %add3A_105 : i32
      %swap3A_107 = arith.index_cast %add3A_106 : i32 to index
      %swap3A_108 = tpu.vector_load %arg13[%swap3A_107] {strides = array<i32>} : memref<4096xi32, #tpu.memory_space<vmem>>, vector<16xi32>,
      %swap3A_109 = vector.shape_cast %swap3A_108 : vector<16xi32> to vector<16xi32>
      %swap3A_110 = vector.shape_cast %add3A_102 : vector<16xi32> to vector<16xi32>
      tpu.vector_store %arg13[%swap3A_107], %swap3A_110 {strides = array<i32>} : memref<4096xi32, #tpu.memory_space<vmem>>, vector<16xi32>,
    }
    %scan3A_15 = arith.constant 64 : i32
    %mul3A_16 = arith.constant 4096 : i32
    %mul3A_17 = arith.muli %add3A, %mul3A_16 : i32
    "tpu.region"() ({
      %run_scoped3A = tpu.sem_alloc : memref<!tpu.dma_semaphore, #tpu.memory_space<semaphore_mem>>
      %dma_start3A = tpu.memref_slice %arg7[%mul3A_17] : memref<131072xi32, #tpu.memory_space<hbm>> -> memref<4096xi32, #tpu.memory_space<hbm>>
      %dma_start3A_18 = tpu.memref_slice %arg7[%mul3A_17] : memref<131072xi32, #tpu.memory_space<hbm>> -> memref<4096xi32, #tpu.memory_space<hbm>>
      tpu.enqueue_dma source(%arg13 : memref<4096xi32, #tpu.memory_space<vmem>>) target(%dma_start3A_18 : memref<4096xi32, #tpu.memory_space<hbm>>) target_semaphore(%run_scoped3A : memref<!tpu.dma_semaphore, #tpu.memory_space<semaphore_mem>>)
      %dma_wait3A = tpu.memref_slice %arg7[%mul3A_17] : memref<131072xi32, #tpu.memory_space<hbm>> -> memref<4096xi32, #tpu.memory_space<hbm>>
      %dma_wait3A_19 = tpu.memref_slice %arg7[%mul3A_17] : memref<131072xi32, #tpu.memory_space<hbm>> -> memref<4096xi32, #tpu.memory_space<hbm>>
      tpu.wait_dma2 semaphore(%run_scoped3A : memref<!tpu.dma_semaphore, #tpu.memory_space<semaphore_mem>>) src(%arg13 : memref<4096xi32, #tpu.memory_space<vmem>>) dst(%dma_wait3A_19 : memref<4096xi32, #tpu.memory_space<hbm>>)
      tpu.yield
    }) : () -> ()
    return
  }
}

module attributes {stable_mosaic.version = 14 : i64} {
  func.func @_lambda_(%arg0: i32, %arg1: memref<1xi32, #tpu.memory_space<smem>>, %arg2: memref<75xi32, #tpu.memory_space<smem>>, %arg3: memref<75xf32, #tpu.memory_space<smem>>, %arg4: memref<1xi32, #tpu.memory_space<smem>>, %arg5: memref<1xi32, #tpu.memory_space<smem>>, %arg6: memref<1x64x128xi32, #tpu.memory_space<vmem>>) attributes {dimension_semantics = [#tpu.dimension_semantics<arbitrary>], iteration_bounds = array<i64: 112>, scalar_prefetch = 0 : i64, scratch_operands = 0 : i64, tpu.core_type = #tpu.core_type<tc>, window_params = [{transform_indices = @transform_0, window_bounds = array<i64: 1>}, {transform_indices = @transform_1, window_bounds = array<i64: 75>}, {transform_indices = @transform_2, window_bounds = array<i64: 75>}, {transform_indices = @transform_3, window_bounds = array<i64: 1>}, {transform_indices = @transform_4, window_bounds = array<i64: 1>}, {transform_indices = @transform_5, window_bounds = array<i64: 1, 64, 128>}]} {
    %iota3A = tpu.iota {dimensions = array<i32: 0>} : vector<64x128xi32>
    %iota3A_0 = tpu.iota {dimensions = array<i32: 1>} : vector<64x128xi32>
    %get3A = arith.constant 0 : index
    %get3A_1 = memref.load %arg1[%get3A] : memref<1xi32, #tpu.memory_space<smem>>
    %mul3A = arith.constant 64 : i32
    %mul3A_2 = arith.muli %arg0, %mul3A : i32
    %mul3A_3 = arith.constant 128 : i32
    %mul3A_4 = arith.muli %mul3A_2, %mul3A_3 : i32
    %add3A = arith.addi %get3A_1, %mul3A_4 : i32
    %mul3A_5 = arith.constant 128 : i32
    %mul3A_6 = vector.broadcast %mul3A_5 : i32 to vector<64x128xi32>
    %mul3A_7 = arith.muli %iota3A, %mul3A_6 : vector<64x128xi32>
    %add3A_8 = vector.broadcast %add3A : i32 to vector<64x128xi32>
    %add3A_9 = arith.addi %add3A_8, %mul3A_7 : vector<64x128xi32>
    %add3A_10 = arith.addi %add3A_9, %iota3A_0 : vector<64x128xi32>
    %mul3A_11 = arith.constant 75 : i32
    %mul3A_12 = vector.broadcast %mul3A_11 : i32 to vector<64x128xi32>
    %mul3A_13 = arith.muli %add3A_10, %mul3A_12 : vector<64x128xi32>
    %broadcast_in_dim3A = arith.constant 0xFF800000 : f32
    %broadcast_in_dim3A_14 = vector.broadcast %broadcast_in_dim3A : f32 to vector<64x128xf32>
    %broadcast_in_dim3A_15 = arith.constant 0 : i32
    %broadcast_in_dim3A_16 = vector.broadcast %broadcast_in_dim3A_15 : i32 to vector<64x128xi32>
    %get3A_17 = arith.constant 0 : index
    %get3A_18 = memref.load %arg4[%get3A_17] : memref<1xi32, #tpu.memory_space<smem>>
    %add3A_19 = arith.constant 4 : i32
    %add3A_20 = arith.addi %get3A_18, %add3A_19 : i32
    %sub3A = arith.constant 1 : i32
    %sub3A_21 = arith.subi %add3A_20, %sub3A : i32
    %jit3A = arith.constant 4 : i32
    %div3A = arith.divsi %sub3A_21, %jit3A : i32
    %sign3A = arith.constant 0 : i32
    %sign3A_22 = arith.cmpi sgt, %sub3A_21, %sign3A : i32
    %sign3A_23 = arith.extui %sign3A_22 : i1 to i32
    %sign3A_24 = arith.constant 0 : i32
    %sign3A_25 = arith.cmpi slt, %sub3A_21, %sign3A_24 : i32
    %sign3A_26 = arith.extui %sign3A_25 : i1 to i32
    %sign3A_27 = arith.subi %sign3A_23, %sign3A_26 : i32
    %sign3A_28 = arith.constant 0 : i32
    %sign3A_29 = arith.cmpi sgt, %jit3A, %sign3A_28 : i32
    %sign3A_30 = arith.extui %sign3A_29 : i1 to i32
    %sign3A_31 = arith.constant 0 : i32
    %sign3A_32 = arith.cmpi slt, %jit3A, %sign3A_31 : i32
    %sign3A_33 = arith.extui %sign3A_32 : i1 to i32
    %sign3A_34 = arith.subi %sign3A_30, %sign3A_33 : i32
    %ne3A = arith.cmpi ne, %sign3A_27, %sign3A_34 : i32
    %rem3A = arith.remsi %sub3A_21, %jit3A : i32
    %ne3A_35 = arith.constant 0 : i32
    %ne3A_36 = arith.cmpi ne, %rem3A, %ne3A_35 : i32
    %and3A = arith.andi %ne3A, %ne3A_36 : i1
    %sub3A_37 = arith.constant 1 : i32
    %sub3A_38 = arith.subi %div3A, %sub3A_37 : i32
    %select_n3A = arith.select %and3A, %sub3A_38, %div3A : i32
    %while3A = arith.constant 0 : i32
    %while3A_39 = arith.subi %select_n3A, %while3A : i32
    %while3A_40 = arith.addi %while3A, %while3A_39 : i32
    %while3A_41 = arith.constant 1 : i32
    %while3A_42 = arith.divsi %while3A_39, %while3A_41 : i32
    %while3A_43 = arith.muli %while3A_42, %while3A_41 : i32
    %while3A_44 = arith.addi %while3A, %while3A_43 : i32
    %while3A_45 = arith.constant 1 : i32
    %while3A_46:2 = scf.for %while3A_58 = %while3A to %while3A_44 step %while3A_45 iter_args(%while3A_59 = %broadcast_in_dim3A_14, %while3A_60 = %broadcast_in_dim3A_16) -> (vector<64x128xf32>, vector<64x128xi32>)  : i32 {
      %mul3A_61 = arith.constant 4 : i32
      %mul3A_62 = arith.muli %mul3A_61, %while3A_58 : i32
      %add3A_63 = arith.constant 0 : i32
      %add3A_64 = arith.addi %mul3A_62, %add3A_63 : i32
      %sub3A_65 = arith.constant 1 : i32
      %sub3A_66 = arith.subi %get3A_18, %sub3A_65 : i32
      %min3A = arith.minsi %add3A_64, %sub3A_66 : i32
      %get3A_67 = arith.index_cast %min3A : i32 to index
      %get3A_68 = memref.load %arg2[%get3A_67] : memref<75xi32, #tpu.memory_space<smem>>
      %add3A_69 = vector.broadcast %get3A_68 : i32 to vector<64x128xi32>
      %add3A_70 = arith.addi %mul3A_13, %add3A_69 : vector<64x128xi32>
      %broadcast_in_dim3A_71 = arith.constant 0 : i32
      %broadcast_in_dim3A_72 = vector.broadcast %broadcast_in_dim3A_71 : i32 to vector<64x128xi32>
      %add3A_73 = arith.addi %broadcast_in_dim3A_72, %add3A_70 : vector<64x128xi32>
      %shift_left3A = arith.constant 13 : i32
      %shift_left3A_74 = vector.broadcast %shift_left3A : i32 to vector<64x128xi32>
      %shift_left3A_75 = arith.shli %add3A_70, %shift_left3A_74 : vector<64x128xi32>
      %shift_right_logical3A = arith.constant 19 : i32
      %shift_right_logical3A_76 = vector.broadcast %shift_right_logical3A : i32 to vector<64x128xi32>
      %shift_right_logical3A_77 = arith.shrui %add3A_70, %shift_right_logical3A_76 : vector<64x128xi32>
      %or3A = arith.ori %shift_left3A_75, %shift_right_logical3A_77 : vector<64x128xi32>
      %xor3A = arith.xori %add3A_73, %or3A : vector<64x128xi32>
      %add3A_78 = arith.addi %add3A_73, %xor3A : vector<64x128xi32>
      %shift_left3A_79 = arith.constant 15 : i32
      %shift_left3A_80 = vector.broadcast %shift_left3A_79 : i32 to vector<64x128xi32>
      %shift_left3A_81 = arith.shli %xor3A, %shift_left3A_80 : vector<64x128xi32>
      %shift_right_logical3A_82 = arith.constant 17 : i32
      %shift_right_logical3A_83 = vector.broadcast %shift_right_logical3A_82 : i32 to vector<64x128xi32>
      %shift_right_logical3A_84 = arith.shrui %xor3A, %shift_right_logical3A_83 : vector<64x128xi32>
      %or3A_85 = arith.ori %shift_left3A_81, %shift_right_logical3A_84 : vector<64x128xi32>
      %xor3A_86 = arith.xori %add3A_78, %or3A_85 : vector<64x128xi32>
      %add3A_87 = arith.addi %add3A_78, %xor3A_86 : vector<64x128xi32>
      %shift_left3A_88 = arith.constant 26 : i32
      %shift_left3A_89 = vector.broadcast %shift_left3A_88 : i32 to vector<64x128xi32>
      %shift_left3A_90 = arith.shli %xor3A_86, %shift_left3A_89 : vector<64x128xi32>
      %shift_right_logical3A_91 = arith.constant 6 : i32
      %shift_right_logical3A_92 = vector.broadcast %shift_right_logical3A_91 : i32 to vector<64x128xi32>
      %shift_right_logical3A_93 = arith.shrui %xor3A_86, %shift_right_logical3A_92 : vector<64x128xi32>
      %or3A_94 = arith.ori %shift_left3A_90, %shift_right_logical3A_93 : vector<64x128xi32>
      %xor3A_95 = arith.xori %add3A_87, %or3A_94 : vector<64x128xi32>
      %add3A_96 = arith.addi %add3A_87, %xor3A_95 : vector<64x128xi32>
      %shift_left3A_97 = arith.constant 6 : i32
      %shift_left3A_98 = vector.broadcast %shift_left3A_97 : i32 to vector<64x128xi32>
      %shift_left3A_99 = arith.shli %xor3A_95, %shift_left3A_98 : vector<64x128xi32>
      %shift_right_logical3A_100 = arith.constant 26 : i32
      %shift_right_logical3A_101 = vector.broadcast %shift_right_logical3A_100 : i32 to vector<64x128xi32>
      %shift_right_logical3A_102 = arith.shrui %xor3A_95, %shift_right_logical3A_101 : vector<64x128xi32>
      %or3A_103 = arith.ori %shift_left3A_99, %shift_right_logical3A_102 : vector<64x128xi32>
      %xor3A_104 = arith.xori %add3A_96, %or3A_103 : vector<64x128xi32>
      %add3A_105 = arith.constant 466688987 : i32
      %add3A_106 = vector.broadcast %add3A_105 : i32 to vector<64x128xi32>
      %add3A_107 = arith.addi %xor3A_104, %add3A_106 : vector<64x128xi32>
      %add3A_108 = arith.addi %add3A_96, %add3A_107 : vector<64x128xi32>
      %shift_left3A_109 = arith.constant 17 : i32
      %shift_left3A_110 = vector.broadcast %shift_left3A_109 : i32 to vector<64x128xi32>
      %shift_left3A_111 = arith.shli %add3A_107, %shift_left3A_110 : vector<64x128xi32>
      %shift_right_logical3A_112 = arith.constant 15 : i32
      %shift_right_logical3A_113 = vector.broadcast %shift_right_logical3A_112 : i32 to vector<64x128xi32>
      %shift_right_logical3A_114 = arith.shrui %add3A_107, %shift_right_logical3A_113 : vector<64x128xi32>
      %or3A_115 = arith.ori %shift_left3A_111, %shift_right_logical3A_114 : vector<64x128xi32>
      %xor3A_116 = arith.xori %add3A_108, %or3A_115 : vector<64x128xi32>
      %add3A_117 = arith.addi %add3A_108, %xor3A_116 : vector<64x128xi32>
      %shift_left3A_118 = arith.constant 29 : i32
      %shift_left3A_119 = vector.broadcast %shift_left3A_118 : i32 to vector<64x128xi32>
      %shift_left3A_120 = arith.shli %xor3A_116, %shift_left3A_119 : vector<64x128xi32>
      %shift_right_logical3A_121 = arith.constant 3 : i32
      %shift_right_logical3A_122 = vector.broadcast %shift_right_logical3A_121 : i32 to vector<64x128xi32>
      %shift_right_logical3A_123 = arith.shrui %xor3A_116, %shift_right_logical3A_122 : vector<64x128xi32>
      %or3A_124 = arith.ori %shift_left3A_120, %shift_right_logical3A_123 : vector<64x128xi32>
      %xor3A_125 = arith.xori %add3A_117, %or3A_124 : vector<64x128xi32>
      %add3A_126 = arith.addi %add3A_117, %xor3A_125 : vector<64x128xi32>
      %shift_left3A_127 = arith.constant 16 : i32
      %shift_left3A_128 = vector.broadcast %shift_left3A_127 : i32 to vector<64x128xi32>
      %shift_left3A_129 = arith.shli %xor3A_125, %shift_left3A_128 : vector<64x128xi32>
      %shift_right_logical3A_130 = arith.constant 16 : i32
      %shift_right_logical3A_131 = vector.broadcast %shift_right_logical3A_130 : i32 to vector<64x128xi32>
      %shift_right_logical3A_132 = arith.shrui %xor3A_125, %shift_right_logical3A_131 : vector<64x128xi32>
      %or3A_133 = arith.ori %shift_left3A_129, %shift_right_logical3A_132 : vector<64x128xi32>
      %xor3A_134 = arith.xori %add3A_126, %or3A_133 : vector<64x128xi32>
      %add3A_135 = arith.addi %add3A_126, %xor3A_134 : vector<64x128xi32>
      %shift_left3A_136 = arith.constant 24 : i32
      %shift_left3A_137 = vector.broadcast %shift_left3A_136 : i32 to vector<64x128xi32>
      %shift_left3A_138 = arith.shli %xor3A_134, %shift_left3A_137 : vector<64x128xi32>
      %shift_right_logical3A_139 = arith.constant 8 : i32
      %shift_right_logical3A_140 = vector.broadcast %shift_right_logical3A_139 : i32 to vector<64x128xi32>
      %shift_right_logical3A_141 = arith.shrui %xor3A_134, %shift_right_logical3A_140 : vector<64x128xi32>
      %or3A_142 = arith.ori %shift_left3A_138, %shift_right_logical3A_141 : vector<64x128xi32>
      %xor3A_143 = arith.xori %add3A_135, %or3A_142 : vector<64x128xi32>
      %add3A_144 = arith.constant 466688986 : i32
      %add3A_145 = vector.broadcast %add3A_144 : i32 to vector<64x128xi32>
      %add3A_146 = arith.addi %add3A_135, %add3A_145 : vector<64x128xi32>
      %add3A_147 = arith.constant 2 : i32
      %add3A_148 = vector.broadcast %add3A_147 : i32 to vector<64x128xi32>
      %add3A_149 = arith.addi %xor3A_143, %add3A_148 : vector<64x128xi32>
      %add3A_150 = arith.addi %add3A_146, %add3A_149 : vector<64x128xi32>
      %shift_left3A_151 = arith.constant 13 : i32
      %shift_left3A_152 = vector.broadcast %shift_left3A_151 : i32 to vector<64x128xi32>
      %shift_left3A_153 = arith.shli %add3A_149, %shift_left3A_152 : vector<64x128xi32>
      %shift_right_logical3A_154 = arith.constant 19 : i32
      %shift_right_logical3A_155 = vector.broadcast %shift_right_logical3A_154 : i32 to vector<64x128xi32>
      %shift_right_logical3A_156 = arith.shrui %add3A_149, %shift_right_logical3A_155 : vector<64x128xi32>
      %or3A_157 = arith.ori %shift_left3A_153, %shift_right_logical3A_156 : vector<64x128xi32>
      %xor3A_158 = arith.xori %add3A_150, %or3A_157 : vector<64x128xi32>
      %add3A_159 = arith.addi %add3A_150, %xor3A_158 : vector<64x128xi32>
      %shift_left3A_160 = arith.constant 15 : i32
      %shift_left3A_161 = vector.broadcast %shift_left3A_160 : i32 to vector<64x128xi32>
      %shift_left3A_162 = arith.shli %xor3A_158, %shift_left3A_161 : vector<64x128xi32>
      %shift_right_logical3A_163 = arith.constant 17 : i32
      %shift_right_logical3A_164 = vector.broadcast %shift_right_logical3A_163 : i32 to vector<64x128xi32>
      %shift_right_logical3A_165 = arith.shrui %xor3A_158, %shift_right_logical3A_164 : vector<64x128xi32>
      %or3A_166 = arith.ori %shift_left3A_162, %shift_right_logical3A_165 : vector<64x128xi32>
      %xor3A_167 = arith.xori %add3A_159, %or3A_166 : vector<64x128xi32>
      %add3A_168 = arith.addi %add3A_159, %xor3A_167 : vector<64x128xi32>
      %shift_left3A_169 = arith.constant 26 : i32
      %shift_left3A_170 = vector.broadcast %shift_left3A_169 : i32 to vector<64x128xi32>
      %shift_left3A_171 = arith.shli %xor3A_167, %shift_left3A_170 : vector<64x128xi32>
      %shift_right_logical3A_172 = arith.constant 6 : i32
      %shift_right_logical3A_173 = vector.broadcast %shift_right_logical3A_172 : i32 to vector<64x128xi32>
      %shift_right_logical3A_174 = arith.shrui %xor3A_167, %shift_right_logical3A_173 : vector<64x128xi32>
      %or3A_175 = arith.ori %shift_left3A_171, %shift_right_logical3A_174 : vector<64x128xi32>
      %xor3A_176 = arith.xori %add3A_168, %or3A_175 : vector<64x128xi32>
      %add3A_177 = arith.addi %add3A_168, %xor3A_176 : vector<64x128xi32>
      %shift_left3A_178 = arith.constant 6 : i32
      %shift_left3A_179 = vector.broadcast %shift_left3A_178 : i32 to vector<64x128xi32>
      %shift_left3A_180 = arith.shli %xor3A_176, %shift_left3A_179 : vector<64x128xi32>
      %shift_right_logical3A_181 = arith.constant 26 : i32
      %shift_right_logical3A_182 = vector.broadcast %shift_right_logical3A_181 : i32 to vector<64x128xi32>
      %shift_right_logical3A_183 = arith.shrui %xor3A_176, %shift_right_logical3A_182 : vector<64x128xi32>
      %or3A_184 = arith.ori %shift_left3A_180, %shift_right_logical3A_183 : vector<64x128xi32>
      %xor3A_185 = arith.xori %add3A_177, %or3A_184 : vector<64x128xi32>
      %add3A_186 = arith.constant 3 : i32
      %add3A_187 = vector.broadcast %add3A_186 : i32 to vector<64x128xi32>
      %add3A_188 = arith.addi %xor3A_185, %add3A_187 : vector<64x128xi32>
      %add3A_189 = arith.addi %add3A_177, %add3A_188 : vector<64x128xi32>
      %shift_left3A_190 = arith.constant 17 : i32
      %shift_left3A_191 = vector.broadcast %shift_left3A_190 : i32 to vector<64x128xi32>
      %shift_left3A_192 = arith.shli %add3A_188, %shift_left3A_191 : vector<64x128xi32>
      %shift_right_logical3A_193 = arith.constant 15 : i32
      %shift_right_logical3A_194 = vector.broadcast %shift_right_logical3A_193 : i32 to vector<64x128xi32>
      %shift_right_logical3A_195 = arith.shrui %add3A_188, %shift_right_logical3A_194 : vector<64x128xi32>
      %or3A_196 = arith.ori %shift_left3A_192, %shift_right_logical3A_195 : vector<64x128xi32>
      %xor3A_197 = arith.xori %add3A_189, %or3A_196 : vector<64x128xi32>
      %add3A_198 = arith.addi %add3A_189, %xor3A_197 : vector<64x128xi32>
      %shift_left3A_199 = arith.constant 29 : i32
      %shift_left3A_200 = vector.broadcast %shift_left3A_199 : i32 to vector<64x128xi32>
      %shift_left3A_201 = arith.shli %xor3A_197, %shift_left3A_200 : vector<64x128xi32>
      %shift_right_logical3A_202 = arith.constant 3 : i32
      %shift_right_logical3A_203 = vector.broadcast %shift_right_logical3A_202 : i32 to vector<64x128xi32>
      %shift_right_logical3A_204 = arith.shrui %xor3A_197, %shift_right_logical3A_203 : vector<64x128xi32>
      %or3A_205 = arith.ori %shift_left3A_201, %shift_right_logical3A_204 : vector<64x128xi32>
      %xor3A_206 = arith.xori %add3A_198, %or3A_205 : vector<64x128xi32>
      %add3A_207 = arith.addi %add3A_198, %xor3A_206 : vector<64x128xi32>
      %shift_left3A_208 = arith.constant 16 : i32
      %shift_left3A_209 = vector.broadcast %shift_left3A_208 : i32 to vector<64x128xi32>
      %shift_left3A_210 = arith.shli %xor3A_206, %shift_left3A_209 : vector<64x128xi32>
      %shift_right_logical3A_211 = arith.constant 16 : i32
      %shift_right_logical3A_212 = vector.broadcast %shift_right_logical3A_211 : i32 to vector<64x128xi32>
      %shift_right_logical3A_213 = arith.shrui %xor3A_206, %shift_right_logical3A_212 : vector<64x128xi32>
      %or3A_214 = arith.ori %shift_left3A_210, %shift_right_logical3A_213 : vector<64x128xi32>
      %xor3A_215 = arith.xori %add3A_207, %or3A_214 : vector<64x128xi32>
      %add3A_216 = arith.addi %add3A_207, %xor3A_215 : vector<64x128xi32>
      %shift_left3A_217 = arith.constant 24 : i32
      %shift_left3A_218 = vector.broadcast %shift_left3A_217 : i32 to vector<64x128xi32>
      %shift_left3A_219 = arith.shli %xor3A_215, %shift_left3A_218 : vector<64x128xi32>
      %shift_right_logical3A_220 = arith.constant 8 : i32
      %shift_right_logical3A_221 = vector.broadcast %shift_right_logical3A_220 : i32 to vector<64x128xi32>
      %shift_right_logical3A_222 = arith.shrui %xor3A_215, %shift_right_logical3A_221 : vector<64x128xi32>
      %or3A_223 = arith.ori %shift_left3A_219, %shift_right_logical3A_222 : vector<64x128xi32>
      %xor3A_224 = arith.xori %add3A_216, %or3A_223 : vector<64x128xi32>
      %add3A_225 = arith.constant 466688990 : i32
      %add3A_226 = vector.broadcast %add3A_225 : i32 to vector<64x128xi32>
      %add3A_227 = arith.addi %xor3A_224, %add3A_226 : vector<64x128xi32>
      %add3A_228 = arith.addi %add3A_216, %add3A_227 : vector<64x128xi32>
      %shift_left3A_229 = arith.constant 13 : i32
      %shift_left3A_230 = vector.broadcast %shift_left3A_229 : i32 to vector<64x128xi32>
      %shift_left3A_231 = arith.shli %add3A_227, %shift_left3A_230 : vector<64x128xi32>
      %shift_right_logical3A_232 = arith.constant 19 : i32
      %shift_right_logical3A_233 = vector.broadcast %shift_right_logical3A_232 : i32 to vector<64x128xi32>
      %shift_right_logical3A_234 = arith.shrui %add3A_227, %shift_right_logical3A_233 : vector<64x128xi32>
      %or3A_235 = arith.ori %shift_left3A_231, %shift_right_logical3A_234 : vector<64x128xi32>
      %xor3A_236 = arith.xori %add3A_228, %or3A_235 : vector<64x128xi32>
      %add3A_237 = arith.addi %add3A_228, %xor3A_236 : vector<64x128xi32>
      %shift_left3A_238 = arith.constant 15 : i32
      %shift_left3A_239 = vector.broadcast %shift_left3A_238 : i32 to vector<64x128xi32>
      %shift_left3A_240 = arith.shli %xor3A_236, %shift_left3A_239 : vector<64x128xi32>
      %shift_right_logical3A_241 = arith.constant 17 : i32
      %shift_right_logical3A_242 = vector.broadcast %shift_right_logical3A_241 : i32 to vector<64x128xi32>
      %shift_right_logical3A_243 = arith.shrui %xor3A_236, %shift_right_logical3A_242 : vector<64x128xi32>
      %or3A_244 = arith.ori %shift_left3A_240, %shift_right_logical3A_243 : vector<64x128xi32>
      %xor3A_245 = arith.xori %add3A_237, %or3A_244 : vector<64x128xi32>
      %add3A_246 = arith.addi %add3A_237, %xor3A_245 : vector<64x128xi32>
      %shift_left3A_247 = arith.constant 26 : i32
      %shift_left3A_248 = vector.broadcast %shift_left3A_247 : i32 to vector<64x128xi32>
      %shift_left3A_249 = arith.shli %xor3A_245, %shift_left3A_248 : vector<64x128xi32>
      %shift_right_logical3A_250 = arith.constant 6 : i32
      %shift_right_logical3A_251 = vector.broadcast %shift_right_logical3A_250 : i32 to vector<64x128xi32>
      %shift_right_logical3A_252 = arith.shrui %xor3A_245, %shift_right_logical3A_251 : vector<64x128xi32>
      %or3A_253 = arith.ori %shift_left3A_249, %shift_right_logical3A_252 : vector<64x128xi32>
      %xor3A_254 = arith.xori %add3A_246, %or3A_253 : vector<64x128xi32>
      %add3A_255 = arith.addi %add3A_246, %xor3A_254 : vector<64x128xi32>
      %shift_left3A_256 = arith.constant 6 : i32
      %shift_left3A_257 = vector.broadcast %shift_left3A_256 : i32 to vector<64x128xi32>
      %shift_left3A_258 = arith.shli %xor3A_254, %shift_left3A_257 : vector<64x128xi32>
      %shift_right_logical3A_259 = arith.constant 26 : i32
      %shift_right_logical3A_260 = vector.broadcast %shift_right_logical3A_259 : i32 to vector<64x128xi32>
      %shift_right_logical3A_261 = arith.shrui %xor3A_254, %shift_right_logical3A_260 : vector<64x128xi32>
      %or3A_262 = arith.ori %shift_left3A_258, %shift_right_logical3A_261 : vector<64x128xi32>
      %xor3A_263 = arith.xori %add3A_255, %or3A_262 : vector<64x128xi32>
      %add3A_264 = arith.constant 466688986 : i32
      %add3A_265 = vector.broadcast %add3A_264 : i32 to vector<64x128xi32>
      %add3A_266 = arith.addi %add3A_255, %add3A_265 : vector<64x128xi32>
      %add3A_267 = arith.constant 5 : i32
      %add3A_268 = vector.broadcast %add3A_267 : i32 to vector<64x128xi32>
      %add3A_269 = arith.addi %xor3A_263, %add3A_268 : vector<64x128xi32>
      %xor3A_270 = arith.xori %add3A_266, %add3A_269 : vector<64x128xi32>
      %shift_right_logical3A_271 = arith.constant 9 : i32
      %shift_right_logical3A_272 = vector.broadcast %shift_right_logical3A_271 : i32 to vector<64x128xi32>
      %shift_right_logical3A_273 = arith.shrui %xor3A_270, %shift_right_logical3A_272 : vector<64x128xi32>
      %or3A_274 = arith.constant 1065353216 : i32
      %or3A_275 = vector.broadcast %or3A_274 : i32 to vector<64x128xi32>
      %or3A_276 = arith.ori %shift_right_logical3A_273, %or3A_275 : vector<64x128xi32>
      %bitcast_convert_type3A = tpu.bitcast %or3A_276 : vector<64x128xi32> -> vector<64x128xf32>
      %sub3A_277 = arith.constant 1.000000e+00 : f32
      %sub3A_278 = vector.broadcast %sub3A_277 : f32 to vector<64x128xf32>
      %sub3A_279 = arith.subf %bitcast_convert_type3A, %sub3A_278 : vector<64x128xf32>
      %max3A = arith.constant 1.17549435E-38 : f32
      %max3A_280 = vector.broadcast %max3A : f32 to vector<64x128xf32>
      %max3A_281 = arith.maximumf %max3A_280, %sub3A_279 : vector<64x128xf32>
      %log3A = math.log %max3A_281 : vector<64x128xf32>
      %neg3A = arith.constant 0.000000e+00 : f32
      %neg3A_282 = vector.broadcast %neg3A : f32 to vector<64x128xf32>
      %neg3A_283 = arith.subf %neg3A_282, %log3A : vector<64x128xf32>
      %log3A_284 = math.log %neg3A_283 : vector<64x128xf32>
      %neg3A_285 = arith.constant 0.000000e+00 : f32
      %neg3A_286 = vector.broadcast %neg3A_285 : f32 to vector<64x128xf32>
      %neg3A_287 = arith.subf %neg3A_286, %log3A_284 : vector<64x128xf32>
      %get3A_288 = arith.index_cast %min3A : i32 to index
      %get3A_289 = memref.load %arg3[%get3A_288] : memref<75xf32, #tpu.memory_space<smem>>
      %add3A_290 = vector.broadcast %get3A_289 : f32 to vector<64x128xf32>
      %add3A_291 = arith.addf %neg3A_287, %add3A_290 : vector<64x128xf32>
      %mul3A_292 = arith.constant 4 : i32
      %mul3A_293 = arith.muli %mul3A_292, %while3A_58 : i32
      %add3A_294 = arith.constant 1 : i32
      %add3A_295 = arith.addi %mul3A_293, %add3A_294 : i32
      %sub3A_296 = arith.constant 1 : i32
      %sub3A_297 = arith.subi %get3A_18, %sub3A_296 : i32
      %min3A_298 = arith.minsi %add3A_295, %sub3A_297 : i32
      %get3A_299 = arith.index_cast %min3A_298 : i32 to index
      %get3A_300 = memref.load %arg2[%get3A_299] : memref<75xi32, #tpu.memory_space<smem>>
      %add3A_301 = vector.broadcast %get3A_300 : i32 to vector<64x128xi32>
      %add3A_302 = arith.addi %mul3A_13, %add3A_301 : vector<64x128xi32>
      %broadcast_in_dim3A_303 = arith.constant 0 : i32
      %broadcast_in_dim3A_304 = vector.broadcast %broadcast_in_dim3A_303 : i32 to vector<64x128xi32>
      %add3A_305 = arith.addi %broadcast_in_dim3A_304, %add3A_302 : vector<64x128xi32>
      %shift_left3A_306 = arith.constant 13 : i32
      %shift_left3A_307 = vector.broadcast %shift_left3A_306 : i32 to vector<64x128xi32>
      %shift_left3A_308 = arith.shli %add3A_302, %shift_left3A_307 : vector<64x128xi32>
      %shift_right_logical3A_309 = arith.constant 19 : i32
      %shift_right_logical3A_310 = vector.broadcast %shift_right_logical3A_309 : i32 to vector<64x128xi32>
      %shift_right_logical3A_311 = arith.shrui %add3A_302, %shift_right_logical3A_310 : vector<64x128xi32>
      %or3A_312 = arith.ori %shift_left3A_308, %shift_right_logical3A_311 : vector<64x128xi32>
      %xor3A_313 = arith.xori %add3A_305, %or3A_312 : vector<64x128xi32>
      %add3A_314 = arith.addi %add3A_305, %xor3A_313 : vector<64x128xi32>
      %shift_left3A_315 = arith.constant 15 : i32
      %shift_left3A_316 = vector.broadcast %shift_left3A_315 : i32 to vector<64x128xi32>
      %shift_left3A_317 = arith.shli %xor3A_313, %shift_left3A_316 : vector<64x128xi32>
      %shift_right_logical3A_318 = arith.constant 17 : i32
      %shift_right_logical3A_319 = vector.broadcast %shift_right_logical3A_318 : i32 to vector<64x128xi32>
      %shift_right_logical3A_320 = arith.shrui %xor3A_313, %shift_right_logical3A_319 : vector<64x128xi32>
      %or3A_321 = arith.ori %shift_left3A_317, %shift_right_logical3A_320 : vector<64x128xi32>
      %xor3A_322 = arith.xori %add3A_314, %or3A_321 : vector<64x128xi32>
      %add3A_323 = arith.addi %add3A_314, %xor3A_322 : vector<64x128xi32>
      %shift_left3A_324 = arith.constant 26 : i32
      %shift_left3A_325 = vector.broadcast %shift_left3A_324 : i32 to vector<64x128xi32>
      %shift_left3A_326 = arith.shli %xor3A_322, %shift_left3A_325 : vector<64x128xi32>
      %shift_right_logical3A_327 = arith.constant 6 : i32
      %shift_right_logical3A_328 = vector.broadcast %shift_right_logical3A_327 : i32 to vector<64x128xi32>
      %shift_right_logical3A_329 = arith.shrui %xor3A_322, %shift_right_logical3A_328 : vector<64x128xi32>
      %or3A_330 = arith.ori %shift_left3A_326, %shift_right_logical3A_329 : vector<64x128xi32>
      %xor3A_331 = arith.xori %add3A_323, %or3A_330 : vector<64x128xi32>
      %add3A_332 = arith.addi %add3A_323, %xor3A_331 : vector<64x128xi32>
      %shift_left3A_333 = arith.constant 6 : i32
      %shift_left3A_334 = vector.broadcast %shift_left3A_333 : i32 to vector<64x128xi32>
      %shift_left3A_335 = arith.shli %xor3A_331, %shift_left3A_334 : vector<64x128xi32>
      %shift_right_logical3A_336 = arith.constant 26 : i32
      %shift_right_logical3A_337 = vector.broadcast %shift_right_logical3A_336 : i32 to vector<64x128xi32>
      %shift_right_logical3A_338 = arith.shrui %xor3A_331, %shift_right_logical3A_337 : vector<64x128xi32>
      %or3A_339 = arith.ori %shift_left3A_335, %shift_right_logical3A_338 : vector<64x128xi32>
      %xor3A_340 = arith.xori %add3A_332, %or3A_339 : vector<64x128xi32>
      %add3A_341 = arith.constant 466688987 : i32
      %add3A_342 = vector.broadcast %add3A_341 : i32 to vector<64x128xi32>
      %add3A_343 = arith.addi %xor3A_340, %add3A_342 : vector<64x128xi32>
      %add3A_344 = arith.addi %add3A_332, %add3A_343 : vector<64x128xi32>
      %shift_left3A_345 = arith.constant 17 : i32
      %shift_left3A_346 = vector.broadcast %shift_left3A_345 : i32 to vector<64x128xi32>
      %shift_left3A_347 = arith.shli %add3A_343, %shift_left3A_346 : vector<64x128xi32>
      %shift_right_logical3A_348 = arith.constant 15 : i32
      %shift_right_logical3A_349 = vector.broadcast %shift_right_logical3A_348 : i32 to vector<64x128xi32>
      %shift_right_logical3A_350 = arith.shrui %add3A_343, %shift_right_logical3A_349 : vector<64x128xi32>
      %or3A_351 = arith.ori %shift_left3A_347, %shift_right_logical3A_350 : vector<64x128xi32>
      %xor3A_352 = arith.xori %add3A_344, %or3A_351 : vector<64x128xi32>
      %add3A_353 = arith.addi %add3A_344, %xor3A_352 : vector<64x128xi32>
      %shift_left3A_354 = arith.constant 29 : i32
      %shift_left3A_355 = vector.broadcast %shift_left3A_354 : i32 to vector<64x128xi32>
      %shift_left3A_356 = arith.shli %xor3A_352, %shift_left3A_355 : vector<64x128xi32>
      %shift_right_logical3A_357 = arith.constant 3 : i32
      %shift_right_logical3A_358 = vector.broadcast %shift_right_logical3A_357 : i32 to vector<64x128xi32>
      %shift_right_logical3A_359 = arith.shrui %xor3A_352, %shift_right_logical3A_358 : vector<64x128xi32>
      %or3A_360 = arith.ori %shift_left3A_356, %shift_right_logical3A_359 : vector<64x128xi32>
      %xor3A_361 = arith.xori %add3A_353, %or3A_360 : vector<64x128xi32>
      %add3A_362 = arith.addi %add3A_353, %xor3A_361 : vector<64x128xi32>
      %shift_left3A_363 = arith.constant 16 : i32
      %shift_left3A_364 = vector.broadcast %shift_left3A_363 : i32 to vector<64x128xi32>
      %shift_left3A_365 = arith.shli %xor3A_361, %shift_left3A_364 : vector<64x128xi32>
      %shift_right_logical3A_366 = arith.constant 16 : i32
      %shift_right_logical3A_367 = vector.broadcast %shift_right_logical3A_366 : i32 to vector<64x128xi32>
      %shift_right_logical3A_368 = arith.shrui %xor3A_361, %shift_right_logical3A_367 : vector<64x128xi32>
      %or3A_369 = arith.ori %shift_left3A_365, %shift_right_logical3A_368 : vector<64x128xi32>
      %xor3A_370 = arith.xori %add3A_362, %or3A_369 : vector<64x128xi32>
      %add3A_371 = arith.addi %add3A_362, %xor3A_370 : vector<64x128xi32>
      %shift_left3A_372 = arith.constant 24 : i32
      %shift_left3A_373 = vector.broadcast %shift_left3A_372 : i32 to vector<64x128xi32>
      %shift_left3A_374 = arith.shli %xor3A_370, %shift_left3A_373 : vector<64x128xi32>
      %shift_right_logical3A_375 = arith.constant 8 : i32
      %shift_right_logical3A_376 = vector.broadcast %shift_right_logical3A_375 : i32 to vector<64x128xi32>
      %shift_right_logical3A_377 = arith.shrui %xor3A_370, %shift_right_logical3A_376 : vector<64x128xi32>
      %or3A_378 = arith.ori %shift_left3A_374, %shift_right_logical3A_377 : vector<64x128xi32>
      %xor3A_379 = arith.xori %add3A_371, %or3A_378 : vector<64x128xi32>
      %add3A_380 = arith.constant 466688986 : i32
      %add3A_381 = vector.broadcast %add3A_380 : i32 to vector<64x128xi32>
      %add3A_382 = arith.addi %add3A_371, %add3A_381 : vector<64x128xi32>
      %add3A_383 = arith.constant 2 : i32
      %add3A_384 = vector.broadcast %add3A_383 : i32 to vector<64x128xi32>
      %add3A_385 = arith.addi %xor3A_379, %add3A_384 : vector<64x128xi32>
      %add3A_386 = arith.addi %add3A_382, %add3A_385 : vector<64x128xi32>
      %shift_left3A_387 = arith.constant 13 : i32
      %shift_left3A_388 = vector.broadcast %shift_left3A_387 : i32 to vector<64x128xi32>
      %shift_left3A_389 = arith.shli %add3A_385, %shift_left3A_388 : vector<64x128xi32>
      %shift_right_logical3A_390 = arith.constant 19 : i32
      %shift_right_logical3A_391 = vector.broadcast %shift_right_logical3A_390 : i32 to vector<64x128xi32>
      %shift_right_logical3A_392 = arith.shrui %add3A_385, %shift_right_logical3A_391 : vector<64x128xi32>
      %or3A_393 = arith.ori %shift_left3A_389, %shift_right_logical3A_392 : vector<64x128xi32>
      %xor3A_394 = arith.xori %add3A_386, %or3A_393 : vector<64x128xi32>
      %add3A_395 = arith.addi %add3A_386, %xor3A_394 : vector<64x128xi32>
      %shift_left3A_396 = arith.constant 15 : i32
      %shift_left3A_397 = vector.broadcast %shift_left3A_396 : i32 to vector<64x128xi32>
      %shift_left3A_398 = arith.shli %xor3A_394, %shift_left3A_397 : vector<64x128xi32>
      %shift_right_logical3A_399 = arith.constant 17 : i32
      %shift_right_logical3A_400 = vector.broadcast %shift_right_logical3A_399 : i32 to vector<64x128xi32>
      %shift_right_logical3A_401 = arith.shrui %xor3A_394, %shift_right_logical3A_400 : vector<64x128xi32>
      %or3A_402 = arith.ori %shift_left3A_398, %shift_right_logical3A_401 : vector<64x128xi32>
      %xor3A_403 = arith.xori %add3A_395, %or3A_402 : vector<64x128xi32>
      %add3A_404 = arith.addi %add3A_395, %xor3A_403 : vector<64x128xi32>
      %shift_left3A_405 = arith.constant 26 : i32
      %shift_left3A_406 = vector.broadcast %shift_left3A_405 : i32 to vector<64x128xi32>
      %shift_left3A_407 = arith.shli %xor3A_403, %shift_left3A_406 : vector<64x128xi32>
      %shift_right_logical3A_408 = arith.constant 6 : i32
      %shift_right_logical3A_409 = vector.broadcast %shift_right_logical3A_408 : i32 to vector<64x128xi32>
      %shift_right_logical3A_410 = arith.shrui %xor3A_403, %shift_right_logical3A_409 : vector<64x128xi32>
      %or3A_411 = arith.ori %shift_left3A_407, %shift_right_logical3A_410 : vector<64x128xi32>
      %xor3A_412 = arith.xori %add3A_404, %or3A_411 : vector<64x128xi32>
      %add3A_413 = arith.addi %add3A_404, %xor3A_412 : vector<64x128xi32>
      %shift_left3A_414 = arith.constant 6 : i32
      %shift_left3A_415 = vector.broadcast %shift_left3A_414 : i32 to vector<64x128xi32>
      %shift_left3A_416 = arith.shli %xor3A_412, %shift_left3A_415 : vector<64x128xi32>
      %shift_right_logical3A_417 = arith.constant 26 : i32
      %shift_right_logical3A_418 = vector.broadcast %shift_right_logical3A_417 : i32 to vector<64x128xi32>
      %shift_right_logical3A_419 = arith.shrui %xor3A_412, %shift_right_logical3A_418 : vector<64x128xi32>
      %or3A_420 = arith.ori %shift_left3A_416, %shift_right_logical3A_419 : vector<64x128xi32>
      %xor3A_421 = arith.xori %add3A_413, %or3A_420 : vector<64x128xi32>
      %add3A_422 = arith.constant 3 : i32
      %add3A_423 = vector.broadcast %add3A_422 : i32 to vector<64x128xi32>
      %add3A_424 = arith.addi %xor3A_421, %add3A_423 : vector<64x128xi32>
      %add3A_425 = arith.addi %add3A_413, %add3A_424 : vector<64x128xi32>
      %shift_left3A_426 = arith.constant 17 : i32
      %shift_left3A_427 = vector.broadcast %shift_left3A_426 : i32 to vector<64x128xi32>
      %shift_left3A_428 = arith.shli %add3A_424, %shift_left3A_427 : vector<64x128xi32>
      %shift_right_logical3A_429 = arith.constant 15 : i32
      %shift_right_logical3A_430 = vector.broadcast %shift_right_logical3A_429 : i32 to vector<64x128xi32>
      %shift_right_logical3A_431 = arith.shrui %add3A_424, %shift_right_logical3A_430 : vector<64x128xi32>
      %or3A_432 = arith.ori %shift_left3A_428, %shift_right_logical3A_431 : vector<64x128xi32>
      %xor3A_433 = arith.xori %add3A_425, %or3A_432 : vector<64x128xi32>
      %add3A_434 = arith.addi %add3A_425, %xor3A_433 : vector<64x128xi32>
      %shift_left3A_435 = arith.constant 29 : i32
      %shift_left3A_436 = vector.broadcast %shift_left3A_435 : i32 to vector<64x128xi32>
      %shift_left3A_437 = arith.shli %xor3A_433, %shift_left3A_436 : vector<64x128xi32>
      %shift_right_logical3A_438 = arith.constant 3 : i32
      %shift_right_logical3A_439 = vector.broadcast %shift_right_logical3A_438 : i32 to vector<64x128xi32>
      %shift_right_logical3A_440 = arith.shrui %xor3A_433, %shift_right_logical3A_439 : vector<64x128xi32>
      %or3A_441 = arith.ori %shift_left3A_437, %shift_right_logical3A_440 : vector<64x128xi32>
      %xor3A_442 = arith.xori %add3A_434, %or3A_441 : vector<64x128xi32>
      %add3A_443 = arith.addi %add3A_434, %xor3A_442 : vector<64x128xi32>
      %shift_left3A_444 = arith.constant 16 : i32
      %shift_left3A_445 = vector.broadcast %shift_left3A_444 : i32 to vector<64x128xi32>
      %shift_left3A_446 = arith.shli %xor3A_442, %shift_left3A_445 : vector<64x128xi32>
      %shift_right_logical3A_447 = arith.constant 16 : i32
      %shift_right_logical3A_448 = vector.broadcast %shift_right_logical3A_447 : i32 to vector<64x128xi32>
      %shift_right_logical3A_449 = arith.shrui %xor3A_442, %shift_right_logical3A_448 : vector<64x128xi32>
      %or3A_450 = arith.ori %shift_left3A_446, %shift_right_logical3A_449 : vector<64x128xi32>
      %xor3A_451 = arith.xori %add3A_443, %or3A_450 : vector<64x128xi32>
      %add3A_452 = arith.addi %add3A_443, %xor3A_451 : vector<64x128xi32>
      %shift_left3A_453 = arith.constant 24 : i32
      %shift_left3A_454 = vector.broadcast %shift_left3A_453 : i32 to vector<64x128xi32>
      %shift_left3A_455 = arith.shli %xor3A_451, %shift_left3A_454 : vector<64x128xi32>
      %shift_right_logical3A_456 = arith.constant 8 : i32
      %shift_right_logical3A_457 = vector.broadcast %shift_right_logical3A_456 : i32 to vector<64x128xi32>
      %shift_right_logical3A_458 = arith.shrui %xor3A_451, %shift_right_logical3A_457 : vector<64x128xi32>
      %or3A_459 = arith.ori %shift_left3A_455, %shift_right_logical3A_458 : vector<64x128xi32>
      %xor3A_460 = arith.xori %add3A_452, %or3A_459 : vector<64x128xi32>
      %add3A_461 = arith.constant 466688990 : i32
      %add3A_462 = vector.broadcast %add3A_461 : i32 to vector<64x128xi32>
      %add3A_463 = arith.addi %xor3A_460, %add3A_462 : vector<64x128xi32>
      %add3A_464 = arith.addi %add3A_452, %add3A_463 : vector<64x128xi32>
      %shift_left3A_465 = arith.constant 13 : i32
      %shift_left3A_466 = vector.broadcast %shift_left3A_465 : i32 to vector<64x128xi32>
      %shift_left3A_467 = arith.shli %add3A_463, %shift_left3A_466 : vector<64x128xi32>
      %shift_right_logical3A_468 = arith.constant 19 : i32
      %shift_right_logical3A_469 = vector.broadcast %shift_right_logical3A_468 : i32 to vector<64x128xi32>
      %shift_right_logical3A_470 = arith.shrui %add3A_463, %shift_right_logical3A_469 : vector<64x128xi32>
      %or3A_471 = arith.ori %shift_left3A_467, %shift_right_logical3A_470 : vector<64x128xi32>
      %xor3A_472 = arith.xori %add3A_464, %or3A_471 : vector<64x128xi32>
      %add3A_473 = arith.addi %add3A_464, %xor3A_472 : vector<64x128xi32>
      %shift_left3A_474 = arith.constant 15 : i32
      %shift_left3A_475 = vector.broadcast %shift_left3A_474 : i32 to vector<64x128xi32>
      %shift_left3A_476 = arith.shli %xor3A_472, %shift_left3A_475 : vector<64x128xi32>
      %shift_right_logical3A_477 = arith.constant 17 : i32
      %shift_right_logical3A_478 = vector.broadcast %shift_right_logical3A_477 : i32 to vector<64x128xi32>
      %shift_right_logical3A_479 = arith.shrui %xor3A_472, %shift_right_logical3A_478 : vector<64x128xi32>
      %or3A_480 = arith.ori %shift_left3A_476, %shift_right_logical3A_479 : vector<64x128xi32>
      %xor3A_481 = arith.xori %add3A_473, %or3A_480 : vector<64x128xi32>
      %add3A_482 = arith.addi %add3A_473, %xor3A_481 : vector<64x128xi32>
      %shift_left3A_483 = arith.constant 26 : i32
      %shift_left3A_484 = vector.broadcast %shift_left3A_483 : i32 to vector<64x128xi32>
      %shift_left3A_485 = arith.shli %xor3A_481, %shift_left3A_484 : vector<64x128xi32>
      %shift_right_logical3A_486 = arith.constant 6 : i32
      %shift_right_logical3A_487 = vector.broadcast %shift_right_logical3A_486 : i32 to vector<64x128xi32>
      %shift_right_logical3A_488 = arith.shrui %xor3A_481, %shift_right_logical3A_487 : vector<64x128xi32>
      %or3A_489 = arith.ori %shift_left3A_485, %shift_right_logical3A_488 : vector<64x128xi32>
      %xor3A_490 = arith.xori %add3A_482, %or3A_489 : vector<64x128xi32>
      %add3A_491 = arith.addi %add3A_482, %xor3A_490 : vector<64x128xi32>
      %shift_left3A_492 = arith.constant 6 : i32
      %shift_left3A_493 = vector.broadcast %shift_left3A_492 : i32 to vector<64x128xi32>
      %shift_left3A_494 = arith.shli %xor3A_490, %shift_left3A_493 : vector<64x128xi32>
      %shift_right_logical3A_495 = arith.constant 26 : i32
      %shift_right_logical3A_496 = vector.broadcast %shift_right_logical3A_495 : i32 to vector<64x128xi32>
      %shift_right_logical3A_497 = arith.shrui %xor3A_490, %shift_right_logical3A_496 : vector<64x128xi32>
      %or3A_498 = arith.ori %shift_left3A_494, %shift_right_logical3A_497 : vector<64x128xi32>
      %xor3A_499 = arith.xori %add3A_491, %or3A_498 : vector<64x128xi32>
      %add3A_500 = arith.constant 466688986 : i32
      %add3A_501 = vector.broadcast %add3A_500 : i32 to vector<64x128xi32>
      %add3A_502 = arith.addi %add3A_491, %add3A_501 : vector<64x128xi32>
      %add3A_503 = arith.constant 5 : i32
      %add3A_504 = vector.broadcast %add3A_503 : i32 to vector<64x128xi32>
      %add3A_505 = arith.addi %xor3A_499, %add3A_504 : vector<64x128xi32>
      %xor3A_506 = arith.xori %add3A_502, %add3A_505 : vector<64x128xi32>
      %shift_right_logical3A_507 = arith.constant 9 : i32
      %shift_right_logical3A_508 = vector.broadcast %shift_right_logical3A_507 : i32 to vector<64x128xi32>
      %shift_right_logical3A_509 = arith.shrui %xor3A_506, %shift_right_logical3A_508 : vector<64x128xi32>
      %or3A_510 = arith.constant 1065353216 : i32
      %or3A_511 = vector.broadcast %or3A_510 : i32 to vector<64x128xi32>
      %or3A_512 = arith.ori %shift_right_logical3A_509, %or3A_511 : vector<64x128xi32>
      %bitcast_convert_type3A_513 = tpu.bitcast %or3A_512 : vector<64x128xi32> -> vector<64x128xf32>
      %sub3A_514 = arith.constant 1.000000e+00 : f32
      %sub3A_515 = vector.broadcast %sub3A_514 : f32 to vector<64x128xf32>
      %sub3A_516 = arith.subf %bitcast_convert_type3A_513, %sub3A_515 : vector<64x128xf32>
      %max3A_517 = arith.constant 1.17549435E-38 : f32
      %max3A_518 = vector.broadcast %max3A_517 : f32 to vector<64x128xf32>
      %max3A_519 = arith.maximumf %max3A_518, %sub3A_516 : vector<64x128xf32>
      %log3A_520 = math.log %max3A_519 : vector<64x128xf32>
      %neg3A_521 = arith.constant 0.000000e+00 : f32
      %neg3A_522 = vector.broadcast %neg3A_521 : f32 to vector<64x128xf32>
      %neg3A_523 = arith.subf %neg3A_522, %log3A_520 : vector<64x128xf32>
      %log3A_524 = math.log %neg3A_523 : vector<64x128xf32>
      %neg3A_525 = arith.constant 0.000000e+00 : f32
      %neg3A_526 = vector.broadcast %neg3A_525 : f32 to vector<64x128xf32>
      %neg3A_527 = arith.subf %neg3A_526, %log3A_524 : vector<64x128xf32>
      %get3A_528 = arith.index_cast %min3A_298 : i32 to index
      %get3A_529 = memref.load %arg3[%get3A_528] : memref<75xf32, #tpu.memory_space<smem>>
      %add3A_530 = vector.broadcast %get3A_529 : f32 to vector<64x128xf32>
      %add3A_531 = arith.addf %neg3A_527, %add3A_530 : vector<64x128xf32>
      %mul3A_532 = arith.constant 4 : i32
      %mul3A_533 = arith.muli %mul3A_532, %while3A_58 : i32
      %add3A_534 = arith.constant 2 : i32
      %add3A_535 = arith.addi %mul3A_533, %add3A_534 : i32
      %sub3A_536 = arith.constant 1 : i32
      %sub3A_537 = arith.subi %get3A_18, %sub3A_536 : i32
      %min3A_538 = arith.minsi %add3A_535, %sub3A_537 : i32
      %get3A_539 = arith.index_cast %min3A_538 : i32 to index
      %get3A_540 = memref.load %arg2[%get3A_539] : memref<75xi32, #tpu.memory_space<smem>>
      %add3A_541 = vector.broadcast %get3A_540 : i32 to vector<64x128xi32>
      %add3A_542 = arith.addi %mul3A_13, %add3A_541 : vector<64x128xi32>
      %broadcast_in_dim3A_543 = arith.constant 0 : i32
      %broadcast_in_dim3A_544 = vector.broadcast %broadcast_in_dim3A_543 : i32 to vector<64x128xi32>
      %add3A_545 = arith.addi %broadcast_in_dim3A_544, %add3A_542 : vector<64x128xi32>
      %shift_left3A_546 = arith.constant 13 : i32
      %shift_left3A_547 = vector.broadcast %shift_left3A_546 : i32 to vector<64x128xi32>
      %shift_left3A_548 = arith.shli %add3A_542, %shift_left3A_547 : vector<64x128xi32>
      %shift_right_logical3A_549 = arith.constant 19 : i32
      %shift_right_logical3A_550 = vector.broadcast %shift_right_logical3A_549 : i32 to vector<64x128xi32>
      %shift_right_logical3A_551 = arith.shrui %add3A_542, %shift_right_logical3A_550 : vector<64x128xi32>
      %or3A_552 = arith.ori %shift_left3A_548, %shift_right_logical3A_551 : vector<64x128xi32>
      %xor3A_553 = arith.xori %add3A_545, %or3A_552 : vector<64x128xi32>
      %add3A_554 = arith.addi %add3A_545, %xor3A_553 : vector<64x128xi32>
      %shift_left3A_555 = arith.constant 15 : i32
      %shift_left3A_556 = vector.broadcast %shift_left3A_555 : i32 to vector<64x128xi32>
      %shift_left3A_557 = arith.shli %xor3A_553, %shift_left3A_556 : vector<64x128xi32>
      %shift_right_logical3A_558 = arith.constant 17 : i32
      %shift_right_logical3A_559 = vector.broadcast %shift_right_logical3A_558 : i32 to vector<64x128xi32>
      %shift_right_logical3A_560 = arith.shrui %xor3A_553, %shift_right_logical3A_559 : vector<64x128xi32>
      %or3A_561 = arith.ori %shift_left3A_557, %shift_right_logical3A_560 : vector<64x128xi32>
      %xor3A_562 = arith.xori %add3A_554, %or3A_561 : vector<64x128xi32>
      %add3A_563 = arith.addi %add3A_554, %xor3A_562 : vector<64x128xi32>
      %shift_left3A_564 = arith.constant 26 : i32
      %shift_left3A_565 = vector.broadcast %shift_left3A_564 : i32 to vector<64x128xi32>
      %shift_left3A_566 = arith.shli %xor3A_562, %shift_left3A_565 : vector<64x128xi32>
      %shift_right_logical3A_567 = arith.constant 6 : i32
      %shift_right_logical3A_568 = vector.broadcast %shift_right_logical3A_567 : i32 to vector<64x128xi32>
      %shift_right_logical3A_569 = arith.shrui %xor3A_562, %shift_right_logical3A_568 : vector<64x128xi32>
      %or3A_570 = arith.ori %shift_left3A_566, %shift_right_logical3A_569 : vector<64x128xi32>
      %xor3A_571 = arith.xori %add3A_563, %or3A_570 : vector<64x128xi32>
      %add3A_572 = arith.addi %add3A_563, %xor3A_571 : vector<64x128xi32>
      %shift_left3A_573 = arith.constant 6 : i32
      %shift_left3A_574 = vector.broadcast %shift_left3A_573 : i32 to vector<64x128xi32>
      %shift_left3A_575 = arith.shli %xor3A_571, %shift_left3A_574 : vector<64x128xi32>
      %shift_right_logical3A_576 = arith.constant 26 : i32
      %shift_right_logical3A_577 = vector.broadcast %shift_right_logical3A_576 : i32 to vector<64x128xi32>
      %shift_right_logical3A_578 = arith.shrui %xor3A_571, %shift_right_logical3A_577 : vector<64x128xi32>
      %or3A_579 = arith.ori %shift_left3A_575, %shift_right_logical3A_578 : vector<64x128xi32>
      %xor3A_580 = arith.xori %add3A_572, %or3A_579 : vector<64x128xi32>
      %add3A_581 = arith.constant 466688987 : i32
      %add3A_582 = vector.broadcast %add3A_581 : i32 to vector<64x128xi32>
      %add3A_583 = arith.addi %xor3A_580, %add3A_582 : vector<64x128xi32>
      %add3A_584 = arith.addi %add3A_572, %add3A_583 : vector<64x128xi32>
      %shift_left3A_585 = arith.constant 17 : i32
      %shift_left3A_586 = vector.broadcast %shift_left3A_585 : i32 to vector<64x128xi32>
      %shift_left3A_587 = arith.shli %add3A_583, %shift_left3A_586 : vector<64x128xi32>
      %shift_right_logical3A_588 = arith.constant 15 : i32
      %shift_right_logical3A_589 = vector.broadcast %shift_right_logical3A_588 : i32 to vector<64x128xi32>
      %shift_right_logical3A_590 = arith.shrui %add3A_583, %shift_right_logical3A_589 : vector<64x128xi32>
      %or3A_591 = arith.ori %shift_left3A_587, %shift_right_logical3A_590 : vector<64x128xi32>
      %xor3A_592 = arith.xori %add3A_584, %or3A_591 : vector<64x128xi32>
      %add3A_593 = arith.addi %add3A_584, %xor3A_592 : vector<64x128xi32>
      %shift_left3A_594 = arith.constant 29 : i32
      %shift_left3A_595 = vector.broadcast %shift_left3A_594 : i32 to vector<64x128xi32>
      %shift_left3A_596 = arith.shli %xor3A_592, %shift_left3A_595 : vector<64x128xi32>
      %shift_right_logical3A_597 = arith.constant 3 : i32
      %shift_right_logical3A_598 = vector.broadcast %shift_right_logical3A_597 : i32 to vector<64x128xi32>
      %shift_right_logical3A_599 = arith.shrui %xor3A_592, %shift_right_logical3A_598 : vector<64x128xi32>
      %or3A_600 = arith.ori %shift_left3A_596, %shift_right_logical3A_599 : vector<64x128xi32>
      %xor3A_601 = arith.xori %add3A_593, %or3A_600 : vector<64x128xi32>
      %add3A_602 = arith.addi %add3A_593, %xor3A_601 : vector<64x128xi32>
      %shift_left3A_603 = arith.constant 16 : i32
      %shift_left3A_604 = vector.broadcast %shift_left3A_603 : i32 to vector<64x128xi32>
      %shift_left3A_605 = arith.shli %xor3A_601, %shift_left3A_604 : vector<64x128xi32>
      %shift_right_logical3A_606 = arith.constant 16 : i32
      %shift_right_logical3A_607 = vector.broadcast %shift_right_logical3A_606 : i32 to vector<64x128xi32>
      %shift_right_logical3A_608 = arith.shrui %xor3A_601, %shift_right_logical3A_607 : vector<64x128xi32>
      %or3A_609 = arith.ori %shift_left3A_605, %shift_right_logical3A_608 : vector<64x128xi32>
      %xor3A_610 = arith.xori %add3A_602, %or3A_609 : vector<64x128xi32>
      %add3A_611 = arith.addi %add3A_602, %xor3A_610 : vector<64x128xi32>
      %shift_left3A_612 = arith.constant 24 : i32
      %shift_left3A_613 = vector.broadcast %shift_left3A_612 : i32 to vector<64x128xi32>
      %shift_left3A_614 = arith.shli %xor3A_610, %shift_left3A_613 : vector<64x128xi32>
      %shift_right_logical3A_615 = arith.constant 8 : i32
      %shift_right_logical3A_616 = vector.broadcast %shift_right_logical3A_615 : i32 to vector<64x128xi32>
      %shift_right_logical3A_617 = arith.shrui %xor3A_610, %shift_right_logical3A_616 : vector<64x128xi32>
      %or3A_618 = arith.ori %shift_left3A_614, %shift_right_logical3A_617 : vector<64x128xi32>
      %xor3A_619 = arith.xori %add3A_611, %or3A_618 : vector<64x128xi32>
      %add3A_620 = arith.constant 466688986 : i32
      %add3A_621 = vector.broadcast %add3A_620 : i32 to vector<64x128xi32>
      %add3A_622 = arith.addi %add3A_611, %add3A_621 : vector<64x128xi32>
      %add3A_623 = arith.constant 2 : i32
      %add3A_624 = vector.broadcast %add3A_623 : i32 to vector<64x128xi32>
      %add3A_625 = arith.addi %xor3A_619, %add3A_624 : vector<64x128xi32>
      %add3A_626 = arith.addi %add3A_622, %add3A_625 : vector<64x128xi32>
      %shift_left3A_627 = arith.constant 13 : i32
      %shift_left3A_628 = vector.broadcast %shift_left3A_627 : i32 to vector<64x128xi32>
      %shift_left3A_629 = arith.shli %add3A_625, %shift_left3A_628 : vector<64x128xi32>
      %shift_right_logical3A_630 = arith.constant 19 : i32
      %shift_right_logical3A_631 = vector.broadcast %shift_right_logical3A_630 : i32 to vector<64x128xi32>
      %shift_right_logical3A_632 = arith.shrui %add3A_625, %shift_right_logical3A_631 : vector<64x128xi32>
      %or3A_633 = arith.ori %shift_left3A_629, %shift_right_logical3A_632 : vector<64x128xi32>
      %xor3A_634 = arith.xori %add3A_626, %or3A_633 : vector<64x128xi32>
      %add3A_635 = arith.addi %add3A_626, %xor3A_634 : vector<64x128xi32>
      %shift_left3A_636 = arith.constant 15 : i32
      %shift_left3A_637 = vector.broadcast %shift_left3A_636 : i32 to vector<64x128xi32>
      %shift_left3A_638 = arith.shli %xor3A_634, %shift_left3A_637 : vector<64x128xi32>
      %shift_right_logical3A_639 = arith.constant 17 : i32
      %shift_right_logical3A_640 = vector.broadcast %shift_right_logical3A_639 : i32 to vector<64x128xi32>
      %shift_right_logical3A_641 = arith.shrui %xor3A_634, %shift_right_logical3A_640 : vector<64x128xi32>
      %or3A_642 = arith.ori %shift_left3A_638, %shift_right_logical3A_641 : vector<64x128xi32>
      %xor3A_643 = arith.xori %add3A_635, %or3A_642 : vector<64x128xi32>
      %add3A_644 = arith.addi %add3A_635, %xor3A_643 : vector<64x128xi32>
      %shift_left3A_645 = arith.constant 26 : i32
      %shift_left3A_646 = vector.broadcast %shift_left3A_645 : i32 to vector<64x128xi32>
      %shift_left3A_647 = arith.shli %xor3A_643, %shift_left3A_646 : vector<64x128xi32>
      %shift_right_logical3A_648 = arith.constant 6 : i32
      %shift_right_logical3A_649 = vector.broadcast %shift_right_logical3A_648 : i32 to vector<64x128xi32>
      %shift_right_logical3A_650 = arith.shrui %xor3A_643, %shift_right_logical3A_649 : vector<64x128xi32>
      %or3A_651 = arith.ori %shift_left3A_647, %shift_right_logical3A_650 : vector<64x128xi32>
      %xor3A_652 = arith.xori %add3A_644, %or3A_651 : vector<64x128xi32>
      %add3A_653 = arith.addi %add3A_644, %xor3A_652 : vector<64x128xi32>
      %shift_left3A_654 = arith.constant 6 : i32
      %shift_left3A_655 = vector.broadcast %shift_left3A_654 : i32 to vector<64x128xi32>
      %shift_left3A_656 = arith.shli %xor3A_652, %shift_left3A_655 : vector<64x128xi32>
      %shift_right_logical3A_657 = arith.constant 26 : i32
      %shift_right_logical3A_658 = vector.broadcast %shift_right_logical3A_657 : i32 to vector<64x128xi32>
      %shift_right_logical3A_659 = arith.shrui %xor3A_652, %shift_right_logical3A_658 : vector<64x128xi32>
      %or3A_660 = arith.ori %shift_left3A_656, %shift_right_logical3A_659 : vector<64x128xi32>
      %xor3A_661 = arith.xori %add3A_653, %or3A_660 : vector<64x128xi32>
      %add3A_662 = arith.constant 3 : i32
      %add3A_663 = vector.broadcast %add3A_662 : i32 to vector<64x128xi32>
      %add3A_664 = arith.addi %xor3A_661, %add3A_663 : vector<64x128xi32>
      %add3A_665 = arith.addi %add3A_653, %add3A_664 : vector<64x128xi32>
      %shift_left3A_666 = arith.constant 17 : i32
      %shift_left3A_667 = vector.broadcast %shift_left3A_666 : i32 to vector<64x128xi32>
      %shift_left3A_668 = arith.shli %add3A_664, %shift_left3A_667 : vector<64x128xi32>
      %shift_right_logical3A_669 = arith.constant 15 : i32
      %shift_right_logical3A_670 = vector.broadcast %shift_right_logical3A_669 : i32 to vector<64x128xi32>
      %shift_right_logical3A_671 = arith.shrui %add3A_664, %shift_right_logical3A_670 : vector<64x128xi32>
      %or3A_672 = arith.ori %shift_left3A_668, %shift_right_logical3A_671 : vector<64x128xi32>
      %xor3A_673 = arith.xori %add3A_665, %or3A_672 : vector<64x128xi32>
      %add3A_674 = arith.addi %add3A_665, %xor3A_673 : vector<64x128xi32>
      %shift_left3A_675 = arith.constant 29 : i32
      %shift_left3A_676 = vector.broadcast %shift_left3A_675 : i32 to vector<64x128xi32>
      %shift_left3A_677 = arith.shli %xor3A_673, %shift_left3A_676 : vector<64x128xi32>
      %shift_right_logical3A_678 = arith.constant 3 : i32
      %shift_right_logical3A_679 = vector.broadcast %shift_right_logical3A_678 : i32 to vector<64x128xi32>
      %shift_right_logical3A_680 = arith.shrui %xor3A_673, %shift_right_logical3A_679 : vector<64x128xi32>
      %or3A_681 = arith.ori %shift_left3A_677, %shift_right_logical3A_680 : vector<64x128xi32>
      %xor3A_682 = arith.xori %add3A_674, %or3A_681 : vector<64x128xi32>
      %add3A_683 = arith.addi %add3A_674, %xor3A_682 : vector<64x128xi32>
      %shift_left3A_684 = arith.constant 16 : i32
      %shift_left3A_685 = vector.broadcast %shift_left3A_684 : i32 to vector<64x128xi32>
      %shift_left3A_686 = arith.shli %xor3A_682, %shift_left3A_685 : vector<64x128xi32>
      %shift_right_logical3A_687 = arith.constant 16 : i32
      %shift_right_logical3A_688 = vector.broadcast %shift_right_logical3A_687 : i32 to vector<64x128xi32>
      %shift_right_logical3A_689 = arith.shrui %xor3A_682, %shift_right_logical3A_688 : vector<64x128xi32>
      %or3A_690 = arith.ori %shift_left3A_686, %shift_right_logical3A_689 : vector<64x128xi32>
      %xor3A_691 = arith.xori %add3A_683, %or3A_690 : vector<64x128xi32>
      %add3A_692 = arith.addi %add3A_683, %xor3A_691 : vector<64x128xi32>
      %shift_left3A_693 = arith.constant 24 : i32
      %shift_left3A_694 = vector.broadcast %shift_left3A_693 : i32 to vector<64x128xi32>
      %shift_left3A_695 = arith.shli %xor3A_691, %shift_left3A_694 : vector<64x128xi32>
      %shift_right_logical3A_696 = arith.constant 8 : i32
      %shift_right_logical3A_697 = vector.broadcast %shift_right_logical3A_696 : i32 to vector<64x128xi32>
      %shift_right_logical3A_698 = arith.shrui %xor3A_691, %shift_right_logical3A_697 : vector<64x128xi32>
      %or3A_699 = arith.ori %shift_left3A_695, %shift_right_logical3A_698 : vector<64x128xi32>
      %xor3A_700 = arith.xori %add3A_692, %or3A_699 : vector<64x128xi32>
      %add3A_701 = arith.constant 466688990 : i32
      %add3A_702 = vector.broadcast %add3A_701 : i32 to vector<64x128xi32>
      %add3A_703 = arith.addi %xor3A_700, %add3A_702 : vector<64x128xi32>
      %add3A_704 = arith.addi %add3A_692, %add3A_703 : vector<64x128xi32>
      %shift_left3A_705 = arith.constant 13 : i32
      %shift_left3A_706 = vector.broadcast %shift_left3A_705 : i32 to vector<64x128xi32>
      %shift_left3A_707 = arith.shli %add3A_703, %shift_left3A_706 : vector<64x128xi32>
      %shift_right_logical3A_708 = arith.constant 19 : i32
      %shift_right_logical3A_709 = vector.broadcast %shift_right_logical3A_708 : i32 to vector<64x128xi32>
      %shift_right_logical3A_710 = arith.shrui %add3A_703, %shift_right_logical3A_709 : vector<64x128xi32>
      %or3A_711 = arith.ori %shift_left3A_707, %shift_right_logical3A_710 : vector<64x128xi32>
      %xor3A_712 = arith.xori %add3A_704, %or3A_711 : vector<64x128xi32>
      %add3A_713 = arith.addi %add3A_704, %xor3A_712 : vector<64x128xi32>
      %shift_left3A_714 = arith.constant 15 : i32
      %shift_left3A_715 = vector.broadcast %shift_left3A_714 : i32 to vector<64x128xi32>
      %shift_left3A_716 = arith.shli %xor3A_712, %shift_left3A_715 : vector<64x128xi32>
      %shift_right_logical3A_717 = arith.constant 17 : i32
      %shift_right_logical3A_718 = vector.broadcast %shift_right_logical3A_717 : i32 to vector<64x128xi32>
      %shift_right_logical3A_719 = arith.shrui %xor3A_712, %shift_right_logical3A_718 : vector<64x128xi32>
      %or3A_720 = arith.ori %shift_left3A_716, %shift_right_logical3A_719 : vector<64x128xi32>
      %xor3A_721 = arith.xori %add3A_713, %or3A_720 : vector<64x128xi32>
      %add3A_722 = arith.addi %add3A_713, %xor3A_721 : vector<64x128xi32>
      %shift_left3A_723 = arith.constant 26 : i32
      %shift_left3A_724 = vector.broadcast %shift_left3A_723 : i32 to vector<64x128xi32>
      %shift_left3A_725 = arith.shli %xor3A_721, %shift_left3A_724 : vector<64x128xi32>
      %shift_right_logical3A_726 = arith.constant 6 : i32
      %shift_right_logical3A_727 = vector.broadcast %shift_right_logical3A_726 : i32 to vector<64x128xi32>
      %shift_right_logical3A_728 = arith.shrui %xor3A_721, %shift_right_logical3A_727 : vector<64x128xi32>
      %or3A_729 = arith.ori %shift_left3A_725, %shift_right_logical3A_728 : vector<64x128xi32>
      %xor3A_730 = arith.xori %add3A_722, %or3A_729 : vector<64x128xi32>
      %add3A_731 = arith.addi %add3A_722, %xor3A_730 : vector<64x128xi32>
      %shift_left3A_732 = arith.constant 6 : i32
      %shift_left3A_733 = vector.broadcast %shift_left3A_732 : i32 to vector<64x128xi32>
      %shift_left3A_734 = arith.shli %xor3A_730, %shift_left3A_733 : vector<64x128xi32>
      %shift_right_logical3A_735 = arith.constant 26 : i32
      %shift_right_logical3A_736 = vector.broadcast %shift_right_logical3A_735 : i32 to vector<64x128xi32>
      %shift_right_logical3A_737 = arith.shrui %xor3A_730, %shift_right_logical3A_736 : vector<64x128xi32>
      %or3A_738 = arith.ori %shift_left3A_734, %shift_right_logical3A_737 : vector<64x128xi32>
      %xor3A_739 = arith.xori %add3A_731, %or3A_738 : vector<64x128xi32>
      %add3A_740 = arith.constant 466688986 : i32
      %add3A_741 = vector.broadcast %add3A_740 : i32 to vector<64x128xi32>
      %add3A_742 = arith.addi %add3A_731, %add3A_741 : vector<64x128xi32>
      %add3A_743 = arith.constant 5 : i32
      %add3A_744 = vector.broadcast %add3A_743 : i32 to vector<64x128xi32>
      %add3A_745 = arith.addi %xor3A_739, %add3A_744 : vector<64x128xi32>
      %xor3A_746 = arith.xori %add3A_742, %add3A_745 : vector<64x128xi32>
      %shift_right_logical3A_747 = arith.constant 9 : i32
      %shift_right_logical3A_748 = vector.broadcast %shift_right_logical3A_747 : i32 to vector<64x128xi32>
      %shift_right_logical3A_749 = arith.shrui %xor3A_746, %shift_right_logical3A_748 : vector<64x128xi32>
      %or3A_750 = arith.constant 1065353216 : i32
      %or3A_751 = vector.broadcast %or3A_750 : i32 to vector<64x128xi32>
      %or3A_752 = arith.ori %shift_right_logical3A_749, %or3A_751 : vector<64x128xi32>
      %bitcast_convert_type3A_753 = tpu.bitcast %or3A_752 : vector<64x128xi32> -> vector<64x128xf32>
      %sub3A_754 = arith.constant 1.000000e+00 : f32
      %sub3A_755 = vector.broadcast %sub3A_754 : f32 to vector<64x128xf32>
      %sub3A_756 = arith.subf %bitcast_convert_type3A_753, %sub3A_755 : vector<64x128xf32>
      %max3A_757 = arith.constant 1.17549435E-38 : f32
      %max3A_758 = vector.broadcast %max3A_757 : f32 to vector<64x128xf32>
      %max3A_759 = arith.maximumf %max3A_758, %sub3A_756 : vector<64x128xf32>
      %log3A_760 = math.log %max3A_759 : vector<64x128xf32>
      %neg3A_761 = arith.constant 0.000000e+00 : f32
      %neg3A_762 = vector.broadcast %neg3A_761 : f32 to vector<64x128xf32>
      %neg3A_763 = arith.subf %neg3A_762, %log3A_760 : vector<64x128xf32>
      %log3A_764 = math.log %neg3A_763 : vector<64x128xf32>
      %neg3A_765 = arith.constant 0.000000e+00 : f32
      %neg3A_766 = vector.broadcast %neg3A_765 : f32 to vector<64x128xf32>
      %neg3A_767 = arith.subf %neg3A_766, %log3A_764 : vector<64x128xf32>
      %get3A_768 = arith.index_cast %min3A_538 : i32 to index
      %get3A_769 = memref.load %arg3[%get3A_768] : memref<75xf32, #tpu.memory_space<smem>>
      %add3A_770 = vector.broadcast %get3A_769 : f32 to vector<64x128xf32>
      %add3A_771 = arith.addf %neg3A_767, %add3A_770 : vector<64x128xf32>
      %mul3A_772 = arith.constant 4 : i32
      %mul3A_773 = arith.muli %mul3A_772, %while3A_58 : i32
      %add3A_774 = arith.constant 3 : i32
      %add3A_775 = arith.addi %mul3A_773, %add3A_774 : i32
      %sub3A_776 = arith.constant 1 : i32
      %sub3A_777 = arith.subi %get3A_18, %sub3A_776 : i32
      %min3A_778 = arith.minsi %add3A_775, %sub3A_777 : i32
      %get3A_779 = arith.index_cast %min3A_778 : i32 to index
      %get3A_780 = memref.load %arg2[%get3A_779] : memref<75xi32, #tpu.memory_space<smem>>
      %add3A_781 = vector.broadcast %get3A_780 : i32 to vector<64x128xi32>
      %add3A_782 = arith.addi %mul3A_13, %add3A_781 : vector<64x128xi32>
      %broadcast_in_dim3A_783 = arith.constant 0 : i32
      %broadcast_in_dim3A_784 = vector.broadcast %broadcast_in_dim3A_783 : i32 to vector<64x128xi32>
      %add3A_785 = arith.addi %broadcast_in_dim3A_784, %add3A_782 : vector<64x128xi32>
      %shift_left3A_786 = arith.constant 13 : i32
      %shift_left3A_787 = vector.broadcast %shift_left3A_786 : i32 to vector<64x128xi32>
      %shift_left3A_788 = arith.shli %add3A_782, %shift_left3A_787 : vector<64x128xi32>
      %shift_right_logical3A_789 = arith.constant 19 : i32
      %shift_right_logical3A_790 = vector.broadcast %shift_right_logical3A_789 : i32 to vector<64x128xi32>
      %shift_right_logical3A_791 = arith.shrui %add3A_782, %shift_right_logical3A_790 : vector<64x128xi32>
      %or3A_792 = arith.ori %shift_left3A_788, %shift_right_logical3A_791 : vector<64x128xi32>
      %xor3A_793 = arith.xori %add3A_785, %or3A_792 : vector<64x128xi32>
      %add3A_794 = arith.addi %add3A_785, %xor3A_793 : vector<64x128xi32>
      %shift_left3A_795 = arith.constant 15 : i32
      %shift_left3A_796 = vector.broadcast %shift_left3A_795 : i32 to vector<64x128xi32>
      %shift_left3A_797 = arith.shli %xor3A_793, %shift_left3A_796 : vector<64x128xi32>
      %shift_right_logical3A_798 = arith.constant 17 : i32
      %shift_right_logical3A_799 = vector.broadcast %shift_right_logical3A_798 : i32 to vector<64x128xi32>
      %shift_right_logical3A_800 = arith.shrui %xor3A_793, %shift_right_logical3A_799 : vector<64x128xi32>
      %or3A_801 = arith.ori %shift_left3A_797, %shift_right_logical3A_800 : vector<64x128xi32>
      %xor3A_802 = arith.xori %add3A_794, %or3A_801 : vector<64x128xi32>
      %add3A_803 = arith.addi %add3A_794, %xor3A_802 : vector<64x128xi32>
      %shift_left3A_804 = arith.constant 26 : i32
      %shift_left3A_805 = vector.broadcast %shift_left3A_804 : i32 to vector<64x128xi32>
      %shift_left3A_806 = arith.shli %xor3A_802, %shift_left3A_805 : vector<64x128xi32>
      %shift_right_logical3A_807 = arith.constant 6 : i32
      %shift_right_logical3A_808 = vector.broadcast %shift_right_logical3A_807 : i32 to vector<64x128xi32>
      %shift_right_logical3A_809 = arith.shrui %xor3A_802, %shift_right_logical3A_808 : vector<64x128xi32>
      %or3A_810 = arith.ori %shift_left3A_806, %shift_right_logical3A_809 : vector<64x128xi32>
      %xor3A_811 = arith.xori %add3A_803, %or3A_810 : vector<64x128xi32>
      %add3A_812 = arith.addi %add3A_803, %xor3A_811 : vector<64x128xi32>
      %shift_left3A_813 = arith.constant 6 : i32
      %shift_left3A_814 = vector.broadcast %shift_left3A_813 : i32 to vector<64x128xi32>
      %shift_left3A_815 = arith.shli %xor3A_811, %shift_left3A_814 : vector<64x128xi32>
      %shift_right_logical3A_816 = arith.constant 26 : i32
      %shift_right_logical3A_817 = vector.broadcast %shift_right_logical3A_816 : i32 to vector<64x128xi32>
      %shift_right_logical3A_818 = arith.shrui %xor3A_811, %shift_right_logical3A_817 : vector<64x128xi32>
      %or3A_819 = arith.ori %shift_left3A_815, %shift_right_logical3A_818 : vector<64x128xi32>
      %xor3A_820 = arith.xori %add3A_812, %or3A_819 : vector<64x128xi32>
      %add3A_821 = arith.constant 466688987 : i32
      %add3A_822 = vector.broadcast %add3A_821 : i32 to vector<64x128xi32>
      %add3A_823 = arith.addi %xor3A_820, %add3A_822 : vector<64x128xi32>
      %add3A_824 = arith.addi %add3A_812, %add3A_823 : vector<64x128xi32>
      %shift_left3A_825 = arith.constant 17 : i32
      %shift_left3A_826 = vector.broadcast %shift_left3A_825 : i32 to vector<64x128xi32>
      %shift_left3A_827 = arith.shli %add3A_823, %shift_left3A_826 : vector<64x128xi32>
      %shift_right_logical3A_828 = arith.constant 15 : i32
      %shift_right_logical3A_829 = vector.broadcast %shift_right_logical3A_828 : i32 to vector<64x128xi32>
      %shift_right_logical3A_830 = arith.shrui %add3A_823, %shift_right_logical3A_829 : vector<64x128xi32>
      %or3A_831 = arith.ori %shift_left3A_827, %shift_right_logical3A_830 : vector<64x128xi32>
      %xor3A_832 = arith.xori %add3A_824, %or3A_831 : vector<64x128xi32>
      %add3A_833 = arith.addi %add3A_824, %xor3A_832 : vector<64x128xi32>
      %shift_left3A_834 = arith.constant 29 : i32
      %shift_left3A_835 = vector.broadcast %shift_left3A_834 : i32 to vector<64x128xi32>
      %shift_left3A_836 = arith.shli %xor3A_832, %shift_left3A_835 : vector<64x128xi32>
      %shift_right_logical3A_837 = arith.constant 3 : i32
      %shift_right_logical3A_838 = vector.broadcast %shift_right_logical3A_837 : i32 to vector<64x128xi32>
      %shift_right_logical3A_839 = arith.shrui %xor3A_832, %shift_right_logical3A_838 : vector<64x128xi32>
      %or3A_840 = arith.ori %shift_left3A_836, %shift_right_logical3A_839 : vector<64x128xi32>
      %xor3A_841 = arith.xori %add3A_833, %or3A_840 : vector<64x128xi32>
      %add3A_842 = arith.addi %add3A_833, %xor3A_841 : vector<64x128xi32>
      %shift_left3A_843 = arith.constant 16 : i32
      %shift_left3A_844 = vector.broadcast %shift_left3A_843 : i32 to vector<64x128xi32>
      %shift_left3A_845 = arith.shli %xor3A_841, %shift_left3A_844 : vector<64x128xi32>
      %shift_right_logical3A_846 = arith.constant 16 : i32
      %shift_right_logical3A_847 = vector.broadcast %shift_right_logical3A_846 : i32 to vector<64x128xi32>
      %shift_right_logical3A_848 = arith.shrui %xor3A_841, %shift_right_logical3A_847 : vector<64x128xi32>
      %or3A_849 = arith.ori %shift_left3A_845, %shift_right_logical3A_848 : vector<64x128xi32>
      %xor3A_850 = arith.xori %add3A_842, %or3A_849 : vector<64x128xi32>
      %add3A_851 = arith.addi %add3A_842, %xor3A_850 : vector<64x128xi32>
      %shift_left3A_852 = arith.constant 24 : i32
      %shift_left3A_853 = vector.broadcast %shift_left3A_852 : i32 to vector<64x128xi32>
      %shift_left3A_854 = arith.shli %xor3A_850, %shift_left3A_853 : vector<64x128xi32>
      %shift_right_logical3A_855 = arith.constant 8 : i32
      %shift_right_logical3A_856 = vector.broadcast %shift_right_logical3A_855 : i32 to vector<64x128xi32>
      %shift_right_logical3A_857 = arith.shrui %xor3A_850, %shift_right_logical3A_856 : vector<64x128xi32>
      %or3A_858 = arith.ori %shift_left3A_854, %shift_right_logical3A_857 : vector<64x128xi32>
      %xor3A_859 = arith.xori %add3A_851, %or3A_858 : vector<64x128xi32>
      %add3A_860 = arith.constant 466688986 : i32
      %add3A_861 = vector.broadcast %add3A_860 : i32 to vector<64x128xi32>
      %add3A_862 = arith.addi %add3A_851, %add3A_861 : vector<64x128xi32>
      %add3A_863 = arith.constant 2 : i32
      %add3A_864 = vector.broadcast %add3A_863 : i32 to vector<64x128xi32>
      %add3A_865 = arith.addi %xor3A_859, %add3A_864 : vector<64x128xi32>
      %add3A_866 = arith.addi %add3A_862, %add3A_865 : vector<64x128xi32>
      %shift_left3A_867 = arith.constant 13 : i32
      %shift_left3A_868 = vector.broadcast %shift_left3A_867 : i32 to vector<64x128xi32>
      %shift_left3A_869 = arith.shli %add3A_865, %shift_left3A_868 : vector<64x128xi32>
      %shift_right_logical3A_870 = arith.constant 19 : i32
      %shift_right_logical3A_871 = vector.broadcast %shift_right_logical3A_870 : i32 to vector<64x128xi32>
      %shift_right_logical3A_872 = arith.shrui %add3A_865, %shift_right_logical3A_871 : vector<64x128xi32>
      %or3A_873 = arith.ori %shift_left3A_869, %shift_right_logical3A_872 : vector<64x128xi32>
      %xor3A_874 = arith.xori %add3A_866, %or3A_873 : vector<64x128xi32>
      %add3A_875 = arith.addi %add3A_866, %xor3A_874 : vector<64x128xi32>
      %shift_left3A_876 = arith.constant 15 : i32
      %shift_left3A_877 = vector.broadcast %shift_left3A_876 : i32 to vector<64x128xi32>
      %shift_left3A_878 = arith.shli %xor3A_874, %shift_left3A_877 : vector<64x128xi32>
      %shift_right_logical3A_879 = arith.constant 17 : i32
      %shift_right_logical3A_880 = vector.broadcast %shift_right_logical3A_879 : i32 to vector<64x128xi32>
      %shift_right_logical3A_881 = arith.shrui %xor3A_874, %shift_right_logical3A_880 : vector<64x128xi32>
      %or3A_882 = arith.ori %shift_left3A_878, %shift_right_logical3A_881 : vector<64x128xi32>
      %xor3A_883 = arith.xori %add3A_875, %or3A_882 : vector<64x128xi32>
      %add3A_884 = arith.addi %add3A_875, %xor3A_883 : vector<64x128xi32>
      %shift_left3A_885 = arith.constant 26 : i32
      %shift_left3A_886 = vector.broadcast %shift_left3A_885 : i32 to vector<64x128xi32>
      %shift_left3A_887 = arith.shli %xor3A_883, %shift_left3A_886 : vector<64x128xi32>
      %shift_right_logical3A_888 = arith.constant 6 : i32
      %shift_right_logical3A_889 = vector.broadcast %shift_right_logical3A_888 : i32 to vector<64x128xi32>
      %shift_right_logical3A_890 = arith.shrui %xor3A_883, %shift_right_logical3A_889 : vector<64x128xi32>
      %or3A_891 = arith.ori %shift_left3A_887, %shift_right_logical3A_890 : vector<64x128xi32>
      %xor3A_892 = arith.xori %add3A_884, %or3A_891 : vector<64x128xi32>
      %add3A_893 = arith.addi %add3A_884, %xor3A_892 : vector<64x128xi32>
      %shift_left3A_894 = arith.constant 6 : i32
      %shift_left3A_895 = vector.broadcast %shift_left3A_894 : i32 to vector<64x128xi32>
      %shift_left3A_896 = arith.shli %xor3A_892, %shift_left3A_895 : vector<64x128xi32>
      %shift_right_logical3A_897 = arith.constant 26 : i32
      %shift_right_logical3A_898 = vector.broadcast %shift_right_logical3A_897 : i32 to vector<64x128xi32>
      %shift_right_logical3A_899 = arith.shrui %xor3A_892, %shift_right_logical3A_898 : vector<64x128xi32>
      %or3A_900 = arith.ori %shift_left3A_896, %shift_right_logical3A_899 : vector<64x128xi32>
      %xor3A_901 = arith.xori %add3A_893, %or3A_900 : vector<64x128xi32>
      %add3A_902 = arith.constant 3 : i32
      %add3A_903 = vector.broadcast %add3A_902 : i32 to vector<64x128xi32>
      %add3A_904 = arith.addi %xor3A_901, %add3A_903 : vector<64x128xi32>
      %add3A_905 = arith.addi %add3A_893, %add3A_904 : vector<64x128xi32>
      %shift_left3A_906 = arith.constant 17 : i32
      %shift_left3A_907 = vector.broadcast %shift_left3A_906 : i32 to vector<64x128xi32>
      %shift_left3A_908 = arith.shli %add3A_904, %shift_left3A_907 : vector<64x128xi32>
      %shift_right_logical3A_909 = arith.constant 15 : i32
      %shift_right_logical3A_910 = vector.broadcast %shift_right_logical3A_909 : i32 to vector<64x128xi32>
      %shift_right_logical3A_911 = arith.shrui %add3A_904, %shift_right_logical3A_910 : vector<64x128xi32>
      %or3A_912 = arith.ori %shift_left3A_908, %shift_right_logical3A_911 : vector<64x128xi32>
      %xor3A_913 = arith.xori %add3A_905, %or3A_912 : vector<64x128xi32>
      %add3A_914 = arith.addi %add3A_905, %xor3A_913 : vector<64x128xi32>
      %shift_left3A_915 = arith.constant 29 : i32
      %shift_left3A_916 = vector.broadcast %shift_left3A_915 : i32 to vector<64x128xi32>
      %shift_left3A_917 = arith.shli %xor3A_913, %shift_left3A_916 : vector<64x128xi32>
      %shift_right_logical3A_918 = arith.constant 3 : i32
      %shift_right_logical3A_919 = vector.broadcast %shift_right_logical3A_918 : i32 to vector<64x128xi32>
      %shift_right_logical3A_920 = arith.shrui %xor3A_913, %shift_right_logical3A_919 : vector<64x128xi32>
      %or3A_921 = arith.ori %shift_left3A_917, %shift_right_logical3A_920 : vector<64x128xi32>
      %xor3A_922 = arith.xori %add3A_914, %or3A_921 : vector<64x128xi32>
      %add3A_923 = arith.addi %add3A_914, %xor3A_922 : vector<64x128xi32>
      %shift_left3A_924 = arith.constant 16 : i32
      %shift_left3A_925 = vector.broadcast %shift_left3A_924 : i32 to vector<64x128xi32>
      %shift_left3A_926 = arith.shli %xor3A_922, %shift_left3A_925 : vector<64x128xi32>
      %shift_right_logical3A_927 = arith.constant 16 : i32
      %shift_right_logical3A_928 = vector.broadcast %shift_right_logical3A_927 : i32 to vector<64x128xi32>
      %shift_right_logical3A_929 = arith.shrui %xor3A_922, %shift_right_logical3A_928 : vector<64x128xi32>
      %or3A_930 = arith.ori %shift_left3A_926, %shift_right_logical3A_929 : vector<64x128xi32>
      %xor3A_931 = arith.xori %add3A_923, %or3A_930 : vector<64x128xi32>
      %add3A_932 = arith.addi %add3A_923, %xor3A_931 : vector<64x128xi32>
      %shift_left3A_933 = arith.constant 24 : i32
      %shift_left3A_934 = vector.broadcast %shift_left3A_933 : i32 to vector<64x128xi32>
      %shift_left3A_935 = arith.shli %xor3A_931, %shift_left3A_934 : vector<64x128xi32>
      %shift_right_logical3A_936 = arith.constant 8 : i32
      %shift_right_logical3A_937 = vector.broadcast %shift_right_logical3A_936 : i32 to vector<64x128xi32>
      %shift_right_logical3A_938 = arith.shrui %xor3A_931, %shift_right_logical3A_937 : vector<64x128xi32>
      %or3A_939 = arith.ori %shift_left3A_935, %shift_right_logical3A_938 : vector<64x128xi32>
      %xor3A_940 = arith.xori %add3A_932, %or3A_939 : vector<64x128xi32>
      %add3A_941 = arith.constant 466688990 : i32
      %add3A_942 = vector.broadcast %add3A_941 : i32 to vector<64x128xi32>
      %add3A_943 = arith.addi %xor3A_940, %add3A_942 : vector<64x128xi32>
      %add3A_944 = arith.addi %add3A_932, %add3A_943 : vector<64x128xi32>
      %shift_left3A_945 = arith.constant 13 : i32
      %shift_left3A_946 = vector.broadcast %shift_left3A_945 : i32 to vector<64x128xi32>
      %shift_left3A_947 = arith.shli %add3A_943, %shift_left3A_946 : vector<64x128xi32>
      %shift_right_logical3A_948 = arith.constant 19 : i32
      %shift_right_logical3A_949 = vector.broadcast %shift_right_logical3A_948 : i32 to vector<64x128xi32>
      %shift_right_logical3A_950 = arith.shrui %add3A_943, %shift_right_logical3A_949 : vector<64x128xi32>
      %or3A_951 = arith.ori %shift_left3A_947, %shift_right_logical3A_950 : vector<64x128xi32>
      %xor3A_952 = arith.xori %add3A_944, %or3A_951 : vector<64x128xi32>
      %add3A_953 = arith.addi %add3A_944, %xor3A_952 : vector<64x128xi32>
      %shift_left3A_954 = arith.constant 15 : i32
      %shift_left3A_955 = vector.broadcast %shift_left3A_954 : i32 to vector<64x128xi32>
      %shift_left3A_956 = arith.shli %xor3A_952, %shift_left3A_955 : vector<64x128xi32>
      %shift_right_logical3A_957 = arith.constant 17 : i32
      %shift_right_logical3A_958 = vector.broadcast %shift_right_logical3A_957 : i32 to vector<64x128xi32>
      %shift_right_logical3A_959 = arith.shrui %xor3A_952, %shift_right_logical3A_958 : vector<64x128xi32>
      %or3A_960 = arith.ori %shift_left3A_956, %shift_right_logical3A_959 : vector<64x128xi32>
      %xor3A_961 = arith.xori %add3A_953, %or3A_960 : vector<64x128xi32>
      %add3A_962 = arith.addi %add3A_953, %xor3A_961 : vector<64x128xi32>
      %shift_left3A_963 = arith.constant 26 : i32
      %shift_left3A_964 = vector.broadcast %shift_left3A_963 : i32 to vector<64x128xi32>
      %shift_left3A_965 = arith.shli %xor3A_961, %shift_left3A_964 : vector<64x128xi32>
      %shift_right_logical3A_966 = arith.constant 6 : i32
      %shift_right_logical3A_967 = vector.broadcast %shift_right_logical3A_966 : i32 to vector<64x128xi32>
      %shift_right_logical3A_968 = arith.shrui %xor3A_961, %shift_right_logical3A_967 : vector<64x128xi32>
      %or3A_969 = arith.ori %shift_left3A_965, %shift_right_logical3A_968 : vector<64x128xi32>
      %xor3A_970 = arith.xori %add3A_962, %or3A_969 : vector<64x128xi32>
      %add3A_971 = arith.addi %add3A_962, %xor3A_970 : vector<64x128xi32>
      %shift_left3A_972 = arith.constant 6 : i32
      %shift_left3A_973 = vector.broadcast %shift_left3A_972 : i32 to vector<64x128xi32>
      %shift_left3A_974 = arith.shli %xor3A_970, %shift_left3A_973 : vector<64x128xi32>
      %shift_right_logical3A_975 = arith.constant 26 : i32
      %shift_right_logical3A_976 = vector.broadcast %shift_right_logical3A_975 : i32 to vector<64x128xi32>
      %shift_right_logical3A_977 = arith.shrui %xor3A_970, %shift_right_logical3A_976 : vector<64x128xi32>
      %or3A_978 = arith.ori %shift_left3A_974, %shift_right_logical3A_977 : vector<64x128xi32>
      %xor3A_979 = arith.xori %add3A_971, %or3A_978 : vector<64x128xi32>
      %add3A_980 = arith.constant 466688986 : i32
      %add3A_981 = vector.broadcast %add3A_980 : i32 to vector<64x128xi32>
      %add3A_982 = arith.addi %add3A_971, %add3A_981 : vector<64x128xi32>
      %add3A_983 = arith.constant 5 : i32
      %add3A_984 = vector.broadcast %add3A_983 : i32 to vector<64x128xi32>
      %add3A_985 = arith.addi %xor3A_979, %add3A_984 : vector<64x128xi32>
      %xor3A_986 = arith.xori %add3A_982, %add3A_985 : vector<64x128xi32>
      %shift_right_logical3A_987 = arith.constant 9 : i32
      %shift_right_logical3A_988 = vector.broadcast %shift_right_logical3A_987 : i32 to vector<64x128xi32>
      %shift_right_logical3A_989 = arith.shrui %xor3A_986, %shift_right_logical3A_988 : vector<64x128xi32>
      %or3A_990 = arith.constant 1065353216 : i32
      %or3A_991 = vector.broadcast %or3A_990 : i32 to vector<64x128xi32>
      %or3A_992 = arith.ori %shift_right_logical3A_989, %or3A_991 : vector<64x128xi32>
      %bitcast_convert_type3A_993 = tpu.bitcast %or3A_992 : vector<64x128xi32> -> vector<64x128xf32>
      %sub3A_994 = arith.constant 1.000000e+00 : f32
      %sub3A_995 = vector.broadcast %sub3A_994 : f32 to vector<64x128xf32>
      %sub3A_996 = arith.subf %bitcast_convert_type3A_993, %sub3A_995 : vector<64x128xf32>
      %max3A_997 = arith.constant 1.17549435E-38 : f32
      %max3A_998 = vector.broadcast %max3A_997 : f32 to vector<64x128xf32>
      %max3A_999 = arith.maximumf %max3A_998, %sub3A_996 : vector<64x128xf32>
      %log3A_1000 = math.log %max3A_999 : vector<64x128xf32>
      %neg3A_1001 = arith.constant 0.000000e+00 : f32
      %neg3A_1002 = vector.broadcast %neg3A_1001 : f32 to vector<64x128xf32>
      %neg3A_1003 = arith.subf %neg3A_1002, %log3A_1000 : vector<64x128xf32>
      %log3A_1004 = math.log %neg3A_1003 : vector<64x128xf32>
      %neg3A_1005 = arith.constant 0.000000e+00 : f32
      %neg3A_1006 = vector.broadcast %neg3A_1005 : f32 to vector<64x128xf32>
      %neg3A_1007 = arith.subf %neg3A_1006, %log3A_1004 : vector<64x128xf32>
      %get3A_1008 = arith.index_cast %min3A_778 : i32 to index
      %get3A_1009 = memref.load %arg3[%get3A_1008] : memref<75xf32, #tpu.memory_space<smem>>
      %add3A_1010 = vector.broadcast %get3A_1009 : f32 to vector<64x128xf32>
      %add3A_1011 = arith.addf %neg3A_1007, %add3A_1010 : vector<64x128xf32>
      %gt3A = arith.cmpf ogt, %add3A_291, %while3A_59 : vector<64x128xf32>
      %select_n3A_1012 = arith.select %gt3A, %add3A_291, %while3A_59 : vector<64x128xi1>, vector<64x128xf32>
      %broadcast_in_dim3A_1013 = vector.broadcast %get3A_68 : i32 to vector<64x128xi32>
      %select_n3A_1014 = arith.select %gt3A, %broadcast_in_dim3A_1013, %while3A_60 : vector<64x128xi1>, vector<64x128xi32>
      %gt3A_1015 = arith.cmpf ogt, %add3A_531, %select_n3A_1012 : vector<64x128xf32>
      %select_n3A_1016 = arith.select %gt3A_1015, %add3A_531, %select_n3A_1012 : vector<64x128xi1>, vector<64x128xf32>
      %broadcast_in_dim3A_1017 = vector.broadcast %get3A_300 : i32 to vector<64x128xi32>
      %select_n3A_1018 = arith.select %gt3A_1015, %broadcast_in_dim3A_1017, %select_n3A_1014 : vector<64x128xi1>, vector<64x128xi32>
      %gt3A_1019 = arith.cmpf ogt, %add3A_771, %select_n3A_1016 : vector<64x128xf32>
      %select_n3A_1020 = arith.select %gt3A_1019, %add3A_771, %select_n3A_1016 : vector<64x128xi1>, vector<64x128xf32>
      %broadcast_in_dim3A_1021 = vector.broadcast %get3A_540 : i32 to vector<64x128xi32>
      %select_n3A_1022 = arith.select %gt3A_1019, %broadcast_in_dim3A_1021, %select_n3A_1018 : vector<64x128xi1>, vector<64x128xi32>
      %gt3A_1023 = arith.cmpf ogt, %add3A_1011, %select_n3A_1020 : vector<64x128xf32>
      %select_n3A_1024 = arith.select %gt3A_1023, %add3A_1011, %select_n3A_1020 : vector<64x128xi1>, vector<64x128xf32>
      %broadcast_in_dim3A_1025 = vector.broadcast %get3A_780 : i32 to vector<64x128xi32>
      %select_n3A_1026 = arith.select %gt3A_1023, %broadcast_in_dim3A_1025, %select_n3A_1022 : vector<64x128xi1>, vector<64x128xi32>
      scf.yield %select_n3A_1024, %select_n3A_1026 : vector<64x128xf32>, vector<64x128xi32>
    }
    %while3A_47 = arith.constant 1 : i32
    %while3A_48:2 = scf.for %while3A_58 = %while3A_44 to %while3A_40 step %while3A_47 iter_args(%while3A_59 = %while3A_46#0, %while3A_60 = %while3A_46#1) -> (vector<64x128xf32>, vector<64x128xi32>)  : i32 {
      %mul3A_61 = arith.constant 4 : i32
      %mul3A_62 = arith.muli %mul3A_61, %while3A_58 : i32
      %add3A_63 = arith.constant 0 : i32
      %add3A_64 = arith.addi %mul3A_62, %add3A_63 : i32
      %sub3A_65 = arith.constant 1 : i32
      %sub3A_66 = arith.subi %get3A_18, %sub3A_65 : i32
      %min3A = arith.minsi %add3A_64, %sub3A_66 : i32
      %get3A_67 = arith.index_cast %min3A : i32 to index
      %get3A_68 = memref.load %arg2[%get3A_67] : memref<75xi32, #tpu.memory_space<smem>>
      %add3A_69 = vector.broadcast %get3A_68 : i32 to vector<64x128xi32>
      %add3A_70 = arith.addi %mul3A_13, %add3A_69 : vector<64x128xi32>
      %broadcast_in_dim3A_71 = arith.constant 0 : i32
      %broadcast_in_dim3A_72 = vector.broadcast %broadcast_in_dim3A_71 : i32 to vector<64x128xi32>
      %add3A_73 = arith.addi %broadcast_in_dim3A_72, %add3A_70 : vector<64x128xi32>
      %shift_left3A = arith.constant 13 : i32
      %shift_left3A_74 = vector.broadcast %shift_left3A : i32 to vector<64x128xi32>
      %shift_left3A_75 = arith.shli %add3A_70, %shift_left3A_74 : vector<64x128xi32>
      %shift_right_logical3A = arith.constant 19 : i32
      %shift_right_logical3A_76 = vector.broadcast %shift_right_logical3A : i32 to vector<64x128xi32>
      %shift_right_logical3A_77 = arith.shrui %add3A_70, %shift_right_logical3A_76 : vector<64x128xi32>
      %or3A = arith.ori %shift_left3A_75, %shift_right_logical3A_77 : vector<64x128xi32>
      %xor3A = arith.xori %add3A_73, %or3A : vector<64x128xi32>
      %add3A_78 = arith.addi %add3A_73, %xor3A : vector<64x128xi32>
      %shift_left3A_79 = arith.constant 15 : i32
      %shift_left3A_80 = vector.broadcast %shift_left3A_79 : i32 to vector<64x128xi32>
      %shift_left3A_81 = arith.shli %xor3A, %shift_left3A_80 : vector<64x128xi32>
      %shift_right_logical3A_82 = arith.constant 17 : i32
      %shift_right_logical3A_83 = vector.broadcast %shift_right_logical3A_82 : i32 to vector<64x128xi32>
      %shift_right_logical3A_84 = arith.shrui %xor3A, %shift_right_logical3A_83 : vector<64x128xi32>
      %or3A_85 = arith.ori %shift_left3A_81, %shift_right_logical3A_84 : vector<64x128xi32>
      %xor3A_86 = arith.xori %add3A_78, %or3A_85 : vector<64x128xi32>
      %add3A_87 = arith.addi %add3A_78, %xor3A_86 : vector<64x128xi32>
      %shift_left3A_88 = arith.constant 26 : i32
      %shift_left3A_89 = vector.broadcast %shift_left3A_88 : i32 to vector<64x128xi32>
      %shift_left3A_90 = arith.shli %xor3A_86, %shift_left3A_89 : vector<64x128xi32>
      %shift_right_logical3A_91 = arith.constant 6 : i32
      %shift_right_logical3A_92 = vector.broadcast %shift_right_logical3A_91 : i32 to vector<64x128xi32>
      %shift_right_logical3A_93 = arith.shrui %xor3A_86, %shift_right_logical3A_92 : vector<64x128xi32>
      %or3A_94 = arith.ori %shift_left3A_90, %shift_right_logical3A_93 : vector<64x128xi32>
      %xor3A_95 = arith.xori %add3A_87, %or3A_94 : vector<64x128xi32>
      %add3A_96 = arith.addi %add3A_87, %xor3A_95 : vector<64x128xi32>
      %shift_left3A_97 = arith.constant 6 : i32
      %shift_left3A_98 = vector.broadcast %shift_left3A_97 : i32 to vector<64x128xi32>
      %shift_left3A_99 = arith.shli %xor3A_95, %shift_left3A_98 : vector<64x128xi32>
      %shift_right_logical3A_100 = arith.constant 26 : i32
      %shift_right_logical3A_101 = vector.broadcast %shift_right_logical3A_100 : i32 to vector<64x128xi32>
      %shift_right_logical3A_102 = arith.shrui %xor3A_95, %shift_right_logical3A_101 : vector<64x128xi32>
      %or3A_103 = arith.ori %shift_left3A_99, %shift_right_logical3A_102 : vector<64x128xi32>
      %xor3A_104 = arith.xori %add3A_96, %or3A_103 : vector<64x128xi32>
      %add3A_105 = arith.constant 466688987 : i32
      %add3A_106 = vector.broadcast %add3A_105 : i32 to vector<64x128xi32>
      %add3A_107 = arith.addi %xor3A_104, %add3A_106 : vector<64x128xi32>
      %add3A_108 = arith.addi %add3A_96, %add3A_107 : vector<64x128xi32>
      %shift_left3A_109 = arith.constant 17 : i32
      %shift_left3A_110 = vector.broadcast %shift_left3A_109 : i32 to vector<64x128xi32>
      %shift_left3A_111 = arith.shli %add3A_107, %shift_left3A_110 : vector<64x128xi32>
      %shift_right_logical3A_112 = arith.constant 15 : i32
      %shift_right_logical3A_113 = vector.broadcast %shift_right_logical3A_112 : i32 to vector<64x128xi32>
      %shift_right_logical3A_114 = arith.shrui %add3A_107, %shift_right_logical3A_113 : vector<64x128xi32>
      %or3A_115 = arith.ori %shift_left3A_111, %shift_right_logical3A_114 : vector<64x128xi32>
      %xor3A_116 = arith.xori %add3A_108, %or3A_115 : vector<64x128xi32>
      %add3A_117 = arith.addi %add3A_108, %xor3A_116 : vector<64x128xi32>
      %shift_left3A_118 = arith.constant 29 : i32
      %shift_left3A_119 = vector.broadcast %shift_left3A_118 : i32 to vector<64x128xi32>
      %shift_left3A_120 = arith.shli %xor3A_116, %shift_left3A_119 : vector<64x128xi32>
      %shift_right_logical3A_121 = arith.constant 3 : i32
      %shift_right_logical3A_122 = vector.broadcast %shift_right_logical3A_121 : i32 to vector<64x128xi32>
      %shift_right_logical3A_123 = arith.shrui %xor3A_116, %shift_right_logical3A_122 : vector<64x128xi32>
      %or3A_124 = arith.ori %shift_left3A_120, %shift_right_logical3A_123 : vector<64x128xi32>
      %xor3A_125 = arith.xori %add3A_117, %or3A_124 : vector<64x128xi32>
      %add3A_126 = arith.addi %add3A_117, %xor3A_125 : vector<64x128xi32>
      %shift_left3A_127 = arith.constant 16 : i32
      %shift_left3A_128 = vector.broadcast %shift_left3A_127 : i32 to vector<64x128xi32>
      %shift_left3A_129 = arith.shli %xor3A_125, %shift_left3A_128 : vector<64x128xi32>
      %shift_right_logical3A_130 = arith.constant 16 : i32
      %shift_right_logical3A_131 = vector.broadcast %shift_right_logical3A_130 : i32 to vector<64x128xi32>
      %shift_right_logical3A_132 = arith.shrui %xor3A_125, %shift_right_logical3A_131 : vector<64x128xi32>
      %or3A_133 = arith.ori %shift_left3A_129, %shift_right_logical3A_132 : vector<64x128xi32>
      %xor3A_134 = arith.xori %add3A_126, %or3A_133 : vector<64x128xi32>
      %add3A_135 = arith.addi %add3A_126, %xor3A_134 : vector<64x128xi32>
      %shift_left3A_136 = arith.constant 24 : i32
      %shift_left3A_137 = vector.broadcast %shift_left3A_136 : i32 to vector<64x128xi32>
      %shift_left3A_138 = arith.shli %xor3A_134, %shift_left3A_137 : vector<64x128xi32>
      %shift_right_logical3A_139 = arith.constant 8 : i32
      %shift_right_logical3A_140 = vector.broadcast %shift_right_logical3A_139 : i32 to vector<64x128xi32>
      %shift_right_logical3A_141 = arith.shrui %xor3A_134, %shift_right_logical3A_140 : vector<64x128xi32>
      %or3A_142 = arith.ori %shift_left3A_138, %shift_right_logical3A_141 : vector<64x128xi32>
      %xor3A_143 = arith.xori %add3A_135, %or3A_142 : vector<64x128xi32>
      %add3A_144 = arith.constant 466688986 : i32
      %add3A_145 = vector.broadcast %add3A_144 : i32 to vector<64x128xi32>
      %add3A_146 = arith.addi %add3A_135, %add3A_145 : vector<64x128xi32>
      %add3A_147 = arith.constant 2 : i32
      %add3A_148 = vector.broadcast %add3A_147 : i32 to vector<64x128xi32>
      %add3A_149 = arith.addi %xor3A_143, %add3A_148 : vector<64x128xi32>
      %add3A_150 = arith.addi %add3A_146, %add3A_149 : vector<64x128xi32>
      %shift_left3A_151 = arith.constant 13 : i32
      %shift_left3A_152 = vector.broadcast %shift_left3A_151 : i32 to vector<64x128xi32>
      %shift_left3A_153 = arith.shli %add3A_149, %shift_left3A_152 : vector<64x128xi32>
      %shift_right_logical3A_154 = arith.constant 19 : i32
      %shift_right_logical3A_155 = vector.broadcast %shift_right_logical3A_154 : i32 to vector<64x128xi32>
      %shift_right_logical3A_156 = arith.shrui %add3A_149, %shift_right_logical3A_155 : vector<64x128xi32>
      %or3A_157 = arith.ori %shift_left3A_153, %shift_right_logical3A_156 : vector<64x128xi32>
      %xor3A_158 = arith.xori %add3A_150, %or3A_157 : vector<64x128xi32>
      %add3A_159 = arith.addi %add3A_150, %xor3A_158 : vector<64x128xi32>
      %shift_left3A_160 = arith.constant 15 : i32
      %shift_left3A_161 = vector.broadcast %shift_left3A_160 : i32 to vector<64x128xi32>
      %shift_left3A_162 = arith.shli %xor3A_158, %shift_left3A_161 : vector<64x128xi32>
      %shift_right_logical3A_163 = arith.constant 17 : i32
      %shift_right_logical3A_164 = vector.broadcast %shift_right_logical3A_163 : i32 to vector<64x128xi32>
      %shift_right_logical3A_165 = arith.shrui %xor3A_158, %shift_right_logical3A_164 : vector<64x128xi32>
      %or3A_166 = arith.ori %shift_left3A_162, %shift_right_logical3A_165 : vector<64x128xi32>
      %xor3A_167 = arith.xori %add3A_159, %or3A_166 : vector<64x128xi32>
      %add3A_168 = arith.addi %add3A_159, %xor3A_167 : vector<64x128xi32>
      %shift_left3A_169 = arith.constant 26 : i32
      %shift_left3A_170 = vector.broadcast %shift_left3A_169 : i32 to vector<64x128xi32>
      %shift_left3A_171 = arith.shli %xor3A_167, %shift_left3A_170 : vector<64x128xi32>
      %shift_right_logical3A_172 = arith.constant 6 : i32
      %shift_right_logical3A_173 = vector.broadcast %shift_right_logical3A_172 : i32 to vector<64x128xi32>
      %shift_right_logical3A_174 = arith.shrui %xor3A_167, %shift_right_logical3A_173 : vector<64x128xi32>
      %or3A_175 = arith.ori %shift_left3A_171, %shift_right_logical3A_174 : vector<64x128xi32>
      %xor3A_176 = arith.xori %add3A_168, %or3A_175 : vector<64x128xi32>
      %add3A_177 = arith.addi %add3A_168, %xor3A_176 : vector<64x128xi32>
      %shift_left3A_178 = arith.constant 6 : i32
      %shift_left3A_179 = vector.broadcast %shift_left3A_178 : i32 to vector<64x128xi32>
      %shift_left3A_180 = arith.shli %xor3A_176, %shift_left3A_179 : vector<64x128xi32>
      %shift_right_logical3A_181 = arith.constant 26 : i32
      %shift_right_logical3A_182 = vector.broadcast %shift_right_logical3A_181 : i32 to vector<64x128xi32>
      %shift_right_logical3A_183 = arith.shrui %xor3A_176, %shift_right_logical3A_182 : vector<64x128xi32>
      %or3A_184 = arith.ori %shift_left3A_180, %shift_right_logical3A_183 : vector<64x128xi32>
      %xor3A_185 = arith.xori %add3A_177, %or3A_184 : vector<64x128xi32>
      %add3A_186 = arith.constant 3 : i32
      %add3A_187 = vector.broadcast %add3A_186 : i32 to vector<64x128xi32>
      %add3A_188 = arith.addi %xor3A_185, %add3A_187 : vector<64x128xi32>
      %add3A_189 = arith.addi %add3A_177, %add3A_188 : vector<64x128xi32>
      %shift_left3A_190 = arith.constant 17 : i32
      %shift_left3A_191 = vector.broadcast %shift_left3A_190 : i32 to vector<64x128xi32>
      %shift_left3A_192 = arith.shli %add3A_188, %shift_left3A_191 : vector<64x128xi32>
      %shift_right_logical3A_193 = arith.constant 15 : i32
      %shift_right_logical3A_194 = vector.broadcast %shift_right_logical3A_193 : i32 to vector<64x128xi32>
      %shift_right_logical3A_195 = arith.shrui %add3A_188, %shift_right_logical3A_194 : vector<64x128xi32>
      %or3A_196 = arith.ori %shift_left3A_192, %shift_right_logical3A_195 : vector<64x128xi32>
      %xor3A_197 = arith.xori %add3A_189, %or3A_196 : vector<64x128xi32>
      %add3A_198 = arith.addi %add3A_189, %xor3A_197 : vector<64x128xi32>
      %shift_left3A_199 = arith.constant 29 : i32
      %shift_left3A_200 = vector.broadcast %shift_left3A_199 : i32 to vector<64x128xi32>
      %shift_left3A_201 = arith.shli %xor3A_197, %shift_left3A_200 : vector<64x128xi32>
      %shift_right_logical3A_202 = arith.constant 3 : i32
      %shift_right_logical3A_203 = vector.broadcast %shift_right_logical3A_202 : i32 to vector<64x128xi32>
      %shift_right_logical3A_204 = arith.shrui %xor3A_197, %shift_right_logical3A_203 : vector<64x128xi32>
      %or3A_205 = arith.ori %shift_left3A_201, %shift_right_logical3A_204 : vector<64x128xi32>
      %xor3A_206 = arith.xori %add3A_198, %or3A_205 : vector<64x128xi32>
      %add3A_207 = arith.addi %add3A_198, %xor3A_206 : vector<64x128xi32>
      %shift_left3A_208 = arith.constant 16 : i32
      %shift_left3A_209 = vector.broadcast %shift_left3A_208 : i32 to vector<64x128xi32>
      %shift_left3A_210 = arith.shli %xor3A_206, %shift_left3A_209 : vector<64x128xi32>
      %shift_right_logical3A_211 = arith.constant 16 : i32
      %shift_right_logical3A_212 = vector.broadcast %shift_right_logical3A_211 : i32 to vector<64x128xi32>
      %shift_right_logical3A_213 = arith.shrui %xor3A_206, %shift_right_logical3A_212 : vector<64x128xi32>
      %or3A_214 = arith.ori %shift_left3A_210, %shift_right_logical3A_213 : vector<64x128xi32>
      %xor3A_215 = arith.xori %add3A_207, %or3A_214 : vector<64x128xi32>
      %add3A_216 = arith.addi %add3A_207, %xor3A_215 : vector<64x128xi32>
      %shift_left3A_217 = arith.constant 24 : i32
      %shift_left3A_218 = vector.broadcast %shift_left3A_217 : i32 to vector<64x128xi32>
      %shift_left3A_219 = arith.shli %xor3A_215, %shift_left3A_218 : vector<64x128xi32>
      %shift_right_logical3A_220 = arith.constant 8 : i32
      %shift_right_logical3A_221 = vector.broadcast %shift_right_logical3A_220 : i32 to vector<64x128xi32>
      %shift_right_logical3A_222 = arith.shrui %xor3A_215, %shift_right_logical3A_221 : vector<64x128xi32>
      %or3A_223 = arith.ori %shift_left3A_219, %shift_right_logical3A_222 : vector<64x128xi32>
      %xor3A_224 = arith.xori %add3A_216, %or3A_223 : vector<64x128xi32>
      %add3A_225 = arith.constant 466688990 : i32
      %add3A_226 = vector.broadcast %add3A_225 : i32 to vector<64x128xi32>
      %add3A_227 = arith.addi %xor3A_224, %add3A_226 : vector<64x128xi32>
      %add3A_228 = arith.addi %add3A_216, %add3A_227 : vector<64x128xi32>
      %shift_left3A_229 = arith.constant 13 : i32
      %shift_left3A_230 = vector.broadcast %shift_left3A_229 : i32 to vector<64x128xi32>
      %shift_left3A_231 = arith.shli %add3A_227, %shift_left3A_230 : vector<64x128xi32>
      %shift_right_logical3A_232 = arith.constant 19 : i32
      %shift_right_logical3A_233 = vector.broadcast %shift_right_logical3A_232 : i32 to vector<64x128xi32>
      %shift_right_logical3A_234 = arith.shrui %add3A_227, %shift_right_logical3A_233 : vector<64x128xi32>
      %or3A_235 = arith.ori %shift_left3A_231, %shift_right_logical3A_234 : vector<64x128xi32>
      %xor3A_236 = arith.xori %add3A_228, %or3A_235 : vector<64x128xi32>
      %add3A_237 = arith.addi %add3A_228, %xor3A_236 : vector<64x128xi32>
      %shift_left3A_238 = arith.constant 15 : i32
      %shift_left3A_239 = vector.broadcast %shift_left3A_238 : i32 to vector<64x128xi32>
      %shift_left3A_240 = arith.shli %xor3A_236, %shift_left3A_239 : vector<64x128xi32>
      %shift_right_logical3A_241 = arith.constant 17 : i32
      %shift_right_logical3A_242 = vector.broadcast %shift_right_logical3A_241 : i32 to vector<64x128xi32>
      %shift_right_logical3A_243 = arith.shrui %xor3A_236, %shift_right_logical3A_242 : vector<64x128xi32>
      %or3A_244 = arith.ori %shift_left3A_240, %shift_right_logical3A_243 : vector<64x128xi32>
      %xor3A_245 = arith.xori %add3A_237, %or3A_244 : vector<64x128xi32>
      %add3A_246 = arith.addi %add3A_237, %xor3A_245 : vector<64x128xi32>
      %shift_left3A_247 = arith.constant 26 : i32
      %shift_left3A_248 = vector.broadcast %shift_left3A_247 : i32 to vector<64x128xi32>
      %shift_left3A_249 = arith.shli %xor3A_245, %shift_left3A_248 : vector<64x128xi32>
      %shift_right_logical3A_250 = arith.constant 6 : i32
      %shift_right_logical3A_251 = vector.broadcast %shift_right_logical3A_250 : i32 to vector<64x128xi32>
      %shift_right_logical3A_252 = arith.shrui %xor3A_245, %shift_right_logical3A_251 : vector<64x128xi32>
      %or3A_253 = arith.ori %shift_left3A_249, %shift_right_logical3A_252 : vector<64x128xi32>
      %xor3A_254 = arith.xori %add3A_246, %or3A_253 : vector<64x128xi32>
      %add3A_255 = arith.addi %add3A_246, %xor3A_254 : vector<64x128xi32>
      %shift_left3A_256 = arith.constant 6 : i32
      %shift_left3A_257 = vector.broadcast %shift_left3A_256 : i32 to vector<64x128xi32>
      %shift_left3A_258 = arith.shli %xor3A_254, %shift_left3A_257 : vector<64x128xi32>
      %shift_right_logical3A_259 = arith.constant 26 : i32
      %shift_right_logical3A_260 = vector.broadcast %shift_right_logical3A_259 : i32 to vector<64x128xi32>
      %shift_right_logical3A_261 = arith.shrui %xor3A_254, %shift_right_logical3A_260 : vector<64x128xi32>
      %or3A_262 = arith.ori %shift_left3A_258, %shift_right_logical3A_261 : vector<64x128xi32>
      %xor3A_263 = arith.xori %add3A_255, %or3A_262 : vector<64x128xi32>
      %add3A_264 = arith.constant 466688986 : i32
      %add3A_265 = vector.broadcast %add3A_264 : i32 to vector<64x128xi32>
      %add3A_266 = arith.addi %add3A_255, %add3A_265 : vector<64x128xi32>
      %add3A_267 = arith.constant 5 : i32
      %add3A_268 = vector.broadcast %add3A_267 : i32 to vector<64x128xi32>
      %add3A_269 = arith.addi %xor3A_263, %add3A_268 : vector<64x128xi32>
      %xor3A_270 = arith.xori %add3A_266, %add3A_269 : vector<64x128xi32>
      %shift_right_logical3A_271 = arith.constant 9 : i32
      %shift_right_logical3A_272 = vector.broadcast %shift_right_logical3A_271 : i32 to vector<64x128xi32>
      %shift_right_logical3A_273 = arith.shrui %xor3A_270, %shift_right_logical3A_272 : vector<64x128xi32>
      %or3A_274 = arith.constant 1065353216 : i32
      %or3A_275 = vector.broadcast %or3A_274 : i32 to vector<64x128xi32>
      %or3A_276 = arith.ori %shift_right_logical3A_273, %or3A_275 : vector<64x128xi32>
      %bitcast_convert_type3A = tpu.bitcast %or3A_276 : vector<64x128xi32> -> vector<64x128xf32>
      %sub3A_277 = arith.constant 1.000000e+00 : f32
      %sub3A_278 = vector.broadcast %sub3A_277 : f32 to vector<64x128xf32>
      %sub3A_279 = arith.subf %bitcast_convert_type3A, %sub3A_278 : vector<64x128xf32>
      %max3A = arith.constant 1.17549435E-38 : f32
      %max3A_280 = vector.broadcast %max3A : f32 to vector<64x128xf32>
      %max3A_281 = arith.maximumf %max3A_280, %sub3A_279 : vector<64x128xf32>
      %log3A = math.log %max3A_281 : vector<64x128xf32>
      %neg3A = arith.constant 0.000000e+00 : f32
      %neg3A_282 = vector.broadcast %neg3A : f32 to vector<64x128xf32>
      %neg3A_283 = arith.subf %neg3A_282, %log3A : vector<64x128xf32>
      %log3A_284 = math.log %neg3A_283 : vector<64x128xf32>
      %neg3A_285 = arith.constant 0.000000e+00 : f32
      %neg3A_286 = vector.broadcast %neg3A_285 : f32 to vector<64x128xf32>
      %neg3A_287 = arith.subf %neg3A_286, %log3A_284 : vector<64x128xf32>
      %get3A_288 = arith.index_cast %min3A : i32 to index
      %get3A_289 = memref.load %arg3[%get3A_288] : memref<75xf32, #tpu.memory_space<smem>>
      %add3A_290 = vector.broadcast %get3A_289 : f32 to vector<64x128xf32>
      %add3A_291 = arith.addf %neg3A_287, %add3A_290 : vector<64x128xf32>
      %mul3A_292 = arith.constant 4 : i32
      %mul3A_293 = arith.muli %mul3A_292, %while3A_58 : i32
      %add3A_294 = arith.constant 1 : i32
      %add3A_295 = arith.addi %mul3A_293, %add3A_294 : i32
      %sub3A_296 = arith.constant 1 : i32
      %sub3A_297 = arith.subi %get3A_18, %sub3A_296 : i32
      %min3A_298 = arith.minsi %add3A_295, %sub3A_297 : i32
      %get3A_299 = arith.index_cast %min3A_298 : i32 to index
      %get3A_300 = memref.load %arg2[%get3A_299] : memref<75xi32, #tpu.memory_space<smem>>
      %add3A_301 = vector.broadcast %get3A_300 : i32 to vector<64x128xi32>
      %add3A_302 = arith.addi %mul3A_13, %add3A_301 : vector<64x128xi32>
      %broadcast_in_dim3A_303 = arith.constant 0 : i32
      %broadcast_in_dim3A_304 = vector.broadcast %broadcast_in_dim3A_303 : i32 to vector<64x128xi32>
      %add3A_305 = arith.addi %broadcast_in_dim3A_304, %add3A_302 : vector<64x128xi32>
      %shift_left3A_306 = arith.constant 13 : i32
      %shift_left3A_307 = vector.broadcast %shift_left3A_306 : i32 to vector<64x128xi32>
      %shift_left3A_308 = arith.shli %add3A_302, %shift_left3A_307 : vector<64x128xi32>
      %shift_right_logical3A_309 = arith.constant 19 : i32
      %shift_right_logical3A_310 = vector.broadcast %shift_right_logical3A_309 : i32 to vector<64x128xi32>
      %shift_right_logical3A_311 = arith.shrui %add3A_302, %shift_right_logical3A_310 : vector<64x128xi32>
      %or3A_312 = arith.ori %shift_left3A_308, %shift_right_logical3A_311 : vector<64x128xi32>
      %xor3A_313 = arith.xori %add3A_305, %or3A_312 : vector<64x128xi32>
      %add3A_314 = arith.addi %add3A_305, %xor3A_313 : vector<64x128xi32>
      %shift_left3A_315 = arith.constant 15 : i32
      %shift_left3A_316 = vector.broadcast %shift_left3A_315 : i32 to vector<64x128xi32>
      %shift_left3A_317 = arith.shli %xor3A_313, %shift_left3A_316 : vector<64x128xi32>
      %shift_right_logical3A_318 = arith.constant 17 : i32
      %shift_right_logical3A_319 = vector.broadcast %shift_right_logical3A_318 : i32 to vector<64x128xi32>
      %shift_right_logical3A_320 = arith.shrui %xor3A_313, %shift_right_logical3A_319 : vector<64x128xi32>
      %or3A_321 = arith.ori %shift_left3A_317, %shift_right_logical3A_320 : vector<64x128xi32>
      %xor3A_322 = arith.xori %add3A_314, %or3A_321 : vector<64x128xi32>
      %add3A_323 = arith.addi %add3A_314, %xor3A_322 : vector<64x128xi32>
      %shift_left3A_324 = arith.constant 26 : i32
      %shift_left3A_325 = vector.broadcast %shift_left3A_324 : i32 to vector<64x128xi32>
      %shift_left3A_326 = arith.shli %xor3A_322, %shift_left3A_325 : vector<64x128xi32>
      %shift_right_logical3A_327 = arith.constant 6 : i32
      %shift_right_logical3A_328 = vector.broadcast %shift_right_logical3A_327 : i32 to vector<64x128xi32>
      %shift_right_logical3A_329 = arith.shrui %xor3A_322, %shift_right_logical3A_328 : vector<64x128xi32>
      %or3A_330 = arith.ori %shift_left3A_326, %shift_right_logical3A_329 : vector<64x128xi32>
      %xor3A_331 = arith.xori %add3A_323, %or3A_330 : vector<64x128xi32>
      %add3A_332 = arith.addi %add3A_323, %xor3A_331 : vector<64x128xi32>
      %shift_left3A_333 = arith.constant 6 : i32
      %shift_left3A_334 = vector.broadcast %shift_left3A_333 : i32 to vector<64x128xi32>
      %shift_left3A_335 = arith.shli %xor3A_331, %shift_left3A_334 : vector<64x128xi32>
      %shift_right_logical3A_336 = arith.constant 26 : i32
      %shift_right_logical3A_337 = vector.broadcast %shift_right_logical3A_336 : i32 to vector<64x128xi32>
      %shift_right_logical3A_338 = arith.shrui %xor3A_331, %shift_right_logical3A_337 : vector<64x128xi32>
      %or3A_339 = arith.ori %shift_left3A_335, %shift_right_logical3A_338 : vector<64x128xi32>
      %xor3A_340 = arith.xori %add3A_332, %or3A_339 : vector<64x128xi32>
      %add3A_341 = arith.constant 466688987 : i32
      %add3A_342 = vector.broadcast %add3A_341 : i32 to vector<64x128xi32>
      %add3A_343 = arith.addi %xor3A_340, %add3A_342 : vector<64x128xi32>
      %add3A_344 = arith.addi %add3A_332, %add3A_343 : vector<64x128xi32>
      %shift_left3A_345 = arith.constant 17 : i32
      %shift_left3A_346 = vector.broadcast %shift_left3A_345 : i32 to vector<64x128xi32>
      %shift_left3A_347 = arith.shli %add3A_343, %shift_left3A_346 : vector<64x128xi32>
      %shift_right_logical3A_348 = arith.constant 15 : i32
      %shift_right_logical3A_349 = vector.broadcast %shift_right_logical3A_348 : i32 to vector<64x128xi32>
      %shift_right_logical3A_350 = arith.shrui %add3A_343, %shift_right_logical3A_349 : vector<64x128xi32>
      %or3A_351 = arith.ori %shift_left3A_347, %shift_right_logical3A_350 : vector<64x128xi32>
      %xor3A_352 = arith.xori %add3A_344, %or3A_351 : vector<64x128xi32>
      %add3A_353 = arith.addi %add3A_344, %xor3A_352 : vector<64x128xi32>
      %shift_left3A_354 = arith.constant 29 : i32
      %shift_left3A_355 = vector.broadcast %shift_left3A_354 : i32 to vector<64x128xi32>
      %shift_left3A_356 = arith.shli %xor3A_352, %shift_left3A_355 : vector<64x128xi32>
      %shift_right_logical3A_357 = arith.constant 3 : i32
      %shift_right_logical3A_358 = vector.broadcast %shift_right_logical3A_357 : i32 to vector<64x128xi32>
      %shift_right_logical3A_359 = arith.shrui %xor3A_352, %shift_right_logical3A_358 : vector<64x128xi32>
      %or3A_360 = arith.ori %shift_left3A_356, %shift_right_logical3A_359 : vector<64x128xi32>
      %xor3A_361 = arith.xori %add3A_353, %or3A_360 : vector<64x128xi32>
      %add3A_362 = arith.addi %add3A_353, %xor3A_361 : vector<64x128xi32>
      %shift_left3A_363 = arith.constant 16 : i32
      %shift_left3A_364 = vector.broadcast %shift_left3A_363 : i32 to vector<64x128xi32>
      %shift_left3A_365 = arith.shli %xor3A_361, %shift_left3A_364 : vector<64x128xi32>
      %shift_right_logical3A_366 = arith.constant 16 : i32
      %shift_right_logical3A_367 = vector.broadcast %shift_right_logical3A_366 : i32 to vector<64x128xi32>
      %shift_right_logical3A_368 = arith.shrui %xor3A_361, %shift_right_logical3A_367 : vector<64x128xi32>
      %or3A_369 = arith.ori %shift_left3A_365, %shift_right_logical3A_368 : vector<64x128xi32>
      %xor3A_370 = arith.xori %add3A_362, %or3A_369 : vector<64x128xi32>
      %add3A_371 = arith.addi %add3A_362, %xor3A_370 : vector<64x128xi32>
      %shift_left3A_372 = arith.constant 24 : i32
      %shift_left3A_373 = vector.broadcast %shift_left3A_372 : i32 to vector<64x128xi32>
      %shift_left3A_374 = arith.shli %xor3A_370, %shift_left3A_373 : vector<64x128xi32>
      %shift_right_logical3A_375 = arith.constant 8 : i32
      %shift_right_logical3A_376 = vector.broadcast %shift_right_logical3A_375 : i32 to vector<64x128xi32>
      %shift_right_logical3A_377 = arith.shrui %xor3A_370, %shift_right_logical3A_376 : vector<64x128xi32>
      %or3A_378 = arith.ori %shift_left3A_374, %shift_right_logical3A_377 : vector<64x128xi32>
      %xor3A_379 = arith.xori %add3A_371, %or3A_378 : vector<64x128xi32>
      %add3A_380 = arith.constant 466688986 : i32
      %add3A_381 = vector.broadcast %add3A_380 : i32 to vector<64x128xi32>
      %add3A_382 = arith.addi %add3A_371, %add3A_381 : vector<64x128xi32>
      %add3A_383 = arith.constant 2 : i32
      %add3A_384 = vector.broadcast %add3A_383 : i32 to vector<64x128xi32>
      %add3A_385 = arith.addi %xor3A_379, %add3A_384 : vector<64x128xi32>
      %add3A_386 = arith.addi %add3A_382, %add3A_385 : vector<64x128xi32>
      %shift_left3A_387 = arith.constant 13 : i32
      %shift_left3A_388 = vector.broadcast %shift_left3A_387 : i32 to vector<64x128xi32>
      %shift_left3A_389 = arith.shli %add3A_385, %shift_left3A_388 : vector<64x128xi32>
      %shift_right_logical3A_390 = arith.constant 19 : i32
      %shift_right_logical3A_391 = vector.broadcast %shift_right_logical3A_390 : i32 to vector<64x128xi32>
      %shift_right_logical3A_392 = arith.shrui %add3A_385, %shift_right_logical3A_391 : vector<64x128xi32>
      %or3A_393 = arith.ori %shift_left3A_389, %shift_right_logical3A_392 : vector<64x128xi32>
      %xor3A_394 = arith.xori %add3A_386, %or3A_393 : vector<64x128xi32>
      %add3A_395 = arith.addi %add3A_386, %xor3A_394 : vector<64x128xi32>
      %shift_left3A_396 = arith.constant 15 : i32
      %shift_left3A_397 = vector.broadcast %shift_left3A_396 : i32 to vector<64x128xi32>
      %shift_left3A_398 = arith.shli %xor3A_394, %shift_left3A_397 : vector<64x128xi32>
      %shift_right_logical3A_399 = arith.constant 17 : i32
      %shift_right_logical3A_400 = vector.broadcast %shift_right_logical3A_399 : i32 to vector<64x128xi32>
      %shift_right_logical3A_401 = arith.shrui %xor3A_394, %shift_right_logical3A_400 : vector<64x128xi32>
      %or3A_402 = arith.ori %shift_left3A_398, %shift_right_logical3A_401 : vector<64x128xi32>
      %xor3A_403 = arith.xori %add3A_395, %or3A_402 : vector<64x128xi32>
      %add3A_404 = arith.addi %add3A_395, %xor3A_403 : vector<64x128xi32>
      %shift_left3A_405 = arith.constant 26 : i32
      %shift_left3A_406 = vector.broadcast %shift_left3A_405 : i32 to vector<64x128xi32>
      %shift_left3A_407 = arith.shli %xor3A_403, %shift_left3A_406 : vector<64x128xi32>
      %shift_right_logical3A_408 = arith.constant 6 : i32
      %shift_right_logical3A_409 = vector.broadcast %shift_right_logical3A_408 : i32 to vector<64x128xi32>
      %shift_right_logical3A_410 = arith.shrui %xor3A_403, %shift_right_logical3A_409 : vector<64x128xi32>
      %or3A_411 = arith.ori %shift_left3A_407, %shift_right_logical3A_410 : vector<64x128xi32>
      %xor3A_412 = arith.xori %add3A_404, %or3A_411 : vector<64x128xi32>
      %add3A_413 = arith.addi %add3A_404, %xor3A_412 : vector<64x128xi32>
      %shift_left3A_414 = arith.constant 6 : i32
      %shift_left3A_415 = vector.broadcast %shift_left3A_414 : i32 to vector<64x128xi32>
      %shift_left3A_416 = arith.shli %xor3A_412, %shift_left3A_415 : vector<64x128xi32>
      %shift_right_logical3A_417 = arith.constant 26 : i32
      %shift_right_logical3A_418 = vector.broadcast %shift_right_logical3A_417 : i32 to vector<64x128xi32>
      %shift_right_logical3A_419 = arith.shrui %xor3A_412, %shift_right_logical3A_418 : vector<64x128xi32>
      %or3A_420 = arith.ori %shift_left3A_416, %shift_right_logical3A_419 : vector<64x128xi32>
      %xor3A_421 = arith.xori %add3A_413, %or3A_420 : vector<64x128xi32>
      %add3A_422 = arith.constant 3 : i32
      %add3A_423 = vector.broadcast %add3A_422 : i32 to vector<64x128xi32>
      %add3A_424 = arith.addi %xor3A_421, %add3A_423 : vector<64x128xi32>
      %add3A_425 = arith.addi %add3A_413, %add3A_424 : vector<64x128xi32>
      %shift_left3A_426 = arith.constant 17 : i32
      %shift_left3A_427 = vector.broadcast %shift_left3A_426 : i32 to vector<64x128xi32>
      %shift_left3A_428 = arith.shli %add3A_424, %shift_left3A_427 : vector<64x128xi32>
      %shift_right_logical3A_429 = arith.constant 15 : i32
      %shift_right_logical3A_430 = vector.broadcast %shift_right_logical3A_429 : i32 to vector<64x128xi32>
      %shift_right_logical3A_431 = arith.shrui %add3A_424, %shift_right_logical3A_430 : vector<64x128xi32>
      %or3A_432 = arith.ori %shift_left3A_428, %shift_right_logical3A_431 : vector<64x128xi32>
      %xor3A_433 = arith.xori %add3A_425, %or3A_432 : vector<64x128xi32>
      %add3A_434 = arith.addi %add3A_425, %xor3A_433 : vector<64x128xi32>
      %shift_left3A_435 = arith.constant 29 : i32
      %shift_left3A_436 = vector.broadcast %shift_left3A_435 : i32 to vector<64x128xi32>
      %shift_left3A_437 = arith.shli %xor3A_433, %shift_left3A_436 : vector<64x128xi32>
      %shift_right_logical3A_438 = arith.constant 3 : i32
      %shift_right_logical3A_439 = vector.broadcast %shift_right_logical3A_438 : i32 to vector<64x128xi32>
      %shift_right_logical3A_440 = arith.shrui %xor3A_433, %shift_right_logical3A_439 : vector<64x128xi32>
      %or3A_441 = arith.ori %shift_left3A_437, %shift_right_logical3A_440 : vector<64x128xi32>
      %xor3A_442 = arith.xori %add3A_434, %or3A_441 : vector<64x128xi32>
      %add3A_443 = arith.addi %add3A_434, %xor3A_442 : vector<64x128xi32>
      %shift_left3A_444 = arith.constant 16 : i32
      %shift_left3A_445 = vector.broadcast %shift_left3A_444 : i32 to vector<64x128xi32>
      %shift_left3A_446 = arith.shli %xor3A_442, %shift_left3A_445 : vector<64x128xi32>
      %shift_right_logical3A_447 = arith.constant 16 : i32
      %shift_right_logical3A_448 = vector.broadcast %shift_right_logical3A_447 : i32 to vector<64x128xi32>
      %shift_right_logical3A_449 = arith.shrui %xor3A_442, %shift_right_logical3A_448 : vector<64x128xi32>
      %or3A_450 = arith.ori %shift_left3A_446, %shift_right_logical3A_449 : vector<64x128xi32>
      %xor3A_451 = arith.xori %add3A_443, %or3A_450 : vector<64x128xi32>
      %add3A_452 = arith.addi %add3A_443, %xor3A_451 : vector<64x128xi32>
      %shift_left3A_453 = arith.constant 24 : i32
      %shift_left3A_454 = vector.broadcast %shift_left3A_453 : i32 to vector<64x128xi32>
      %shift_left3A_455 = arith.shli %xor3A_451, %shift_left3A_454 : vector<64x128xi32>
      %shift_right_logical3A_456 = arith.constant 8 : i32
      %shift_right_logical3A_457 = vector.broadcast %shift_right_logical3A_456 : i32 to vector<64x128xi32>
      %shift_right_logical3A_458 = arith.shrui %xor3A_451, %shift_right_logical3A_457 : vector<64x128xi32>
      %or3A_459 = arith.ori %shift_left3A_455, %shift_right_logical3A_458 : vector<64x128xi32>
      %xor3A_460 = arith.xori %add3A_452, %or3A_459 : vector<64x128xi32>
      %add3A_461 = arith.constant 466688990 : i32
      %add3A_462 = vector.broadcast %add3A_461 : i32 to vector<64x128xi32>
      %add3A_463 = arith.addi %xor3A_460, %add3A_462 : vector<64x128xi32>
      %add3A_464 = arith.addi %add3A_452, %add3A_463 : vector<64x128xi32>
      %shift_left3A_465 = arith.constant 13 : i32
      %shift_left3A_466 = vector.broadcast %shift_left3A_465 : i32 to vector<64x128xi32>
      %shift_left3A_467 = arith.shli %add3A_463, %shift_left3A_466 : vector<64x128xi32>
      %shift_right_logical3A_468 = arith.constant 19 : i32
      %shift_right_logical3A_469 = vector.broadcast %shift_right_logical3A_468 : i32 to vector<64x128xi32>
      %shift_right_logical3A_470 = arith.shrui %add3A_463, %shift_right_logical3A_469 : vector<64x128xi32>
      %or3A_471 = arith.ori %shift_left3A_467, %shift_right_logical3A_470 : vector<64x128xi32>
      %xor3A_472 = arith.xori %add3A_464, %or3A_471 : vector<64x128xi32>
      %add3A_473 = arith.addi %add3A_464, %xor3A_472 : vector<64x128xi32>
      %shift_left3A_474 = arith.constant 15 : i32
      %shift_left3A_475 = vector.broadcast %shift_left3A_474 : i32 to vector<64x128xi32>
      %shift_left3A_476 = arith.shli %xor3A_472, %shift_left3A_475 : vector<64x128xi32>
      %shift_right_logical3A_477 = arith.constant 17 : i32
      %shift_right_logical3A_478 = vector.broadcast %shift_right_logical3A_477 : i32 to vector<64x128xi32>
      %shift_right_logical3A_479 = arith.shrui %xor3A_472, %shift_right_logical3A_478 : vector<64x128xi32>
      %or3A_480 = arith.ori %shift_left3A_476, %shift_right_logical3A_479 : vector<64x128xi32>
      %xor3A_481 = arith.xori %add3A_473, %or3A_480 : vector<64x128xi32>
      %add3A_482 = arith.addi %add3A_473, %xor3A_481 : vector<64x128xi32>
      %shift_left3A_483 = arith.constant 26 : i32
      %shift_left3A_484 = vector.broadcast %shift_left3A_483 : i32 to vector<64x128xi32>
      %shift_left3A_485 = arith.shli %xor3A_481, %shift_left3A_484 : vector<64x128xi32>
      %shift_right_logical3A_486 = arith.constant 6 : i32
      %shift_right_logical3A_487 = vector.broadcast %shift_right_logical3A_486 : i32 to vector<64x128xi32>
      %shift_right_logical3A_488 = arith.shrui %xor3A_481, %shift_right_logical3A_487 : vector<64x128xi32>
      %or3A_489 = arith.ori %shift_left3A_485, %shift_right_logical3A_488 : vector<64x128xi32>
      %xor3A_490 = arith.xori %add3A_482, %or3A_489 : vector<64x128xi32>
      %add3A_491 = arith.addi %add3A_482, %xor3A_490 : vector<64x128xi32>
      %shift_left3A_492 = arith.constant 6 : i32
      %shift_left3A_493 = vector.broadcast %shift_left3A_492 : i32 to vector<64x128xi32>
      %shift_left3A_494 = arith.shli %xor3A_490, %shift_left3A_493 : vector<64x128xi32>
      %shift_right_logical3A_495 = arith.constant 26 : i32
      %shift_right_logical3A_496 = vector.broadcast %shift_right_logical3A_495 : i32 to vector<64x128xi32>
      %shift_right_logical3A_497 = arith.shrui %xor3A_490, %shift_right_logical3A_496 : vector<64x128xi32>
      %or3A_498 = arith.ori %shift_left3A_494, %shift_right_logical3A_497 : vector<64x128xi32>
      %xor3A_499 = arith.xori %add3A_491, %or3A_498 : vector<64x128xi32>
      %add3A_500 = arith.constant 466688986 : i32
      %add3A_501 = vector.broadcast %add3A_500 : i32 to vector<64x128xi32>
      %add3A_502 = arith.addi %add3A_491, %add3A_501 : vector<64x128xi32>
      %add3A_503 = arith.constant 5 : i32
      %add3A_504 = vector.broadcast %add3A_503 : i32 to vector<64x128xi32>
      %add3A_505 = arith.addi %xor3A_499, %add3A_504 : vector<64x128xi32>
      %xor3A_506 = arith.xori %add3A_502, %add3A_505 : vector<64x128xi32>
      %shift_right_logical3A_507 = arith.constant 9 : i32
      %shift_right_logical3A_508 = vector.broadcast %shift_right_logical3A_507 : i32 to vector<64x128xi32>
      %shift_right_logical3A_509 = arith.shrui %xor3A_506, %shift_right_logical3A_508 : vector<64x128xi32>
      %or3A_510 = arith.constant 1065353216 : i32
      %or3A_511 = vector.broadcast %or3A_510 : i32 to vector<64x128xi32>
      %or3A_512 = arith.ori %shift_right_logical3A_509, %or3A_511 : vector<64x128xi32>
      %bitcast_convert_type3A_513 = tpu.bitcast %or3A_512 : vector<64x128xi32> -> vector<64x128xf32>
      %sub3A_514 = arith.constant 1.000000e+00 : f32
      %sub3A_515 = vector.broadcast %sub3A_514 : f32 to vector<64x128xf32>
      %sub3A_516 = arith.subf %bitcast_convert_type3A_513, %sub3A_515 : vector<64x128xf32>
      %max3A_517 = arith.constant 1.17549435E-38 : f32
      %max3A_518 = vector.broadcast %max3A_517 : f32 to vector<64x128xf32>
      %max3A_519 = arith.maximumf %max3A_518, %sub3A_516 : vector<64x128xf32>
      %log3A_520 = math.log %max3A_519 : vector<64x128xf32>
      %neg3A_521 = arith.constant 0.000000e+00 : f32
      %neg3A_522 = vector.broadcast %neg3A_521 : f32 to vector<64x128xf32>
      %neg3A_523 = arith.subf %neg3A_522, %log3A_520 : vector<64x128xf32>
      %log3A_524 = math.log %neg3A_523 : vector<64x128xf32>
      %neg3A_525 = arith.constant 0.000000e+00 : f32
      %neg3A_526 = vector.broadcast %neg3A_525 : f32 to vector<64x128xf32>
      %neg3A_527 = arith.subf %neg3A_526, %log3A_524 : vector<64x128xf32>
      %get3A_528 = arith.index_cast %min3A_298 : i32 to index
      %get3A_529 = memref.load %arg3[%get3A_528] : memref<75xf32, #tpu.memory_space<smem>>
      %add3A_530 = vector.broadcast %get3A_529 : f32 to vector<64x128xf32>
      %add3A_531 = arith.addf %neg3A_527, %add3A_530 : vector<64x128xf32>
      %mul3A_532 = arith.constant 4 : i32
      %mul3A_533 = arith.muli %mul3A_532, %while3A_58 : i32
      %add3A_534 = arith.constant 2 : i32
      %add3A_535 = arith.addi %mul3A_533, %add3A_534 : i32
      %sub3A_536 = arith.constant 1 : i32
      %sub3A_537 = arith.subi %get3A_18, %sub3A_536 : i32
      %min3A_538 = arith.minsi %add3A_535, %sub3A_537 : i32
      %get3A_539 = arith.index_cast %min3A_538 : i32 to index
      %get3A_540 = memref.load %arg2[%get3A_539] : memref<75xi32, #tpu.memory_space<smem>>
      %add3A_541 = vector.broadcast %get3A_540 : i32 to vector<64x128xi32>
      %add3A_542 = arith.addi %mul3A_13, %add3A_541 : vector<64x128xi32>
      %broadcast_in_dim3A_543 = arith.constant 0 : i32
      %broadcast_in_dim3A_544 = vector.broadcast %broadcast_in_dim3A_543 : i32 to vector<64x128xi32>
      %add3A_545 = arith.addi %broadcast_in_dim3A_544, %add3A_542 : vector<64x128xi32>
      %shift_left3A_546 = arith.constant 13 : i32
      %shift_left3A_547 = vector.broadcast %shift_left3A_546 : i32 to vector<64x128xi32>
      %shift_left3A_548 = arith.shli %add3A_542, %shift_left3A_547 : vector<64x128xi32>
      %shift_right_logical3A_549 = arith.constant 19 : i32
      %shift_right_logical3A_550 = vector.broadcast %shift_right_logical3A_549 : i32 to vector<64x128xi32>
      %shift_right_logical3A_551 = arith.shrui %add3A_542, %shift_right_logical3A_550 : vector<64x128xi32>
      %or3A_552 = arith.ori %shift_left3A_548, %shift_right_logical3A_551 : vector<64x128xi32>
      %xor3A_553 = arith.xori %add3A_545, %or3A_552 : vector<64x128xi32>
      %add3A_554 = arith.addi %add3A_545, %xor3A_553 : vector<64x128xi32>
      %shift_left3A_555 = arith.constant 15 : i32
      %shift_left3A_556 = vector.broadcast %shift_left3A_555 : i32 to vector<64x128xi32>
      %shift_left3A_557 = arith.shli %xor3A_553, %shift_left3A_556 : vector<64x128xi32>
      %shift_right_logical3A_558 = arith.constant 17 : i32
      %shift_right_logical3A_559 = vector.broadcast %shift_right_logical3A_558 : i32 to vector<64x128xi32>
      %shift_right_logical3A_560 = arith.shrui %xor3A_553, %shift_right_logical3A_559 : vector<64x128xi32>
      %or3A_561 = arith.ori %shift_left3A_557, %shift_right_logical3A_560 : vector<64x128xi32>
      %xor3A_562 = arith.xori %add3A_554, %or3A_561 : vector<64x128xi32>
      %add3A_563 = arith.addi %add3A_554, %xor3A_562 : vector<64x128xi32>
      %shift_left3A_564 = arith.constant 26 : i32
      %shift_left3A_565 = vector.broadcast %shift_left3A_564 : i32 to vector<64x128xi32>
      %shift_left3A_566 = arith.shli %xor3A_562, %shift_left3A_565 : vector<64x128xi32>
      %shift_right_logical3A_567 = arith.constant 6 : i32
      %shift_right_logical3A_568 = vector.broadcast %shift_right_logical3A_567 : i32 to vector<64x128xi32>
      %shift_right_logical3A_569 = arith.shrui %xor3A_562, %shift_right_logical3A_568 : vector<64x128xi32>
      %or3A_570 = arith.ori %shift_left3A_566, %shift_right_logical3A_569 : vector<64x128xi32>
      %xor3A_571 = arith.xori %add3A_563, %or3A_570 : vector<64x128xi32>
      %add3A_572 = arith.addi %add3A_563, %xor3A_571 : vector<64x128xi32>
      %shift_left3A_573 = arith.constant 6 : i32
      %shift_left3A_574 = vector.broadcast %shift_left3A_573 : i32 to vector<64x128xi32>
      %shift_left3A_575 = arith.shli %xor3A_571, %shift_left3A_574 : vector<64x128xi32>
      %shift_right_logical3A_576 = arith.constant 26 : i32
      %shift_right_logical3A_577 = vector.broadcast %shift_right_logical3A_576 : i32 to vector<64x128xi32>
      %shift_right_logical3A_578 = arith.shrui %xor3A_571, %shift_right_logical3A_577 : vector<64x128xi32>
      %or3A_579 = arith.ori %shift_left3A_575, %shift_right_logical3A_578 : vector<64x128xi32>
      %xor3A_580 = arith.xori %add3A_572, %or3A_579 : vector<64x128xi32>
      %add3A_581 = arith.constant 466688987 : i32
      %add3A_582 = vector.broadcast %add3A_581 : i32 to vector<64x128xi32>
      %add3A_583 = arith.addi %xor3A_580, %add3A_582 : vector<64x128xi32>
      %add3A_584 = arith.addi %add3A_572, %add3A_583 : vector<64x128xi32>
      %shift_left3A_585 = arith.constant 17 : i32
      %shift_left3A_586 = vector.broadcast %shift_left3A_585 : i32 to vector<64x128xi32>
      %shift_left3A_587 = arith.shli %add3A_583, %shift_left3A_586 : vector<64x128xi32>
      %shift_right_logical3A_588 = arith.constant 15 : i32
      %shift_right_logical3A_589 = vector.broadcast %shift_right_logical3A_588 : i32 to vector<64x128xi32>
      %shift_right_logical3A_590 = arith.shrui %add3A_583, %shift_right_logical3A_589 : vector<64x128xi32>
      %or3A_591 = arith.ori %shift_left3A_587, %shift_right_logical3A_590 : vector<64x128xi32>
      %xor3A_592 = arith.xori %add3A_584, %or3A_591 : vector<64x128xi32>
      %add3A_593 = arith.addi %add3A_584, %xor3A_592 : vector<64x128xi32>
      %shift_left3A_594 = arith.constant 29 : i32
      %shift_left3A_595 = vector.broadcast %shift_left3A_594 : i32 to vector<64x128xi32>
      %shift_left3A_596 = arith.shli %xor3A_592, %shift_left3A_595 : vector<64x128xi32>
      %shift_right_logical3A_597 = arith.constant 3 : i32
      %shift_right_logical3A_598 = vector.broadcast %shift_right_logical3A_597 : i32 to vector<64x128xi32>
      %shift_right_logical3A_599 = arith.shrui %xor3A_592, %shift_right_logical3A_598 : vector<64x128xi32>
      %or3A_600 = arith.ori %shift_left3A_596, %shift_right_logical3A_599 : vector<64x128xi32>
      %xor3A_601 = arith.xori %add3A_593, %or3A_600 : vector<64x128xi32>
      %add3A_602 = arith.addi %add3A_593, %xor3A_601 : vector<64x128xi32>
      %shift_left3A_603 = arith.constant 16 : i32
      %shift_left3A_604 = vector.broadcast %shift_left3A_603 : i32 to vector<64x128xi32>
      %shift_left3A_605 = arith.shli %xor3A_601, %shift_left3A_604 : vector<64x128xi32>
      %shift_right_logical3A_606 = arith.constant 16 : i32
      %shift_right_logical3A_607 = vector.broadcast %shift_right_logical3A_606 : i32 to vector<64x128xi32>
      %shift_right_logical3A_608 = arith.shrui %xor3A_601, %shift_right_logical3A_607 : vector<64x128xi32>
      %or3A_609 = arith.ori %shift_left3A_605, %shift_right_logical3A_608 : vector<64x128xi32>
      %xor3A_610 = arith.xori %add3A_602, %or3A_609 : vector<64x128xi32>
      %add3A_611 = arith.addi %add3A_602, %xor3A_610 : vector<64x128xi32>
      %shift_left3A_612 = arith.constant 24 : i32
      %shift_left3A_613 = vector.broadcast %shift_left3A_612 : i32 to vector<64x128xi32>
      %shift_left3A_614 = arith.shli %xor3A_610, %shift_left3A_613 : vector<64x128xi32>
      %shift_right_logical3A_615 = arith.constant 8 : i32
      %shift_right_logical3A_616 = vector.broadcast %shift_right_logical3A_615 : i32 to vector<64x128xi32>
      %shift_right_logical3A_617 = arith.shrui %xor3A_610, %shift_right_logical3A_616 : vector<64x128xi32>
      %or3A_618 = arith.ori %shift_left3A_614, %shift_right_logical3A_617 : vector<64x128xi32>
      %xor3A_619 = arith.xori %add3A_611, %or3A_618 : vector<64x128xi32>
      %add3A_620 = arith.constant 466688986 : i32
      %add3A_621 = vector.broadcast %add3A_620 : i32 to vector<64x128xi32>
      %add3A_622 = arith.addi %add3A_611, %add3A_621 : vector<64x128xi32>
      %add3A_623 = arith.constant 2 : i32
      %add3A_624 = vector.broadcast %add3A_623 : i32 to vector<64x128xi32>
      %add3A_625 = arith.addi %xor3A_619, %add3A_624 : vector<64x128xi32>
      %add3A_626 = arith.addi %add3A_622, %add3A_625 : vector<64x128xi32>
      %shift_left3A_627 = arith.constant 13 : i32
      %shift_left3A_628 = vector.broadcast %shift_left3A_627 : i32 to vector<64x128xi32>
      %shift_left3A_629 = arith.shli %add3A_625, %shift_left3A_628 : vector<64x128xi32>
      %shift_right_logical3A_630 = arith.constant 19 : i32
      %shift_right_logical3A_631 = vector.broadcast %shift_right_logical3A_630 : i32 to vector<64x128xi32>
      %shift_right_logical3A_632 = arith.shrui %add3A_625, %shift_right_logical3A_631 : vector<64x128xi32>
      %or3A_633 = arith.ori %shift_left3A_629, %shift_right_logical3A_632 : vector<64x128xi32>
      %xor3A_634 = arith.xori %add3A_626, %or3A_633 : vector<64x128xi32>
      %add3A_635 = arith.addi %add3A_626, %xor3A_634 : vector<64x128xi32>
      %shift_left3A_636 = arith.constant 15 : i32
      %shift_left3A_637 = vector.broadcast %shift_left3A_636 : i32 to vector<64x128xi32>
      %shift_left3A_638 = arith.shli %xor3A_634, %shift_left3A_637 : vector<64x128xi32>
      %shift_right_logical3A_639 = arith.constant 17 : i32
      %shift_right_logical3A_640 = vector.broadcast %shift_right_logical3A_639 : i32 to vector<64x128xi32>
      %shift_right_logical3A_641 = arith.shrui %xor3A_634, %shift_right_logical3A_640 : vector<64x128xi32>
      %or3A_642 = arith.ori %shift_left3A_638, %shift_right_logical3A_641 : vector<64x128xi32>
      %xor3A_643 = arith.xori %add3A_635, %or3A_642 : vector<64x128xi32>
      %add3A_644 = arith.addi %add3A_635, %xor3A_643 : vector<64x128xi32>
      %shift_left3A_645 = arith.constant 26 : i32
      %shift_left3A_646 = vector.broadcast %shift_left3A_645 : i32 to vector<64x128xi32>
      %shift_left3A_647 = arith.shli %xor3A_643, %shift_left3A_646 : vector<64x128xi32>
      %shift_right_logical3A_648 = arith.constant 6 : i32
      %shift_right_logical3A_649 = vector.broadcast %shift_right_logical3A_648 : i32 to vector<64x128xi32>
      %shift_right_logical3A_650 = arith.shrui %xor3A_643, %shift_right_logical3A_649 : vector<64x128xi32>
      %or3A_651 = arith.ori %shift_left3A_647, %shift_right_logical3A_650 : vector<64x128xi32>
      %xor3A_652 = arith.xori %add3A_644, %or3A_651 : vector<64x128xi32>
      %add3A_653 = arith.addi %add3A_644, %xor3A_652 : vector<64x128xi32>
      %shift_left3A_654 = arith.constant 6 : i32
      %shift_left3A_655 = vector.broadcast %shift_left3A_654 : i32 to vector<64x128xi32>
      %shift_left3A_656 = arith.shli %xor3A_652, %shift_left3A_655 : vector<64x128xi32>
      %shift_right_logical3A_657 = arith.constant 26 : i32
      %shift_right_logical3A_658 = vector.broadcast %shift_right_logical3A_657 : i32 to vector<64x128xi32>
      %shift_right_logical3A_659 = arith.shrui %xor3A_652, %shift_right_logical3A_658 : vector<64x128xi32>
      %or3A_660 = arith.ori %shift_left3A_656, %shift_right_logical3A_659 : vector<64x128xi32>
      %xor3A_661 = arith.xori %add3A_653, %or3A_660 : vector<64x128xi32>
      %add3A_662 = arith.constant 3 : i32
      %add3A_663 = vector.broadcast %add3A_662 : i32 to vector<64x128xi32>
      %add3A_664 = arith.addi %xor3A_661, %add3A_663 : vector<64x128xi32>
      %add3A_665 = arith.addi %add3A_653, %add3A_664 : vector<64x128xi32>
      %shift_left3A_666 = arith.constant 17 : i32
      %shift_left3A_667 = vector.broadcast %shift_left3A_666 : i32 to vector<64x128xi32>
      %shift_left3A_668 = arith.shli %add3A_664, %shift_left3A_667 : vector<64x128xi32>
      %shift_right_logical3A_669 = arith.constant 15 : i32
      %shift_right_logical3A_670 = vector.broadcast %shift_right_logical3A_669 : i32 to vector<64x128xi32>
      %shift_right_logical3A_671 = arith.shrui %add3A_664, %shift_right_logical3A_670 : vector<64x128xi32>
      %or3A_672 = arith.ori %shift_left3A_668, %shift_right_logical3A_671 : vector<64x128xi32>
      %xor3A_673 = arith.xori %add3A_665, %or3A_672 : vector<64x128xi32>
      %add3A_674 = arith.addi %add3A_665, %xor3A_673 : vector<64x128xi32>
      %shift_left3A_675 = arith.constant 29 : i32
      %shift_left3A_676 = vector.broadcast %shift_left3A_675 : i32 to vector<64x128xi32>
      %shift_left3A_677 = arith.shli %xor3A_673, %shift_left3A_676 : vector<64x128xi32>
      %shift_right_logical3A_678 = arith.constant 3 : i32
      %shift_right_logical3A_679 = vector.broadcast %shift_right_logical3A_678 : i32 to vector<64x128xi32>
      %shift_right_logical3A_680 = arith.shrui %xor3A_673, %shift_right_logical3A_679 : vector<64x128xi32>
      %or3A_681 = arith.ori %shift_left3A_677, %shift_right_logical3A_680 : vector<64x128xi32>
      %xor3A_682 = arith.xori %add3A_674, %or3A_681 : vector<64x128xi32>
      %add3A_683 = arith.addi %add3A_674, %xor3A_682 : vector<64x128xi32>
      %shift_left3A_684 = arith.constant 16 : i32
      %shift_left3A_685 = vector.broadcast %shift_left3A_684 : i32 to vector<64x128xi32>
      %shift_left3A_686 = arith.shli %xor3A_682, %shift_left3A_685 : vector<64x128xi32>
      %shift_right_logical3A_687 = arith.constant 16 : i32
      %shift_right_logical3A_688 = vector.broadcast %shift_right_logical3A_687 : i32 to vector<64x128xi32>
      %shift_right_logical3A_689 = arith.shrui %xor3A_682, %shift_right_logical3A_688 : vector<64x128xi32>
      %or3A_690 = arith.ori %shift_left3A_686, %shift_right_logical3A_689 : vector<64x128xi32>
      %xor3A_691 = arith.xori %add3A_683, %or3A_690 : vector<64x128xi32>
      %add3A_692 = arith.addi %add3A_683, %xor3A_691 : vector<64x128xi32>
      %shift_left3A_693 = arith.constant 24 : i32
      %shift_left3A_694 = vector.broadcast %shift_left3A_693 : i32 to vector<64x128xi32>
      %shift_left3A_695 = arith.shli %xor3A_691, %shift_left3A_694 : vector<64x128xi32>
      %shift_right_logical3A_696 = arith.constant 8 : i32
      %shift_right_logical3A_697 = vector.broadcast %shift_right_logical3A_696 : i32 to vector<64x128xi32>
      %shift_right_logical3A_698 = arith.shrui %xor3A_691, %shift_right_logical3A_697 : vector<64x128xi32>
      %or3A_699 = arith.ori %shift_left3A_695, %shift_right_logical3A_698 : vector<64x128xi32>
      %xor3A_700 = arith.xori %add3A_692, %or3A_699 : vector<64x128xi32>
      %add3A_701 = arith.constant 466688990 : i32
      %add3A_702 = vector.broadcast %add3A_701 : i32 to vector<64x128xi32>
      %add3A_703 = arith.addi %xor3A_700, %add3A_702 : vector<64x128xi32>
      %add3A_704 = arith.addi %add3A_692, %add3A_703 : vector<64x128xi32>
      %shift_left3A_705 = arith.constant 13 : i32
      %shift_left3A_706 = vector.broadcast %shift_left3A_705 : i32 to vector<64x128xi32>
      %shift_left3A_707 = arith.shli %add3A_703, %shift_left3A_706 : vector<64x128xi32>
      %shift_right_logical3A_708 = arith.constant 19 : i32
      %shift_right_logical3A_709 = vector.broadcast %shift_right_logical3A_708 : i32 to vector<64x128xi32>
      %shift_right_logical3A_710 = arith.shrui %add3A_703, %shift_right_logical3A_709 : vector<64x128xi32>
      %or3A_711 = arith.ori %shift_left3A_707, %shift_right_logical3A_710 : vector<64x128xi32>
      %xor3A_712 = arith.xori %add3A_704, %or3A_711 : vector<64x128xi32>
      %add3A_713 = arith.addi %add3A_704, %xor3A_712 : vector<64x128xi32>
      %shift_left3A_714 = arith.constant 15 : i32
      %shift_left3A_715 = vector.broadcast %shift_left3A_714 : i32 to vector<64x128xi32>
      %shift_left3A_716 = arith.shli %xor3A_712, %shift_left3A_715 : vector<64x128xi32>
      %shift_right_logical3A_717 = arith.constant 17 : i32
      %shift_right_logical3A_718 = vector.broadcast %shift_right_logical3A_717 : i32 to vector<64x128xi32>
      %shift_right_logical3A_719 = arith.shrui %xor3A_712, %shift_right_logical3A_718 : vector<64x128xi32>
      %or3A_720 = arith.ori %shift_left3A_716, %shift_right_logical3A_719 : vector<64x128xi32>
      %xor3A_721 = arith.xori %add3A_713, %or3A_720 : vector<64x128xi32>
      %add3A_722 = arith.addi %add3A_713, %xor3A_721 : vector<64x128xi32>
      %shift_left3A_723 = arith.constant 26 : i32
      %shift_left3A_724 = vector.broadcast %shift_left3A_723 : i32 to vector<64x128xi32>
      %shift_left3A_725 = arith.shli %xor3A_721, %shift_left3A_724 : vector<64x128xi32>
      %shift_right_logical3A_726 = arith.constant 6 : i32
      %shift_right_logical3A_727 = vector.broadcast %shift_right_logical3A_726 : i32 to vector<64x128xi32>
      %shift_right_logical3A_728 = arith.shrui %xor3A_721, %shift_right_logical3A_727 : vector<64x128xi32>
      %or3A_729 = arith.ori %shift_left3A_725, %shift_right_logical3A_728 : vector<64x128xi32>
      %xor3A_730 = arith.xori %add3A_722, %or3A_729 : vector<64x128xi32>
      %add3A_731 = arith.addi %add3A_722, %xor3A_730 : vector<64x128xi32>
      %shift_left3A_732 = arith.constant 6 : i32
      %shift_left3A_733 = vector.broadcast %shift_left3A_732 : i32 to vector<64x128xi32>
      %shift_left3A_734 = arith.shli %xor3A_730, %shift_left3A_733 : vector<64x128xi32>
      %shift_right_logical3A_735 = arith.constant 26 : i32
      %shift_right_logical3A_736 = vector.broadcast %shift_right_logical3A_735 : i32 to vector<64x128xi32>
      %shift_right_logical3A_737 = arith.shrui %xor3A_730, %shift_right_logical3A_736 : vector<64x128xi32>
      %or3A_738 = arith.ori %shift_left3A_734, %shift_right_logical3A_737 : vector<64x128xi32>
      %xor3A_739 = arith.xori %add3A_731, %or3A_738 : vector<64x128xi32>
      %add3A_740 = arith.constant 466688986 : i32
      %add3A_741 = vector.broadcast %add3A_740 : i32 to vector<64x128xi32>
      %add3A_742 = arith.addi %add3A_731, %add3A_741 : vector<64x128xi32>
      %add3A_743 = arith.constant 5 : i32
      %add3A_744 = vector.broadcast %add3A_743 : i32 to vector<64x128xi32>
      %add3A_745 = arith.addi %xor3A_739, %add3A_744 : vector<64x128xi32>
      %xor3A_746 = arith.xori %add3A_742, %add3A_745 : vector<64x128xi32>
      %shift_right_logical3A_747 = arith.constant 9 : i32
      %shift_right_logical3A_748 = vector.broadcast %shift_right_logical3A_747 : i32 to vector<64x128xi32>
      %shift_right_logical3A_749 = arith.shrui %xor3A_746, %shift_right_logical3A_748 : vector<64x128xi32>
      %or3A_750 = arith.constant 1065353216 : i32
      %or3A_751 = vector.broadcast %or3A_750 : i32 to vector<64x128xi32>
      %or3A_752 = arith.ori %shift_right_logical3A_749, %or3A_751 : vector<64x128xi32>
      %bitcast_convert_type3A_753 = tpu.bitcast %or3A_752 : vector<64x128xi32> -> vector<64x128xf32>
      %sub3A_754 = arith.constant 1.000000e+00 : f32
      %sub3A_755 = vector.broadcast %sub3A_754 : f32 to vector<64x128xf32>
      %sub3A_756 = arith.subf %bitcast_convert_type3A_753, %sub3A_755 : vector<64x128xf32>
      %max3A_757 = arith.constant 1.17549435E-38 : f32
      %max3A_758 = vector.broadcast %max3A_757 : f32 to vector<64x128xf32>
      %max3A_759 = arith.maximumf %max3A_758, %sub3A_756 : vector<64x128xf32>
      %log3A_760 = math.log %max3A_759 : vector<64x128xf32>
      %neg3A_761 = arith.constant 0.000000e+00 : f32
      %neg3A_762 = vector.broadcast %neg3A_761 : f32 to vector<64x128xf32>
      %neg3A_763 = arith.subf %neg3A_762, %log3A_760 : vector<64x128xf32>
      %log3A_764 = math.log %neg3A_763 : vector<64x128xf32>
      %neg3A_765 = arith.constant 0.000000e+00 : f32
      %neg3A_766 = vector.broadcast %neg3A_765 : f32 to vector<64x128xf32>
      %neg3A_767 = arith.subf %neg3A_766, %log3A_764 : vector<64x128xf32>
      %get3A_768 = arith.index_cast %min3A_538 : i32 to index
      %get3A_769 = memref.load %arg3[%get3A_768] : memref<75xf32, #tpu.memory_space<smem>>
      %add3A_770 = vector.broadcast %get3A_769 : f32 to vector<64x128xf32>
      %add3A_771 = arith.addf %neg3A_767, %add3A_770 : vector<64x128xf32>
      %mul3A_772 = arith.constant 4 : i32
      %mul3A_773 = arith.muli %mul3A_772, %while3A_58 : i32
      %add3A_774 = arith.constant 3 : i32
      %add3A_775 = arith.addi %mul3A_773, %add3A_774 : i32
      %sub3A_776 = arith.constant 1 : i32
      %sub3A_777 = arith.subi %get3A_18, %sub3A_776 : i32
      %min3A_778 = arith.minsi %add3A_775, %sub3A_777 : i32
      %get3A_779 = arith.index_cast %min3A_778 : i32 to index
      %get3A_780 = memref.load %arg2[%get3A_779] : memref<75xi32, #tpu.memory_space<smem>>
      %add3A_781 = vector.broadcast %get3A_780 : i32 to vector<64x128xi32>
      %add3A_782 = arith.addi %mul3A_13, %add3A_781 : vector<64x128xi32>
      %broadcast_in_dim3A_783 = arith.constant 0 : i32
      %broadcast_in_dim3A_784 = vector.broadcast %broadcast_in_dim3A_783 : i32 to vector<64x128xi32>
      %add3A_785 = arith.addi %broadcast_in_dim3A_784, %add3A_782 : vector<64x128xi32>
      %shift_left3A_786 = arith.constant 13 : i32
      %shift_left3A_787 = vector.broadcast %shift_left3A_786 : i32 to vector<64x128xi32>
      %shift_left3A_788 = arith.shli %add3A_782, %shift_left3A_787 : vector<64x128xi32>
      %shift_right_logical3A_789 = arith.constant 19 : i32
      %shift_right_logical3A_790 = vector.broadcast %shift_right_logical3A_789 : i32 to vector<64x128xi32>
      %shift_right_logical3A_791 = arith.shrui %add3A_782, %shift_right_logical3A_790 : vector<64x128xi32>
      %or3A_792 = arith.ori %shift_left3A_788, %shift_right_logical3A_791 : vector<64x128xi32>
      %xor3A_793 = arith.xori %add3A_785, %or3A_792 : vector<64x128xi32>
      %add3A_794 = arith.addi %add3A_785, %xor3A_793 : vector<64x128xi32>
      %shift_left3A_795 = arith.constant 15 : i32
      %shift_left3A_796 = vector.broadcast %shift_left3A_795 : i32 to vector<64x128xi32>
      %shift_left3A_797 = arith.shli %xor3A_793, %shift_left3A_796 : vector<64x128xi32>
      %shift_right_logical3A_798 = arith.constant 17 : i32
      %shift_right_logical3A_799 = vector.broadcast %shift_right_logical3A_798 : i32 to vector<64x128xi32>
      %shift_right_logical3A_800 = arith.shrui %xor3A_793, %shift_right_logical3A_799 : vector<64x128xi32>
      %or3A_801 = arith.ori %shift_left3A_797, %shift_right_logical3A_800 : vector<64x128xi32>
      %xor3A_802 = arith.xori %add3A_794, %or3A_801 : vector<64x128xi32>
      %add3A_803 = arith.addi %add3A_794, %xor3A_802 : vector<64x128xi32>
      %shift_left3A_804 = arith.constant 26 : i32
      %shift_left3A_805 = vector.broadcast %shift_left3A_804 : i32 to vector<64x128xi32>
      %shift_left3A_806 = arith.shli %xor3A_802, %shift_left3A_805 : vector<64x128xi32>
      %shift_right_logical3A_807 = arith.constant 6 : i32
      %shift_right_logical3A_808 = vector.broadcast %shift_right_logical3A_807 : i32 to vector<64x128xi32>
      %shift_right_logical3A_809 = arith.shrui %xor3A_802, %shift_right_logical3A_808 : vector<64x128xi32>
      %or3A_810 = arith.ori %shift_left3A_806, %shift_right_logical3A_809 : vector<64x128xi32>
      %xor3A_811 = arith.xori %add3A_803, %or3A_810 : vector<64x128xi32>
      %add3A_812 = arith.addi %add3A_803, %xor3A_811 : vector<64x128xi32>
      %shift_left3A_813 = arith.constant 6 : i32
      %shift_left3A_814 = vector.broadcast %shift_left3A_813 : i32 to vector<64x128xi32>
      %shift_left3A_815 = arith.shli %xor3A_811, %shift_left3A_814 : vector<64x128xi32>
      %shift_right_logical3A_816 = arith.constant 26 : i32
      %shift_right_logical3A_817 = vector.broadcast %shift_right_logical3A_816 : i32 to vector<64x128xi32>
      %shift_right_logical3A_818 = arith.shrui %xor3A_811, %shift_right_logical3A_817 : vector<64x128xi32>
      %or3A_819 = arith.ori %shift_left3A_815, %shift_right_logical3A_818 : vector<64x128xi32>
      %xor3A_820 = arith.xori %add3A_812, %or3A_819 : vector<64x128xi32>
      %add3A_821 = arith.constant 466688987 : i32
      %add3A_822 = vector.broadcast %add3A_821 : i32 to vector<64x128xi32>
      %add3A_823 = arith.addi %xor3A_820, %add3A_822 : vector<64x128xi32>
      %add3A_824 = arith.addi %add3A_812, %add3A_823 : vector<64x128xi32>
      %shift_left3A_825 = arith.constant 17 : i32
      %shift_left3A_826 = vector.broadcast %shift_left3A_825 : i32 to vector<64x128xi32>
      %shift_left3A_827 = arith.shli %add3A_823, %shift_left3A_826 : vector<64x128xi32>
      %shift_right_logical3A_828 = arith.constant 15 : i32
      %shift_right_logical3A_829 = vector.broadcast %shift_right_logical3A_828 : i32 to vector<64x128xi32>
      %shift_right_logical3A_830 = arith.shrui %add3A_823, %shift_right_logical3A_829 : vector<64x128xi32>
      %or3A_831 = arith.ori %shift_left3A_827, %shift_right_logical3A_830 : vector<64x128xi32>
      %xor3A_832 = arith.xori %add3A_824, %or3A_831 : vector<64x128xi32>
      %add3A_833 = arith.addi %add3A_824, %xor3A_832 : vector<64x128xi32>
      %shift_left3A_834 = arith.constant 29 : i32
      %shift_left3A_835 = vector.broadcast %shift_left3A_834 : i32 to vector<64x128xi32>
      %shift_left3A_836 = arith.shli %xor3A_832, %shift_left3A_835 : vector<64x128xi32>
      %shift_right_logical3A_837 = arith.constant 3 : i32
      %shift_right_logical3A_838 = vector.broadcast %shift_right_logical3A_837 : i32 to vector<64x128xi32>
      %shift_right_logical3A_839 = arith.shrui %xor3A_832, %shift_right_logical3A_838 : vector<64x128xi32>
      %or3A_840 = arith.ori %shift_left3A_836, %shift_right_logical3A_839 : vector<64x128xi32>
      %xor3A_841 = arith.xori %add3A_833, %or3A_840 : vector<64x128xi32>
      %add3A_842 = arith.addi %add3A_833, %xor3A_841 : vector<64x128xi32>
      %shift_left3A_843 = arith.constant 16 : i32
      %shift_left3A_844 = vector.broadcast %shift_left3A_843 : i32 to vector<64x128xi32>
      %shift_left3A_845 = arith.shli %xor3A_841, %shift_left3A_844 : vector<64x128xi32>
      %shift_right_logical3A_846 = arith.constant 16 : i32
      %shift_right_logical3A_847 = vector.broadcast %shift_right_logical3A_846 : i32 to vector<64x128xi32>
      %shift_right_logical3A_848 = arith.shrui %xor3A_841, %shift_right_logical3A_847 : vector<64x128xi32>
      %or3A_849 = arith.ori %shift_left3A_845, %shift_right_logical3A_848 : vector<64x128xi32>
      %xor3A_850 = arith.xori %add3A_842, %or3A_849 : vector<64x128xi32>
      %add3A_851 = arith.addi %add3A_842, %xor3A_850 : vector<64x128xi32>
      %shift_left3A_852 = arith.constant 24 : i32
      %shift_left3A_853 = vector.broadcast %shift_left3A_852 : i32 to vector<64x128xi32>
      %shift_left3A_854 = arith.shli %xor3A_850, %shift_left3A_853 : vector<64x128xi32>
      %shift_right_logical3A_855 = arith.constant 8 : i32
      %shift_right_logical3A_856 = vector.broadcast %shift_right_logical3A_855 : i32 to vector<64x128xi32>
      %shift_right_logical3A_857 = arith.shrui %xor3A_850, %shift_right_logical3A_856 : vector<64x128xi32>
      %or3A_858 = arith.ori %shift_left3A_854, %shift_right_logical3A_857 : vector<64x128xi32>
      %xor3A_859 = arith.xori %add3A_851, %or3A_858 : vector<64x128xi32>
      %add3A_860 = arith.constant 466688986 : i32
      %add3A_861 = vector.broadcast %add3A_860 : i32 to vector<64x128xi32>
      %add3A_862 = arith.addi %add3A_851, %add3A_861 : vector<64x128xi32>
      %add3A_863 = arith.constant 2 : i32
      %add3A_864 = vector.broadcast %add3A_863 : i32 to vector<64x128xi32>
      %add3A_865 = arith.addi %xor3A_859, %add3A_864 : vector<64x128xi32>
      %add3A_866 = arith.addi %add3A_862, %add3A_865 : vector<64x128xi32>
      %shift_left3A_867 = arith.constant 13 : i32
      %shift_left3A_868 = vector.broadcast %shift_left3A_867 : i32 to vector<64x128xi32>
      %shift_left3A_869 = arith.shli %add3A_865, %shift_left3A_868 : vector<64x128xi32>
      %shift_right_logical3A_870 = arith.constant 19 : i32
      %shift_right_logical3A_871 = vector.broadcast %shift_right_logical3A_870 : i32 to vector<64x128xi32>
      %shift_right_logical3A_872 = arith.shrui %add3A_865, %shift_right_logical3A_871 : vector<64x128xi32>
      %or3A_873 = arith.ori %shift_left3A_869, %shift_right_logical3A_872 : vector<64x128xi32>
      %xor3A_874 = arith.xori %add3A_866, %or3A_873 : vector<64x128xi32>
      %add3A_875 = arith.addi %add3A_866, %xor3A_874 : vector<64x128xi32>
      %shift_left3A_876 = arith.constant 15 : i32
      %shift_left3A_877 = vector.broadcast %shift_left3A_876 : i32 to vector<64x128xi32>
      %shift_left3A_878 = arith.shli %xor3A_874, %shift_left3A_877 : vector<64x128xi32>
      %shift_right_logical3A_879 = arith.constant 17 : i32
      %shift_right_logical3A_880 = vector.broadcast %shift_right_logical3A_879 : i32 to vector<64x128xi32>
      %shift_right_logical3A_881 = arith.shrui %xor3A_874, %shift_right_logical3A_880 : vector<64x128xi32>
      %or3A_882 = arith.ori %shift_left3A_878, %shift_right_logical3A_881 : vector<64x128xi32>
      %xor3A_883 = arith.xori %add3A_875, %or3A_882 : vector<64x128xi32>
      %add3A_884 = arith.addi %add3A_875, %xor3A_883 : vector<64x128xi32>
      %shift_left3A_885 = arith.constant 26 : i32
      %shift_left3A_886 = vector.broadcast %shift_left3A_885 : i32 to vector<64x128xi32>
      %shift_left3A_887 = arith.shli %xor3A_883, %shift_left3A_886 : vector<64x128xi32>
      %shift_right_logical3A_888 = arith.constant 6 : i32
      %shift_right_logical3A_889 = vector.broadcast %shift_right_logical3A_888 : i32 to vector<64x128xi32>
      %shift_right_logical3A_890 = arith.shrui %xor3A_883, %shift_right_logical3A_889 : vector<64x128xi32>
      %or3A_891 = arith.ori %shift_left3A_887, %shift_right_logical3A_890 : vector<64x128xi32>
      %xor3A_892 = arith.xori %add3A_884, %or3A_891 : vector<64x128xi32>
      %add3A_893 = arith.addi %add3A_884, %xor3A_892 : vector<64x128xi32>
      %shift_left3A_894 = arith.constant 6 : i32
      %shift_left3A_895 = vector.broadcast %shift_left3A_894 : i32 to vector<64x128xi32>
      %shift_left3A_896 = arith.shli %xor3A_892, %shift_left3A_895 : vector<64x128xi32>
      %shift_right_logical3A_897 = arith.constant 26 : i32
      %shift_right_logical3A_898 = vector.broadcast %shift_right_logical3A_897 : i32 to vector<64x128xi32>
      %shift_right_logical3A_899 = arith.shrui %xor3A_892, %shift_right_logical3A_898 : vector<64x128xi32>
      %or3A_900 = arith.ori %shift_left3A_896, %shift_right_logical3A_899 : vector<64x128xi32>
      %xor3A_901 = arith.xori %add3A_893, %or3A_900 : vector<64x128xi32>
      %add3A_902 = arith.constant 3 : i32
      %add3A_903 = vector.broadcast %add3A_902 : i32 to vector<64x128xi32>
      %add3A_904 = arith.addi %xor3A_901, %add3A_903 : vector<64x128xi32>
      %add3A_905 = arith.addi %add3A_893, %add3A_904 : vector<64x128xi32>
      %shift_left3A_906 = arith.constant 17 : i32
      %shift_left3A_907 = vector.broadcast %shift_left3A_906 : i32 to vector<64x128xi32>
      %shift_left3A_908 = arith.shli %add3A_904, %shift_left3A_907 : vector<64x128xi32>
      %shift_right_logical3A_909 = arith.constant 15 : i32
      %shift_right_logical3A_910 = vector.broadcast %shift_right_logical3A_909 : i32 to vector<64x128xi32>
      %shift_right_logical3A_911 = arith.shrui %add3A_904, %shift_right_logical3A_910 : vector<64x128xi32>
      %or3A_912 = arith.ori %shift_left3A_908, %shift_right_logical3A_911 : vector<64x128xi32>
      %xor3A_913 = arith.xori %add3A_905, %or3A_912 : vector<64x128xi32>
      %add3A_914 = arith.addi %add3A_905, %xor3A_913 : vector<64x128xi32>
      %shift_left3A_915 = arith.constant 29 : i32
      %shift_left3A_916 = vector.broadcast %shift_left3A_915 : i32 to vector<64x128xi32>
      %shift_left3A_917 = arith.shli %xor3A_913, %shift_left3A_916 : vector<64x128xi32>
      %shift_right_logical3A_918 = arith.constant 3 : i32
      %shift_right_logical3A_919 = vector.broadcast %shift_right_logical3A_918 : i32 to vector<64x128xi32>
      %shift_right_logical3A_920 = arith.shrui %xor3A_913, %shift_right_logical3A_919 : vector<64x128xi32>
      %or3A_921 = arith.ori %shift_left3A_917, %shift_right_logical3A_920 : vector<64x128xi32>
      %xor3A_922 = arith.xori %add3A_914, %or3A_921 : vector<64x128xi32>
      %add3A_923 = arith.addi %add3A_914, %xor3A_922 : vector<64x128xi32>
      %shift_left3A_924 = arith.constant 16 : i32
      %shift_left3A_925 = vector.broadcast %shift_left3A_924 : i32 to vector<64x128xi32>
      %shift_left3A_926 = arith.shli %xor3A_922, %shift_left3A_925 : vector<64x128xi32>
      %shift_right_logical3A_927 = arith.constant 16 : i32
      %shift_right_logical3A_928 = vector.broadcast %shift_right_logical3A_927 : i32 to vector<64x128xi32>
      %shift_right_logical3A_929 = arith.shrui %xor3A_922, %shift_right_logical3A_928 : vector<64x128xi32>
      %or3A_930 = arith.ori %shift_left3A_926, %shift_right_logical3A_929 : vector<64x128xi32>
      %xor3A_931 = arith.xori %add3A_923, %or3A_930 : vector<64x128xi32>
      %add3A_932 = arith.addi %add3A_923, %xor3A_931 : vector<64x128xi32>
      %shift_left3A_933 = arith.constant 24 : i32
      %shift_left3A_934 = vector.broadcast %shift_left3A_933 : i32 to vector<64x128xi32>
      %shift_left3A_935 = arith.shli %xor3A_931, %shift_left3A_934 : vector<64x128xi32>
      %shift_right_logical3A_936 = arith.constant 8 : i32
      %shift_right_logical3A_937 = vector.broadcast %shift_right_logical3A_936 : i32 to vector<64x128xi32>
      %shift_right_logical3A_938 = arith.shrui %xor3A_931, %shift_right_logical3A_937 : vector<64x128xi32>
      %or3A_939 = arith.ori %shift_left3A_935, %shift_right_logical3A_938 : vector<64x128xi32>
      %xor3A_940 = arith.xori %add3A_932, %or3A_939 : vector<64x128xi32>
      %add3A_941 = arith.constant 466688990 : i32
      %add3A_942 = vector.broadcast %add3A_941 : i32 to vector<64x128xi32>
      %add3A_943 = arith.addi %xor3A_940, %add3A_942 : vector<64x128xi32>
      %add3A_944 = arith.addi %add3A_932, %add3A_943 : vector<64x128xi32>
      %shift_left3A_945 = arith.constant 13 : i32
      %shift_left3A_946 = vector.broadcast %shift_left3A_945 : i32 to vector<64x128xi32>
      %shift_left3A_947 = arith.shli %add3A_943, %shift_left3A_946 : vector<64x128xi32>
      %shift_right_logical3A_948 = arith.constant 19 : i32
      %shift_right_logical3A_949 = vector.broadcast %shift_right_logical3A_948 : i32 to vector<64x128xi32>
      %shift_right_logical3A_950 = arith.shrui %add3A_943, %shift_right_logical3A_949 : vector<64x128xi32>
      %or3A_951 = arith.ori %shift_left3A_947, %shift_right_logical3A_950 : vector<64x128xi32>
      %xor3A_952 = arith.xori %add3A_944, %or3A_951 : vector<64x128xi32>
      %add3A_953 = arith.addi %add3A_944, %xor3A_952 : vector<64x128xi32>
      %shift_left3A_954 = arith.constant 15 : i32
      %shift_left3A_955 = vector.broadcast %shift_left3A_954 : i32 to vector<64x128xi32>
      %shift_left3A_956 = arith.shli %xor3A_952, %shift_left3A_955 : vector<64x128xi32>
      %shift_right_logical3A_957 = arith.constant 17 : i32
      %shift_right_logical3A_958 = vector.broadcast %shift_right_logical3A_957 : i32 to vector<64x128xi32>
      %shift_right_logical3A_959 = arith.shrui %xor3A_952, %shift_right_logical3A_958 : vector<64x128xi32>
      %or3A_960 = arith.ori %shift_left3A_956, %shift_right_logical3A_959 : vector<64x128xi32>
      %xor3A_961 = arith.xori %add3A_953, %or3A_960 : vector<64x128xi32>
      %add3A_962 = arith.addi %add3A_953, %xor3A_961 : vector<64x128xi32>
      %shift_left3A_963 = arith.constant 26 : i32
      %shift_left3A_964 = vector.broadcast %shift_left3A_963 : i32 to vector<64x128xi32>
      %shift_left3A_965 = arith.shli %xor3A_961, %shift_left3A_964 : vector<64x128xi32>
      %shift_right_logical3A_966 = arith.constant 6 : i32
      %shift_right_logical3A_967 = vector.broadcast %shift_right_logical3A_966 : i32 to vector<64x128xi32>
      %shift_right_logical3A_968 = arith.shrui %xor3A_961, %shift_right_logical3A_967 : vector<64x128xi32>
      %or3A_969 = arith.ori %shift_left3A_965, %shift_right_logical3A_968 : vector<64x128xi32>
      %xor3A_970 = arith.xori %add3A_962, %or3A_969 : vector<64x128xi32>
      %add3A_971 = arith.addi %add3A_962, %xor3A_970 : vector<64x128xi32>
      %shift_left3A_972 = arith.constant 6 : i32
      %shift_left3A_973 = vector.broadcast %shift_left3A_972 : i32 to vector<64x128xi32>
      %shift_left3A_974 = arith.shli %xor3A_970, %shift_left3A_973 : vector<64x128xi32>
      %shift_right_logical3A_975 = arith.constant 26 : i32
      %shift_right_logical3A_976 = vector.broadcast %shift_right_logical3A_975 : i32 to vector<64x128xi32>
      %shift_right_logical3A_977 = arith.shrui %xor3A_970, %shift_right_logical3A_976 : vector<64x128xi32>
      %or3A_978 = arith.ori %shift_left3A_974, %shift_right_logical3A_977 : vector<64x128xi32>
      %xor3A_979 = arith.xori %add3A_971, %or3A_978 : vector<64x128xi32>
      %add3A_980 = arith.constant 466688986 : i32
      %add3A_981 = vector.broadcast %add3A_980 : i32 to vector<64x128xi32>
      %add3A_982 = arith.addi %add3A_971, %add3A_981 : vector<64x128xi32>
      %add3A_983 = arith.constant 5 : i32
      %add3A_984 = vector.broadcast %add3A_983 : i32 to vector<64x128xi32>
      %add3A_985 = arith.addi %xor3A_979, %add3A_984 : vector<64x128xi32>
      %xor3A_986 = arith.xori %add3A_982, %add3A_985 : vector<64x128xi32>
      %shift_right_logical3A_987 = arith.constant 9 : i32
      %shift_right_logical3A_988 = vector.broadcast %shift_right_logical3A_987 : i32 to vector<64x128xi32>
      %shift_right_logical3A_989 = arith.shrui %xor3A_986, %shift_right_logical3A_988 : vector<64x128xi32>
      %or3A_990 = arith.constant 1065353216 : i32
      %or3A_991 = vector.broadcast %or3A_990 : i32 to vector<64x128xi32>
      %or3A_992 = arith.ori %shift_right_logical3A_989, %or3A_991 : vector<64x128xi32>
      %bitcast_convert_type3A_993 = tpu.bitcast %or3A_992 : vector<64x128xi32> -> vector<64x128xf32>
      %sub3A_994 = arith.constant 1.000000e+00 : f32
      %sub3A_995 = vector.broadcast %sub3A_994 : f32 to vector<64x128xf32>
      %sub3A_996 = arith.subf %bitcast_convert_type3A_993, %sub3A_995 : vector<64x128xf32>
      %max3A_997 = arith.constant 1.17549435E-38 : f32
      %max3A_998 = vector.broadcast %max3A_997 : f32 to vector<64x128xf32>
      %max3A_999 = arith.maximumf %max3A_998, %sub3A_996 : vector<64x128xf32>
      %log3A_1000 = math.log %max3A_999 : vector<64x128xf32>
      %neg3A_1001 = arith.constant 0.000000e+00 : f32
      %neg3A_1002 = vector.broadcast %neg3A_1001 : f32 to vector<64x128xf32>
      %neg3A_1003 = arith.subf %neg3A_1002, %log3A_1000 : vector<64x128xf32>
      %log3A_1004 = math.log %neg3A_1003 : vector<64x128xf32>
      %neg3A_1005 = arith.constant 0.000000e+00 : f32
      %neg3A_1006 = vector.broadcast %neg3A_1005 : f32 to vector<64x128xf32>
      %neg3A_1007 = arith.subf %neg3A_1006, %log3A_1004 : vector<64x128xf32>
      %get3A_1008 = arith.index_cast %min3A_778 : i32 to index
      %get3A_1009 = memref.load %arg3[%get3A_1008] : memref<75xf32, #tpu.memory_space<smem>>
      %add3A_1010 = vector.broadcast %get3A_1009 : f32 to vector<64x128xf32>
      %add3A_1011 = arith.addf %neg3A_1007, %add3A_1010 : vector<64x128xf32>
      %gt3A = arith.cmpf ogt, %add3A_291, %while3A_59 : vector<64x128xf32>
      %select_n3A_1012 = arith.select %gt3A, %add3A_291, %while3A_59 : vector<64x128xi1>, vector<64x128xf32>
      %broadcast_in_dim3A_1013 = vector.broadcast %get3A_68 : i32 to vector<64x128xi32>
      %select_n3A_1014 = arith.select %gt3A, %broadcast_in_dim3A_1013, %while3A_60 : vector<64x128xi1>, vector<64x128xi32>
      %gt3A_1015 = arith.cmpf ogt, %add3A_531, %select_n3A_1012 : vector<64x128xf32>
      %select_n3A_1016 = arith.select %gt3A_1015, %add3A_531, %select_n3A_1012 : vector<64x128xi1>, vector<64x128xf32>
      %broadcast_in_dim3A_1017 = vector.broadcast %get3A_300 : i32 to vector<64x128xi32>
      %select_n3A_1018 = arith.select %gt3A_1015, %broadcast_in_dim3A_1017, %select_n3A_1014 : vector<64x128xi1>, vector<64x128xi32>
      %gt3A_1019 = arith.cmpf ogt, %add3A_771, %select_n3A_1016 : vector<64x128xf32>
      %select_n3A_1020 = arith.select %gt3A_1019, %add3A_771, %select_n3A_1016 : vector<64x128xi1>, vector<64x128xf32>
      %broadcast_in_dim3A_1021 = vector.broadcast %get3A_540 : i32 to vector<64x128xi32>
      %select_n3A_1022 = arith.select %gt3A_1019, %broadcast_in_dim3A_1021, %select_n3A_1018 : vector<64x128xi1>, vector<64x128xi32>
      %gt3A_1023 = arith.cmpf ogt, %add3A_1011, %select_n3A_1020 : vector<64x128xf32>
      %select_n3A_1024 = arith.select %gt3A_1023, %add3A_1011, %select_n3A_1020 : vector<64x128xi1>, vector<64x128xf32>
      %broadcast_in_dim3A_1025 = vector.broadcast %get3A_780 : i32 to vector<64x128xi32>
      %select_n3A_1026 = arith.select %gt3A_1023, %broadcast_in_dim3A_1025, %select_n3A_1022 : vector<64x128xi1>, vector<64x128xi32>
      scf.yield %select_n3A_1024, %select_n3A_1026 : vector<64x128xf32>, vector<64x128xi32>
    }
    %get3A_49 = arith.constant 0 : index
    %get3A_50 = memref.load %arg5[%get3A_49] : memref<1xi32, #tpu.memory_space<smem>>
    %add3A_51 = vector.broadcast %get3A_50 : i32 to vector<64x128xi32>
    %add3A_52 = arith.addi %while3A_48#1, %add3A_51 : vector<64x128xi32>
    %swap3A = arith.constant 0 : index
    %swap3A_53 = arith.constant 0 : index
    %swap3A_54 = arith.constant 0 : index
    %swap3A_55 = vector.load %arg6[%swap3A, %swap3A_53, %swap3A_54] : memref<1x64x128xi32, #tpu.memory_space<vmem>>, vector<1x64x128xi32>
    %swap3A_56 = vector.shape_cast %swap3A_55 : vector<1x64x128xi32> to vector<64x128xi32>
    %swap3A_57 = vector.shape_cast %add3A_52 : vector<64x128xi32> to vector<1x64x128xi32>
    tpu.vector_store %arg6[%swap3A, %swap3A_53, %swap3A_54], %swap3A_57 {strides = array<i32>} : memref<1x64x128xi32, #tpu.memory_space<vmem>>, vector<1x64x128xi32>,
    return
  }
  func.func @transform_0(%arg0: i32) -> i32 {
    %c0_i32 = arith.constant 0 : i32
    %c0_i32_0 = arith.constant 0 : i32
    return %c0_i32 : i32
  }
  func.func @transform_1(%arg0: i32) -> i32 {
    %c0_i32 = arith.constant 0 : i32
    %c0_i32_0 = arith.constant 0 : i32
    return %c0_i32 : i32
  }
  func.func @transform_2(%arg0: i32) -> i32 {
    %c0_i32 = arith.constant 0 : i32
    %c0_i32_0 = arith.constant 0 : i32
    return %c0_i32 : i32
  }
  func.func @transform_3(%arg0: i32) -> i32 {
    %c0_i32 = arith.constant 0 : i32
    %c0_i32_0 = arith.constant 0 : i32
    return %c0_i32 : i32
  }
  func.func @transform_4(%arg0: i32) -> i32 {
    %c0_i32 = arith.constant 0 : i32
    %c0_i32_0 = arith.constant 0 : i32
    return %c0_i32 : i32
  }
  func.func @transform_5(%arg0: i32) -> (i32, i32, i32) {
    %c0_i32 = arith.constant 0 : i32
    %c0_i32_0 = arith.constant 0 : i32
    %c0_i32_1 = arith.constant 0 : i32
    return %arg0, %c0_i32, %c0_i32_0 : i32, i32, i32
  }
}

</mosaic_0001>

<sc_bundles>
// kernel: kernel.4.cloned.1.call-start
scs
__scs_entry_jumppad:
0x0: {  	(pc) =	sbr.rel $0x88, $3  }
0x1: {  	(tag) =	ssettag $0x0;
	lr =	simm.s32 $0x1  }
0x2: {  	[smem:$0x3F9F] =	sst lr;
	_ =	strace $0xD0000000  }
0x3: {  	_ = 	snop  }
0x4: {  	_ = 	snop  }
0x5: {  	_ = 	snop  }
0x6: {  	_ = 	snop  }
0x7: {  	_ = 	snop  }
__scs_overlays_trampoline_lowered:
0x8: {  	[smem:$0x3FAE] =	sst s0  }
0x9: {  	[smem:$0x3FAF] =	sst s1  }
0xa: {  	[smem:$0x3FB0] =	sst s2  }
0xb: {  	[smem:$0x3FB1] =	sst s3  }
0xc: {  	[smem:$0x3FB2] =	sst s4  }
0xd: {  	[smem:$0x3FB3] =	sst s5  }
0xe: {  	[smem:$0x3FB4] =	sst s6  }
0xf: {  	[smem:$0x3FB5] =	sst s7  }
0x10: {  	[smem:$0x3FB6] =	sst s8  }
0x11: {  	[smem:$0x3FB7] =	sst s9;
	s0 =	simm.s32 @!p0 $0x0  }
0x12: {  	s1 =	sld [smem:$0x3F9D];
	s0 =	simm.s32 @p0 $0x1  }
0x13: {  	[smem:$0x3FB8] =	sst s0;
	s0 =	simm.s32 @!p1 $0x0  }
0x14: {  	s2 =	sld [smem:$0x3F9C];
	s0 =	simm.s32 @p1 $0x1  }
0x15: {  	[smem:$0x3FB9] =	sst s0;
	s0 =	simm.s32 @!p2 $0x0  }
0x16: {  	s3 =	sld [smem:$0x3FDB];
	s0 =	simm.s32 @p2 $0x1  }
0x17: {  	s4 =	simm.s32 $0x1BF5;
	[smem:$0x3FBB] =	sst s0  }
0x18: {  	s0 =	sld [smem:$0x3F9E];
	_ =	swait.ge [sflag:s4], $0x0  }
0x19: {  	s7 =	sld [smem:$0x3F9F]  }
0x1a: {  	s8 =	sadd.s32 $0xFFFFE003, lr  }
0x1b: {  	s9 =	sadd.s32 $0xFFFFFEF7, lr;
	s5 =	simm.s32 $0xFFFFFFFF;
	p2 =	slt.u32 s8, $0xFFFFF086  }
0x1c: {  	p1 =	slt.u32 s9, $0xF7A;
	s5 =	simm.s32 @!p2 $0x0  }
0x1d: {  	s5 =	simm.s32 @p1 $0x1;
	p0 =	seq.s32 s7, s2  }
0x1e: {  	s7 =	smul.u32 @!p0 $0xF7A, s2;
	p2 =	seq.s32 @!p0 s5, $0x0  }
0x1f: {  	s9 =	smul.u32 $0xF7A, s1;
	s8 =	simm.s32 @!p0 $0x1BF5;
	p2 =	por !p2, p0  }
0x20: {  	[sflag:s8] =	ssyncset.s32 @!p0 $0xFFFFF086;
	s6 =	sadd.s32 @!p0 s3, s7;
	s7 =	simm.s32 @!p0 $0x108  }
0x21: {  	s3 =	sadd.s32 s3, s9;
	s6 =	sadd.s32 @!p0 $0x88, s6;
	s7 =	simm.s32 @p2 $0x1082  }
0x22: {  	[simem:s7], [sflag:s8] =	dma.local @!p0 [hbm:s6], $0xF7A  }
0x23: {  	s9 =	sor.u32 $0xD0000000, s2;
	s6 =	simm.s32 $0x108;
	_ =	swait.ge @!p0 [sflag:s8], $0x0  }
0x24: {  	s3 =	sadd.s32 $0x88, s3;
	s6 =	simm.s32 @!p1 $0x1082;
	[sflag:s4] =	ssyncset.s32 $0xFFFFF086  }
0x25: {  	[simem:s6], [sflag:s4] =	dma.local [hbm:s3], $0xF7A  }
0x26: {  	[smem:$0x3F9F] =	sst s1;
	(tag) =	ssettag s2;
	_ =	strace s9  }
0x27: {  	s1 =	sld [smem:$0x3FAF]  }
0x28: {  	s2 =	sld [smem:$0x3FB0]  }
0x29: {  	s4 =	sld [smem:$0x3FB2]  }
0x2a: {  	p0 =	seq.s32 s5, $0x0;
	s5 =	sld [smem:$0x3FB3]  }
0x2b: {  	s6 =	sld [smem:$0x3FB4]  }
0x2c: {  	s7 =	sld [smem:$0x3FB5]  }
0x2d: {  	s3 =	simm.s32 $0x108;
	s8 =	sld [smem:$0x3FB6]  }
0x2e: {  	s3 =	simm.s32 @!p0 $0x1082;
	s9 =	sld [smem:$0x3FB7]  }
0x2f: {  	lr =	sadd.s32 s0, s3;
	s0 =	sld [smem:$0x3FAE]  }
0x30: {  	s3 =	sld [smem:$0x3FB1]  }
0x31: {  	[smem:$0x3FBA] =	sst s10  }
0x32: {  	s10 =	sld [smem:$0x3FB8];
	_ =	sdelay $0x3  }
0x33: {  	p0 =	seq.s32 s10, $0x1;
	s10 =	sld [smem:$0x3FBA];
	_ =	sdelay $0x3  }
0x34: {  	[smem:$0x3FBA] =	sst s10  }
0x35: {  	s10 =	sld [smem:$0x3FB9];
	_ =	sdelay $0x3  }
0x36: {  	p1 =	seq.s32 s10, $0x1;
	s10 =	sld [smem:$0x3FBA];
	_ =	sdelay $0x3  }
0x37: {  	[smem:$0x3FBA] =	sst s10  }
0x38: {  	s10 =	sld [smem:$0x3FBB]  }
0x39: {  	_ = 	snop;
	(pc) =	sbr.ind lr, $3  }
0x3a: {  	_ = 	snop  }
0x3b: {  	_ = 	snop  }
0x3c: {  	p2 =	seq.s32 s10, $0x1;
	s10 =	sld [smem:$0x3FBA]  }
0x3d: {  	_ =	shalt  }
0x3e: {  	_ =	shalt  }
0x3f: {  	_ =	shalt  }
0x40: {  	_ =	shalt  }
0x41: {  	_ =	shalt  }
0x42: {  	_ =	shalt  }
0x43: {  	_ =	shalt  }
0x44: {  	_ =	shalt  }
0x45: {  	_ =	shalt  }
0x46: {  	_ =	shalt  }
0x47: {  	_ =	shalt  }
0x48: {  	_ =	shalt  }
0x49: {  	_ =	shalt  }
0x4a: {  	_ =	shalt  }
0x4b: {  	_ =	shalt  }
0x4c: {  	_ =	shalt  }
0x4d: {  	_ =	shalt  }
0x4e: {  	_ =	shalt  }
0x4f: {  	_ =	shalt  }
0x50: {  	_ =	shalt  }
0x51: {  	_ =	shalt  }
0x52: {  	_ =	shalt  }
0x53: {  	_ =	shalt  }
0x54: {  	_ =	shalt  }
0x55: {  	_ =	shalt  }
0x56: {  	_ =	shalt  }
0x57: {  	_ =	shalt  }
0x58: {  	_ =	shalt  }
0x59: {  	_ =	shalt  }
0x5a: {  	_ =	shalt  }
0x5b: {  	_ =	shalt  }
0x5c: {  	_ =	shalt  }
0x5d: {  	_ =	shalt  }
0x5e: {  	_ =	shalt  }
0x5f: {  	_ =	shalt  }
0x60: {  	_ =	shalt  }
0x61: {  	_ =	shalt  }
0x62: {  	_ =	shalt  }
0x63: {  	_ =	shalt  }
0x64: {  	_ =	shalt  }
0x65: {  	_ =	shalt  }
0x66: {  	_ =	shalt  }
0x67: {  	_ =	shalt  }
0x68: {  	_ =	shalt  }
0x69: {  	_ =	shalt  }
0x6a: {  	_ =	shalt  }
0x6b: {  	_ =	shalt  }
0x6c: {  	_ =	shalt  }
0x6d: {  	_ =	shalt  }
0x6e: {  	_ =	shalt  }
0x6f: {  	_ =	shalt  }
0x70: {  	_ =	shalt  }
0x71: {  	_ =	shalt  }
0x72: {  	_ =	shalt  }
0x73: {  	_ =	shalt  }
0x74: {  	_ =	shalt  }
0x75: {  	_ =	shalt  }
0x76: {  	_ =	shalt  }
0x77: {  	_ =	shalt  }
0x78: {  	_ =	shalt  }
0x79: {  	_ =	shalt  }
0x7a: {  	_ =	shalt  }
0x7b: {  	_ =	shalt  }
0x7c: {  	_ =	shalt  }
0x7d: {  	_ =	shalt  }
0x7e: {  	_ =	shalt  }
0x7f: {  	_ =	shalt  }
0x80: {  	_ =	shalt  }
0x81: {  	_ =	shalt  }
0x82: {  	_ =	shalt  }
0x83: {  	_ =	shalt  }
0x84: {  	_ =	shalt  }
0x85: {  	_ =	shalt  }
0x86: {  	_ =	shalt  }
0x87: {  	_ =	shalt  }
.Lfunc_end0:
.L_simem_size_0:
called_computation_lowered:
.L_overlay_start_0:
0x88: {  	s2 =	sld [smem:$0x3FD9]  }
0x89: {  	s3 =	sld [smem:$0x3FFE];
	_ =	sdelay $0x1  }
0x8a: {  	s1 =	srdreg.scid  }
0x8b: {  	s0 =	sand.u32 $0x1, s1  }
0x8c: {  	s17 =	sshll.u32 s0, $0xA;
	s2 =	sadd.s32 s3, s2  }
0x8d: {  	s2 =	sadd.s32 s2, s17  }
0x8e: {  	[smem:$0x3FC6] =	sst s2  }
0x8f: {  	_ = 	snop  }
0x90: {  	s2 =	sld [smem:$0x3FD0];
	(tm) =	ssettm $0x1  }
0x91: {  	s18 =	sld [smem:$0x3FFB];
	_ =	sdelay $0x3  }
0x92: {  	_ =	strace s18  }
0x93: {  	s3 =	sld [smem:$0x3FFC];
	_ =	sdelay $0x3  }
0x94: {  	_ =	strace s3  }
0x95: {  	s3 =	sld [smem:$0x3FFD];
	_ =	sdelay $0x3  }
0x96: {  	_ =	strace s3  }
0x97: {  	_ =	strace $0x8FFFFFFF  }
0x98: {  	s19 =	sld [smem:$0x3FDB];
	_ =	sdelay $0x1  }
0x99: {  	s4 =	simm.s32 $_scs_section_size  }
0x9a: {  	s5 =	simm.s32 $_size__tile_overlayer_lowered;
	s6 =	simm.s32 $_tile_overlayer_lowered  }
0x9b: {  	s22 =	simm.s32 $0x1BFF;
	s21 =	sshll.u32 s6, $0x1;
	s3 =	sadd.s32 s4, s19  }
0x9c: {  	s7 =	simm.s32 $0x0;
	s20 =	sshll.u32 s5, $0x1;
	s5 =	sadd.s32 s21, s3  }
0x9d: {  	[timem:s7], [sflag:s22] =	dma.local [hbm:s5], s20  }
0x9e: {  	_ =	swait.ge [sflag:s22], s20  }
0x9f: {  	s4 =	ssub.s32 $0x0, s20;
	[sflag:s22] =	ssyncset.done $0x0  }
0xa0: {  	[sflag:s22] =	ssyncadd.s32 s4;
	_ =	sdelay $0x1  }
0xa1: {  	s23 =	simm.s32 $0x1B8B  }
0xa2: {  	_ =	swait.ge [sflag:s23], $0x1  }
0xa3: {  	[sflag:s23] =	ssyncset.done $0x0  }
0xa4: {  	s25 =	simm.s32 $0x1B8E;
	s24 =	sld [smem:$0x3FFE];
	[sflag:s23] =	ssyncadd.s32 $0xFFFFFFFF  }
0xa5: {  	s26 =	simm.s32 $execute0_lowered;
	[smem:$0x3FD2] =	sst s25  }
0xa6: {  	s5 =	sshll.u32 s26, $0x1;
	_ =	strace $0x80000046;
	[dreg:$0x1] =	wrdreg $0xFFFFFFFF  }
0xa7: {  	s28 =	simm.s32 $_size_execute0_lowered;
	s3 =	sadd.s32 s3, s5;
	[dreg:$0x0] =	wrdreg $0x0  }
0xa8: {  	s5 =	sshll.u32 s28, $0x1;
	[dreg:$0x2] =	wrdreg s3  }
0xa9: {  	[dreg:$0x3] =	wrdreg s5  }
0xaa: {  	[dreg:$0x4] =	wrdreg $0xC0  }
0xab: {  	_ =	task [dreg:s7], $0x5FFFF  }
0xac: {  	[dreg:$0x1] =	wrdreg $0xFFFFFFFF  }
0xad: {  	[dreg:$0x0] =	wrdreg $0x60  }
0xae: {  	[dreg:$0x2] =	wrdreg s2  }
0xaf: {  	[dreg:$0x3] =	wrdreg s24  }
0xb0: {  	[dreg:$0x4] =	wrdreg $0x9  }
0xb1: {  	_ =	task.clear_ibuf [dreg:s7], $0x5FFFF;
	_ =	strace $0x90000046  }
0xb2: {  	s29 =	simm.s32 $0x9;
	_ =	strace $0x80000048  }
0xb3: {  	_ =	swait.ge [sflag:s29], $0x1  }
0xb4: {  	[sflag:s29] =	ssyncadd.s32 $0xFFFFFFFF  }
0xb5: {  	_ =	strace $0x90000048  }
0xb6: {  	_ =	sfence  }
0xb7: {  	s30 =	sld [smem:$0x0];
	_ =	sdelay $0x2  }
0xb8: {  	s31 =	sshll.u32 s1, $0xD;
	s1 =	sshrl.u32 s1, $0x2  }
0xb9: {  	s3 =	sand.u32 $0x4000, s31;
	s1 =	sadd.s32 s1, s30  }
0xba: {  	s0 =	sor.u32 s3, s0;
	s1 =	sshll.u32 s1, $0x11  }
0xbb: {  	s0 =	sor.u32 s1, s0  }
0xbc: {  	s0 =	sadd.s32 $0x8F2B, s0  }
0xbd: {  	[sflag:s0] =	ssyncadd.remote.s32 $0x1  }
0xbe: {  	_ =	sfence.sel $0xFFFF  }
0xbf: {  	[dreg:$0x0] =	wrdreg $0xFFFFFFFF;
	(pc) =	sbr.abs _section_cstart, $3  }
0xc0: {  	[dreg:$0x1] =	wrdreg $0xFFFFFFFF  }
0xc1: {  	_ =	task.clear_ibuf [dreg:s7], $0x2FFFF;
	_ =	strace $0x9FFFFFFF  }
0xc2: {  	(tm) =	ssettm $0x7FFFFFFF  }
0xc3: {  	_ =	shalt  }
tec
execute0_lowered:
.L_overlay_start_1:
0x0: {  	(tag) =	ssettag $0x1  }
0x1: {  	s1 =	rddreg [dreg:$0x0]  }
0x2: {  	s9 =	rddreg [dreg:$0x1]  }
0x3: {  	s0 =	rddreg [dreg:$0x2];
	s3 =	simm.s32 $0x0  }
0x4: {  	s4 =	srdreg.scid;
	s2 =	stileid.u32;
	s13 =	simm.s32 $0x5000  }
0x5: {  	s14 =	simm.s32 $0x5080;
	s15 =	simm.s32 $0x5100;
	s16 =	simm.s32 $0x5180  }
0x6: {  	s17 =	simm.s32 $0x0;
	[smem:$0x7FF] =	sst s3;
	s7 =	sand.u32 $0x1, s4  }
0x7: {  	s4 =	sadd.s32 $0x800, s9;
	s6 =	sshll.u32 s2, $0xD;
	s5 =	sadd.s32 $0x400, s9  }
.Ltmp0:
0x8: {  	_ =	strace $0x80000047;
	s8 =	sshll.u32 s7, $0xC;
	(pc) =	sbr.rel .LBB2_1-.Ltmp0, $4  }
0x9: {  	s10 =	ssub.s32 $0x2, s7;
	s7 =	sadd.s32 $0xE00, s9;
	s6 =	sor.u32 s8, s6  }
0xa: {  	s12 =	sshrl.u32 s10, $0x1;
	s8 =	sadd.s32 $0x600, s9;
	s11 =	sshrl.u32 s6, $0x3  }
0xb: {  	v0 =	vlaneseq.u32;
	s10 =	ssub.s32 s10, s12;
	s12 =	simm.s32 $0x2800;
	s9 =	sadd.s32 s11, s9  }
0xc: {  	v0 =	vmul.u32 $0x4B, v0;
	s10 =	smax.u32 s10, $0x1;
	s11 =	simm.s32 $0x1;
	s9 =	sadd.s32 $0x1000, s9  }
.LBB2_12:
0xd: {  	s17 =	sadd.s32 $0x1, s17  }
0xe: {  	p0 =	sne.s32 s17, s10  }
.Ltmp1:
0xf: {  	_ = 	snop;
	(pc) =	sbr.rel @!p0 .LBB2_13-.Ltmp1, $4  }
0x10: {  	[hbm4b:s9+s3] =	stream.linear.scatter [tilespmem:s16], [sflag:$0x1], $0x1000, $0x38;
	[tilespmem:$0x6180] =	vst v63  }
0x11: {  	_ =	swait.ge [sflag:s11], $0x1000  }
0x12: {  	[sflag:s11] =	ssyncset.done $0x0  }
0x13: {  	[sflag:s11] =	ssyncadd.s32 $0xFFFFF000  }
.LBB2_1:
0x14: {  	[tilespmem:s3], [sflag:$0x1] =	stream.linear.gather [hbm4b:s1+s3], $0x2580, $0x38;
	[tilespmem:$0x6180] =	vst v63  }
0x15: {  	_ =	swait.ge [sflag:s11], $0x2580  }
0x16: {  	[sflag:s11] =	ssyncset.done $0x0  }
0x17: {  	[sflag:s11] =	ssyncadd.s32 $0xFFFFDA80  }
0x18: {  	[tilespmem:s12], [sflag:$0x1] =	stream.linear.gather [hbm4b:s4+s3], $0x2580, $0x38;
	[tilespmem:$0x6180] =	vst v63  }
0x19: {  	_ =	swait.ge [sflag:s11], $0x2580  }
0x1a: {  	[sflag:s11] =	ssyncset.done $0x0  }
0x1b: {  	[sflag:s11] =	ssyncadd.s32 $0xFFFFDA80  }
0x1c: {  	[tilespmem:s13], [sflag:$0x1] =	stream.linear.gather [hbm4b:s5+s3], $0x80, $0x38;
	[tilespmem:$0x6180] =	vst v63  }
0x1d: {  	_ =	swait.ge [sflag:s11], $0x80  }
0x1e: {  	[sflag:s11] =	ssyncset.done $0x0  }
0x1f: {  	[sflag:s11] =	ssyncadd.s32 $0xFFFFFF80  }
0x20: {  	[tilespmem:s14], [sflag:$0x1] =	stream.linear.gather [hbm4b:s7+s3], $0x80, $0x38;
	[tilespmem:$0x6180] =	vst v63  }
0x21: {  	_ =	swait.ge [sflag:s11], $0x80  }
0x22: {  	[sflag:s11] =	ssyncset.done $0x0  }
0x23: {  	[sflag:s11] =	ssyncadd.s32 $0xFFFFFF80  }
0x24: {  	[tilespmem:s15], [sflag:$0x1] =	stream.linear.gather [hbm4b:s8+s3], $0x80, $0x38;
	[tilespmem:$0x6180] =	vst v63  }
0x25: {  	_ =	swait.ge [sflag:s11], $0x80  }
0x26: {  	[sflag:s11] =	ssyncset.done $0x0  }
0x27: {  	[sflag:s11] =	ssyncadd.s32 $0xFFFFFF80  }
0x28: {  	v1 =	vld [tilespmem:$0x5000];
	_ =	sdelay $0x4  }
0x29: {  	(v2sf) =	vpush v1, $0x0;
	_ =	sdelay $0xb  }
.Ltmp2:
0x2a: {  	_ = 	snop;
	(pc) =	sbr.rel .LBB2_2-.Ltmp2, $3  }
0x2b: {  	_ =	sdelay $0x1  }
0x2c: {  	v2 =	vld [tilespmem:$0x5100];
	s18 =	spop (v2sf)  }
0x2d: {  	s19 =	simm.s32 $0x0;
	v1 =	vld [tilespmem:$0x5080];
	p0 =	slt.s32 s18, $0x1  }
.LBB2_3:
0x2e: {  	v5 =	vimm.s32 $0x0;
	v6 =	vimm.s32 $0x0;
	v4 =	vimm.s32 $0x0  }
.LBB2_11:
0x2f: {  	s19 =	sadd.s32 $0x1, s19  }
0x30: {  	p1 =	sne.s32 s19, $0x40  }
.Ltmp3:
0x31: {  	v3 =	vadd.s32 v2, v3;
	(pc) =	sbr.rel @!p1 .LBB2_12-.Ltmp3, $4  }
0x32: {  	[tilespmem:s20+$0x5180] =	vst v3;
	v3 =	vadd.s32 v2, v5  }
0x33: {  	[tilespmem:s20+$0x5190] =	vst v3;
	v3 =	vadd.s32 v2, v6  }
0x34: {  	[tilespmem:s20+$0x51A0] =	vst v3;
	v3 =	vadd.s32 v2, v4  }
0x35: {  	[tilespmem:s20+$0x51B0] =	vst v3  }
.LBB2_2:
.Ltmp4:
0x36: {  	(pc) =	sbr.rel @p0 .LBB2_3-.Ltmp4, $2  }
0x37: {  	_ =	sdelay $0x2  }
0x38: {  	s20 =	sshll.u32 s19, $0x6;
	v3 =	vimm.s32 $0x0  }
0x39: {  	_ =	sdelay $0x1  }
0x3a: {  	s21 =	sor.u32 s6, s20;
	s23 =	simm.s32 $0x2800  }
0x3b: {  	s22 =	sor.u32 $0x10, s21;
	v4 =	vld [tilespmem:s23+$0x0];
	s31 =	sor.u32 $0x20, s21;
	v6 =	vadd.s32 s21, v1  }
0x3c: {  	v5 =	vadd.s32 s22, v1;
	s21 =	sor.u32 $0x30, s21;
	v7 =	vadd.s32 s31, v1;
	v6 =	vmul.u32 $0x4B, v6  }
0x3d: {  	v8 =	vadd.s32 s21, v1;
	v9 =	vmul.u32 $0x4B, v5;
	v7 =	vmul.u32 $0x4B, v7  }
0x3e: {  	v18 =	vimm.f32 $+Inf;
	v8 =	vmul.u32 $0x4B, v8  }
0x3f: {  	v5 =	vadd.s32 v0, v6;
	v6 =	vadd.s32 v0, v9;
	v7 =	vadd.s32 v0, v7  }
0x40: {  	v8 =	vadd.s32 v0, v8;
	v9 =	vadd.s32 v4, v5;
	v10 =	vadd.s32 v4, v6  }
0x41: {  	v11 =	vadd.s32 v4, v7;
	v12 =	vadd.s32 v4, v8;
	v13 =	vshrl.u32 v9, $0x13  }
0x42: {  	v14 =	vshll.u32 v9, $0xD;
	v15 =	vshrl.u32 v10, $0x13;
	v16 =	vshll.u32 v10, $0xD  }
0x43: {  	v17 =	vshrl.u32 v11, $0x13;
	v19 =	vshll.u32 v11, $0xD;
	v13 =	vor.u32 v13, v14  }
0x44: {  	v60 =	vshrl.u32 v12, $0x13;
	v20 =	vshll.u32 v12, $0xD;
	v15 =	vor.u32 v15, v16  }
0x45: {  	v16 =	vor.u32 v17, v19;
	v14 =	vor.u32 v60, v20;
	v13 =	vxor.u32 v9, v13  }
0x46: {  	v15 =	vxor.u32 v10, v15;
	v16 =	vxor.u32 v11, v16;
	v14 =	vxor.u32 v12, v14  }
0x47: {  	v9 =	vadd.s32 v9, v13;
	v10 =	vadd.s32 v10, v15;
	v11 =	vadd.s32 v11, v16  }
0x48: {  	v17 =	vshrl.u32 v13, $0x11;
	v13 =	vshll.u32 v13, $0xF;
	v19 =	vshrl.u32 v15, $0x11  }
0x49: {  	v15 =	vshll.u32 v15, $0xF;
	v20 =	vshrl.u32 v16, $0x11;
	v16 =	vshll.u32 v16, $0xF  }
0x4a: {  	v12 =	vadd.s32 v12, v14;
	v21 =	vshrl.u32 v14, $0x11;
	v14 =	vshll.u32 v14, $0xF  }
0x4b: {  	v13 =	vor.u32 v17, v13;
	v15 =	vor.u32 v19, v15;
	v16 =	vor.u32 v20, v16  }
0x4c: {  	v14 =	vor.u32 v21, v14;
	v13 =	vxor.u32 v13, v9;
	v15 =	vxor.u32 v15, v10  }
0x4d: {  	v16 =	vxor.u32 v16, v11;
	v9 =	vadd.s32 v9, v13;
	v14 =	vxor.u32 v14, v12  }
0x4e: {  	v10 =	vadd.s32 v10, v15;
	v11 =	vadd.s32 v11, v16;
	v17 =	vshrl.u32 v13, $0x6  }
0x4f: {  	v13 =	vshll.u32 v13, $0x1A;
	v19 =	vshrl.u32 v15, $0x6;
	v15 =	vshll.u32 v15, $0x1A  }
0x50: {  	v20 =	vshrl.u32 v16, $0x6;
	v16 =	vshll.u32 v16, $0x1A;
	v12 =	vadd.s32 v12, v14  }
0x51: {  	v13 =	vor.u32 v17, v13;
	v17 =	vshrl.u32 v14, $0x6;
	v14 =	vshll.u32 v14, $0x1A  }
0x52: {  	v15 =	vor.u32 v19, v15;
	v16 =	vor.u32 v20, v16;
	v14 =	vor.u32 v17, v14  }
0x53: {  	v13 =	vxor.u32 v13, v9;
	v15 =	vxor.u32 v15, v10;
	v16 =	vxor.u32 v16, v11  }
0x54: {  	v9 =	vadd.s32 v9, v13;
	v10 =	vadd.s32 v10, v15;
	v14 =	vxor.u32 v14, v12  }
0x55: {  	v17 =	vshrl.u32 v13, $0x1A;
	v11 =	vadd.s32 v11, v16;
	v13 =	vshll.u32 v13, $0x6  }
0x56: {  	v19 =	vshrl.u32 v15, $0x1A;
	v15 =	vshll.u32 v15, $0x6;
	v20 =	vshrl.u32 v16, $0x1A  }
0x57: {  	v16 =	vshll.u32 v16, $0x6;
	v12 =	vadd.s32 v12, v14;
	v21 =	vshrl.u32 v14, $0x1A  }
0x58: {  	v13 =	vor.u32 v17, v13;
	v15 =	vor.u32 v19, v15;
	v14 =	vshll.u32 v14, $0x6  }
0x59: {  	v16 =	vor.u32 v20, v16;
	v13 =	vxor.u32 v13, v9;
	v14 =	vor.u32 v21, v14  }
0x5a: {  	v15 =	vxor.u32 v15, v10;
	v16 =	vxor.u32 v16, v11;
	v14 =	vxor.u32 v14, v12  }
0x5b: {  	v13 =	vadd.s32 $0x1BD11BDB, v13;
	v15 =	vadd.s32 $0x1BD11BDB, v15;
	v16 =	vadd.s32 $0x1BD11BDB, v16  }
0x5c: {  	v9 =	vadd.s32 v9, v13;
	v10 =	vadd.s32 v10, v15;
	v14 =	vadd.s32 $0x1BD11BDB, v14  }
0x5d: {  	v17 =	vshrl.u32 v13, $0xF;
	v11 =	vadd.s32 v11, v16;
	v13 =	vshll.u32 v13, $0x11  }
0x5e: {  	v19 =	vshrl.u32 v15, $0xF;
	v15 =	vshll.u32 v15, $0x11;
	v20 =	vshrl.u32 v16, $0xF  }
0x5f: {  	v16 =	vshll.u32 v16, $0x11;
	v12 =	vadd.s32 v12, v14;
	v21 =	vshrl.u32 v14, $0xF  }
0x60: {  	v13 =	vor.u32 v17, v13;
	v15 =	vor.u32 v19, v15;
	v14 =	vshll.u32 v14, $0x11  }
0x61: {  	v16 =	vor.u32 v20, v16;
	v13 =	vxor.u32 v13, v9;
	v14 =	vor.u32 v21, v14  }
0x62: {  	v15 =	vxor.u32 v15, v10;
	v16 =	vxor.u32 v16, v11;
	v14 =	vxor.u32 v14, v12  }
0x63: {  	v9 =	vadd.s32 v9, v13;
	v10 =	vadd.s32 v10, v15;
	v11 =	vadd.s32 v11, v16  }
0x64: {  	v17 =	vshrl.u32 v13, $0x3;
	v13 =	vshll.u32 v13, $0x1D;
	v19 =	vshrl.u32 v15, $0x3  }
0x65: {  	v15 =	vshll.u32 v15, $0x1D;
	v20 =	vshrl.u32 v16, $0x3;
	v16 =	vshll.u32 v16, $0x1D  }
0x66: {  	v12 =	vadd.s32 v12, v14;
	v21 =	vshrl.u32 v14, $0x3;
	v14 =	vshll.u32 v14, $0x1D  }
0x67: {  	v13 =	vor.u32 v17, v13;
	v15 =	vor.u32 v19, v15;
	v16 =	vor.u32 v20, v16  }
0x68: {  	v13 =	vxor.u32 v13, v9;
	v15 =	vxor.u32 v15, v10;
	v14 =	vor.u32 v21, v14  }
0x69: {  	v16 =	vxor.u32 v16, v11;
	v9 =	vadd.s32 v9, v13;
	v14 =	vxor.u32 v14, v12  }
0x6a: {  	v10 =	vadd.s32 v10, v15;
	v11 =	vadd.s32 v11, v16;
	v17 =	vshrl.u32 v13, $0x10  }
0x6b: {  	v13 =	vshll.u32 v13, $0x10;
	v19 =	vshrl.u32 v15, $0x10;
	v15 =	vshll.u32 v15, $0x10  }
0x6c: {  	v20 =	vshrl.u32 v16, $0x10;
	v16 =	vshll.u32 v16, $0x10;
	v12 =	vadd.s32 v12, v14  }
0x6d: {  	v13 =	vor.u32 v17, v13;
	v17 =	vshrl.u32 v14, $0x10;
	v14 =	vshll.u32 v14, $0x10  }
0x6e: {  	v15 =	vor.u32 v19, v15;
	v16 =	vor.u32 v20, v16;
	v14 =	vor.u32 v17, v14  }
0x6f: {  	v13 =	vxor.u32 v13, v9;
	v15 =	vxor.u32 v15, v10;
	v16 =	vxor.u32 v16, v11  }
0x70: {  	v9 =	vadd.s32 v9, v13;
	v10 =	vadd.s32 v10, v15;
	v14 =	vxor.u32 v14, v12  }
0x71: {  	v17 =	vshrl.u32 v13, $0x8;
	v11 =	vadd.s32 v11, v16;
	v13 =	vshll.u32 v13, $0x18  }
0x72: {  	v19 =	vshrl.u32 v15, $0x8;
	v15 =	vshll.u32 v15, $0x18;
	v20 =	vshrl.u32 v16, $0x8  }
0x73: {  	v16 =	vshll.u32 v16, $0x18;
	v12 =	vadd.s32 v12, v14;
	v21 =	vshrl.u32 v14, $0x8  }
0x74: {  	v13 =	vor.u32 v17, v13;
	v15 =	vor.u32 v19, v15;
	v14 =	vshll.u32 v14, $0x18  }
0x75: {  	v16 =	vor.u32 v20, v16;
	v13 =	vxor.u32 v13, v9;
	v14 =	vor.u32 v21, v14  }
0x76: {  	v15 =	vxor.u32 v15, v10;
	v16 =	vxor.u32 v16, v11;
	v14 =	vxor.u32 v14, v12  }
0x77: {  	v13 =	vadd.s32 $0x2, v13;
	v15 =	vadd.s32 $0x2, v15;
	v16 =	vadd.s32 $0x2, v16  }
0x78: {  	v9 =	vadd.s32 v13, v9;
	v17 =	vshrl.u32 v13, $0x13;
	v14 =	vadd.s32 $0x2, v14  }
0x79: {  	v13 =	vshll.u32 v13, $0xD;
	v10 =	vadd.s32 v15, v10;
	v19 =	vshrl.u32 v15, $0x13  }
0x7a: {  	v15 =	vshll.u32 v15, $0xD;
	v11 =	vadd.s32 v16, v11;
	v20 =	vshrl.u32 v16, $0x13  }
0x7b: {  	v16 =	vshll.u32 v16, $0xD;
	v12 =	vadd.s32 v14, v12;
	v21 =	vshrl.u32 v14, $0x13  }
0x7c: {  	v9 =	vadd.s32 $0x1BD11BDA, v9;
	v13 =	vor.u32 v17, v13;
	v14 =	vshll.u32 v14, $0xD  }
0x7d: {  	v10 =	vadd.s32 $0x1BD11BDA, v10;
	v15 =	vor.u32 v19, v15;
	v11 =	vadd.s32 $0x1BD11BDA, v11  }
0x7e: {  	v16 =	vor.u32 v20, v16;
	v12 =	vadd.s32 $0x1BD11BDA, v12;
	v14 =	vor.u32 v21, v14  }
0x7f: {  	v13 =	vxor.u32 v13, v9;
	v15 =	vxor.u32 v15, v10;
	v16 =	vxor.u32 v16, v11  }
0x80: {  	v9 =	vadd.s32 v9, v13;
	v10 =	vadd.s32 v10, v15;
	v14 =	vxor.u32 v14, v12  }
0x81: {  	v17 =	vshrl.u32 v13, $0x11;
	v11 =	vadd.s32 v11, v16;
	v13 =	vshll.u32 v13, $0xF  }
0x82: {  	v19 =	vshrl.u32 v15, $0x11;
	v15 =	vshll.u32 v15, $0xF;
	v20 =	vshrl.u32 v16, $0x11  }
0x83: {  	v16 =	vshll.u32 v16, $0xF;
	v12 =	vadd.s32 v12, v14;
	v21 =	vshrl.u32 v14, $0x11  }
0x84: {  	v13 =	vor.u32 v17, v13;
	v15 =	vor.u32 v19, v15;
	v14 =	vshll.u32 v14, $0xF  }
0x85: {  	v16 =	vor.u32 v20, v16;
	v13 =	vxor.u32 v13, v9;
	v14 =	vor.u32 v21, v14  }
0x86: {  	p2 =	sne.s32 s18, $0x1;
	v15 =	vxor.u32 v15, v10;
	v16 =	vxor.u32 v16, v11;
	v14 =	vxor.u32 v14, v12  }
.Ltmp5:
0x87: {  	v21 =	vadd.s32 v9, v13;
	v19 =	vadd.s32 v10, v15;
	v20 =	vadd.s32 v11, v16;
	(pc) =	sbr.rel @!p2 .LBB2_5-.Ltmp5, $4  }
0x88: {  	v9 =	vshrl.u32 v13, $0x6;
	v10 =	vshll.u32 v13, $0x1A;
	v11 =	vshrl.u32 v15, $0x6  }
0x89: {  	v61 =	vshll.u32 v15, $0x1A;
	v62 =	vshrl.u32 v16, $0x6;
	v63 =	vshll.u32 v16, $0x1A  }
0x8a: {  	v22 =	vadd.s32 v12, v14;
	v23 =	vshrl.u32 v14, $0x6;
	v24 =	vshll.u32 v14, $0x1A  }
0x8b: {  	p1 =	por $0x0, $0x0;
	s23 =	sadd.s32 $0xFFFFFFFF, s18;
	s21 =	simm.s32 $0x0;
	v26 =	vor.u32 v9, v10;
	v27 =	vor.u32 v11, v61;
	v25 =	vor.u32 v62, v63  }
0x8c: {  	v9 =	vxor.u32 v26, v21;
	v10 =	vxor.u32 v27, v19;
	v11 =	vor.u32 v23, v24  }
0x8d: {  	v13 =	vxor.u32 v25, v20;
	v12 =	vadd.s32 v21, v9;
	v11 =	vxor.u32 v11, v22  }
0x8e: {  	v14 =	vadd.s32 v19, v10;
	v15 =	vadd.s32 v20, v13;
	v17 =	vshrl.u32 v9, $0x1A  }
0x8f: {  	v9 =	vshll.u32 v9, $0x6;
	v19 =	vshrl.u32 v10, $0x1A;
	v10 =	vshll.u32 v10, $0x6  }
0x90: {  	v20 =	vshrl.u32 v13, $0x1A;
	v13 =	vshll.u32 v13, $0x6;
	v16 =	vadd.s32 v22, v11  }
0x91: {  	v9 =	vor.u32 v17, v9;
	v17 =	vshrl.u32 v11, $0x1A;
	v11 =	vshll.u32 v11, $0x6  }
0x92: {  	v10 =	vor.u32 v19, v10;
	v13 =	vor.u32 v20, v13;
	v11 =	vor.u32 v17, v11  }
0x93: {  	v9 =	vxor.u32 v9, v12;
	v10 =	vxor.u32 v10, v14;
	v13 =	vxor.u32 v13, v15  }
0x94: {  	v9 =	vadd.s32 $0x3, v9;
	v10 =	vadd.s32 $0x3, v10;
	v11 =	vxor.u32 v11, v16  }
0x95: {  	v13 =	vadd.s32 $0x3, v13;
	v12 =	vadd.s32 v12, v9;
	v11 =	vadd.s32 $0x3, v11  }
0x96: {  	v14 =	vadd.s32 v14, v10;
	v15 =	vadd.s32 v15, v13;
	v17 =	vshrl.u32 v9, $0xF  }
0x97: {  	v9 =	vshll.u32 v9, $0x11;
	v19 =	vshrl.u32 v10, $0xF;
	v10 =	vshll.u32 v10, $0x11  }
0x98: {  	v20 =	vshrl.u32 v13, $0xF;
	v13 =	vshll.u32 v13, $0x11;
	v16 =	vadd.s32 v16, v11  }
0x99: {  	v9 =	vor.u32 v17, v9;
	v17 =	vshrl.u32 v11, $0xF;
	v11 =	vshll.u32 v11, $0x11  }
0x9a: {  	v10 =	vor.u32 v19, v10;
	v13 =	vor.u32 v20, v13;
	v11 =	vor.u32 v17, v11  }
0x9b: {  	v9 =	vxor.u32 v9, v12;
	v10 =	vxor.u32 v10, v14;
	v13 =	vxor.u32 v13, v15  }
0x9c: {  	v12 =	vadd.s32 v12, v9;
	v14 =	vadd.s32 v14, v10;
	v11 =	vxor.u32 v11, v16  }
0x9d: {  	v17 =	vshrl.u32 v9, $0x3;
	v15 =	vadd.s32 v15, v13;
	v9 =	vshll.u32 v9, $0x1D  }
0x9e: {  	v19 =	vshrl.u32 v10, $0x3;
	v10 =	vshll.u32 v10, $0x1D;
	v20 =	vshrl.u32 v13, $0x3  }
0x9f: {  	v13 =	vshll.u32 v13, $0x1D;
	v16 =	vadd.s32 v16, v11;
	v21 =	vshrl.u32 v11, $0x3  }
0xa0: {  	v9 =	vor.u32 v17, v9;
	v10 =	vor.u32 v19, v10;
	v11 =	vshll.u32 v11, $0x1D  }
0xa1: {  	v13 =	vor.u32 v20, v13;
	v9 =	vxor.u32 v9, v12;
	v11 =	vor.u32 v21, v11  }
0xa2: {  	v10 =	vxor.u32 v10, v14;
	v13 =	vxor.u32 v13, v15;
	v11 =	vxor.u32 v11, v16  }
0xa3: {  	v12 =	vadd.s32 v12, v9;
	v14 =	vadd.s32 v14, v10;
	v15 =	vadd.s32 v15, v13  }
0xa4: {  	v17 =	vshrl.u32 v9, $0x10;
	v9 =	vshll.u32 v9, $0x10;
	v19 =	vshrl.u32 v10, $0x10  }
0xa5: {  	v10 =	vshll.u32 v10, $0x10;
	v20 =	vshrl.u32 v13, $0x10;
	v13 =	vshll.u32 v13, $0x10  }
0xa6: {  	v16 =	vadd.s32 v16, v11;
	v21 =	vshrl.u32 v11, $0x10;
	v11 =	vshll.u32 v11, $0x10  }
0xa7: {  	v9 =	vor.u32 v17, v9;
	v10 =	vor.u32 v19, v10;
	v13 =	vor.u32 v20, v13  }
0xa8: {  	v9 =	vxor.u32 v9, v12;
	v10 =	vxor.u32 v10, v14;
	v11 =	vor.u32 v21, v11  }
0xa9: {  	v13 =	vxor.u32 v13, v15;
	v12 =	vadd.s32 v12, v9;
	v11 =	vxor.u32 v11, v16  }
0xaa: {  	v14 =	vadd.s32 v14, v10;
	v15 =	vadd.s32 v15, v13;
	v17 =	vshrl.u32 v9, $0x8  }
0xab: {  	v9 =	vshll.u32 v9, $0x18;
	v19 =	vshrl.u32 v10, $0x8;
	v10 =	vshll.u32 v10, $0x18  }
0xac: {  	v20 =	vshrl.u32 v13, $0x8;
	v13 =	vshll.u32 v13, $0x18;
	v16 =	vadd.s32 v16, v11  }
0xad: {  	v9 =	vor.u32 v17, v9;
	v17 =	vshrl.u32 v11, $0x8;
	v11 =	vshll.u32 v11, $0x18  }
0xae: {  	v10 =	vor.u32 v19, v10;
	v13 =	vor.u32 v20, v13;
	v11 =	vor.u32 v17, v11  }
0xaf: {  	v9 =	vxor.u32 v9, v12;
	v10 =	vxor.u32 v10, v14;
	v13 =	vxor.u32 v13, v15  }
0xb0: {  	v9 =	vadd.s32 $0x1BD11BDE, v9;
	v10 =	vadd.s32 $0x1BD11BDE, v10;
	v11 =	vxor.u32 v11, v16  }
0xb1: {  	v13 =	vadd.s32 $0x1BD11BDE, v13;
	v12 =	vadd.s32 v12, v9;
	v11 =	vadd.s32 $0x1BD11BDE, v11  }
0xb2: {  	v14 =	vadd.s32 v14, v10;
	v15 =	vadd.s32 v15, v13;
	v17 =	vshrl.u32 v9, $0x13  }
0xb3: {  	v9 =	vshll.u32 v9, $0xD;
	v19 =	vshrl.u32 v10, $0x13;
	v10 =	vshll.u32 v10, $0xD  }
0xb4: {  	v20 =	vshrl.u32 v13, $0x13;
	v13 =	vshll.u32 v13, $0xD;
	v16 =	vadd.s32 v16, v11  }
0xb5: {  	v9 =	vor.u32 v17, v9;
	v17 =	vshrl.u32 v11, $0x13;
	v11 =	vshll.u32 v11, $0xD  }
0xb6: {  	v10 =	vor.u32 v19, v10;
	v13 =	vor.u32 v20, v13;
	v11 =	vor.u32 v17, v11  }
0xb7: {  	v9 =	vxor.u32 v9, v12;
	v10 =	vxor.u32 v10, v14;
	v13 =	vxor.u32 v13, v15  }
0xb8: {  	v12 =	vadd.s32 v12, v9;
	v14 =	vadd.s32 v14, v10;
	v11 =	vxor.u32 v11, v16  }
0xb9: {  	v17 =	vshrl.u32 v9, $0x11;
	v15 =	vadd.s32 v15, v13;
	v9 =	vshll.u32 v9, $0xF  }
0xba: {  	v19 =	vshrl.u32 v10, $0x11;
	v10 =	vshll.u32 v10, $0xF;
	v20 =	vshrl.u32 v13, $0x11  }
0xbb: {  	v13 =	vshll.u32 v13, $0xF;
	v16 =	vadd.s32 v16, v11;
	v21 =	vshrl.u32 v11, $0x11  }
0xbc: {  	v9 =	vor.u32 v17, v9;
	v10 =	vor.u32 v19, v10;
	v11 =	vshll.u32 v11, $0xF  }
0xbd: {  	v13 =	vor.u32 v20, v13;
	v9 =	vxor.u32 v9, v12;
	v11 =	vor.u32 v21, v11  }
0xbe: {  	v10 =	vxor.u32 v10, v14;
	v13 =	vxor.u32 v13, v15;
	v11 =	vxor.u32 v11, v16  }
0xbf: {  	v12 =	vadd.s32 v12, v9;
	v14 =	vadd.s32 v14, v10;
	v15 =	vadd.s32 v15, v13  }
0xc0: {  	v17 =	vshrl.u32 v9, $0x6;
	v9 =	vshll.u32 v9, $0x1A;
	v19 =	vshrl.u32 v10, $0x6  }
0xc1: {  	v10 =	vshll.u32 v10, $0x1A;
	v20 =	vshrl.u32 v13, $0x6;
	v13 =	vshll.u32 v13, $0x1A  }
0xc2: {  	v16 =	vadd.s32 v16, v11;
	v21 =	vshrl.u32 v11, $0x6;
	v11 =	vshll.u32 v11, $0x1A  }
0xc3: {  	v9 =	vor.u32 v17, v9;
	v10 =	vor.u32 v19, v10;
	v13 =	vor.u32 v20, v13  }
0xc4: {  	v9 =	vxor.u32 v9, v12;
	v10 =	vxor.u32 v10, v14;
	v11 =	vor.u32 v21, v11  }
0xc5: {  	v13 =	vxor.u32 v13, v15;
	v12 =	vadd.s32 v12, v9;
	v11 =	vxor.u32 v11, v16  }
0xc6: {  	v14 =	vadd.s32 v14, v10;
	v15 =	vadd.s32 v15, v13;
	v17 =	vshrl.u32 v9, $0x1A  }
0xc7: {  	v9 =	vshll.u32 v9, $0x6;
	v19 =	vshrl.u32 v10, $0x1A;
	v10 =	vshll.u32 v10, $0x6  }
0xc8: {  	v20 =	vshrl.u32 v13, $0x1A;
	v13 =	vshll.u32 v13, $0x6;
	v16 =	vadd.s32 v16, v11  }
0xc9: {  	v21 =	vadd.s32 $0x1BD11BDA, v12;
	v22 =	vshrl.u32 v11, $0x1A;
	v11 =	vshll.u32 v11, $0x6  }
0xca: {  	v23 =	vadd.s32 $0x1BD11BDA, v14;
	v24 =	vadd.s32 $0x1BD11BDA, v15;
	v9 =	vor.u32 v17, v9  }
0xcb: {  	v10 =	vor.u32 v19, v10;
	v13 =	vor.u32 v20, v13;
	v25 =	vadd.s32 $0x1BD11BDA, v16  }
0xcc: {  	v9 =	vxor.u32 v9, v12;
	v10 =	vxor.u32 v10, v14;
	v11 =	vor.u32 v22, v11  }
0xcd: {  	v12 =	vxor.u32 v13, v15;
	v9 =	vadd.s32 $0x5, v9;
	v11 =	vxor.u32 v11, v16  }
0xce: {  	v10 =	vadd.s32 $0x5, v10;
	v12 =	vadd.s32 $0x5, v12;
	v11 =	vadd.s32 $0x5, v11  }
0xcf: {  	v9 =	vxor.u32 v21, v9;
	v10 =	vxor.u32 v23, v10;
	v12 =	vxor.u32 v24, v12  }
0xd0: {  	v9 =	vshrl.u32 v9, $0x9;
	v10 =	vshrl.u32 v10, $0x9;
	v11 =	vxor.u32 v25, v11  }
0xd1: {  	v12 =	vshrl.u32 v12, $0x9;
	v9 =	vor.u32 $0x3F800000, v9;
	v11 =	vshrl.u32 v11, $0x9  }
0xd2: {  	v10 =	vor.u32 $0x3F800000, v10;
	v12 =	vor.u32 $0x3F800000, v12;
	v9 =	vadd.f32 $-1.000000000e+00, v9  }
0xd3: {  	v10 =	vadd.f32 $-1.000000000e+00, v10;
	v12 =	vadd.f32 $-1.000000000e+00, v12;
	v11 =	vor.u32 $0x3F800000, v11  }
0xd4: {  	v11 =	vadd.f32 $-1.000000000e+00, v11;
	v9 =	vmax.f32 v9, $1.175494350e-38  }
0xd5: {  	s22 =	simm.s32 $0x2880;
	v10 =	vmax.f32 v10, $1.175494350e-38;
	v12 =	vmax.f32 v12, $1.175494350e-38;
	v13 =	vand.u32 $0x7FFFFF, v9  }
0xd6: {  	v16 =	vld [tilespmem:s22+$0x0];
	v14 =	vand.u32 $0x7FFFFF, v10;
	v11 =	vmax.f32 v11, $1.175494350e-38;
	v13 =	vor.u32 $0x3F800000, v13  }
0xd7: {  	v17 =	vand.u32 $0x7FFFFF, v12;
	v14 =	vor.u32 $0x3F800000, v14;
	v15 =	vadd.f32 $1.000000000e+00, v13  }
0xd8: {  	v17 =	vor.u32 $0x3F800000, v17;
	v20 =	vand.u32 $0x7FFFFF, v11;
	v19 =	vadd.f32 $1.000000000e+00, v14  }
0xd9: {  	v21 =	vadd.f32 $1.000000000e+00, v17;
	v20 =	vor.u32 $0x3F800000, v20;
	(erf) = vrcp.f32 v15  }
0xda: {  	v15 =	vadd.f32 $1.000000000e+00, v20;
	(erf) = vrcp.f32 v19  }
0xdb: {  	v22 =	vadd.s32 v16, v8;
	(erf) = vrcp.f32 v21  }
0xdc: {  	v29 =	vshll.u32 v22, $0xD;
	v9 =	vshrl.u32 v9, $0x17;
	(erf) = vrcp.f32 v15  }
0xdd: {  	v10 =	vshrl.u32 v10, $0x17;
	v12 =	vshrl.u32 v12, $0x17;
	v11 =	vshrl.u32 v11, $0x17  }
0xde: {  	v9 =	vadd.s32 $0xFFFFFF81, v9;
	v10 =	vadd.s32 $0xFFFFFF81, v10;
	v21 =	vadd.s32 v16, v7  }
0xdf: {  	v13 =	vadd.f32 $-1.000000000e+00, v13;
	v14 =	vadd.f32 $-1.000000000e+00, v14;
	v27 =	vshrl.u32 v21, $0x13  }
0xe0: {  	v17 =	vadd.f32 $-1.000000000e+00, v17;
	v15 =	vadd.s32 v16, v6;
	v28 =	vshll.u32 v21, $0xD  }
0xe1: {  	v9 =	vcvt.s32.f32 v9;
	v25 =	vshrl.u32 v15, $0x13;
	v26 =	vshll.u32 v15, $0xD  }
0xe2: {  	v10 =	vcvt.s32.f32 v10;
	v25 =	vor.u32 v25, v26;
	v26 =	vor.u32 v27, v28;
	v27 =	vpop (erf)  }
0xe3: {  	v20 =	vadd.f32 $-1.000000000e+00, v20;
	v19 =	vadd.s32 v16, v5;
	v28 =	vpop (erf);
	v13 =	vmul.f32 v27, v13  }
0xe4: {  	v23 =	vshrl.u32 v19, $0x13;
	v24 =	vshll.u32 v19, $0xD;
	v27 =	vpop (erf);
	v14 =	vmul.f32 v28, v14  }
0xe5: {  	v23 =	vor.u32 v23, v24;
	v17 =	vmul.f32 v27, v17;
	v27 =	vpop (erf);
	v28 =	vmul.f32 v13, v13  }
0xe6: {  	v24 =	vshrl.u32 v22, $0x13;
	v20 =	vmul.f32 v27, v20;
	v27 =	vmul.f32 v14, v14  }
0xe7: {  	v24 =	vor.u32 v24, v29;
	v29 =	vmul.f32 v17, v17;
	v30 =	vmul.f32 $7.692307980e-02, v28  }
0xe8: {  	v12 =	vadd.s32 $0xFFFFFF81, v12;
	v31 =	vmul.f32 v20, v20;
	v32 =	vmul.f32 $7.692307980e-02, v27  }
0xe9: {  	v11 =	vadd.s32 $0xFFFFFF81, v11;
	v12 =	vcvt.s32.f32 v12;
	v34 =	vmul.f32 $7.692307980e-02, v29  }
0xea: {  	v30 =	vadd.f32 $9.090909360e-02, v30;
	v35 =	vmul.f32 $7.692307980e-02, v31;
	v32 =	vadd.f32 $9.090909360e-02, v32  }
0xeb: {  	v11 =	vcvt.s32.f32 v11;
	v9 =	vmul.f32 $6.931471820e-01, v9;
	v34 =	vadd.f32 $9.090909360e-02, v34  }
0xec: {  	v30 =	vmul.f32 v30, v28;
	v35 =	vadd.f32 $9.090909360e-02, v35;
	v32 =	vmul.f32 v32, v27  }
0xed: {  	v10 =	vmul.f32 $6.931471820e-01, v10;
	v34 =	vmul.f32 v34, v29  }
0xee: {  	v30 =	vadd.f32 $1.111111120e-01, v30;
	v35 =	vmul.f32 v35, v31;
	v32 =	vadd.f32 $1.111111120e-01, v32  }
0xef: {  	v12 =	vmul.f32 $6.931471820e-01, v12;
	v11 =	vmul.f32 $6.931471820e-01, v11;
	v34 =	vadd.f32 $1.111111120e-01, v34  }
0xf0: {  	v30 =	vmul.f32 v30, v28;
	v35 =	vadd.f32 $1.111111120e-01, v35;
	v32 =	vmul.f32 v32, v27  }
0xf1: {  	v23 =	vxor.u32 v19, v23;
	v24 =	vxor.u32 v22, v24;
	v34 =	vmul.f32 v34, v29  }
0xf2: {  	v30 =	vadd.f32 $1.428571490e-01, v30;
	v35 =	vmul.f32 v35, v31;
	v32 =	vadd.f32 $1.428571490e-01, v32  }
0xf3: {  	v19 =	vadd.s32 v19, v23;
	v33 =	vshrl.u32 v23, $0x11;
	v34 =	vadd.f32 $1.428571490e-01, v34  }
0xf4: {  	v30 =	vmul.f32 v30, v28;
	v35 =	vadd.f32 $1.428571490e-01, v35;
	v32 =	vmul.f32 v32, v27  }
0xf5: {  	v23 =	vshll.u32 v23, $0xF;
	v25 =	vxor.u32 v15, v25;
	v34 =	vmul.f32 v34, v29  }
0xf6: {  	v30 =	vadd.f32 $2.000000030e-01, v30;
	v35 =	vmul.f32 v35, v31;
	v32 =	vadd.f32 $2.000000030e-01, v32  }
0xf7: {  	v26 =	vxor.u32 v21, v26;
	v22 =	vadd.s32 v22, v24;
	v34 =	vadd.f32 $2.000000030e-01, v34  }
0xf8: {  	v30 =	vmul.f32 v30, v28;
	v35 =	vadd.f32 $2.000000030e-01, v35;
	v32 =	vmul.f32 v32, v27  }
0xf9: {  	v15 =	vadd.s32 v15, v25;
	v21 =	vadd.s32 v21, v26;
	v34 =	vmul.f32 v34, v29  }
0xfa: {  	v30 =	vadd.f32 $3.333333430e-01, v30;
	v35 =	vmul.f32 v35, v31;
	v32 =	vadd.f32 $3.333333430e-01, v32  }
0xfb: {  	v36 =	vshrl.u32 v25, $0x11;
	v13 =	vadd.f32 v13, v13;
	v34 =	vadd.f32 $3.333333430e-01, v34  }
0xfc: {  	v28 =	vmul.f32 v30, v28;
	v62 =	vadd.f32 $3.333333430e-01, v35;
	v27 =	vmul.f32 v32, v27  }
0xfd: {  	v14 =	vadd.f32 v14, v14;
	v17 =	vadd.f32 v17, v17;
	v29 =	vmul.f32 v34, v29  }
0xfe: {  	v28 =	vadd.f32 $1.000000000e+00, v28;
	v30 =	vmul.f32 v62, v31;
	v27 =	vadd.f32 $1.000000000e+00, v27  }
0xff: {  	v25 =	vshll.u32 v25, $0xF;
	v20 =	vadd.f32 v20, v20;
	v29 =	vadd.f32 $1.000000000e+00, v29  }
0x100: {  	v13 =	vmul.f32 v28, v13;
	v28 =	vadd.f32 $1.000000000e+00, v30;
	v14 =	vmul.f32 v27, v14  }
0x101: {  	v37 =	vshrl.u32 v26, $0x11;
	v26 =	vshll.u32 v26, $0xF;
	v17 =	vmul.f32 v29, v17  }
0x102: {  	v63 =	vld [tilespmem:s21+$0x0];
	v9 =	vadd.f32 v13, v9;
	v13 =	vmul.f32 v28, v20;
	v10 =	vadd.f32 v14, v10  }
0x103: {  	v14 =	vshrl.u32 v24, $0x11;
	v20 =	vor.u32 v36, v25;
	v12 =	vadd.f32 v17, v12  }
0x104: {  	v9 =	vsub.f32 $0.0e+00, v9;
	v17 =	vshll.u32 v24, $0xF;
	v20 =	vxor.u32 v20, v15  }
0x105: {  	v11 =	vadd.f32 v13, v11;
	v13 =	vor.u32 v33, v23;
	v10 =	vsub.f32 $0.0e+00, v10  }
0x106: {  	v23 =	vor.u32 v37, v26;
	v14 =	vor.u32 v14, v17;
	v12 =	vsub.f32 $0.0e+00, v12  }
0x107: {  	v15 =	vadd.s32 v15, v20;
	v9 =	vmul.f32 v9, v63;
	v11 =	vsub.f32 $0.0e+00, v11  }
0x108: {  	v13 =	vxor.u32 v13, v19;
	v10 =	vmul.f32 v10, v63;
	v12 =	vmul.f32 v12, v63  }
0x109: {  	v14 =	vxor.u32 v14, v22;
	vm3 =	vlt.f32 v9, v18;
	v24 =	vmul.f32 v11, v63  }
0x10a: {  	v17 =	vsel vm3, v9, v18;
	vm2 =	vlt.f32 v10, v18;
	vm1 =	vlt.f32 v12, v18  }
0x10b: {  	v11 =	vsel vm2, v10, v18;
	vm0 =	vlt.f32 v24, v18;
	v9 =	vsel vm1, v12, v18  }
0x10c: {  	v12 =	vadd.s32 v19, v13;
	v10 =	vsel vm0, v24, v18;
	v18 =	vxor.u32 v23, v21  }
0x10d: {  	v23 =	vshrl.u32 v20, $0x6;
	v20 =	vshll.u32 v20, $0x1A;
	v19 =	vadd.s32 v21, v18  }
0x10e: {  	v21 =	vadd.s32 v22, v14;
	v22 =	vshrl.u32 v13, $0x6;
	v13 =	vshll.u32 v13, $0x1A  }
0x10f: {  	v24 =	vshrl.u32 v18, $0x6;
	v18 =	vshll.u32 v18, $0x1A;
	v20 =	vor.u32 v23, v20  }
0x110: {  	v13 =	vor.u32 v22, v13;
	v22 =	vshrl.u32 v14, $0x6;
	v14 =	vshll.u32 v14, $0x1A  }
0x111: {  	v18 =	vor.u32 v24, v18;
	v20 =	vxor.u32 v20, v15;
	v14 =	vor.u32 v22, v14  }
0x112: {  	v13 =	vxor.u32 v13, v12;
	v18 =	vxor.u32 v18, v19;
	v15 =	vadd.s32 v15, v20  }
0x113: {  	v23 =	vshrl.u32 v20, $0x1A;
	v20 =	vshll.u32 v20, $0x6;
	v12 =	vadd.s32 v12, v13  }
0x114: {  	v14 =	vxor.u32 v14, v21;
	v22 =	vshrl.u32 v13, $0x1A;
	v19 =	vadd.s32 v19, v18  }
0x115: {  	v13 =	vshll.u32 v13, $0x6;
	v24 =	vshrl.u32 v18, $0x1A;
	v18 =	vshll.u32 v18, $0x6  }
0x116: {  	v20 =	vor.u32 v23, v20;
	v21 =	vadd.s32 v21, v14;
	v25 =	vshrl.u32 v14, $0x1A  }
0x117: {  	v13 =	vor.u32 v22, v13;
	v14 =	vshll.u32 v14, $0x6;
	v18 =	vor.u32 v24, v18  }
0x118: {  	v20 =	vxor.u32 v20, v15;
	v13 =	vxor.u32 v13, v12;
	v14 =	vor.u32 v25, v14  }
0x119: {  	v18 =	vxor.u32 v18, v19;
	v20 =	vadd.s32 $0x1BD11BDB, v20;
	v14 =	vxor.u32 v14, v21  }
0x11a: {  	v13 =	vadd.s32 $0x1BD11BDB, v13;
	v18 =	vadd.s32 $0x1BD11BDB, v18;
	v15 =	vadd.s32 v15, v20  }
0x11b: {  	v23 =	vshrl.u32 v20, $0xF;
	v20 =	vshll.u32 v20, $0x11;
	v12 =	vadd.s32 v12, v13  }
0x11c: {  	v14 =	vadd.s32 $0x1BD11BDB, v14;
	v22 =	vshrl.u32 v13, $0xF;
	v19 =	vadd.s32 v19, v18  }
0x11d: {  	v13 =	vshll.u32 v13, $0x11;
	v24 =	vshrl.u32 v18, $0xF;
	v18 =	vshll.u32 v18, $0x11  }
0x11e: {  	v20 =	vor.u32 v23, v20;
	v21 =	vadd.s32 v21, v14;
	v25 =	vshrl.u32 v14, $0xF  }
0x11f: {  	v13 =	vor.u32 v22, v13;
	v14 =	vshll.u32 v14, $0x11;
	v18 =	vor.u32 v24, v18  }
0x120: {  	v20 =	vxor.u32 v20, v15;
	v13 =	vxor.u32 v13, v12;
	v14 =	vor.u32 v25, v14  }
0x121: {  	v18 =	vxor.u32 v18, v19;
	v15 =	vadd.s32 v15, v20;
	v23 =	vshrl.u32 v20, $0x3  }
0x122: {  	v20 =	vshll.u32 v20, $0x1D;
	v14 =	vxor.u32 v14, v21;
	v12 =	vadd.s32 v12, v13  }
0x123: {  	v19 =	vadd.s32 v19, v18;
	v22 =	vshrl.u32 v13, $0x3;
	v13 =	vshll.u32 v13, $0x1D  }
0x124: {  	v24 =	vshrl.u32 v18, $0x3;
	v18 =	vshll.u32 v18, $0x1D;
	v20 =	vor.u32 v23, v20  }
0x125: {  	v21 =	vadd.s32 v21, v14;
	v25 =	vshrl.u32 v14, $0x3;
	v14 =	vshll.u32 v14, $0x1D  }
0x126: {  	v13 =	vor.u32 v22, v13;
	v18 =	vor.u32 v24, v18;
	v20 =	vxor.u32 v20, v15  }
0x127: {  	v13 =	vxor.u32 v13, v12;
	v14 =	vor.u32 v25, v14;
	v18 =	vxor.u32 v18, v19  }
0x128: {  	v15 =	vadd.s32 v15, v20;
	v23 =	vshrl.u32 v20, $0x10;
	v20 =	vshll.u32 v20, $0x10  }
0x129: {  	v12 =	vadd.s32 v12, v13;
	v14 =	vxor.u32 v14, v21;
	v19 =	vadd.s32 v19, v18  }
0x12a: {  	v22 =	vshrl.u32 v13, $0x10;
	v13 =	vshll.u32 v13, $0x10;
	v24 =	vshrl.u32 v18, $0x10  }
0x12b: {  	v18 =	vshll.u32 v18, $0x10;
	v20 =	vor.u32 v23, v20;
	v21 =	vadd.s32 v21, v14  }
0x12c: {  	v13 =	vor.u32 v22, v13;
	v22 =	vshrl.u32 v14, $0x10;
	v14 =	vshll.u32 v14, $0x10  }
0x12d: {  	v18 =	vor.u32 v24, v18;
	v20 =	vxor.u32 v20, v15;
	v14 =	vor.u32 v22, v14  }
0x12e: {  	v13 =	vxor.u32 v13, v12;
	v18 =	vxor.u32 v18, v19;
	v15 =	vadd.s32 v15, v20  }
0x12f: {  	v23 =	vshrl.u32 v20, $0x8;
	v20 =	vshll.u32 v20, $0x18;
	v12 =	vadd.s32 v12, v13  }
0x130: {  	v14 =	vxor.u32 v14, v21;
	v22 =	vshrl.u32 v13, $0x8;
	v19 =	vadd.s32 v19, v18  }
0x131: {  	v13 =	vshll.u32 v13, $0x18;
	v24 =	vshrl.u32 v18, $0x8;
	v18 =	vshll.u32 v18, $0x18  }
0x132: {  	v20 =	vor.u32 v23, v20;
	v21 =	vadd.s32 v21, v14;
	v25 =	vshrl.u32 v14, $0x8  }
0x133: {  	v13 =	vor.u32 v22, v13;
	v14 =	vshll.u32 v14, $0x18;
	v18 =	vor.u32 v24, v18  }
0x134: {  	v20 =	vxor.u32 v20, v15;
	v13 =	vxor.u32 v13, v12;
	v14 =	vor.u32 v25, v14  }
0x135: {  	v18 =	vxor.u32 v18, v19;
	v20 =	vadd.s32 $0x2, v20;
	v14 =	vxor.u32 v14, v21  }
0x136: {  	v13 =	vadd.s32 $0x2, v13;
	v18 =	vadd.s32 $0x2, v18;
	v15 =	vadd.s32 v20, v15  }
0x137: {  	v23 =	vshrl.u32 v20, $0x13;
	v20 =	vshll.u32 v20, $0xD;
	v12 =	vadd.s32 v13, v12  }
0x138: {  	v22 =	vshrl.u32 v13, $0x13;
	v14 =	vadd.s32 $0x2, v14;
	v13 =	vshll.u32 v13, $0xD  }
0x139: {  	v19 =	vadd.s32 v18, v19;
	v24 =	vshrl.u32 v18, $0x13;
	v18 =	vshll.u32 v18, $0xD  }
0x13a: {  	v15 =	vadd.s32 $0x1BD11BDA, v15;
	v20 =	vor.u32 v23, v20;
	v21 =	vadd.s32 v14, v21  }
0x13b: {  	v25 =	vshrl.u32 v14, $0x13;
	v12 =	vadd.s32 $0x1BD11BDA, v12;
	v13 =	vor.u32 v22, v13  }
0x13c: {  	v14 =	vshll.u32 v14, $0xD;
	v19 =	vadd.s32 $0x1BD11BDA, v19;
	v18 =	vor.u32 v24, v18  }
0x13d: {  	v20 =	vxor.u32 v20, v15;
	v21 =	vadd.s32 $0x1BD11BDA, v21;
	v14 =	vor.u32 v25, v14  }
0x13e: {  	v13 =	vxor.u32 v13, v12;
	v18 =	vxor.u32 v18, v19;
	v15 =	vadd.s32 v15, v20  }
0x13f: {  	v12 =	vadd.s32 v12, v13;
	v14 =	vxor.u32 v14, v21;
	v22 =	vshrl.u32 v13, $0x11  }
0x140: {  	v23 =	vadd.s32 v19, v18;
	v13 =	vshll.u32 v13, $0xF;
	v19 =	vshrl.u32 v20, $0x11  }
0x141: {  	v20 =	vshll.u32 v20, $0xF;
	v24 =	vadd.s32 v21, v14;
	v21 =	vshrl.u32 v18, $0x11  }
0x142: {  	v18 =	vshll.u32 v18, $0xF;
	v25 =	vshrl.u32 v14, $0x11;
	v13 =	vor.u32 v22, v13  }
0x143: {  	v19 =	vor.u32 v19, v20;
	v14 =	vshll.u32 v14, $0xF;
	v13 =	vxor.u32 v13, v12  }
0x144: {  	v18 =	vor.u32 v21, v18;
	v14 =	vor.u32 v25, v14;
	v25 =	vxor.u32 v19, v15  }
0x145: {  	v18 =	vxor.u32 v18, v23;
	v14 =	vxor.u32 v14, v24;
	v21 =	vadd.s32 v12, v13  }
0x146: {  	p2 =	sne.s32 s23, $0x1;
	v19 =	vadd.s32 v15, v25;
	v12 =	vshrl.u32 v13, $0x6;
	v13 =	vshll.u32 v13, $0x1A  }
.Ltmp6:
0x147: {  	v15 =	vshrl.u32 v25, $0x6;
	v25 =	vshll.u32 v25, $0x1A;
	v20 =	vadd.s32 v23, v18;
	(pc) =	sbr.rel @!p2 .LBB2_7-.Ltmp6, $4  }
0x148: {  	v22 =	vadd.s32 v24, v14;
	v28 =	vshrl.u32 v18, $0x6;
	v18 =	vshll.u32 v18, $0x1A  }
0x149: {  	v23 =	vshrl.u32 v14, $0x6;
	v24 =	vshll.u32 v14, $0x1A;
	v26 =	vor.u32 v12, v13  }
0x14a: {  	v27 =	vor.u32 v15, v25;
	v12 =	vimm.s32 $0x0;
	v13 =	vimm.s32 $0x0  }
0x14b: {  	s24 =	sadd.s32 $0xFFFFFFFF, s23;
	p1 =	por $0x1, $0x1;
	s23 =	simm.s32 $0x0;
	v14 =	vimm.s32 $0x0;
	v15 =	vimm.s32 $0x0;
	v25 =	vor.u32 v28, v18  }
.LBB2_8:
0x14c: {  	p2 =	sne.s32 s24, $0x1;
	v18 =	vxor.u32 v26, v21;
	v26 =	vxor.u32 v27, v19;
	v23 =	vor.u32 v23, v24  }
0x14d: {  	v24 =	vxor.u32 v25, v20;
	v21 =	vadd.s32 v21, v18;
	v23 =	vxor.u32 v23, v22  }
0x14e: {  	v19 =	vadd.s32 v19, v26;
	v20 =	vadd.s32 v20, v24;
	v22 =	vadd.s32 v22, v23  }
0x14f: {  	v25 =	vshrl.u32 v18, $0x1A;
	v18 =	vshll.u32 v18, $0x6;
	v27 =	vshrl.u32 v26, $0x1A  }
0x150: {  	v26 =	vshll.u32 v26, $0x6;
	v28 =	vshrl.u32 v24, $0x1A;
	v24 =	vshll.u32 v24, $0x6  }
0x151: {  	v18 =	vor.u32 v25, v18;
	v25 =	vshrl.u32 v23, $0x1A;
	v23 =	vshll.u32 v23, $0x6  }
0x152: {  	v26 =	vor.u32 v27, v26;
	v24 =	vor.u32 v28, v24;
	v23 =	vor.u32 v25, v23  }
0x153: {  	v18 =	vxor.u32 v18, v21;
	v25 =	vxor.u32 v26, v19;
	v24 =	vxor.u32 v24, v20  }
0x154: {  	v18 =	vadd.s32 $0x3, v18;
	v25 =	vadd.s32 $0x3, v25;
	v23 =	vxor.u32 v23, v22  }
0x155: {  	v24 =	vadd.s32 $0x3, v24;
	v21 =	vadd.s32 v21, v18;
	v23 =	vadd.s32 $0x3, v23  }
0x156: {  	v19 =	vadd.s32 v19, v25;
	v20 =	vadd.s32 v20, v24;
	v22 =	vadd.s32 v22, v23  }
0x157: {  	v26 =	vshrl.u32 v18, $0xF;
	v18 =	vshll.u32 v18, $0x11;
	v27 =	vshrl.u32 v25, $0xF  }
0x158: {  	v25 =	vshll.u32 v25, $0x11;
	v28 =	vshrl.u32 v24, $0xF;
	v24 =	vshll.u32 v24, $0x11  }
0x159: {  	v18 =	vor.u32 v26, v18;
	v26 =	vshrl.u32 v23, $0xF;
	v23 =	vshll.u32 v23, $0x11  }
0x15a: {  	v25 =	vor.u32 v27, v25;
	v24 =	vor.u32 v28, v24;
	v23 =	vor.u32 v26, v23  }
0x15b: {  	v18 =	vxor.u32 v18, v21;
	v25 =	vxor.u32 v25, v19;
	v24 =	vxor.u32 v24, v20  }
0x15c: {  	v21 =	vadd.s32 v21, v18;
	v19 =	vadd.s32 v19, v25;
	v23 =	vxor.u32 v23, v22  }
0x15d: {  	v26 =	vshrl.u32 v18, $0x3;
	v20 =	vadd.s32 v20, v24;
	v22 =	vadd.s32 v22, v23  }
0x15e: {  	v18 =	vshll.u32 v18, $0x1D;
	v27 =	vshrl.u32 v25, $0x3;
	v25 =	vshll.u32 v25, $0x1D  }
0x15f: {  	v28 =	vshrl.u32 v24, $0x3;
	v24 =	vshll.u32 v24, $0x1D;
	v29 =	vshrl.u32 v23, $0x3  }
0x160: {  	v18 =	vor.u32 v26, v18;
	v25 =	vor.u32 v27, v25;
	v23 =	vshll.u32 v23, $0x1D  }
0x161: {  	v24 =	vor.u32 v28, v24;
	v18 =	vxor.u32 v18, v21;
	v23 =	vor.u32 v29, v23  }
0x162: {  	v25 =	vxor.u32 v25, v19;
	v24 =	vxor.u32 v24, v20;
	v23 =	vxor.u32 v23, v22  }
0x163: {  	v21 =	vadd.s32 v21, v18;
	v19 =	vadd.s32 v19, v25;
	v20 =	vadd.s32 v20, v24  }
0x164: {  	v26 =	vshrl.u32 v18, $0x10;
	v18 =	vshll.u32 v18, $0x10;
	v22 =	vadd.s32 v22, v23  }
0x165: {  	v27 =	vshrl.u32 v25, $0x10;
	v25 =	vshll.u32 v25, $0x10;
	v28 =	vshrl.u32 v24, $0x10  }
0x166: {  	v24 =	vshll.u32 v24, $0x10;
	v29 =	vshrl.u32 v23, $0x10;
	v23 =	vshll.u32 v23, $0x10  }
0x167: {  	v18 =	vor.u32 v26, v18;
	v25 =	vor.u32 v27, v25;
	v24 =	vor.u32 v28, v24  }
0x168: {  	v18 =	vxor.u32 v18, v21;
	v25 =	vxor.u32 v25, v19;
	v23 =	vor.u32 v29, v23  }
0x169: {  	v24 =	vxor.u32 v24, v20;
	v21 =	vadd.s32 v21, v18;
	v23 =	vxor.u32 v23, v22  }
0x16a: {  	v19 =	vadd.s32 v19, v25;
	v20 =	vadd.s32 v20, v24;
	v22 =	vadd.s32 v22, v23  }
0x16b: {  	v26 =	vshrl.u32 v18, $0x8;
	v18 =	vshll.u32 v18, $0x18;
	v27 =	vshrl.u32 v25, $0x8  }
0x16c: {  	v25 =	vshll.u32 v25, $0x18;
	v28 =	vshrl.u32 v24, $0x8;
	v24 =	vshll.u32 v24, $0x18  }
0x16d: {  	v18 =	vor.u32 v26, v18;
	v26 =	vshrl.u32 v23, $0x8;
	v23 =	vshll.u32 v23, $0x18  }
0x16e: {  	v25 =	vor.u32 v27, v25;
	v24 =	vor.u32 v28, v24;
	v23 =	vor.u32 v26, v23  }
0x16f: {  	v18 =	vxor.u32 v18, v21;
	v25 =	vxor.u32 v25, v19;
	v24 =	vxor.u32 v24, v20  }
0x170: {  	v18 =	vadd.s32 $0x1BD11BDE, v18;
	v25 =	vadd.s32 $0x1BD11BDE, v25;
	v23 =	vxor.u32 v23, v22  }
0x171: {  	v24 =	vadd.s32 $0x1BD11BDE, v24;
	v21 =	vadd.s32 v21, v18;
	v23 =	vadd.s32 $0x1BD11BDE, v23  }
0x172: {  	v19 =	vadd.s32 v19, v25;
	v20 =	vadd.s32 v20, v24;
	v22 =	vadd.s32 v22, v23  }
0x173: {  	v26 =	vshrl.u32 v18, $0x13;
	v18 =	vshll.u32 v18, $0xD;
	v27 =	vshrl.u32 v25, $0x13  }
0x174: {  	v25 =	vshll.u32 v25, $0xD;
	v28 =	vshrl.u32 v24, $0x13;
	v24 =	vshll.u32 v24, $0xD  }
0x175: {  	v18 =	vor.u32 v26, v18;
	v26 =	vshrl.u32 v23, $0x13;
	v23 =	vshll.u32 v23, $0xD  }
0x176: {  	v25 =	vor.u32 v27, v25;
	v24 =	vor.u32 v28, v24;
	v23 =	vor.u32 v26, v23  }
0x177: {  	v18 =	vxor.u32 v18, v21;
	v25 =	vxor.u32 v25, v19;
	v24 =	vxor.u32 v24, v20  }
0x178: {  	v21 =	vadd.s32 v21, v18;
	v19 =	vadd.s32 v19, v25;
	v23 =	vxor.u32 v23, v22  }
0x179: {  	v26 =	vshrl.u32 v18, $0x11;
	v20 =	vadd.s32 v20, v24;
	v22 =	vadd.s32 v22, v23  }
0x17a: {  	v18 =	vshll.u32 v18, $0xF;
	v27 =	vshrl.u32 v25, $0x11;
	v25 =	vshll.u32 v25, $0xF  }
0x17b: {  	v28 =	vshrl.u32 v24, $0x11;
	v24 =	vshll.u32 v24, $0xF;
	v29 =	vshrl.u32 v23, $0x11  }
0x17c: {  	v18 =	vor.u32 v26, v18;
	v25 =	vor.u32 v27, v25;
	v23 =	vshll.u32 v23, $0xF  }
0x17d: {  	v24 =	vor.u32 v28, v24;
	v18 =	vxor.u32 v18, v21;
	v23 =	vor.u32 v29, v23  }
0x17e: {  	v25 =	vxor.u32 v25, v19;
	v24 =	vxor.u32 v24, v20;
	v23 =	vxor.u32 v23, v22  }
0x17f: {  	v21 =	vadd.s32 v21, v18;
	v19 =	vadd.s32 v19, v25;
	v20 =	vadd.s32 v20, v24  }
0x180: {  	v26 =	vshrl.u32 v18, $0x6;
	v18 =	vshll.u32 v18, $0x1A;
	v22 =	vadd.s32 v22, v23  }
0x181: {  	v27 =	vshrl.u32 v25, $0x6;
	v25 =	vshll.u32 v25, $0x1A;
	v28 =	vshrl.u32 v24, $0x6  }
0x182: {  	v24 =	vshll.u32 v24, $0x1A;
	v29 =	vshrl.u32 v23, $0x6;
	v23 =	vshll.u32 v23, $0x1A  }
0x183: {  	v18 =	vor.u32 v26, v18;
	v25 =	vor.u32 v27, v25;
	v24 =	vor.u32 v28, v24  }
0x184: {  	v18 =	vxor.u32 v18, v21;
	v25 =	vxor.u32 v25, v19;
	v23 =	vor.u32 v29, v23  }
0x185: {  	v24 =	vxor.u32 v24, v20;
	v21 =	vadd.s32 v21, v18;
	v23 =	vxor.u32 v23, v22  }
0x186: {  	v19 =	vadd.s32 v19, v25;
	v20 =	vadd.s32 v20, v24;
	v22 =	vadd.s32 v22, v23  }
0x187: {  	v26 =	vshrl.u32 v18, $0x1A;
	v18 =	vshll.u32 v18, $0x6;
	v27 =	vshrl.u32 v25, $0x1A  }
0x188: {  	v25 =	vshll.u32 v25, $0x6;
	v28 =	vshrl.u32 v24, $0x1A;
	v24 =	vshll.u32 v24, $0x6  }
0x189: {  	v29 =	vadd.s32 $0x1BD11BDA, v21;
	v30 =	vshrl.u32 v23, $0x1A;
	v23 =	vshll.u32 v23, $0x6  }
0x18a: {  	v31 =	vadd.s32 $0x1BD11BDA, v19;
	v32 =	vadd.s32 $0x1BD11BDA, v20;
	v33 =	vadd.s32 $0x1BD11BDA, v22  }
0x18b: {  	v18 =	vor.u32 v26, v18;
	v25 =	vor.u32 v27, v25;
	v24 =	vor.u32 v28, v24  }
0x18c: {  	v18 =	vxor.u32 v18, v21;
	v19 =	vxor.u32 v25, v19;
	v21 =	vor.u32 v30, v23  }
0x18d: {  	v20 =	vxor.u32 v24, v20;
	v18 =	vadd.s32 $0x5, v18;
	v21 =	vxor.u32 v21, v22  }
0x18e: {  	v19 =	vadd.s32 $0x5, v19;
	v20 =	vadd.s32 $0x5, v20;
	v21 =	vadd.s32 $0x5, v21  }
0x18f: {  	v18 =	vxor.u32 v29, v18;
	v19 =	vxor.u32 v31, v19;
	v20 =	vxor.u32 v32, v20  }
0x190: {  	v18 =	vshrl.u32 v18, $0x9;
	v19 =	vshrl.u32 v19, $0x9;
	v21 =	vxor.u32 v33, v21  }
0x191: {  	v20 =	vshrl.u32 v20, $0x9;
	v18 =	vor.u32 $0x3F800000, v18;
	v21 =	vshrl.u32 v21, $0x9  }
0x192: {  	v19 =	vor.u32 $0x3F800000, v19;
	v20 =	vor.u32 $0x3F800000, v20;
	v18 =	vadd.f32 $-1.000000000e+00, v18  }
0x193: {  	v19 =	vadd.f32 $-1.000000000e+00, v19;
	v20 =	vadd.f32 $-1.000000000e+00, v20;
	v21 =	vor.u32 $0x3F800000, v21  }
0x194: {  	v12 =	vsel vm3, v4, v12;
	v23 =	vmax.f32 v18, $1.175494350e-38;
	v18 =	vadd.f32 $-1.000000000e+00, v21  }
0x195: {  	v24 =	vmax.f32 v19, $1.175494350e-38;
	v25 =	vmax.f32 v20, $1.175494350e-38;
	v21 =	vand.u32 $0x7FFFFF, v23  }
0x196: {  	s22 =	sadd.s32 $0x80, s22;
	v20 =	vand.u32 $0x7FFFFF, v24;
	v19 =	vor.u32 $0x3F800000, v21;
	v26 =	vmax.f32 v18, $1.175494350e-38  }
0x197: {  	v22 =	vand.u32 $0x7FFFFF, v25;
	v20 =	vor.u32 $0x3F800000, v20;
	v21 =	vadd.f32 $1.000000000e+00, v19;
	v18 =	vld [tilespmem:s22+$0x0]  }
0x198: {  	v22 =	vor.u32 $0x3F800000, v22;
	v27 =	vadd.f32 $1.000000000e+00, v20;
	v28 =	vand.u32 $0x7FFFFF, v26  }
0x199: {  	v29 =	vadd.f32 $1.000000000e+00, v22;
	v28 =	vor.u32 $0x3F800000, v28;
	(erf) = vrcp.f32 v21  }
0x19a: {  	v13 =	vsel vm2, v4, v13;
	v21 =	vadd.f32 $1.000000000e+00, v28;
	(erf) = vrcp.f32 v27  }
0x19b: {  	v14 =	vsel vm1, v4, v14;
	v15 =	vsel vm0, v4, v15;
	v4 =	vmovc v16;
	(erf) = vrcp.f32 v29  }
0x19c: {  	v27 =	vadd.s32 v18, v5;
	(erf) = vrcp.f32 v21;
	v16 =	vmov v18  }
0x19d: {  	v21 =	vadd.s32 v16, v6;
	v29 =	vadd.s32 v16, v7;
	v30 =	vadd.s32 v16, v8  }
0x19e: {  	v18 =	vshrl.u32 v27, $0x13;
	v31 =	vshll.u32 v27, $0xD;
	v32 =	vshrl.u32 v21, $0x13  }
0x19f: {  	v33 =	vshll.u32 v21, $0xD;
	v34 =	vshrl.u32 v29, $0x13;
	v35 =	vshll.u32 v29, $0xD  }
0x1a0: {  	v18 =	vor.u32 v18, v31;
	v31 =	vshrl.u32 v30, $0x13;
	v36 =	vshll.u32 v30, $0xD  }
0x1a1: {  	v32 =	vor.u32 v32, v33;
	v33 =	vor.u32 v34, v35;
	v31 =	vor.u32 v31, v36  }
0x1a2: {  	v34 =	vxor.u32 v27, v18;
	v18 =	vadd.f32 $-1.000000000e+00, v19;
	v32 =	vxor.u32 v21, v32;
	v19 =	vpop (erf)  }
0x1a3: {  	v37 =	vadd.f32 $-1.000000000e+00, v20;
	v35 =	vadd.f32 $-1.000000000e+00, v22;
	v33 =	vxor.u32 v29, v33;
	v36 =	vpop (erf)  }
0x1a4: {  	v28 =	vadd.f32 $-1.000000000e+00, v28;
	v22 =	vxor.u32 v30, v31;
	v31 =	vmul.f32 v19, v18;
	v19 =	vpop (erf)  }
0x1a5: {  	v18 =	vadd.s32 v27, v34;
	v27 =	vmul.f32 v36, v37;
	v35 =	vmul.f32 v19, v35;
	v20 =	vpop (erf)  }
0x1a6: {  	v19 =	vadd.s32 v21, v32;
	v36 =	vmul.f32 v31, v31;
	v28 =	vmul.f32 v20, v28  }
0x1a7: {  	v20 =	vadd.s32 v29, v33;
	v29 =	vmul.f32 v27, v27;
	v37 =	vmul.f32 v35, v35  }
0x1a8: {  	v21 =	vadd.s32 v30, v22;
	v30 =	vmul.f32 $7.692307980e-02, v36;
	v38 =	vmul.f32 v28, v28  }
0x1a9: {  	v39 =	vshrl.u32 v34, $0x11;
	v40 =	vmul.f32 $7.692307980e-02, v29;
	v41 =	vmul.f32 $7.692307980e-02, v37  }
0x1aa: {  	v34 =	vshll.u32 v34, $0xF;
	v30 =	vadd.f32 $9.090909360e-02, v30;
	v42 =	vmul.f32 $7.692307980e-02, v38  }
0x1ab: {  	v43 =	vshrl.u32 v32, $0x11;
	v40 =	vadd.f32 $9.090909360e-02, v40;
	v41 =	vadd.f32 $9.090909360e-02, v41  }
0x1ac: {  	v32 =	vshll.u32 v32, $0xF;
	v30 =	vmul.f32 v30, v36;
	v42 =	vadd.f32 $9.090909360e-02, v42  }
0x1ad: {  	v23 =	vshrl.u32 v23, $0x17;
	v40 =	vmul.f32 v40, v29;
	v41 =	vmul.f32 v41, v37  }
0x1ae: {  	v24 =	vshrl.u32 v24, $0x17;
	v30 =	vadd.f32 $1.111111120e-01, v30;
	v42 =	vmul.f32 v42, v38  }
0x1af: {  	v25 =	vshrl.u32 v25, $0x17;
	v40 =	vadd.f32 $1.111111120e-01, v40;
	v41 =	vadd.f32 $1.111111120e-01, v41  }
0x1b0: {  	v26 =	vshrl.u32 v26, $0x17;
	v30 =	vmul.f32 v30, v36;
	v42 =	vadd.f32 $1.111111120e-01, v42  }
0x1b1: {  	v23 =	vadd.s32 $0xFFFFFF81, v23;
	v40 =	vmul.f32 v40, v29;
	v41 =	vmul.f32 v41, v37  }
0x1b2: {  	v24 =	vadd.s32 $0xFFFFFF81, v24;
	v30 =	vadd.f32 $1.428571490e-01, v30;
	v42 =	vmul.f32 v42, v38  }
0x1b3: {  	v25 =	vadd.s32 $0xFFFFFF81, v25;
	v40 =	vadd.f32 $1.428571490e-01, v40;
	v41 =	vadd.f32 $1.428571490e-01, v41  }
0x1b4: {  	v23 =	vcvt.s32.f32 v23;
	v30 =	vmul.f32 v30, v36;
	v42 =	vadd.f32 $1.428571490e-01, v42  }
0x1b5: {  	v26 =	vadd.s32 $0xFFFFFF81, v26;
	v40 =	vmul.f32 v40, v29;
	v41 =	vmul.f32 v41, v37  }
0x1b6: {  	v24 =	vcvt.s32.f32 v24;
	v30 =	vadd.f32 $2.000000030e-01, v30;
	v42 =	vmul.f32 v42, v38  }
0x1b7: {  	v25 =	vcvt.s32.f32 v25;
	v40 =	vadd.f32 $2.000000030e-01, v40;
	v41 =	vadd.f32 $2.000000030e-01, v41  }
0x1b8: {  	v26 =	vcvt.s32.f32 v26;
	v30 =	vmul.f32 v30, v36;
	v42 =	vadd.f32 $2.000000030e-01, v42  }
0x1b9: {  	v44 =	vshrl.u32 v33, $0x11;
	v40 =	vmul.f32 v40, v29;
	v41 =	vmul.f32 v41, v37  }
0x1ba: {  	v23 =	vmul.f32 $6.931471820e-01, v23;
	v30 =	vadd.f32 $3.333333430e-01, v30;
	v42 =	vmul.f32 v42, v38  }
0x1bb: {  	v24 =	vmul.f32 $6.931471820e-01, v24;
	v40 =	vadd.f32 $3.333333430e-01, v40;
	v41 =	vadd.f32 $3.333333430e-01, v41  }
0x1bc: {  	v31 =	vadd.f32 v31, v31;
	v30 =	vmul.f32 v30, v36;
	v36 =	vadd.f32 $3.333333430e-01, v42  }
0x1bd: {  	v27 =	vadd.f32 v27, v27;
	v29 =	vmul.f32 v40, v29;
	v37 =	vmul.f32 v41, v37  }
0x1be: {  	v35 =	vadd.f32 v35, v35;
	v30 =	vadd.f32 $1.000000000e+00, v30;
	v36 =	vmul.f32 v36, v38  }
0x1bf: {  	v25 =	vmul.f32 $6.931471820e-01, v25;
	v29 =	vadd.f32 $1.000000000e+00, v29;
	v37 =	vadd.f32 $1.000000000e+00, v37  }
0x1c0: {  	s23 =	sadd.s32 $0x80, s23;
	v28 =	vadd.f32 v28, v28;
	v30 =	vmul.f32 v30, v31;
	v31 =	vadd.f32 $1.000000000e+00, v36  }
0x1c1: {  	v33 =	vshll.u32 v33, $0xF;
	v27 =	vmul.f32 v29, v27;
	v36 =	vld [tilespmem:s23+$0x0];
	v29 =	vmul.f32 v37, v35  }
0x1c2: {  	v26 =	vmul.f32 $6.931471820e-01, v26;
	v23 =	vadd.f32 v30, v23;
	v28 =	vmul.f32 v31, v28  }
0x1c3: {  	v30 =	vshrl.u32 v22, $0x11;
	v24 =	vadd.f32 v27, v24;
	v25 =	vadd.f32 v29, v25  }
0x1c4: {  	v22 =	vshll.u32 v22, $0xF;
	v23 =	vsub.f32 $0.0e+00, v23;
	v26 =	vadd.f32 v28, v26  }
0x1c5: {  	v27 =	vor.u32 v39, v34;
	v28 =	vor.u32 v43, v32;
	v24 =	vsub.f32 $0.0e+00, v24  }
0x1c6: {  	v25 =	vsub.f32 $0.0e+00, v25;
	v23 =	vmul.f32 v23, v36;
	v26 =	vsub.f32 $0.0e+00, v26  }
0x1c7: {  	v22 =	vor.u32 v30, v22;
	v29 =	vor.u32 v44, v33;
	v24 =	vmul.f32 v24, v36  }
0x1c8: {  	v25 =	vmul.f32 v25, v36;
	vm3 =	vlt.f32 v23, v17;
	v26 =	vmul.f32 v26, v36  }
0x1c9: {  	v27 =	vxor.u32 v27, v18;
	v28 =	vxor.u32 v28, v19;
	v17 =	vsel vm3, v23, v17  }
0x1ca: {  	vm2 =	vlt.f32 v24, v11;
	vm1 =	vlt.f32 v25, v9;
	vm0 =	vlt.f32 v26, v10  }
0x1cb: {  	v11 =	vsel vm2, v24, v11;
	v9 =	vsel vm1, v25, v9;
	v10 =	vsel vm0, v26, v10  }
0x1cc: {  	v22 =	vxor.u32 v22, v21;
	v18 =	vadd.s32 v18, v27;
	v23 =	vxor.u32 v29, v20  }
0x1cd: {  	v21 =	vadd.s32 v21, v22;
	v19 =	vadd.s32 v19, v28;
	v20 =	vadd.s32 v20, v23  }
0x1ce: {  	v24 =	vshrl.u32 v27, $0x6;
	v25 =	vshll.u32 v27, $0x1A;
	v26 =	vshrl.u32 v28, $0x6  }
0x1cf: {  	v27 =	vshll.u32 v28, $0x1A;
	v28 =	vshrl.u32 v23, $0x6;
	v23 =	vshll.u32 v23, $0x1A  }
0x1d0: {  	v24 =	vor.u32 v24, v25;
	v25 =	vshrl.u32 v22, $0x6;
	v22 =	vshll.u32 v22, $0x1A  }
0x1d1: {  	v26 =	vor.u32 v26, v27;
	v23 =	vor.u32 v28, v23;
	v22 =	vor.u32 v25, v22  }
0x1d2: {  	v24 =	vxor.u32 v24, v18;
	v25 =	vxor.u32 v26, v19;
	v23 =	vxor.u32 v23, v20  }
0x1d3: {  	v18 =	vadd.s32 v18, v24;
	v22 =	vxor.u32 v22, v21;
	v19 =	vadd.s32 v19, v25  }
0x1d4: {  	v26 =	vshrl.u32 v24, $0x1A;
	v20 =	vadd.s32 v20, v23;
	v21 =	vadd.s32 v21, v22  }
0x1d5: {  	v24 =	vshll.u32 v24, $0x6;
	v27 =	vshrl.u32 v25, $0x1A;
	v25 =	vshll.u32 v25, $0x6  }
0x1d6: {  	v28 =	vshrl.u32 v23, $0x1A;
	v23 =	vshll.u32 v23, $0x6;
	v29 =	vshrl.u32 v22, $0x1A  }
0x1d7: {  	v24 =	vor.u32 v26, v24;
	v22 =	vshll.u32 v22, $0x6;
	v25 =	vor.u32 v27, v25  }
0x1d8: {  	v24 =	vxor.u32 v24, v18;
	v23 =	vor.u32 v28, v23;
	v22 =	vor.u32 v29, v22  }
0x1d9: {  	v25 =	vxor.u32 v25, v19;
	v23 =	vxor.u32 v23, v20;
	v22 =	vxor.u32 v22, v21  }
0x1da: {  	v24 =	vadd.s32 $0x1BD11BDB, v24;
	v25 =	vadd.s32 $0x1BD11BDB, v25;
	v23 =	vadd.s32 $0x1BD11BDB, v23  }
0x1db: {  	v18 =	vadd.s32 v18, v24;
	v22 =	vadd.s32 $0x1BD11BDB, v22;
	v19 =	vadd.s32 v19, v25  }
0x1dc: {  	v26 =	vshrl.u32 v24, $0xF;
	v20 =	vadd.s32 v20, v23;
	v21 =	vadd.s32 v21, v22  }
0x1dd: {  	v24 =	vshll.u32 v24, $0x11;
	v27 =	vshrl.u32 v25, $0xF;
	v25 =	vshll.u32 v25, $0x11  }
0x1de: {  	v28 =	vshrl.u32 v23, $0xF;
	v23 =	vshll.u32 v23, $0x11;
	v29 =	vshrl.u32 v22, $0xF  }
0x1df: {  	v24 =	vor.u32 v26, v24;
	v22 =	vshll.u32 v22, $0x11;
	v25 =	vor.u32 v27, v25  }
0x1e0: {  	v24 =	vxor.u32 v24, v18;
	v23 =	vor.u32 v28, v23;
	v22 =	vor.u32 v29, v22  }
0x1e1: {  	v25 =	vxor.u32 v25, v19;
	v23 =	vxor.u32 v23, v20;
	v22 =	vxor.u32 v22, v21  }
0x1e2: {  	v18 =	vadd.s32 v18, v24;
	v19 =	vadd.s32 v19, v25;
	v20 =	vadd.s32 v20, v23  }
0x1e3: {  	v26 =	vshrl.u32 v24, $0x3;
	v24 =	vshll.u32 v24, $0x1D;
	v21 =	vadd.s32 v21, v22  }
0x1e4: {  	v27 =	vshrl.u32 v25, $0x3;
	v25 =	vshll.u32 v25, $0x1D;
	v28 =	vshrl.u32 v23, $0x3  }
0x1e5: {  	v23 =	vshll.u32 v23, $0x1D;
	v29 =	vshrl.u32 v22, $0x3;
	v22 =	vshll.u32 v22, $0x1D  }
0x1e6: {  	v24 =	vor.u32 v26, v24;
	v25 =	vor.u32 v27, v25;
	v23 =	vor.u32 v28, v23  }
0x1e7: {  	v24 =	vxor.u32 v24, v18;
	v22 =	vor.u32 v29, v22;
	v25 =	vxor.u32 v25, v19  }
0x1e8: {  	v18 =	vadd.s32 v18, v24;
	v23 =	vxor.u32 v23, v20;
	v22 =	vxor.u32 v22, v21  }
0x1e9: {  	v19 =	vadd.s32 v19, v25;
	v20 =	vadd.s32 v20, v23;
	v21 =	vadd.s32 v21, v22  }
0x1ea: {  	v26 =	vshrl.u32 v24, $0x10;
	v24 =	vshll.u32 v24, $0x10;
	v27 =	vshrl.u32 v25, $0x10  }
0x1eb: {  	v25 =	vshll.u32 v25, $0x10;
	v28 =	vshrl.u32 v23, $0x10;
	v23 =	vshll.u32 v23, $0x10  }
0x1ec: {  	v24 =	vor.u32 v26, v24;
	v26 =	vshrl.u32 v22, $0x10;
	v22 =	vshll.u32 v22, $0x10  }
0x1ed: {  	v25 =	vor.u32 v27, v25;
	v23 =	vor.u32 v28, v23;
	v22 =	vor.u32 v26, v22  }
0x1ee: {  	v24 =	vxor.u32 v24, v18;
	v25 =	vxor.u32 v25, v19;
	v23 =	vxor.u32 v23, v20  }
0x1ef: {  	v18 =	vadd.s32 v18, v24;
	v22 =	vxor.u32 v22, v21;
	v19 =	vadd.s32 v19, v25  }
0x1f0: {  	v26 =	vshrl.u32 v24, $0x8;
	v20 =	vadd.s32 v20, v23;
	v21 =	vadd.s32 v21, v22  }
0x1f1: {  	v24 =	vshll.u32 v24, $0x18;
	v27 =	vshrl.u32 v25, $0x8;
	v25 =	vshll.u32 v25, $0x18  }
0x1f2: {  	v28 =	vshrl.u32 v23, $0x8;
	v23 =	vshll.u32 v23, $0x18;
	v29 =	vshrl.u32 v22, $0x8  }
0x1f3: {  	v24 =	vor.u32 v26, v24;
	v22 =	vshll.u32 v22, $0x18;
	v25 =	vor.u32 v27, v25  }
0x1f4: {  	v24 =	vxor.u32 v24, v18;
	v23 =	vor.u32 v28, v23;
	v22 =	vor.u32 v29, v22  }
0x1f5: {  	v25 =	vxor.u32 v25, v19;
	v23 =	vxor.u32 v23, v20;
	v22 =	vxor.u32 v22, v21  }
0x1f6: {  	v24 =	vadd.s32 $0x2, v24;
	v25 =	vadd.s32 $0x2, v25;
	v23 =	vadd.s32 $0x2, v23  }
0x1f7: {  	v18 =	vadd.s32 v24, v18;
	v26 =	vshrl.u32 v24, $0x13;
	v22 =	vadd.s32 $0x2, v22  }
0x1f8: {  	v24 =	vshll.u32 v24, $0xD;
	v19 =	vadd.s32 v25, v19;
	v27 =	vshrl.u32 v25, $0x13  }
0x1f9: {  	v25 =	vshll.u32 v25, $0xD;
	v20 =	vadd.s32 v23, v20;
	v28 =	vshrl.u32 v23, $0x13  }
0x1fa: {  	v23 =	vshll.u32 v23, $0xD;
	v21 =	vadd.s32 v22, v21;
	v29 =	vshrl.u32 v22, $0x13  }
0x1fb: {  	v18 =	vadd.s32 $0x1BD11BDA, v18;
	v24 =	vor.u32 v26, v24;
	v22 =	vshll.u32 v22, $0xD  }
0x1fc: {  	v19 =	vadd.s32 $0x1BD11BDA, v19;
	v25 =	vor.u32 v27, v25;
	v20 =	vadd.s32 $0x1BD11BDA, v20  }
0x1fd: {  	v23 =	vor.u32 v28, v23;
	v21 =	vadd.s32 $0x1BD11BDA, v21;
	v22 =	vor.u32 v29, v22  }
0x1fe: {  	v24 =	vxor.u32 v24, v18;
	v25 =	vxor.u32 v25, v19;
	v23 =	vxor.u32 v23, v20  }
0x1ff: {  	v18 =	vadd.s32 v18, v24;
	v22 =	vxor.u32 v22, v21;
	v19 =	vadd.s32 v19, v25  }
0x200: {  	v26 =	vshrl.u32 v24, $0x11;
	v20 =	vadd.s32 v20, v23;
	v27 =	vadd.s32 v21, v22  }
0x201: {  	v21 =	vshll.u32 v24, $0xF;
	v24 =	vshrl.u32 v25, $0x11;
	v25 =	vshll.u32 v25, $0xF  }
0x202: {  	v28 =	vshrl.u32 v23, $0x11;
	v23 =	vshll.u32 v23, $0xF;
	v29 =	vshrl.u32 v22, $0x11  }
0x203: {  	v22 =	vshll.u32 v22, $0xF;
	v21 =	vor.u32 v26, v21;
	v24 =	vor.u32 v24, v25  }
0x204: {  	v22 =	vor.u32 v29, v22;
	v25 =	vxor.u32 v21, v18;
	v21 =	vor.u32 v28, v23  }
0x205: {  	v23 =	vxor.u32 v24, v19;
	v26 =	vxor.u32 v22, v27;
	v24 =	vxor.u32 v21, v20  }
.Ltmp7:
0x206: {  	v21 =	vadd.s32 v18, v25;
	v19 =	vadd.s32 v19, v23;
	v20 =	vadd.s32 v20, v24;
	(pc) =	sbr.rel @p2 .LBB2_8-.Ltmp7, $4  }
0x207: {  	v18 =	vshrl.u32 v25, $0x6;
	v25 =	vshll.u32 v25, $0x1A;
	v22 =	vadd.s32 v27, v26  }
0x208: {  	v27 =	vshrl.u32 v23, $0x6;
	v28 =	vshll.u32 v23, $0x1A;
	v29 =	vshrl.u32 v24, $0x6  }
0x209: {  	v23 =	vshrl.u32 v26, $0x6;
	v30 =	vshll.u32 v24, $0x1A;
	v24 =	vshll.u32 v26, $0x1A  }
0x20a: {  	s24 =	sadd.s32 $0xFFFFFFFF, s24;
	v26 =	vor.u32 v18, v25;
	v27 =	vor.u32 v27, v28;
	v25 =	vor.u32 v29, v30  }
0x20b: {  	v5 =	vmov v4;
	v4 =	vmov v16;
	v18 =	vmov v17  }
.LBB2_10:
0x20c: {  	v6 =	vxor.u32 v26, v21;
	v7 =	vxor.u32 v27, v19;
	v8 =	vor.u32 v23, v24  }
0x20d: {  	v17 =	vxor.u32 v25, v20;
	v16 =	vadd.s32 v21, v6;
	v8 =	vxor.u32 v8, v22  }
0x20e: {  	v19 =	vadd.s32 v19, v7;
	v20 =	vadd.s32 v20, v17;
	v30 =	vshrl.u32 v6, $0x1A  }
0x20f: {  	v6 =	vshll.u32 v6, $0x6;
	v31 =	vshrl.u32 v7, $0x1A;
	v7 =	vshll.u32 v7, $0x6  }
0x210: {  	v32 =	vshrl.u32 v17, $0x1A;
	v17 =	vshll.u32 v17, $0x6;
	v29 =	vadd.s32 v22, v8  }
0x211: {  	v6 =	vor.u32 v30, v6;
	v33 =	vshrl.u32 v8, $0x1A;
	v8 =	vshll.u32 v8, $0x6  }
0x212: {  	v7 =	vor.u32 v31, v7;
	v17 =	vor.u32 v32, v17;
	v8 =	vor.u32 v33, v8  }
0x213: {  	v6 =	vxor.u32 v6, v16;
	v7 =	vxor.u32 v7, v19;
	v17 =	vxor.u32 v17, v20  }
0x214: {  	v6 =	vadd.s32 $0x3, v6;
	v7 =	vadd.s32 $0x3, v7;
	v8 =	vxor.u32 v8, v29  }
0x215: {  	v17 =	vadd.s32 $0x3, v17;
	v16 =	vadd.s32 v16, v6;
	v8 =	vadd.s32 $0x3, v8  }
0x216: {  	v19 =	vadd.s32 v19, v7;
	v20 =	vadd.s32 v20, v17;
	v34 =	vshrl.u32 v6, $0xF  }
0x217: {  	v6 =	vshll.u32 v6, $0x11;
	v35 =	vshrl.u32 v7, $0xF;
	v7 =	vshll.u32 v7, $0x11  }
0x218: {  	v36 =	vshrl.u32 v17, $0xF;
	v17 =	vshll.u32 v17, $0x11;
	v21 =	vadd.s32 v29, v8  }
0x219: {  	v6 =	vor.u32 v34, v6;
	v37 =	vshrl.u32 v8, $0xF;
	v8 =	vshll.u32 v8, $0x11  }
0x21a: {  	v7 =	vor.u32 v35, v7;
	v17 =	vor.u32 v36, v17;
	v8 =	vor.u32 v37, v8  }
0x21b: {  	v6 =	vxor.u32 v6, v16;
	v7 =	vxor.u32 v7, v19;
	v17 =	vxor.u32 v17, v20  }
0x21c: {  	v16 =	vadd.s32 v16, v6;
	v19 =	vadd.s32 v19, v7;
	v8 =	vxor.u32 v8, v21  }
0x21d: {  	v38 =	vshrl.u32 v6, $0x3;
	v20 =	vadd.s32 v20, v17;
	v6 =	vshll.u32 v6, $0x1D  }
0x21e: {  	v39 =	vshrl.u32 v7, $0x3;
	v7 =	vshll.u32 v7, $0x1D;
	v40 =	vshrl.u32 v17, $0x3  }
0x21f: {  	v17 =	vshll.u32 v17, $0x1D;
	v21 =	vadd.s32 v21, v8;
	v41 =	vshrl.u32 v8, $0x3  }
0x220: {  	v6 =	vor.u32 v38, v6;
	v7 =	vor.u32 v39, v7;
	v8 =	vshll.u32 v8, $0x1D  }
0x221: {  	v17 =	vor.u32 v40, v17;
	v6 =	vxor.u32 v6, v16;
	v8 =	vor.u32 v41, v8  }
0x222: {  	v7 =	vxor.u32 v7, v19;
	v17 =	vxor.u32 v17, v20;
	v8 =	vxor.u32 v8, v21  }
0x223: {  	v16 =	vadd.s32 v16, v6;
	v19 =	vadd.s32 v19, v7;
	v20 =	vadd.s32 v20, v17  }
0x224: {  	v42 =	vshrl.u32 v6, $0x10;
	v6 =	vshll.u32 v6, $0x10;
	v43 =	vshrl.u32 v7, $0x10  }
0x225: {  	v7 =	vshll.u32 v7, $0x10;
	v44 =	vshrl.u32 v17, $0x10;
	v17 =	vshll.u32 v17, $0x10  }
0x226: {  	v21 =	vadd.s32 v21, v8;
	v45 =	vshrl.u32 v8, $0x10;
	v8 =	vshll.u32 v8, $0x10  }
0x227: {  	v6 =	vor.u32 v42, v6;
	v7 =	vor.u32 v43, v7;
	v17 =	vor.u32 v44, v17  }
0x228: {  	v6 =	vxor.u32 v6, v16;
	v7 =	vxor.u32 v7, v19;
	v8 =	vor.u32 v45, v8  }
0x229: {  	v17 =	vxor.u32 v17, v20;
	v16 =	vadd.s32 v16, v6;
	v8 =	vxor.u32 v8, v21  }
0x22a: {  	v19 =	vadd.s32 v19, v7;
	v20 =	vadd.s32 v20, v17;
	v46 =	vshrl.u32 v6, $0x8  }
0x22b: {  	v6 =	vshll.u32 v6, $0x18;
	v47 =	vshrl.u32 v7, $0x8;
	v7 =	vshll.u32 v7, $0x18  }
0x22c: {  	v48 =	vshrl.u32 v17, $0x8;
	v17 =	vshll.u32 v17, $0x18;
	v21 =	vadd.s32 v21, v8  }
0x22d: {  	v6 =	vor.u32 v46, v6;
	v49 =	vshrl.u32 v8, $0x8;
	v8 =	vshll.u32 v8, $0x18  }
0x22e: {  	v7 =	vor.u32 v47, v7;
	v17 =	vor.u32 v48, v17;
	v8 =	vor.u32 v49, v8  }
0x22f: {  	v6 =	vxor.u32 v6, v16;
	v7 =	vxor.u32 v7, v19;
	v17 =	vxor.u32 v17, v20  }
0x230: {  	v6 =	vadd.s32 $0x1BD11BDE, v6;
	v7 =	vadd.s32 $0x1BD11BDE, v7;
	v8 =	vxor.u32 v8, v21  }
0x231: {  	v17 =	vadd.s32 $0x1BD11BDE, v17;
	v16 =	vadd.s32 v16, v6;
	v8 =	vadd.s32 $0x1BD11BDE, v8  }
0x232: {  	v19 =	vadd.s32 v19, v7;
	v20 =	vadd.s32 v20, v17;
	v50 =	vshrl.u32 v6, $0x13  }
0x233: {  	v6 =	vshll.u32 v6, $0xD;
	v51 =	vshrl.u32 v7, $0x13;
	v7 =	vshll.u32 v7, $0xD  }
0x234: {  	v52 =	vshrl.u32 v17, $0x13;
	v17 =	vshll.u32 v17, $0xD;
	v21 =	vadd.s32 v21, v8  }
0x235: {  	v6 =	vor.u32 v50, v6;
	v53 =	vshrl.u32 v8, $0x13;
	v8 =	vshll.u32 v8, $0xD  }
0x236: {  	v7 =	vor.u32 v51, v7;
	v17 =	vor.u32 v52, v17;
	v8 =	vor.u32 v53, v8  }
0x237: {  	v6 =	vxor.u32 v6, v16;
	v7 =	vxor.u32 v7, v19;
	v17 =	vxor.u32 v17, v20  }
0x238: {  	v16 =	vadd.s32 v16, v6;
	v19 =	vadd.s32 v19, v7;
	v8 =	vxor.u32 v8, v21  }
0x239: {  	v54 =	vshrl.u32 v6, $0x11;
	v20 =	vadd.s32 v20, v17;
	v6 =	vshll.u32 v6, $0xF  }
0x23a: {  	v55 =	vshrl.u32 v7, $0x11;
	v7 =	vshll.u32 v7, $0xF;
	v56 =	vshrl.u32 v17, $0x11  }
0x23b: {  	v17 =	vshll.u32 v17, $0xF;
	v21 =	vadd.s32 v21, v8;
	v57 =	vshrl.u32 v8, $0x11  }
0x23c: {  	v6 =	vor.u32 v54, v6;
	v7 =	vor.u32 v55, v7;
	v8 =	vshll.u32 v8, $0xF  }
0x23d: {  	v17 =	vor.u32 v56, v17;
	v6 =	vxor.u32 v6, v16;
	v8 =	vor.u32 v57, v8  }
0x23e: {  	v7 =	vxor.u32 v7, v19;
	v17 =	vxor.u32 v17, v20;
	v8 =	vxor.u32 v8, v21  }
0x23f: {  	v16 =	vadd.s32 v16, v6;
	v19 =	vadd.s32 v19, v7;
	v20 =	vadd.s32 v20, v17  }
0x240: {  	v58 =	vshrl.u32 v6, $0x6;
	v6 =	vshll.u32 v6, $0x1A;
	v59 =	vshrl.u32 v7, $0x6  }
0x241: {  	v7 =	vshll.u32 v7, $0x1A;
	v60 =	vshrl.u32 v17, $0x6;
	v17 =	vshll.u32 v17, $0x1A  }
0x242: {  	v21 =	vadd.s32 v21, v8;
	v61 =	vshrl.u32 v8, $0x6;
	v8 =	vshll.u32 v8, $0x1A  }
0x243: {  	v6 =	vor.u32 v58, v6;
	v7 =	vor.u32 v59, v7;
	v17 =	vor.u32 v60, v17  }
0x244: {  	v6 =	vxor.u32 v6, v16;
	v7 =	vxor.u32 v7, v19;
	v8 =	vor.u32 v61, v8  }
0x245: {  	v17 =	vxor.u32 v17, v20;
	v16 =	vadd.s32 v16, v6;
	v8 =	vxor.u32 v8, v21  }
0x246: {  	v19 =	vadd.s32 v19, v7;
	v20 =	vadd.s32 v20, v17;
	v62 =	vshrl.u32 v6, $0x1A  }
0x247: {  	v6 =	vshll.u32 v6, $0x6;
	v63 =	vshrl.u32 v7, $0x1A;
	v7 =	vshll.u32 v7, $0x6  }
0x248: {  	v32 =	vshrl.u32 v17, $0x1A;
	v17 =	vshll.u32 v17, $0x6;
	v21 =	vadd.s32 v21, v8  }
0x249: {  	v33 =	vadd.s32 $0x1BD11BDA, v16;
	v34 =	vshrl.u32 v8, $0x1A;
	v8 =	vshll.u32 v8, $0x6  }
0x24a: {  	v35 =	vadd.s32 $0x1BD11BDA, v19;
	v28 =	vadd.s32 $0x1BD11BDA, v20;
	v6 =	vor.u32 v62, v6  }
0x24b: {  	v7 =	vor.u32 v63, v7;
	v17 =	vor.u32 v32, v17;
	v29 =	vadd.s32 $0x1BD11BDA, v21  }
0x24c: {  	v6 =	vxor.u32 v6, v16;
	v7 =	vxor.u32 v7, v19;
	v8 =	vor.u32 v34, v8  }
0x24d: {  	v36 =	vxor.u32 v17, v20;
	v6 =	vadd.s32 $0x5, v6;
	v8 =	vxor.u32 v8, v21  }
0x24e: {  	v7 =	vadd.s32 $0x5, v7;
	v16 =	vadd.s32 $0x5, v36;
	v8 =	vadd.s32 $0x5, v8  }
0x24f: {  	v6 =	vxor.u32 v33, v6;
	v7 =	vxor.u32 v35, v7;
	v16 =	vxor.u32 v28, v16  }
0x250: {  	v6 =	vshrl.u32 v6, $0x9;
	v7 =	vshrl.u32 v7, $0x9;
	v8 =	vxor.u32 v29, v8  }
0x251: {  	v16 =	vshrl.u32 v16, $0x9;
	v6 =	vor.u32 $0x3F800000, v6;
	v8 =	vshrl.u32 v8, $0x9  }
0x252: {  	v7 =	vor.u32 $0x3F800000, v7;
	v16 =	vor.u32 $0x3F800000, v16;
	v6 =	vadd.f32 $-1.000000000e+00, v6  }
0x253: {  	v7 =	vadd.f32 $-1.000000000e+00, v7;
	v16 =	vadd.f32 $-1.000000000e+00, v16;
	v8 =	vor.u32 $0x3F800000, v8  }
0x254: {  	v8 =	vadd.f32 $-1.000000000e+00, v8;
	v6 =	vmax.f32 v6, $1.175494350e-38  }
0x255: {  	v7 =	vmax.f32 v7, $1.175494350e-38;
	v16 =	vmax.f32 v16, $1.175494350e-38;
	v37 =	vand.u32 $0x7FFFFF, v6  }
0x256: {  	v38 =	vand.u32 $0x7FFFFF, v7;
	v8 =	vmax.f32 v8, $1.175494350e-38;
	v17 =	vor.u32 $0x3F800000, v37  }
0x257: {  	v40 =	vand.u32 $0x7FFFFF, v16;
	v19 =	vor.u32 $0x3F800000, v38;
	v39 =	vadd.f32 $1.000000000e+00, v17  }
0x258: {  	v21 =	vor.u32 $0x3F800000, v40;
	v42 =	vand.u32 $0x7FFFFF, v8;
	v41 =	vadd.f32 $1.000000000e+00, v19  }
0x259: {  	v43 =	vadd.f32 $1.000000000e+00, v21;
	v23 =	vor.u32 $0x3F800000, v42;
	(erf) = vrcp.f32 v39  }
0x25a: {  	v44 =	vadd.f32 $1.000000000e+00, v23;
	(erf) = vrcp.f32 v41  }
0x25b: {  	(erf) = vrcp.f32 v43  }
0x25c: {  	(erf) = vrcp.f32 v44;
	_ =	sdelay $0x5  }
0x25d: {  	v17 =	vadd.f32 $-1.000000000e+00, v17;
	v45 =	vpop (erf)  }
0x25e: {  	v19 =	vadd.f32 $-1.000000000e+00, v19;
	v21 =	vadd.f32 $-1.000000000e+00, v21;
	v22 =	vpop (erf)  }
0x25f: {  	v46 =	vadd.f32 $-1.000000000e+00, v23;
	v17 =	vmul.f32 v45, v17;
	v47 =	vpop (erf)  }
0x260: {  	v19 =	vmul.f32 v22, v19;
	v21 =	vmul.f32 v47, v21;
	v48 =	vpop (erf)  }
0x261: {  	v49 =	vmul.f32 v17, v17;
	v20 =	vmul.f32 v48, v46  }
0x262: {  	v50 =	vmul.f32 v19, v19;
	v51 =	vmul.f32 v21, v21  }
0x263: {  	v52 =	vmul.f32 $7.692307980e-02, v49;
	v53 =	vmul.f32 v20, v20  }
0x264: {  	v54 =	vmul.f32 $7.692307980e-02, v50;
	v55 =	vmul.f32 $7.692307980e-02, v51  }
0x265: {  	v25 =	vadd.f32 $9.090909360e-02, v52;
	v56 =	vmul.f32 $7.692307980e-02, v53  }
0x266: {  	v27 =	vadd.f32 $9.090909360e-02, v54;
	v28 =	vadd.f32 $9.090909360e-02, v55  }
0x267: {  	v25 =	vmul.f32 v25, v49;
	v29 =	vadd.f32 $9.090909360e-02, v56  }
0x268: {  	v6 =	vshrl.u32 v6, $0x17;
	v27 =	vmul.f32 v27, v50;
	v28 =	vmul.f32 v28, v51  }
0x269: {  	v7 =	vshrl.u32 v7, $0x17;
	v25 =	vadd.f32 $1.111111120e-01, v25;
	v29 =	vmul.f32 v29, v53  }
0x26a: {  	v16 =	vshrl.u32 v16, $0x17;
	v27 =	vadd.f32 $1.111111120e-01, v27;
	v28 =	vadd.f32 $1.111111120e-01, v28  }
0x26b: {  	v8 =	vshrl.u32 v8, $0x17;
	v25 =	vmul.f32 v25, v49;
	v29 =	vadd.f32 $1.111111120e-01, v29  }
0x26c: {  	v6 =	vadd.s32 $0xFFFFFF81, v6;
	v27 =	vmul.f32 v27, v50;
	v28 =	vmul.f32 v28, v51  }
0x26d: {  	v7 =	vadd.s32 $0xFFFFFF81, v7;
	v25 =	vadd.f32 $1.428571490e-01, v25;
	v29 =	vmul.f32 v29, v53  }
0x26e: {  	v16 =	vadd.s32 $0xFFFFFF81, v16;
	v27 =	vadd.f32 $1.428571490e-01, v27;
	v28 =	vadd.f32 $1.428571490e-01, v28  }
0x26f: {  	v6 =	vcvt.s32.f32 v6;
	v25 =	vmul.f32 v25, v49;
	v29 =	vadd.f32 $1.428571490e-01, v29  }
0x270: {  	v8 =	vadd.s32 $0xFFFFFF81, v8;
	v27 =	vmul.f32 v27, v50;
	v28 =	vmul.f32 v28, v51  }
0x271: {  	v7 =	vcvt.s32.f32 v7;
	v25 =	vadd.f32 $2.000000030e-01, v25;
	v29 =	vmul.f32 v29, v53  }
0x272: {  	v16 =	vcvt.s32.f32 v16;
	v27 =	vadd.f32 $2.000000030e-01, v27;
	v28 =	vadd.f32 $2.000000030e-01, v28  }
0x273: {  	v8 =	vcvt.s32.f32 v8;
	v25 =	vmul.f32 v25, v49;
	v29 =	vadd.f32 $2.000000030e-01, v29  }
0x274: {  	v27 =	vmul.f32 v27, v50;
	v28 =	vmul.f32 v28, v51  }
0x275: {  	v6 =	vmul.f32 $6.931471820e-01, v6;
	v25 =	vadd.f32 $3.333333430e-01, v25;
	v29 =	vmul.f32 v29, v53  }
0x276: {  	v7 =	vmul.f32 $6.931471820e-01, v7;
	v27 =	vadd.f32 $3.333333430e-01, v27;
	v28 =	vadd.f32 $3.333333430e-01, v28  }
0x277: {  	v17 =	vadd.f32 v17, v17;
	v23 =	vmul.f32 v25, v49;
	v57 =	vadd.f32 $3.333333430e-01, v29  }
0x278: {  	v19 =	vadd.f32 v19, v19;
	v22 =	vmul.f32 v27, v50;
	v24 =	vmul.f32 v28, v51  }
0x279: {  	v21 =	vadd.f32 v21, v21;
	v23 =	vadd.f32 $1.000000000e+00, v23;
	v25 =	vmul.f32 v57, v53  }
0x27a: {  	s22 =	sadd.s32 @p1 $0x80, s23;
	v16 =	vmul.f32 $6.931471820e-01, v16;
	v22 =	vadd.f32 $1.000000000e+00, v22;
	v24 =	vadd.f32 $1.000000000e+00, v24  }
0x27b: {  	s21 =	smov.u32 @p1 s22;
	v20 =	vadd.f32 v20, v20;
	v17 =	vmul.f32 v23, v17;
	v58 =	vadd.f32 $1.000000000e+00, v25  }
0x27c: {  	v59 =	vld [tilespmem:s21+$0x0];
	v19 =	vmul.f32 v22, v19;
	v21 =	vmul.f32 v24, v21  }
0x27d: {  	v8 =	vmul.f32 $6.931471820e-01, v8;
	v6 =	vadd.f32 v17, v6;
	v60 =	vmul.f32 v58, v20  }
0x27e: {  	v12 =	vsel @p1 vm3, v5, v12;
	v7 =	vadd.f32 v19, v7;
	v16 =	vadd.f32 v21, v16  }
0x27f: {  	v13 =	vsel @p1 vm2, v5, v13;
	v6 =	vsub.f32 $0.0e+00, v6;
	v8 =	vadd.f32 v60, v8  }
0x280: {  	v14 =	vsel @p1 vm1, v5, v14;
	v5 =	vsel @p1 vm0, v5, v15;
	v7 =	vsub.f32 $0.0e+00, v7  }
0x281: {  	v6 =	vmul.f32 v6, v59;
	v16 =	vsub.f32 $0.0e+00, v16;
	v8 =	vsub.f32 $0.0e+00, v8  }
.Ltmp8:
0x282: {  	v61 =	vpsel p1, v13, v3;
	v62 =	vpsel p1, v14, v3;
	v7 =	vmul.f32 v7, v59;
	(pc) =	sbr.rel .LBB2_11-.Ltmp8, $4  }
0x283: {  	vm12 =	vlt.f32 v6, v18;
	v6 =	vmul.f32 v16, v59;
	v8 =	vmul.f32 v8, v59  }
0x284: {  	v63 =	vpsel p1, v5, v3;
	vm13 =	vlt.f32 v7, v11;
	v7 =	vpsel p1, v12, v3  }
0x285: {  	vm14 =	vlt.f32 v6, v9;
	v3 =	vsel vm12, v4, v7;
	vm15 =	vlt.f32 v8, v10  }
0x286: {  	v5 =	vsel vm13, v4, v61;
	v6 =	vsel vm14, v4, v62;
	v4 =	vsel vm15, v4, v63  }
.LBB2_5:
.Ltmp9:
0x287: {  	(pc) =	sbr.rel .LBB2_10-.Ltmp9, $4  }
0x288: {  	_ = 	snop  }
0x289: {  	v12 =	vimm.s32 $0x0  }
0x28a: {  	v13 =	vimm.s32 $0x0;
	v14 =	vimm.s32 $0x0;
	v15 =	vimm.s32 $0x0  }
0x28b: {  	s23 =	simm.s32 $0x0;
	v11 =	vimm.f32 $+Inf;
	v9 =	vimm.f32 $+Inf;
	v10 =	vimm.f32 $+Inf  }
.LBB2_7:
.Ltmp10:
0x28c: {  	(pc) =	sbr.rel .LBB2_10-.Ltmp10, $3  }
0x28d: {  	_ =	sdelay $0x1  }
0x28e: {  	v5 =	vmov v4;
	v12 =	vimm.s32 $0x0  }
0x28f: {  	v13 =	vimm.s32 $0x0;
	v14 =	vimm.s32 $0x0;
	v15 =	vimm.s32 $0x0;
	v4 =	vmovc v16;
	s23 =	simm.s32 $0x0;
	v18 =	vmovc v17  }
.LBB2_13:
0x290: {  	_ =	sfence.sel $0x180000  }
0x291: {  	[bflag:$0x0] =	sbarrier.arrive $0xFFFF  }
0x292: {  	p0 =	sne.s32 s2, $0x0;
	_ =	strace $0x90000047  }
0x293: {  	s0 =	sadd.s32 @!p0 $0x100000, s0;
	[bflag:$0x2] =	sbarrier.arrive $0xFFFF  }
0x294: {  	[sflag:s0] =	ssyncadd.tile.s32 @!p0 $0x1;
	_ =	shalt  }
.Lfunc_end2:
_tile_overlayer_lowered:
.L_overlay_start_2:
0x295: {  	(tag) =	ssettag $0x2  }
0x296: {  	s0 =	rddreg [dreg:$0x0];
	s2 =	stileid.u32  }
0x297: {  	s1 =	rddreg [dreg:$0x1];
	p0 =	sne.s32 s2, $0x0  }
0x298: {  	s3 =	rddreg [dreg:$0x2];
	[bflag:$0x3] =	sbarrier.arrive $0xFFFF;
	s2 =	simm.s32 @!p0 $0x1C01  }
0x299: {  	[timem:s3], [sflag:s2] =	dma.local @!p0 [hbm:s0], s1  }
0x29a: {  	s0 =	simm.s32 @!p0 $0x1  }
0x29b: {  	_ =	swait.ge @!p0 [sflag:s0], s1  }
0x29c: {  	s1 =	ssub.s32 @!p0 $0x0, s1;
	[sflag:s0] =	ssyncset.done @!p0 $0x0  }
0x29d: {  	[sflag:s0] =	ssyncadd.s32 @!p0 s1  }
0x29e: {  	[bflag:$0x3] =	sbarrier.arrive $0xFFFF  }
0x29f: {  	_ =	shalt  }

</sc_bundles>
